<compile_context>
chip_gen: v7x
topology: tpu7x:2x2x1
jax: 0.10.2.dev20260603
libtpu: 0.0.44.dev20260713+nightly
codegen_flags: <defaults>
</compile_context>

<pallas_src>
import functools

import jax
import jax.numpy as jnp
from jax import lax
from jax.experimental import pallas as pl
from jax.experimental.pallas import tpu as pltpu
from jax.experimental.pallas import tpu_sc as plsc

N_NODES = 10000
N_EDGES = 320000
D_IN = 128
D_OUT = 64

NPAD = 10240
NW = 32
CHUNK = 64
CH0 = 248
CH1 = 72
CHT = CH0 + CH1
RING = 16
EP = 16 * CHT * CHUNK
ZROWS = NPAD // 16

RB = 1280
GRID = NPAD // RB


def _make_sc_agg(d, with_count):
  mesh = plsc.VectorSubcoreMesh(core_axis_name="c", subcore_axis_name="s")
  out_type = [jax.ShapeDtypeStruct((2, NPAD, d), jnp.float32)]
  scratch = [
      pltpu.VMEM((2 * RING, CHUNK), jnp.int32),
      pltpu.VMEM((2 * RING, CHUNK), jnp.int32),
      pltpu.VMEM((CHUNK, d), jnp.float32),
      pltpu.VMEM((CHUNK, d), jnp.float32),
      pltpu.VMEM((CHUNK, d), jnp.float32),
      pltpu.VMEM((CHUNK, d), jnp.float32),
      pltpu.VMEM_SHARED((NPAD, d), jnp.float32),
      pltpu.SemaphoreType.DMA,
      pltpu.SemaphoreType.DMA,
      pltpu.SemaphoreType.DMA,
      pltpu.SemaphoreType.DMA,
      pltpu.SemaphoreType.DMA,
      pltpu.SemaphoreType.DMA,
  ]
  if with_count:
    out_type.append(jax.ShapeDtypeStruct((2, NPAD), jnp.float32))
    scratch += [
        pltpu.VMEM((CHUNK,), jnp.float32),
        pltpu.VMEM_SHARED((NPAD,), jnp.float32),
    ]

  def body(h_hbm, src_hbm, dst_hbm, z_hbm, *rest):
    if with_count:
      (ones_hbm, zc_hbm, out_hbm, cnt_hbm, srv, dsv, buf0, buf1, buf2, buf3,
       acc, sem0, sem1, sem2, sem3, rss, rds, onesv, cacc) = rest
    else:
      (out_hbm, srv, dsv, buf0, buf1, buf2, buf3, acc,
       sem0, sem1, sem2, sem3, rss, rds) = rest
    bufs = (buf0, buf1, buf2, buf3)
    sems = (sem0, sem1, sem2, sem3)
    ci = lax.axis_index("c")
    s = lax.axis_index("s")
    chw = jnp.where(ci == 0, CH0, CH1)
    base = pl.multiple_of(s * CHT + ci * CH0, 8)
    R2X = 2 * RING

    def src_slice(start):
      return src_hbm.at[pl.ds(pl.multiple_of(base + start, 8), RING)]

    def dst_slice(start):
      return dst_hbm.at[pl.ds(pl.multiple_of(base + start, 8), RING)]

    def ring_half(ring, g):
      off = pl.multiple_of(lax.rem(g, 2) * RING, 8)
      return ring.at[pl.ds(off, RING)]

    pltpu.sync_copy(z_hbm, acc.at[pl.ds(s * ZROWS, ZROWS)])
    if with_count:
      pltpu.sync_copy(zc_hbm, cacc.at[pl.ds(s * ZROWS, ZROWS)])
      pltpu.sync_copy(ones_hbm, onesv)
    @pl.when(chw > 0)
    def _():
      pltpu.sync_copy(src_slice(0), ring_half(srv, 0))
      pltpu.sync_copy(dst_slice(0), ring_half(dsv, 0))
    plsc.subcore_barrier()

    @pl.when(chw > 0)
    def _():
      pltpu.async_copy(src_slice(RING), ring_half(srv, 1), rss)
      pltpu.async_copy(dst_slice(RING), ring_half(dsv, 1), rds)
      for pb in range(4):
        pltpu.async_copy(h_hbm.at[srv.at[pb]], bufs[pb], sems[pb])

    @pl.loop(0, chw, step=4)
    def _(j):
      for b in range(4):
        buf = bufs[b]
        sem = sems[b]
        ch = j + b
        g = ch // RING

        @pl.when((lax.rem(ch, RING) == 0) & (ch > 0))
        def _():
          pltpu.make_async_copy(dst_slice(ch), ring_half(dsv, g), rds).wait()

          @pl.when(ch + RING < chw)
          def _():
            pltpu.async_copy(src_slice(ch + RING), ring_half(srv, g + 1), rss)
            pltpu.async_copy(dst_slice(ch + RING), ring_half(dsv, g + 1), rds)

        pltpu.make_async_copy(h_hbm.at[srv.at[0]], buf, sem).wait()
        pltpu.sync_copy(buf, acc.at[dsv.at[lax.rem(ch, R2X)]], add=True)
        if with_count:
          pltpu.sync_copy(onesv, cacc.at[dsv.at[lax.rem(ch, R2X)]], add=True)

        ch2 = ch + 4

        @pl.when(ch2 < chw)
        def _():
          @pl.when(lax.rem(ch2, RING) == 0)
          def _():
            pltpu.make_async_copy(
                src_slice(ch2), ring_half(srv, ch2 // RING), rss).wait()
          pltpu.async_copy(h_hbm.at[srv.at[lax.rem(ch2, R2X)]], buf, sem)

    plsc.subcore_barrier()
    pltpu.sync_copy(acc.at[pl.ds(s * ZROWS, ZROWS)],
                    out_hbm.at[ci, pl.ds(s * ZROWS, ZROWS)])
    if with_count:
      pltpu.sync_copy(cacc.at[pl.ds(s * ZROWS, ZROWS)],
                      cnt_hbm.at[ci, pl.ds(s * ZROWS, ZROWS)])

  return pl.kernel(body, out_type=tuple(out_type), mesh=mesh,
                   scratch_types=scratch)


@functools.cache
def _sc_aggs():
  return (_make_sc_agg(D_IN, with_count=True),
          _make_sc_agg(D_IN, with_count=False))


def _inv_counts(cref):
  cnt = cref[0] + cref[1]
  return (1.0 / jnp.maximum(cnt, 1.0))[:, None]


def _make_tc_layer_body(relu):
  def body(pref, cref, xref, wlref, wrref, bref, oref):
    mean = (pref[0] + pref[1]) * _inv_counts(cref)
    h = jnp.dot(mean, wlref[...], preferred_element_type=jnp.float32)
    h += jnp.dot(xref[...], wrref[...], preferred_element_type=jnp.float32)
    h += bref[...]
    oref[...] = jnp.maximum(h, 0.0) if relu else h
  return body


def _spec_p(d):
  return pl.BlockSpec((2, RB, d), lambda i: (0, i, 0))


_SPEC_C = pl.BlockSpec((2, RB), lambda i: (0, i))


def _spec_row(d):
  return pl.BlockSpec((RB, d), lambda i: (i, 0))


def _spec_w(r, c):
  return pl.BlockSpec((r, c), lambda i: (0, 0))


def _tc_layer(P, C, x, WlT, WrT, b, relu):
  dout = WlT.shape[1]
  return pl.pallas_call(
      _make_tc_layer_body(relu),
      grid=(GRID,),
      in_specs=[_spec_p(D_IN), _SPEC_C, _spec_row(D_IN),
                _spec_w(D_IN, dout), _spec_w(D_IN, dout), _spec_w(1, dout)],
      out_specs=_spec_row(dout),
      out_shape=jax.ShapeDtypeStruct((NPAD, dout), jnp.float32),
  )(P, C, x, WlT, WrT, b)


def kernel(x, edge_index, W1l, b1, W1r, W2l, b2, W2r, W3l, b3, W3r):
  xpad = jnp.pad(x, ((0, NPAD - N_NODES), (0, 0)))
  src = jnp.pad(edge_index[0], (0, EP - N_EDGES))
  dst = jnp.pad(edge_index[1], (0, EP - N_EDGES), constant_values=N_NODES)
  srcb = src.reshape(16 * CHT, CHUNK)
  dstb = dst.reshape(16 * CHT, CHUNK)
  z128 = jnp.zeros((ZROWS, D_IN), jnp.float32)
  zc = jnp.zeros((ZROWS,), jnp.float32)
  ones1 = jnp.ones((CHUNK,), jnp.float32)

  _agg128_cnt, _agg128 = _sc_aggs()
  P1, C = _agg128_cnt(xpad, srcb, dstb, z128, ones1, zc)
  h1 = _tc_layer(P1, C, xpad, W1l.T, W1r.T, b1[None, :], relu=True)
  (P2,) = _agg128(h1, srcb, dstb, z128)
  h2 = _tc_layer(P2, C, h1, W2l.T, W2r.T, b2[None, :], relu=True)
  (P3,) = _agg128(h2, srcb, dstb, z128)
  out = _tc_layer(P3, C, h2, W3l.T, W3r.T, b3[None, :], relu=False)
  return out[:N_NODES]

# --- scband reference (transcript-rebuilt; emitter-appended) ---
"""Pipeline reference for scband-gnn-55705725829411 (READ-ONLY COPY).

The authoritative reference and input builder live on the scoring server;
editing this copy changes nothing except your own understanding.
"""

import jax, jax.numpy as jnp
import numpy as np

N = 10000
E = 320000
D = 128
DO = 64


def setup_inputs(seed: int = 0) -> dict:
    key = jax.random.key(seed)
    ks = jax.random.split(key, 12)
    x = jax.random.normal(ks[0], (N, D), dtype=jnp.float32)
    edge_index = jax.random.randint(ks[1], (2, E), 0, N, dtype=jnp.int32)
    s = 1.0 / np.sqrt(D)
    W1l = jax.random.normal(ks[2], (D, D), dtype=jnp.float32) * s
    b1 = jnp.zeros((D,), dtype=jnp.float32)
    W1r = jax.random.normal(ks[3], (D, D), dtype=jnp.float32) * s
    W2l = jax.random.normal(ks[4], (D, D), dtype=jnp.float32) * s
    b2 = jnp.zeros((D,), dtype=jnp.float32)
    W2r = jax.random.normal(ks[5], (D, D), dtype=jnp.float32) * s
    W3l = jax.random.normal(ks[6], (DO, D), dtype=jnp.float32) * s
    b3 = jnp.zeros((DO,), dtype=jnp.float32)
    W3r = jax.random.normal(ks[7], (DO, D), dtype=jnp.float32) * s
    return {"x": x, "edge_index": edge_index, "W1l": W1l, "b1": b1, "W1r": W1r,
            "W2l": W2l, "b2": b2, "W2r": W2r, "W3l": W3l, "b3": b3, "W3r": W3r}


def _sage_conv(x, edge_index, Wl, b, Wr):
    # PyG SAGEConv with mean aggregation: out = lin_l(mean_j x_j) + lin_r(x)
    src = edge_index[0]
    dst = edge_index[1]
    msg = x[src]                                    # gather
    agg = jax.ops.segment_sum(msg, dst, num_segments=N)   # scatter-add
    cnt = jax.ops.segment_sum(jnp.ones((edge_index.shape[1],), x.dtype), dst, num_segments=N)
    mean = agg / jnp.clip(cnt, 1.0)[:, None]
    return mean @ Wl.T + b + x @ Wr.T


def reference(x, edge_index, W1l, b1, W1r, W2l, b2, W2r, W3l, b3, W3r):
    h = jax.nn.relu(_sage_conv(x, edge_index, W1l, b1, W1r))
    h = jax.nn.relu(_sage_conv(h, edge_index, W2l, b2, W2r))
    out = _sage_conv(h, edge_index, W3l, b3, W3r)
    return out

if __name__ == "__main__":
    import jax
    _d = setup_inputs()
    print(jax.jit(kernel)(*tuple(_d.values())))

</pallas_src>

<mosaic_0001>
#map = affine_map<(d0, d1) -> (0, 0)>
#map1 = affine_map<(d0, d1) -> (0)>
#map2 = affine_map<(d0, d1) -> (0, 0, 0)>
module attributes {stable_mosaic.version = 14 : i64} {
  func.func @body(%arg0: i32, %arg1: i32, %arg2: memref<10240x128xf32, #tpu.memory_space<hbm>>, %arg3: memref<5120x64xi32, #tpu.memory_space<hbm>>, %arg4: memref<5120x64xi32, #tpu.memory_space<hbm>>, %arg5: memref<640x128xf32, #tpu.memory_space<hbm>>, %arg6: memref<64xf32, #tpu.memory_space<hbm>>, %arg7: memref<640xf32, #tpu.memory_space<hbm>>, %arg8: memref<2x10240x128xf32, #tpu.memory_space<hbm>>, %arg9: memref<2x10240xf32, #tpu.memory_space<hbm>>, %arg10: memref<32x64xi32, #tpu.memory_space<vmem>>, %arg11: memref<32x64xi32, #tpu.memory_space<vmem>>, %arg12: memref<64x128xf32, #tpu.memory_space<vmem>>, %arg13: memref<64x128xf32, #tpu.memory_space<vmem>>, %arg14: memref<64x128xf32, #tpu.memory_space<vmem>>, %arg15: memref<64x128xf32, #tpu.memory_space<vmem>>, %arg16: memref<10240x128xf32, #tpu.memory_space<vmem_shared>>, %arg17: memref<!tpu.dma_semaphore, #tpu.memory_space<semaphore_mem>>, %arg18: memref<!tpu.dma_semaphore, #tpu.memory_space<semaphore_mem>>, %arg19: memref<!tpu.dma_semaphore, #tpu.memory_space<semaphore_mem>>, %arg20: memref<!tpu.dma_semaphore, #tpu.memory_space<semaphore_mem>>, %arg21: memref<!tpu.dma_semaphore, #tpu.memory_space<semaphore_mem>>, %arg22: memref<!tpu.dma_semaphore, #tpu.memory_space<semaphore_mem>>, %arg23: memref<64xf32, #tpu.memory_space<vmem>>, %arg24: memref<10240xf32, #tpu.memory_space<vmem_shared>>) attributes {dimension_semantics = [#tpu.dimension_semantics<core_parallel>, #tpu.dimension_semantics<subcore_parallel>], iteration_bounds = array<i64: 2, 16>, scalar_prefetch = 0 : i64, scratch_operands = 15 : i64, tpu.core_type = #tpu.core_type<sc_vector_subcore>, window_params = [{transform_indices = #map}, {transform_indices = #map}, {transform_indices = #map}, {transform_indices = #map}, {transform_indices = #map1}, {transform_indices = #map1}, {transform_indices = #map2}, {transform_indices = #map}]} {
    %eq3A = arith.constant 0 : i32
    %eq3A_0 = arith.cmpi eq, %arg0, %eq3A : i32
    %jit3A = arith.constant 248 : i32
    %jit3A_1 = arith.constant 72 : i32
    %select_n3A = arith.select %eq3A_0, %jit3A, %jit3A_1 : i32
    %mul3A = arith.constant 320 : i32
    %mul3A_2 = arith.muli %arg1, %mul3A : i32
    %mul3A_3 = arith.constant 248 : i32
    %mul3A_4 = arith.muli %arg0, %mul3A_3 : i32
    %add3A = arith.addi %mul3A_2, %mul3A_4 : i32
    %multiple_of3A = tpu.assume_multiple %add3A, 8 : i32
    %mul3A_5 = arith.constant 640 : i32
    %mul3A_6 = arith.muli %arg1, %mul3A_5 : i32
    "tpu.region"() ({
      %run_scoped3A = tpu.sem_alloc : memref<!tpu.dma_semaphore, #tpu.memory_space<semaphore_mem>>
      %dma_start3A = arith.constant 0 : i32
      %dma_start3A_41 = tpu.memref_slice %arg16[%mul3A_6, %dma_start3A] : memref<10240x128xf32, #tpu.memory_space<vmem_shared>> -> memref<640x128xf32, #tpu.memory_space<vmem_shared>>
      tpu.enqueue_dma source(%arg5 : memref<640x128xf32, #tpu.memory_space<hbm>>) target(%dma_start3A_41 : memref<640x128xf32, #tpu.memory_space<vmem_shared>>) target_semaphore(%run_scoped3A : memref<!tpu.dma_semaphore, #tpu.memory_space<semaphore_mem>>)
      %dma_wait3A = arith.constant 0 : i32
      %dma_wait3A_42 = tpu.memref_slice %arg16[%mul3A_6, %dma_wait3A] : memref<10240x128xf32, #tpu.memory_space<vmem_shared>> -> memref<640x128xf32, #tpu.memory_space<vmem_shared>>
      tpu.wait_dma2 semaphore(%run_scoped3A : memref<!tpu.dma_semaphore, #tpu.memory_space<semaphore_mem>>) src(%arg5 : memref<640x128xf32, #tpu.memory_space<hbm>>) dst(%dma_wait3A_42 : memref<640x128xf32, #tpu.memory_space<vmem_shared>>)
      tpu.yield
    }) : () -> ()
    %mul3A_7 = arith.constant 640 : i32
    %mul3A_8 = arith.muli %arg1, %mul3A_7 : i32
    "tpu.region"() ({
      %run_scoped3A = tpu.sem_alloc : memref<!tpu.dma_semaphore, #tpu.memory_space<semaphore_mem>>
      %dma_start3A = tpu.memref_slice %arg24[%mul3A_8] : memref<10240xf32, #tpu.memory_space<vmem_shared>> -> memref<640xf32, #tpu.memory_space<vmem_shared>>
      tpu.enqueue_dma source(%arg7 : memref<640xf32, #tpu.memory_space<hbm>>) target(%dma_start3A : memref<640xf32, #tpu.memory_space<vmem_shared>>) target_semaphore(%run_scoped3A : memref<!tpu.dma_semaphore, #tpu.memory_space<semaphore_mem>>)
      %dma_wait3A = tpu.memref_slice %arg24[%mul3A_8] : memref<10240xf32, #tpu.memory_space<vmem_shared>> -> memref<640xf32, #tpu.memory_space<vmem_shared>>
      tpu.wait_dma2 semaphore(%run_scoped3A : memref<!tpu.dma_semaphore, #tpu.memory_space<semaphore_mem>>) src(%arg7 : memref<640xf32, #tpu.memory_space<hbm>>) dst(%dma_wait3A : memref<640xf32, #tpu.memory_space<vmem_shared>>)
      tpu.yield
    }) : () -> ()
    "tpu.region"() ({
      %run_scoped3A = tpu.sem_alloc : memref<!tpu.dma_semaphore, #tpu.memory_space<semaphore_mem>>
      tpu.enqueue_dma source(%arg6 : memref<64xf32, #tpu.memory_space<hbm>>) target(%arg23 : memref<64xf32, #tpu.memory_space<vmem>>) target_semaphore(%run_scoped3A : memref<!tpu.dma_semaphore, #tpu.memory_space<semaphore_mem>>)
      tpu.wait_dma2 semaphore(%run_scoped3A : memref<!tpu.dma_semaphore, #tpu.memory_space<semaphore_mem>>) src(%arg6 : memref<64xf32, #tpu.memory_space<hbm>>) dst(%arg23 : memref<64xf32, #tpu.memory_space<vmem>>)
      tpu.yield
    }) : () -> ()
    %gt3A = arith.constant 0 : i32
    %gt3A_9 = arith.cmpi sgt, %select_n3A, %gt3A : i32
    %convert_element_type3A = arith.extui %gt3A_9 : i1 to i32
    %cond3A = arith.constant 0 : i32
    %cond3A_10 = arith.cmpi ne, %convert_element_type3A, %cond3A : i32
    scf.if %cond3A_10 {
      %add3A_41 = arith.constant 0 : i32
      %add3A_42 = arith.addi %multiple_of3A, %add3A_41 : i32
      %multiple_of3A_43 = tpu.assume_multiple %add3A_42, 8 : i32
      %rem3A = arith.constant 0 : i32
      %rem3A_44 = arith.constant 2 : i32
      %rem3A_45 = arith.remsi %rem3A, %rem3A_44 : i32
      %mul3A_46 = arith.constant 16 : i32
      %mul3A_47 = arith.muli %rem3A_45, %mul3A_46 : i32
      %multiple_of3A_48 = tpu.assume_multiple %mul3A_47, 8 : i32
      "tpu.region"() ({
        %run_scoped3A = tpu.sem_alloc : memref<!tpu.dma_semaphore, #tpu.memory_space<semaphore_mem>>
        %dma_start3A = arith.constant 0 : i32
        %dma_start3A_58 = tpu.memref_slice %arg10[%multiple_of3A_48, %dma_start3A] : memref<32x64xi32, #tpu.memory_space<vmem>> -> memref<16x64xi32, #tpu.memory_space<vmem>>
        %dma_start3A_59 = arith.constant 0 : i32
        %dma_start3A_60 = tpu.memref_slice %arg3[%multiple_of3A_43, %dma_start3A_59] : memref<5120x64xi32, #tpu.memory_space<hbm>> -> memref<16x64xi32, #tpu.memory_space<hbm>>
        %dma_start3A_61 = arith.constant 0 : i32
        %dma_start3A_62 = tpu.memref_slice %arg10[%multiple_of3A_48, %dma_start3A_61] : memref<32x64xi32, #tpu.memory_space<vmem>> -> memref<16x64xi32, #tpu.memory_space<vmem>>
        %dma_start3A_63 = arith.constant 0 : i32
        %dma_start3A_64 = tpu.memref_slice %arg3[%multiple_of3A_43, %dma_start3A_63] : memref<5120x64xi32, #tpu.memory_space<hbm>> -> memref<16x64xi32, #tpu.memory_space<hbm>>
        tpu.enqueue_dma source(%dma_start3A_64 : memref<16x64xi32, #tpu.memory_space<hbm>>) target(%dma_start3A_62 : memref<16x64xi32, #tpu.memory_space<vmem>>) target_semaphore(%run_scoped3A : memref<!tpu.dma_semaphore, #tpu.memory_space<semaphore_mem>>)
        %dma_wait3A = arith.constant 0 : i32
        %dma_wait3A_65 = tpu.memref_slice %arg10[%multiple_of3A_48, %dma_wait3A] : memref<32x64xi32, #tpu.memory_space<vmem>> -> memref<16x64xi32, #tpu.memory_space<vmem>>
        %dma_wait3A_66 = arith.constant 0 : i32
        %dma_wait3A_67 = tpu.memref_slice %arg3[%multiple_of3A_43, %dma_wait3A_66] : memref<5120x64xi32, #tpu.memory_space<hbm>> -> memref<16x64xi32, #tpu.memory_space<hbm>>
        %dma_wait3A_68 = arith.constant 0 : i32
        %dma_wait3A_69 = tpu.memref_slice %arg10[%multiple_of3A_48, %dma_wait3A_68] : memref<32x64xi32, #tpu.memory_space<vmem>> -> memref<16x64xi32, #tpu.memory_space<vmem>>
        %dma_wait3A_70 = arith.constant 0 : i32
        %dma_wait3A_71 = tpu.memref_slice %arg3[%multiple_of3A_43, %dma_wait3A_70] : memref<5120x64xi32, #tpu.memory_space<hbm>> -> memref<16x64xi32, #tpu.memory_space<hbm>>
        tpu.wait_dma2 semaphore(%run_scoped3A : memref<!tpu.dma_semaphore, #tpu.memory_space<semaphore_mem>>) src(%dma_wait3A_71 : memref<16x64xi32, #tpu.memory_space<hbm>>) dst(%dma_wait3A_69 : memref<16x64xi32, #tpu.memory_space<vmem>>)
        tpu.yield
      }) : () -> ()
      %add3A_49 = arith.constant 0 : i32
      %add3A_50 = arith.addi %multiple_of3A, %add3A_49 : i32
      %multiple_of3A_51 = tpu.assume_multiple %add3A_50, 8 : i32
      %rem3A_52 = arith.constant 0 : i32
      %rem3A_53 = arith.constant 2 : i32
      %rem3A_54 = arith.remsi %rem3A_52, %rem3A_53 : i32
      %mul3A_55 = arith.constant 16 : i32
      %mul3A_56 = arith.muli %rem3A_54, %mul3A_55 : i32
      %multiple_of3A_57 = tpu.assume_multiple %mul3A_56, 8 : i32
      "tpu.region"() ({
        %run_scoped3A = tpu.sem_alloc : memref<!tpu.dma_semaphore, #tpu.memory_space<semaphore_mem>>
        %dma_start3A = arith.constant 0 : i32
        %dma_start3A_58 = tpu.memref_slice %arg11[%multiple_of3A_57, %dma_start3A] : memref<32x64xi32, #tpu.memory_space<vmem>> -> memref<16x64xi32, #tpu.memory_space<vmem>>
        %dma_start3A_59 = arith.constant 0 : i32
        %dma_start3A_60 = tpu.memref_slice %arg4[%multiple_of3A_51, %dma_start3A_59] : memref<5120x64xi32, #tpu.memory_space<hbm>> -> memref<16x64xi32, #tpu.memory_space<hbm>>
        %dma_start3A_61 = arith.constant 0 : i32
        %dma_start3A_62 = tpu.memref_slice %arg11[%multiple_of3A_57, %dma_start3A_61] : memref<32x64xi32, #tpu.memory_space<vmem>> -> memref<16x64xi32, #tpu.memory_space<vmem>>
        %dma_start3A_63 = arith.constant 0 : i32
        %dma_start3A_64 = tpu.memref_slice %arg4[%multiple_of3A_51, %dma_start3A_63] : memref<5120x64xi32, #tpu.memory_space<hbm>> -> memref<16x64xi32, #tpu.memory_space<hbm>>
        tpu.enqueue_dma source(%dma_start3A_64 : memref<16x64xi32, #tpu.memory_space<hbm>>) target(%dma_start3A_62 : memref<16x64xi32, #tpu.memory_space<vmem>>) target_semaphore(%run_scoped3A : memref<!tpu.dma_semaphore, #tpu.memory_space<semaphore_mem>>)
        %dma_wait3A = arith.constant 0 : i32
        %dma_wait3A_65 = tpu.memref_slice %arg11[%multiple_of3A_57, %dma_wait3A] : memref<32x64xi32, #tpu.memory_space<vmem>> -> memref<16x64xi32, #tpu.memory_space<vmem>>
        %dma_wait3A_66 = arith.constant 0 : i32
        %dma_wait3A_67 = tpu.memref_slice %arg4[%multiple_of3A_51, %dma_wait3A_66] : memref<5120x64xi32, #tpu.memory_space<hbm>> -> memref<16x64xi32, #tpu.memory_space<hbm>>
        %dma_wait3A_68 = arith.constant 0 : i32
        %dma_wait3A_69 = tpu.memref_slice %arg11[%multiple_of3A_57, %dma_wait3A_68] : memref<32x64xi32, #tpu.memory_space<vmem>> -> memref<16x64xi32, #tpu.memory_space<vmem>>
        %dma_wait3A_70 = arith.constant 0 : i32
        %dma_wait3A_71 = tpu.memref_slice %arg4[%multiple_of3A_51, %dma_wait3A_70] : memref<5120x64xi32, #tpu.memory_space<hbm>> -> memref<16x64xi32, #tpu.memory_space<hbm>>
        tpu.wait_dma2 semaphore(%run_scoped3A : memref<!tpu.dma_semaphore, #tpu.memory_space<semaphore_mem>>) src(%dma_wait3A_71 : memref<16x64xi32, #tpu.memory_space<hbm>>) dst(%dma_wait3A_69 : memref<16x64xi32, #tpu.memory_space<vmem>>)
        tpu.yield
      }) : () -> ()
    } else {
    }
    %barrier3A = arith.constant 0 : index
    tpu.barrier barrier_id(%barrier3A)
    %gt3A_11 = arith.constant 0 : i32
    %gt3A_12 = arith.cmpi sgt, %select_n3A, %gt3A_11 : i32
    %convert_element_type3A_13 = arith.extui %gt3A_12 : i1 to i32
    %cond3A_14 = arith.constant 0 : i32
    %cond3A_15 = arith.cmpi ne, %convert_element_type3A_13, %cond3A_14 : i32
    scf.if %cond3A_15 {
      %add3A_41 = arith.constant 16 : i32
      %add3A_42 = arith.addi %multiple_of3A, %add3A_41 : i32
      %multiple_of3A_43 = tpu.assume_multiple %add3A_42, 8 : i32
      %rem3A = arith.constant 1 : i32
      %rem3A_44 = arith.constant 2 : i32
      %rem3A_45 = arith.remsi %rem3A, %rem3A_44 : i32
      %mul3A_46 = arith.constant 16 : i32
      %mul3A_47 = arith.muli %rem3A_45, %mul3A_46 : i32
      %multiple_of3A_48 = tpu.assume_multiple %mul3A_47, 8 : i32
      %dma_start3A = arith.constant 0 : i32
      %dma_start3A_49 = tpu.memref_slice %arg10[%multiple_of3A_48, %dma_start3A] : memref<32x64xi32, #tpu.memory_space<vmem>> -> memref<16x64xi32, #tpu.memory_space<vmem>>
      %dma_start3A_50 = arith.constant 0 : i32
      %dma_start3A_51 = tpu.memref_slice %arg3[%multiple_of3A_43, %dma_start3A_50] : memref<5120x64xi32, #tpu.memory_space<hbm>> -> memref<16x64xi32, #tpu.memory_space<hbm>>
      %dma_start3A_52 = arith.constant 0 : i32
      %dma_start3A_53 = tpu.memref_slice %arg10[%multiple_of3A_48, %dma_start3A_52] : memref<32x64xi32, #tpu.memory_space<vmem>> -> memref<16x64xi32, #tpu.memory_space<vmem>>
      %dma_start3A_54 = arith.constant 0 : i32
      %dma_start3A_55 = tpu.memref_slice %arg3[%multiple_of3A_43, %dma_start3A_54] : memref<5120x64xi32, #tpu.memory_space<hbm>> -> memref<16x64xi32, #tpu.memory_space<hbm>>
      tpu.enqueue_dma source(%dma_start3A_55 : memref<16x64xi32, #tpu.memory_space<hbm>>) target(%dma_start3A_53 : memref<16x64xi32, #tpu.memory_space<vmem>>) target_semaphore(%arg21 : memref<!tpu.dma_semaphore, #tpu.memory_space<semaphore_mem>>)
      %add3A_56 = arith.constant 16 : i32
      %add3A_57 = arith.addi %multiple_of3A, %add3A_56 : i32
      %multiple_of3A_58 = tpu.assume_multiple %add3A_57, 8 : i32
      %rem3A_59 = arith.constant 1 : i32
      %rem3A_60 = arith.constant 2 : i32
      %rem3A_61 = arith.remsi %rem3A_59, %rem3A_60 : i32
      %mul3A_62 = arith.constant 16 : i32
      %mul3A_63 = arith.muli %rem3A_61, %mul3A_62 : i32
      %multiple_of3A_64 = tpu.assume_multiple %mul3A_63, 8 : i32
      %dma_start3A_65 = arith.constant 0 : i32
      %dma_start3A_66 = tpu.memref_slice %arg11[%multiple_of3A_64, %dma_start3A_65] : memref<32x64xi32, #tpu.memory_space<vmem>> -> memref<16x64xi32, #tpu.memory_space<vmem>>
      %dma_start3A_67 = arith.constant 0 : i32
      %dma_start3A_68 = tpu.memref_slice %arg4[%multiple_of3A_58, %dma_start3A_67] : memref<5120x64xi32, #tpu.memory_space<hbm>> -> memref<16x64xi32, #tpu.memory_space<hbm>>
      %dma_start3A_69 = arith.constant 0 : i32
      %dma_start3A_70 = tpu.memref_slice %arg11[%multiple_of3A_64, %dma_start3A_69] : memref<32x64xi32, #tpu.memory_space<vmem>> -> memref<16x64xi32, #tpu.memory_space<vmem>>
      %dma_start3A_71 = arith.constant 0 : i32
      %dma_start3A_72 = tpu.memref_slice %arg4[%multiple_of3A_58, %dma_start3A_71] : memref<5120x64xi32, #tpu.memory_space<hbm>> -> memref<16x64xi32, #tpu.memory_space<hbm>>
      tpu.enqueue_dma source(%dma_start3A_72 : memref<16x64xi32, #tpu.memory_space<hbm>>) target(%dma_start3A_70 : memref<16x64xi32, #tpu.memory_space<vmem>>) target_semaphore(%arg22 : memref<!tpu.dma_semaphore, #tpu.memory_space<semaphore_mem>>)
      %dma_start3A_73 = arith.constant 0 : i32
      %dma_start3A_74 = arith.constant 0 : i32
      %dma_start3A_75 = tpu.memref_slice %arg10[%dma_start3A_73, %dma_start3A_74] : memref<32x64xi32, #tpu.memory_space<vmem>> -> memref<1x64xi32, #tpu.memory_space<vmem>>
      %dma_start3A_76 = tpu.memref_squeeze %dma_start3A_75 : memref<1x64xi32, #tpu.memory_space<vmem>> -> memref<64xi32, #tpu.memory_space<vmem>>
      %dma_start3A_77 = arith.constant 0 : i32
      %dma_start3A_78 = arith.constant 0 : i32
      %dma_start3A_79 = tpu.memref_slice %arg2[%dma_start3A_77, %dma_start3A_78] : memref<10240x128xf32, #tpu.memory_space<hbm>> -> memref<10240x128xf32, #tpu.memory_space<hbm>>
      tpu.enqueue_indirect_dma source(%dma_start3A_79 : memref<10240x128xf32, #tpu.memory_space<hbm>>) target(%arg12 : memref<64x128xf32, #tpu.memory_space<vmem>>) offsets(%dma_start3A_76 : memref<64xi32, #tpu.memory_space<vmem>>) semaphore(%arg17 : memref<!tpu.dma_semaphore, #tpu.memory_space<semaphore_mem>>)
      %dma_start3A_80 = arith.constant 1 : i32
      %dma_start3A_81 = arith.constant 0 : i32
      %dma_start3A_82 = tpu.memref_slice %arg10[%dma_start3A_80, %dma_start3A_81] : memref<32x64xi32, #tpu.memory_space<vmem>> -> memref<1x64xi32, #tpu.memory_space<vmem>>
      %dma_start3A_83 = tpu.memref_squeeze %dma_start3A_82 : memref<1x64xi32, #tpu.memory_space<vmem>> -> memref<64xi32, #tpu.memory_space<vmem>>
      %dma_start3A_84 = arith.constant 0 : i32
      %dma_start3A_85 = arith.constant 0 : i32
      %dma_start3A_86 = tpu.memref_slice %arg2[%dma_start3A_84, %dma_start3A_85] : memref<10240x128xf32, #tpu.memory_space<hbm>> -> memref<10240x128xf32, #tpu.memory_space<hbm>>
      tpu.enqueue_indirect_dma source(%dma_start3A_86 : memref<10240x128xf32, #tpu.memory_space<hbm>>) target(%arg13 : memref<64x128xf32, #tpu.memory_space<vmem>>) offsets(%dma_start3A_83 : memref<64xi32, #tpu.memory_space<vmem>>) semaphore(%arg18 : memref<!tpu.dma_semaphore, #tpu.memory_space<semaphore_mem>>)
      %dma_start3A_87 = arith.constant 2 : i32
      %dma_start3A_88 = arith.constant 0 : i32
      %dma_start3A_89 = tpu.memref_slice %arg10[%dma_start3A_87, %dma_start3A_88] : memref<32x64xi32, #tpu.memory_space<vmem>> -> memref<1x64xi32, #tpu.memory_space<vmem>>
      %dma_start3A_90 = tpu.memref_squeeze %dma_start3A_89 : memref<1x64xi32, #tpu.memory_space<vmem>> -> memref<64xi32, #tpu.memory_space<vmem>>
      %dma_start3A_91 = arith.constant 0 : i32
      %dma_start3A_92 = arith.constant 0 : i32
      %dma_start3A_93 = tpu.memref_slice %arg2[%dma_start3A_91, %dma_start3A_92] : memref<10240x128xf32, #tpu.memory_space<hbm>> -> memref<10240x128xf32, #tpu.memory_space<hbm>>
      tpu.enqueue_indirect_dma source(%dma_start3A_93 : memref<10240x128xf32, #tpu.memory_space<hbm>>) target(%arg14 : memref<64x128xf32, #tpu.memory_space<vmem>>) offsets(%dma_start3A_90 : memref<64xi32, #tpu.memory_space<vmem>>) semaphore(%arg19 : memref<!tpu.dma_semaphore, #tpu.memory_space<semaphore_mem>>)
      %dma_start3A_94 = arith.constant 3 : i32
      %dma_start3A_95 = arith.constant 0 : i32
      %dma_start3A_96 = tpu.memref_slice %arg10[%dma_start3A_94, %dma_start3A_95] : memref<32x64xi32, #tpu.memory_space<vmem>> -> memref<1x64xi32, #tpu.memory_space<vmem>>
      %dma_start3A_97 = tpu.memref_squeeze %dma_start3A_96 : memref<1x64xi32, #tpu.memory_space<vmem>> -> memref<64xi32, #tpu.memory_space<vmem>>
      %dma_start3A_98 = arith.constant 0 : i32
      %dma_start3A_99 = arith.constant 0 : i32
      %dma_start3A_100 = tpu.memref_slice %arg2[%dma_start3A_98, %dma_start3A_99] : memref<10240x128xf32, #tpu.memory_space<hbm>> -> memref<10240x128xf32, #tpu.memory_space<hbm>>
      tpu.enqueue_indirect_dma source(%dma_start3A_100 : memref<10240x128xf32, #tpu.memory_space<hbm>>) target(%arg15 : memref<64x128xf32, #tpu.memory_space<vmem>>) offsets(%dma_start3A_97 : memref<64xi32, #tpu.memory_space<vmem>>) semaphore(%arg20 : memref<!tpu.dma_semaphore, #tpu.memory_space<semaphore_mem>>)
    } else {
    }
    %sub3A = arith.constant 0 : i32
    %sub3A_16 = arith.subi %select_n3A, %sub3A : i32
    %sub3A_17 = arith.constant 4 : i32
    %sub3A_18 = arith.constant 1 : i32
    %sub3A_19 = arith.subi %sub3A_17, %sub3A_18 : i32
    %add3A_20 = arith.addi %sub3A_16, %sub3A_19 : i32
    %div3A = arith.constant 4 : i32
    %div3A_21 = arith.divsi %add3A_20, %div3A : i32
    %while3A = arith.constant 4 : i32
    %while3A_22 = arith.constant 0 : i32
    %while3A_23 = arith.constant 0 : i32
    %while3A_24 = arith.subi %div3A_21, %while3A_23 : i32
    %while3A_25 = arith.addi %while3A_23, %while3A_24 : i32
    %while3A_26 = arith.constant 1 : i32
    %while3A_27 = arith.divsi %while3A_24, %while3A_26 : i32
    %while3A_28 = arith.muli %while3A_27, %while3A_26 : i32
    %while3A_29 = arith.addi %while3A_23, %while3A_28 : i32
    %while3A_30 = arith.constant 1 : i32
    scf.for %while3A_41 = %while3A_23 to %while3A_29 step %while3A_30  : i32 {
      %mul3A_42 = arith.muli %while3A_41, %while3A : i32
      %add3A_43 = arith.addi %while3A_22, %mul3A_42 : i32
      %add3A_44 = arith.constant 0 : i32
      %add3A_45 = arith.addi %add3A_43, %add3A_44 : i32
      %jit3A_46 = arith.constant 16 : i32
      %div3A_47 = arith.divsi %add3A_45, %jit3A_46 : i32
      %sign3A = arith.constant 0 : i32
      %sign3A_48 = arith.cmpi sgt, %add3A_45, %sign3A : i32
      %sign3A_49 = arith.extui %sign3A_48 : i1 to i32
      %sign3A_50 = arith.constant 0 : i32
      %sign3A_51 = arith.cmpi slt, %add3A_45, %sign3A_50 : i32
      %sign3A_52 = arith.extui %sign3A_51 : i1 to i32
      %sign3A_53 = arith.subi %sign3A_49, %sign3A_52 : i32
      %sign3A_54 = arith.constant 0 : i32
      %sign3A_55 = arith.cmpi sgt, %jit3A_46, %sign3A_54 : i32
      %sign3A_56 = arith.extui %sign3A_55 : i1 to i32
      %sign3A_57 = arith.constant 0 : i32
      %sign3A_58 = arith.cmpi slt, %jit3A_46, %sign3A_57 : i32
      %sign3A_59 = arith.extui %sign3A_58 : i1 to i32
      %sign3A_60 = arith.subi %sign3A_56, %sign3A_59 : i32
      %ne3A = arith.cmpi ne, %sign3A_53, %sign3A_60 : i32
      %rem3A = arith.remsi %add3A_45, %jit3A_46 : i32
      %ne3A_61 = arith.constant 0 : i32
      %ne3A_62 = arith.cmpi ne, %rem3A, %ne3A_61 : i32
      %and3A = arith.andi %ne3A, %ne3A_62 : i1
      %sub3A_63 = arith.constant 1 : i32
      %sub3A_64 = arith.subi %div3A_47, %sub3A_63 : i32
      %select_n3A_65 = arith.select %and3A, %sub3A_64, %div3A_47 : i32
      %rem3A_66 = arith.constant 16 : i32
      %rem3A_67 = arith.remsi %add3A_45, %rem3A_66 : i32
      %eq3A_68 = arith.constant 0 : i32
      %eq3A_69 = arith.cmpi eq, %rem3A_67, %eq3A_68 : i32
      %gt3A_70 = arith.constant 0 : i32
      %gt3A_71 = arith.cmpi sgt, %add3A_45, %gt3A_70 : i32
      %and3A_72 = arith.andi %eq3A_69, %gt3A_71 : i1
      %convert_element_type3A_73 = arith.extui %and3A_72 : i1 to i32
      %cond3A_74 = arith.constant 0 : i32
      %cond3A_75 = arith.cmpi ne, %convert_element_type3A_73, %cond3A_74 : i32
      scf.if %cond3A_75 {
        %add3A_250 = arith.addi %multiple_of3A, %add3A_45 : i32
        %multiple_of3A_251 = tpu.assume_multiple %add3A_250, 8 : i32
        %rem3A_252 = arith.constant 2 : i32
        %rem3A_253 = arith.remsi %select_n3A_65, %rem3A_252 : i32
        %mul3A_254 = arith.constant 16 : i32
        %mul3A_255 = arith.muli %rem3A_253, %mul3A_254 : i32
        %multiple_of3A_256 = tpu.assume_multiple %mul3A_255, 8 : i32
        %dma_wait3A_257 = arith.constant 0 : i32
        %dma_wait3A_258 = tpu.memref_slice %arg11[%multiple_of3A_256, %dma_wait3A_257] : memref<32x64xi32, #tpu.memory_space<vmem>> -> memref<16x64xi32, #tpu.memory_space<vmem>>
        %dma_wait3A_259 = arith.constant 0 : i32
        %dma_wait3A_260 = tpu.memref_slice %arg4[%multiple_of3A_251, %dma_wait3A_259] : memref<5120x64xi32, #tpu.memory_space<hbm>> -> memref<16x64xi32, #tpu.memory_space<hbm>>
        %dma_wait3A_261 = arith.constant 0 : i32
        %dma_wait3A_262 = tpu.memref_slice %arg11[%multiple_of3A_256, %dma_wait3A_261] : memref<32x64xi32, #tpu.memory_space<vmem>> -> memref<16x64xi32, #tpu.memory_space<vmem>>
        %dma_wait3A_263 = arith.constant 0 : i32
        %dma_wait3A_264 = tpu.memref_slice %arg4[%multiple_of3A_251, %dma_wait3A_263] : memref<5120x64xi32, #tpu.memory_space<hbm>> -> memref<16x64xi32, #tpu.memory_space<hbm>>
        tpu.wait_dma2 semaphore(%arg22 : memref<!tpu.dma_semaphore, #tpu.memory_space<semaphore_mem>>) src(%dma_wait3A_264 : memref<16x64xi32, #tpu.memory_space<hbm>>) dst(%dma_wait3A_262 : memref<16x64xi32, #tpu.memory_space<vmem>>)
        %add3A_265 = arith.constant 16 : i32
        %add3A_266 = arith.addi %add3A_45, %add3A_265 : i32
        %lt3A_267 = arith.cmpi slt, %add3A_266, %select_n3A : i32
        %convert_element_type3A_268 = arith.extui %lt3A_267 : i1 to i32
        %cond3A_269 = arith.constant 0 : i32
        %cond3A_270 = arith.cmpi ne, %convert_element_type3A_268, %cond3A_269 : i32
        scf.if %cond3A_270 {
          %add3A_271 = arith.constant 16 : i32
          %add3A_272 = arith.addi %add3A_45, %add3A_271 : i32
          %add3A_273 = arith.addi %multiple_of3A, %add3A_272 : i32
          %multiple_of3A_274 = tpu.assume_multiple %add3A_273, 8 : i32
          %add3A_275 = arith.constant 1 : i32
          %add3A_276 = arith.addi %select_n3A_65, %add3A_275 : i32
          %rem3A_277 = arith.constant 2 : i32
          %rem3A_278 = arith.remsi %add3A_276, %rem3A_277 : i32
          %mul3A_279 = arith.constant 16 : i32
          %mul3A_280 = arith.muli %rem3A_278, %mul3A_279 : i32
          %multiple_of3A_281 = tpu.assume_multiple %mul3A_280, 8 : i32
          %dma_start3A = arith.constant 0 : i32
          %dma_start3A_282 = tpu.memref_slice %arg10[%multiple_of3A_281, %dma_start3A] : memref<32x64xi32, #tpu.memory_space<vmem>> -> memref<16x64xi32, #tpu.memory_space<vmem>>
          %dma_start3A_283 = arith.constant 0 : i32
          %dma_start3A_284 = tpu.memref_slice %arg3[%multiple_of3A_274, %dma_start3A_283] : memref<5120x64xi32, #tpu.memory_space<hbm>> -> memref<16x64xi32, #tpu.memory_space<hbm>>
          %dma_start3A_285 = arith.constant 0 : i32
          %dma_start3A_286 = tpu.memref_slice %arg10[%multiple_of3A_281, %dma_start3A_285] : memref<32x64xi32, #tpu.memory_space<vmem>> -> memref<16x64xi32, #tpu.memory_space<vmem>>
          %dma_start3A_287 = arith.constant 0 : i32
          %dma_start3A_288 = tpu.memref_slice %arg3[%multiple_of3A_274, %dma_start3A_287] : memref<5120x64xi32, #tpu.memory_space<hbm>> -> memref<16x64xi32, #tpu.memory_space<hbm>>
          tpu.enqueue_dma source(%dma_start3A_288 : memref<16x64xi32, #tpu.memory_space<hbm>>) target(%dma_start3A_286 : memref<16x64xi32, #tpu.memory_space<vmem>>) target_semaphore(%arg21 : memref<!tpu.dma_semaphore, #tpu.memory_space<semaphore_mem>>)
          %add3A_289 = arith.constant 16 : i32
          %add3A_290 = arith.addi %add3A_45, %add3A_289 : i32
          %add3A_291 = arith.addi %multiple_of3A, %add3A_290 : i32
          %multiple_of3A_292 = tpu.assume_multiple %add3A_291, 8 : i32
          %add3A_293 = arith.constant 1 : i32
          %add3A_294 = arith.addi %select_n3A_65, %add3A_293 : i32
          %rem3A_295 = arith.constant 2 : i32
          %rem3A_296 = arith.remsi %add3A_294, %rem3A_295 : i32
          %mul3A_297 = arith.constant 16 : i32
          %mul3A_298 = arith.muli %rem3A_296, %mul3A_297 : i32
          %multiple_of3A_299 = tpu.assume_multiple %mul3A_298, 8 : i32
          %dma_start3A_300 = arith.constant 0 : i32
          %dma_start3A_301 = tpu.memref_slice %arg11[%multiple_of3A_299, %dma_start3A_300] : memref<32x64xi32, #tpu.memory_space<vmem>> -> memref<16x64xi32, #tpu.memory_space<vmem>>
          %dma_start3A_302 = arith.constant 0 : i32
          %dma_start3A_303 = tpu.memref_slice %arg4[%multiple_of3A_292, %dma_start3A_302] : memref<5120x64xi32, #tpu.memory_space<hbm>> -> memref<16x64xi32, #tpu.memory_space<hbm>>
          %dma_start3A_304 = arith.constant 0 : i32
          %dma_start3A_305 = tpu.memref_slice %arg11[%multiple_of3A_299, %dma_start3A_304] : memref<32x64xi32, #tpu.memory_space<vmem>> -> memref<16x64xi32, #tpu.memory_space<vmem>>
          %dma_start3A_306 = arith.constant 0 : i32
          %dma_start3A_307 = tpu.memref_slice %arg4[%multiple_of3A_292, %dma_start3A_306] : memref<5120x64xi32, #tpu.memory_space<hbm>> -> memref<16x64xi32, #tpu.memory_space<hbm>>
          tpu.enqueue_dma source(%dma_start3A_307 : memref<16x64xi32, #tpu.memory_space<hbm>>) target(%dma_start3A_305 : memref<16x64xi32, #tpu.memory_space<vmem>>) target_semaphore(%arg22 : memref<!tpu.dma_semaphore, #tpu.memory_space<semaphore_mem>>)
        } else {
        }
      } else {
      }
      %dma_wait3A = arith.constant 0 : i32
      %dma_wait3A_76 = arith.constant 0 : i32
      %dma_wait3A_77 = tpu.memref_slice %arg10[%dma_wait3A, %dma_wait3A_76] : memref<32x64xi32, #tpu.memory_space<vmem>> -> memref<1x64xi32, #tpu.memory_space<vmem>>
      %dma_wait3A_78 = tpu.memref_squeeze %dma_wait3A_77 : memref<1x64xi32, #tpu.memory_space<vmem>> -> memref<64xi32, #tpu.memory_space<vmem>>
      %dma_wait3A_79 = arith.constant 0 : i32
      %dma_wait3A_80 = arith.constant 0 : i32
      %dma_wait3A_81 = tpu.memref_slice %arg2[%dma_wait3A_79, %dma_wait3A_80] : memref<10240x128xf32, #tpu.memory_space<hbm>> -> memref<10240x128xf32, #tpu.memory_space<hbm>>
      tpu.wait_indirect_dma semaphore(%arg17 : memref<!tpu.dma_semaphore, #tpu.memory_space<semaphore_mem>>) src(%dma_wait3A_81 : memref<10240x128xf32, #tpu.memory_space<hbm>>) dst(%arg12 : memref<64x128xf32, #tpu.memory_space<vmem>>)
      %rem3A_82 = arith.constant 32 : i32
      %rem3A_83 = arith.remsi %add3A_45, %rem3A_82 : i32
      "tpu.region"() ({
        %run_scoped3A = tpu.sem_alloc : memref<!tpu.dma_semaphore, #tpu.memory_space<semaphore_mem>>
        %dma_start3A = arith.constant 0 : i32
        %dma_start3A_250 = tpu.memref_slice %arg11[%rem3A_83, %dma_start3A] : memref<32x64xi32, #tpu.memory_space<vmem>> -> memref<1x64xi32, #tpu.memory_space<vmem>>
        %dma_start3A_251 = tpu.memref_squeeze %dma_start3A_250 : memref<1x64xi32, #tpu.memory_space<vmem>> -> memref<64xi32, #tpu.memory_space<vmem>>
        %dma_start3A_252 = arith.constant 0 : i32
        %dma_start3A_253 = arith.constant 0 : i32
        %dma_start3A_254 = tpu.memref_slice %arg16[%dma_start3A_252, %dma_start3A_253] : memref<10240x128xf32, #tpu.memory_space<vmem_shared>> -> memref<10240x128xf32, #tpu.memory_space<vmem_shared>>
        tpu.enqueue_indirect_dma source(%arg12 : memref<64x128xf32, #tpu.memory_space<vmem>>) target(%dma_start3A_254 : memref<10240x128xf32, #tpu.memory_space<vmem_shared>>) offsets(%dma_start3A_251 : memref<64xi32, #tpu.memory_space<vmem>>) semaphore(%run_scoped3A : memref<!tpu.dma_semaphore, #tpu.memory_space<semaphore_mem>>) {add = true}
        %dma_wait3A_255 = arith.constant 0 : i32
        %dma_wait3A_256 = tpu.memref_slice %arg11[%rem3A_83, %dma_wait3A_255] : memref<32x64xi32, #tpu.memory_space<vmem>> -> memref<1x64xi32, #tpu.memory_space<vmem>>
        %dma_wait3A_257 = tpu.memref_squeeze %dma_wait3A_256 : memref<1x64xi32, #tpu.memory_space<vmem>> -> memref<64xi32, #tpu.memory_space<vmem>>
        %dma_wait3A_258 = arith.constant 0 : i32
        %dma_wait3A_259 = arith.constant 0 : i32
        %dma_wait3A_260 = tpu.memref_slice %arg16[%dma_wait3A_258, %dma_wait3A_259] : memref<10240x128xf32, #tpu.memory_space<vmem_shared>> -> memref<10240x128xf32, #tpu.memory_space<vmem_shared>>
        tpu.wait_indirect_dma semaphore(%run_scoped3A : memref<!tpu.dma_semaphore, #tpu.memory_space<semaphore_mem>>) src(%arg12 : memref<64x128xf32, #tpu.memory_space<vmem>>) dst(%dma_wait3A_260 : memref<10240x128xf32, #tpu.memory_space<vmem_shared>>)
        tpu.yield
      }) : () -> ()
      %rem3A_84 = arith.constant 32 : i32
      %rem3A_85 = arith.remsi %add3A_45, %rem3A_84 : i32
      "tpu.region"() ({
        %run_scoped3A = tpu.sem_alloc : memref<!tpu.dma_semaphore, #tpu.memory_space<semaphore_mem>>
        %dma_start3A = arith.constant 0 : i32
        %dma_start3A_250 = tpu.memref_slice %arg11[%rem3A_85, %dma_start3A] : memref<32x64xi32, #tpu.memory_space<vmem>> -> memref<1x64xi32, #tpu.memory_space<vmem>>
        %dma_start3A_251 = tpu.memref_squeeze %dma_start3A_250 : memref<1x64xi32, #tpu.memory_space<vmem>> -> memref<64xi32, #tpu.memory_space<vmem>>
        %dma_start3A_252 = arith.constant 0 : i32
        %dma_start3A_253 = tpu.memref_slice %arg24[%dma_start3A_252] : memref<10240xf32, #tpu.memory_space<vmem_shared>> -> memref<10240xf32, #tpu.memory_space<vmem_shared>>
        tpu.enqueue_indirect_dma source(%arg23 : memref<64xf32, #tpu.memory_space<vmem>>) target(%dma_start3A_253 : memref<10240xf32, #tpu.memory_space<vmem_shared>>) offsets(%dma_start3A_251 : memref<64xi32, #tpu.memory_space<vmem>>) semaphore(%run_scoped3A : memref<!tpu.dma_semaphore, #tpu.memory_space<semaphore_mem>>) {add = true}
        %dma_wait3A_254 = arith.constant 0 : i32
        %dma_wait3A_255 = tpu.memref_slice %arg11[%rem3A_85, %dma_wait3A_254] : memref<32x64xi32, #tpu.memory_space<vmem>> -> memref<1x64xi32, #tpu.memory_space<vmem>>
        %dma_wait3A_256 = tpu.memref_squeeze %dma_wait3A_255 : memref<1x64xi32, #tpu.memory_space<vmem>> -> memref<64xi32, #tpu.memory_space<vmem>>
        %dma_wait3A_257 = arith.constant 0 : i32
        %dma_wait3A_258 = tpu.memref_slice %arg24[%dma_wait3A_257] : memref<10240xf32, #tpu.memory_space<vmem_shared>> -> memref<10240xf32, #tpu.memory_space<vmem_shared>>
        tpu.wait_indirect_dma semaphore(%run_scoped3A : memref<!tpu.dma_semaphore, #tpu.memory_space<semaphore_mem>>) src(%arg23 : memref<64xf32, #tpu.memory_space<vmem>>) dst(%dma_wait3A_258 : memref<10240xf32, #tpu.memory_space<vmem_shared>>)
        tpu.yield
      }) : () -> ()
      %add3A_86 = arith.constant 4 : i32
      %add3A_87 = arith.addi %add3A_45, %add3A_86 : i32
      %lt3A = arith.cmpi slt, %add3A_87, %select_n3A : i32
      %convert_element_type3A_88 = arith.extui %lt3A : i1 to i32
      %cond3A_89 = arith.constant 0 : i32
      %cond3A_90 = arith.cmpi ne, %convert_element_type3A_88, %cond3A_89 : i32
      scf.if %cond3A_90 {
        %rem3A_250 = arith.constant 16 : i32
        %rem3A_251 = arith.remsi %add3A_87, %rem3A_250 : i32
        %eq3A_252 = arith.constant 0 : i32
        %eq3A_253 = arith.cmpi eq, %rem3A_251, %eq3A_252 : i32
        %convert_element_type3A_254 = arith.extui %eq3A_253 : i1 to i32
        %cond3A_255 = arith.constant 0 : i32
        %cond3A_256 = arith.cmpi ne, %convert_element_type3A_254, %cond3A_255 : i32
        scf.if %cond3A_256 {
          %add3A_264 = arith.addi %multiple_of3A, %add3A_87 : i32
          %multiple_of3A_265 = tpu.assume_multiple %add3A_264, 8 : i32
          %jit3A_266 = arith.constant 16 : i32
          %div3A_267 = arith.divsi %add3A_87, %jit3A_266 : i32
          %sign3A_268 = arith.constant 0 : i32
          %sign3A_269 = arith.cmpi sgt, %add3A_87, %sign3A_268 : i32
          %sign3A_270 = arith.extui %sign3A_269 : i1 to i32
          %sign3A_271 = arith.constant 0 : i32
          %sign3A_272 = arith.cmpi slt, %add3A_87, %sign3A_271 : i32
          %sign3A_273 = arith.extui %sign3A_272 : i1 to i32
          %sign3A_274 = arith.subi %sign3A_270, %sign3A_273 : i32
          %sign3A_275 = arith.constant 0 : i32
          %sign3A_276 = arith.cmpi sgt, %jit3A_266, %sign3A_275 : i32
          %sign3A_277 = arith.extui %sign3A_276 : i1 to i32
          %sign3A_278 = arith.constant 0 : i32
          %sign3A_279 = arith.cmpi slt, %jit3A_266, %sign3A_278 : i32
          %sign3A_280 = arith.extui %sign3A_279 : i1 to i32
          %sign3A_281 = arith.subi %sign3A_277, %sign3A_280 : i32
          %ne3A_282 = arith.cmpi ne, %sign3A_274, %sign3A_281 : i32
          %rem3A_283 = arith.remsi %add3A_87, %jit3A_266 : i32
          %ne3A_284 = arith.constant 0 : i32
          %ne3A_285 = arith.cmpi ne, %rem3A_283, %ne3A_284 : i32
          %and3A_286 = arith.andi %ne3A_282, %ne3A_285 : i1
          %sub3A_287 = arith.constant 1 : i32
          %sub3A_288 = arith.subi %div3A_267, %sub3A_287 : i32
          %select_n3A_289 = arith.select %and3A_286, %sub3A_288, %div3A_267 : i32
          %rem3A_290 = arith.constant 2 : i32
          %rem3A_291 = arith.remsi %select_n3A_289, %rem3A_290 : i32
          %mul3A_292 = arith.constant 16 : i32
          %mul3A_293 = arith.muli %rem3A_291, %mul3A_292 : i32
          %multiple_of3A_294 = tpu.assume_multiple %mul3A_293, 8 : i32
          %dma_wait3A_295 = arith.constant 0 : i32
          %dma_wait3A_296 = tpu.memref_slice %arg10[%multiple_of3A_294, %dma_wait3A_295] : memref<32x64xi32, #tpu.memory_space<vmem>> -> memref<16x64xi32, #tpu.memory_space<vmem>>
          %dma_wait3A_297 = arith.constant 0 : i32
          %dma_wait3A_298 = tpu.memref_slice %arg3[%multiple_of3A_265, %dma_wait3A_297] : memref<5120x64xi32, #tpu.memory_space<hbm>> -> memref<16x64xi32, #tpu.memory_space<hbm>>
          %dma_wait3A_299 = arith.constant 0 : i32
          %dma_wait3A_300 = tpu.memref_slice %arg10[%multiple_of3A_294, %dma_wait3A_299] : memref<32x64xi32, #tpu.memory_space<vmem>> -> memref<16x64xi32, #tpu.memory_space<vmem>>
          %dma_wait3A_301 = arith.constant 0 : i32
          %dma_wait3A_302 = tpu.memref_slice %arg3[%multiple_of3A_265, %dma_wait3A_301] : memref<5120x64xi32, #tpu.memory_space<hbm>> -> memref<16x64xi32, #tpu.memory_space<hbm>>
          tpu.wait_dma2 semaphore(%arg21 : memref<!tpu.dma_semaphore, #tpu.memory_space<semaphore_mem>>) src(%dma_wait3A_302 : memref<16x64xi32, #tpu.memory_space<hbm>>) dst(%dma_wait3A_300 : memref<16x64xi32, #tpu.memory_space<vmem>>)
        } else {
        }
        %rem3A_257 = arith.constant 32 : i32
        %rem3A_258 = arith.remsi %add3A_87, %rem3A_257 : i32
        %dma_start3A = arith.constant 0 : i32
        %dma_start3A_259 = tpu.memref_slice %arg10[%rem3A_258, %dma_start3A] : memref<32x64xi32, #tpu.memory_space<vmem>> -> memref<1x64xi32, #tpu.memory_space<vmem>>
        %dma_start3A_260 = tpu.memref_squeeze %dma_start3A_259 : memref<1x64xi32, #tpu.memory_space<vmem>> -> memref<64xi32, #tpu.memory_space<vmem>>
        %dma_start3A_261 = arith.constant 0 : i32
        %dma_start3A_262 = arith.constant 0 : i32
        %dma_start3A_263 = tpu.memref_slice %arg2[%dma_start3A_261, %dma_start3A_262] : memref<10240x128xf32, #tpu.memory_space<hbm>> -> memref<10240x128xf32, #tpu.memory_space<hbm>>
        tpu.enqueue_indirect_dma source(%dma_start3A_263 : memref<10240x128xf32, #tpu.memory_space<hbm>>) target(%arg12 : memref<64x128xf32, #tpu.memory_space<vmem>>) offsets(%dma_start3A_260 : memref<64xi32, #tpu.memory_space<vmem>>) semaphore(%arg17 : memref<!tpu.dma_semaphore, #tpu.memory_space<semaphore_mem>>)
      } else {
      }
      %add3A_91 = arith.constant 1 : i32
      %add3A_92 = arith.addi %add3A_43, %add3A_91 : i32
      %jit3A_93 = arith.constant 16 : i32
      %div3A_94 = arith.divsi %add3A_92, %jit3A_93 : i32
      %sign3A_95 = arith.constant 0 : i32
      %sign3A_96 = arith.cmpi sgt, %add3A_92, %sign3A_95 : i32
      %sign3A_97 = arith.extui %sign3A_96 : i1 to i32
      %sign3A_98 = arith.constant 0 : i32
      %sign3A_99 = arith.cmpi slt, %add3A_92, %sign3A_98 : i32
      %sign3A_100 = arith.extui %sign3A_99 : i1 to i32
      %sign3A_101 = arith.subi %sign3A_97, %sign3A_100 : i32
      %sign3A_102 = arith.constant 0 : i32
      %sign3A_103 = arith.cmpi sgt, %jit3A_93, %sign3A_102 : i32
      %sign3A_104 = arith.extui %sign3A_103 : i1 to i32
      %sign3A_105 = arith.constant 0 : i32
      %sign3A_106 = arith.cmpi slt, %jit3A_93, %sign3A_105 : i32
      %sign3A_107 = arith.extui %sign3A_106 : i1 to i32
      %sign3A_108 = arith.subi %sign3A_104, %sign3A_107 : i32
      %ne3A_109 = arith.cmpi ne, %sign3A_101, %sign3A_108 : i32
      %rem3A_110 = arith.remsi %add3A_92, %jit3A_93 : i32
      %ne3A_111 = arith.constant 0 : i32
      %ne3A_112 = arith.cmpi ne, %rem3A_110, %ne3A_111 : i32
      %and3A_113 = arith.andi %ne3A_109, %ne3A_112 : i1
      %sub3A_114 = arith.constant 1 : i32
      %sub3A_115 = arith.subi %div3A_94, %sub3A_114 : i32
      %select_n3A_116 = arith.select %and3A_113, %sub3A_115, %div3A_94 : i32
      %rem3A_117 = arith.constant 16 : i32
      %rem3A_118 = arith.remsi %add3A_92, %rem3A_117 : i32
      %eq3A_119 = arith.constant 0 : i32
      %eq3A_120 = arith.cmpi eq, %rem3A_118, %eq3A_119 : i32
      %gt3A_121 = arith.constant 0 : i32
      %gt3A_122 = arith.cmpi sgt, %add3A_92, %gt3A_121 : i32
      %and3A_123 = arith.andi %eq3A_120, %gt3A_122 : i1
      %convert_element_type3A_124 = arith.extui %and3A_123 : i1 to i32
      %cond3A_125 = arith.constant 0 : i32
      %cond3A_126 = arith.cmpi ne, %convert_element_type3A_124, %cond3A_125 : i32
      scf.if %cond3A_126 {
        %add3A_250 = arith.addi %multiple_of3A, %add3A_92 : i32
        %multiple_of3A_251 = tpu.assume_multiple %add3A_250, 8 : i32
        %rem3A_252 = arith.constant 2 : i32
        %rem3A_253 = arith.remsi %select_n3A_116, %rem3A_252 : i32
        %mul3A_254 = arith.constant 16 : i32
        %mul3A_255 = arith.muli %rem3A_253, %mul3A_254 : i32
        %multiple_of3A_256 = tpu.assume_multiple %mul3A_255, 8 : i32
        %dma_wait3A_257 = arith.constant 0 : i32
        %dma_wait3A_258 = tpu.memref_slice %arg11[%multiple_of3A_256, %dma_wait3A_257] : memref<32x64xi32, #tpu.memory_space<vmem>> -> memref<16x64xi32, #tpu.memory_space<vmem>>
        %dma_wait3A_259 = arith.constant 0 : i32
        %dma_wait3A_260 = tpu.memref_slice %arg4[%multiple_of3A_251, %dma_wait3A_259] : memref<5120x64xi32, #tpu.memory_space<hbm>> -> memref<16x64xi32, #tpu.memory_space<hbm>>
        %dma_wait3A_261 = arith.constant 0 : i32
        %dma_wait3A_262 = tpu.memref_slice %arg11[%multiple_of3A_256, %dma_wait3A_261] : memref<32x64xi32, #tpu.memory_space<vmem>> -> memref<16x64xi32, #tpu.memory_space<vmem>>
        %dma_wait3A_263 = arith.constant 0 : i32
        %dma_wait3A_264 = tpu.memref_slice %arg4[%multiple_of3A_251, %dma_wait3A_263] : memref<5120x64xi32, #tpu.memory_space<hbm>> -> memref<16x64xi32, #tpu.memory_space<hbm>>
        tpu.wait_dma2 semaphore(%arg22 : memref<!tpu.dma_semaphore, #tpu.memory_space<semaphore_mem>>) src(%dma_wait3A_264 : memref<16x64xi32, #tpu.memory_space<hbm>>) dst(%dma_wait3A_262 : memref<16x64xi32, #tpu.memory_space<vmem>>)
        %add3A_265 = arith.constant 16 : i32
        %add3A_266 = arith.addi %add3A_92, %add3A_265 : i32
        %lt3A_267 = arith.cmpi slt, %add3A_266, %select_n3A : i32
        %convert_element_type3A_268 = arith.extui %lt3A_267 : i1 to i32
        %cond3A_269 = arith.constant 0 : i32
        %cond3A_270 = arith.cmpi ne, %convert_element_type3A_268, %cond3A_269 : i32
        scf.if %cond3A_270 {
          %add3A_271 = arith.constant 16 : i32
          %add3A_272 = arith.addi %add3A_92, %add3A_271 : i32
          %add3A_273 = arith.addi %multiple_of3A, %add3A_272 : i32
          %multiple_of3A_274 = tpu.assume_multiple %add3A_273, 8 : i32
          %add3A_275 = arith.constant 1 : i32
          %add3A_276 = arith.addi %select_n3A_116, %add3A_275 : i32
          %rem3A_277 = arith.constant 2 : i32
          %rem3A_278 = arith.remsi %add3A_276, %rem3A_277 : i32
          %mul3A_279 = arith.constant 16 : i32
          %mul3A_280 = arith.muli %rem3A_278, %mul3A_279 : i32
          %multiple_of3A_281 = tpu.assume_multiple %mul3A_280, 8 : i32
          %dma_start3A = arith.constant 0 : i32
          %dma_start3A_282 = tpu.memref_slice %arg10[%multiple_of3A_281, %dma_start3A] : memref<32x64xi32, #tpu.memory_space<vmem>> -> memref<16x64xi32, #tpu.memory_space<vmem>>
          %dma_start3A_283 = arith.constant 0 : i32
          %dma_start3A_284 = tpu.memref_slice %arg3[%multiple_of3A_274, %dma_start3A_283] : memref<5120x64xi32, #tpu.memory_space<hbm>> -> memref<16x64xi32, #tpu.memory_space<hbm>>
          %dma_start3A_285 = arith.constant 0 : i32
          %dma_start3A_286 = tpu.memref_slice %arg10[%multiple_of3A_281, %dma_start3A_285] : memref<32x64xi32, #tpu.memory_space<vmem>> -> memref<16x64xi32, #tpu.memory_space<vmem>>
          %dma_start3A_287 = arith.constant 0 : i32
          %dma_start3A_288 = tpu.memref_slice %arg3[%multiple_of3A_274, %dma_start3A_287] : memref<5120x64xi32, #tpu.memory_space<hbm>> -> memref<16x64xi32, #tpu.memory_space<hbm>>
          tpu.enqueue_dma source(%dma_start3A_288 : memref<16x64xi32, #tpu.memory_space<hbm>>) target(%dma_start3A_286 : memref<16x64xi32, #tpu.memory_space<vmem>>) target_semaphore(%arg21 : memref<!tpu.dma_semaphore, #tpu.memory_space<semaphore_mem>>)
          %add3A_289 = arith.constant 16 : i32
          %add3A_290 = arith.addi %add3A_92, %add3A_289 : i32
          %add3A_291 = arith.addi %multiple_of3A, %add3A_290 : i32
          %multiple_of3A_292 = tpu.assume_multiple %add3A_291, 8 : i32
          %add3A_293 = arith.constant 1 : i32
          %add3A_294 = arith.addi %select_n3A_116, %add3A_293 : i32
          %rem3A_295 = arith.constant 2 : i32
          %rem3A_296 = arith.remsi %add3A_294, %rem3A_295 : i32
          %mul3A_297 = arith.constant 16 : i32
          %mul3A_298 = arith.muli %rem3A_296, %mul3A_297 : i32
          %multiple_of3A_299 = tpu.assume_multiple %mul3A_298, 8 : i32
          %dma_start3A_300 = arith.constant 0 : i32
          %dma_start3A_301 = tpu.memref_slice %arg11[%multiple_of3A_299, %dma_start3A_300] : memref<32x64xi32, #tpu.memory_space<vmem>> -> memref<16x64xi32, #tpu.memory_space<vmem>>
          %dma_start3A_302 = arith.constant 0 : i32
          %dma_start3A_303 = tpu.memref_slice %arg4[%multiple_of3A_292, %dma_start3A_302] : memref<5120x64xi32, #tpu.memory_space<hbm>> -> memref<16x64xi32, #tpu.memory_space<hbm>>
          %dma_start3A_304 = arith.constant 0 : i32
          %dma_start3A_305 = tpu.memref_slice %arg11[%multiple_of3A_299, %dma_start3A_304] : memref<32x64xi32, #tpu.memory_space<vmem>> -> memref<16x64xi32, #tpu.memory_space<vmem>>
          %dma_start3A_306 = arith.constant 0 : i32
          %dma_start3A_307 = tpu.memref_slice %arg4[%multiple_of3A_292, %dma_start3A_306] : memref<5120x64xi32, #tpu.memory_space<hbm>> -> memref<16x64xi32, #tpu.memory_space<hbm>>
          tpu.enqueue_dma source(%dma_start3A_307 : memref<16x64xi32, #tpu.memory_space<hbm>>) target(%dma_start3A_305 : memref<16x64xi32, #tpu.memory_space<vmem>>) target_semaphore(%arg22 : memref<!tpu.dma_semaphore, #tpu.memory_space<semaphore_mem>>)
        } else {
        }
      } else {
      }
      %dma_wait3A_127 = arith.constant 0 : i32
      %dma_wait3A_128 = arith.constant 0 : i32
      %dma_wait3A_129 = tpu.memref_slice %arg10[%dma_wait3A_127, %dma_wait3A_128] : memref<32x64xi32, #tpu.memory_space<vmem>> -> memref<1x64xi32, #tpu.memory_space<vmem>>
      %dma_wait3A_130 = tpu.memref_squeeze %dma_wait3A_129 : memref<1x64xi32, #tpu.memory_space<vmem>> -> memref<64xi32, #tpu.memory_space<vmem>>
      %dma_wait3A_131 = arith.constant 0 : i32
      %dma_wait3A_132 = arith.constant 0 : i32
      %dma_wait3A_133 = tpu.memref_slice %arg2[%dma_wait3A_131, %dma_wait3A_132] : memref<10240x128xf32, #tpu.memory_space<hbm>> -> memref<10240x128xf32, #tpu.memory_space<hbm>>
      tpu.wait_indirect_dma semaphore(%arg18 : memref<!tpu.dma_semaphore, #tpu.memory_space<semaphore_mem>>) src(%dma_wait3A_133 : memref<10240x128xf32, #tpu.memory_space<hbm>>) dst(%arg13 : memref<64x128xf32, #tpu.memory_space<vmem>>)
      %rem3A_134 = arith.constant 32 : i32
      %rem3A_135 = arith.remsi %add3A_92, %rem3A_134 : i32
      "tpu.region"() ({
        %run_scoped3A = tpu.sem_alloc : memref<!tpu.dma_semaphore, #tpu.memory_space<semaphore_mem>>
        %dma_start3A = arith.constant 0 : i32
        %dma_start3A_250 = tpu.memref_slice %arg11[%rem3A_135, %dma_start3A] : memref<32x64xi32, #tpu.memory_space<vmem>> -> memref<1x64xi32, #tpu.memory_space<vmem>>
        %dma_start3A_251 = tpu.memref_squeeze %dma_start3A_250 : memref<1x64xi32, #tpu.memory_space<vmem>> -> memref<64xi32, #tpu.memory_space<vmem>>
        %dma_start3A_252 = arith.constant 0 : i32
        %dma_start3A_253 = arith.constant 0 : i32
        %dma_start3A_254 = tpu.memref_slice %arg16[%dma_start3A_252, %dma_start3A_253] : memref<10240x128xf32, #tpu.memory_space<vmem_shared>> -> memref<10240x128xf32, #tpu.memory_space<vmem_shared>>
        tpu.enqueue_indirect_dma source(%arg13 : memref<64x128xf32, #tpu.memory_space<vmem>>) target(%dma_start3A_254 : memref<10240x128xf32, #tpu.memory_space<vmem_shared>>) offsets(%dma_start3A_251 : memref<64xi32, #tpu.memory_space<vmem>>) semaphore(%run_scoped3A : memref<!tpu.dma_semaphore, #tpu.memory_space<semaphore_mem>>) {add = true}
        %dma_wait3A_255 = arith.constant 0 : i32
        %dma_wait3A_256 = tpu.memref_slice %arg11[%rem3A_135, %dma_wait3A_255] : memref<32x64xi32, #tpu.memory_space<vmem>> -> memref<1x64xi32, #tpu.memory_space<vmem>>
        %dma_wait3A_257 = tpu.memref_squeeze %dma_wait3A_256 : memref<1x64xi32, #tpu.memory_space<vmem>> -> memref<64xi32, #tpu.memory_space<vmem>>
        %dma_wait3A_258 = arith.constant 0 : i32
        %dma_wait3A_259 = arith.constant 0 : i32
        %dma_wait3A_260 = tpu.memref_slice %arg16[%dma_wait3A_258, %dma_wait3A_259] : memref<10240x128xf32, #tpu.memory_space<vmem_shared>> -> memref<10240x128xf32, #tpu.memory_space<vmem_shared>>
        tpu.wait_indirect_dma semaphore(%run_scoped3A : memref<!tpu.dma_semaphore, #tpu.memory_space<semaphore_mem>>) src(%arg13 : memref<64x128xf32, #tpu.memory_space<vmem>>) dst(%dma_wait3A_260 : memref<10240x128xf32, #tpu.memory_space<vmem_shared>>)
        tpu.yield
      }) : () -> ()
      %rem3A_136 = arith.constant 32 : i32
      %rem3A_137 = arith.remsi %add3A_92, %rem3A_136 : i32
      "tpu.region"() ({
        %run_scoped3A = tpu.sem_alloc : memref<!tpu.dma_semaphore, #tpu.memory_space<semaphore_mem>>
        %dma_start3A = arith.constant 0 : i32
        %dma_start3A_250 = tpu.memref_slice %arg11[%rem3A_137, %dma_start3A] : memref<32x64xi32, #tpu.memory_space<vmem>> -> memref<1x64xi32, #tpu.memory_space<vmem>>
        %dma_start3A_251 = tpu.memref_squeeze %dma_start3A_250 : memref<1x64xi32, #tpu.memory_space<vmem>> -> memref<64xi32, #tpu.memory_space<vmem>>
        %dma_start3A_252 = arith.constant 0 : i32
        %dma_start3A_253 = tpu.memref_slice %arg24[%dma_start3A_252] : memref<10240xf32, #tpu.memory_space<vmem_shared>> -> memref<10240xf32, #tpu.memory_space<vmem_shared>>
        tpu.enqueue_indirect_dma source(%arg23 : memref<64xf32, #tpu.memory_space<vmem>>) target(%dma_start3A_253 : memref<10240xf32, #tpu.memory_space<vmem_shared>>) offsets(%dma_start3A_251 : memref<64xi32, #tpu.memory_space<vmem>>) semaphore(%run_scoped3A : memref<!tpu.dma_semaphore, #tpu.memory_space<semaphore_mem>>) {add = true}
        %dma_wait3A_254 = arith.constant 0 : i32
        %dma_wait3A_255 = tpu.memref_slice %arg11[%rem3A_137, %dma_wait3A_254] : memref<32x64xi32, #tpu.memory_space<vmem>> -> memref<1x64xi32, #tpu.memory_space<vmem>>
        %dma_wait3A_256 = tpu.memref_squeeze %dma_wait3A_255 : memref<1x64xi32, #tpu.memory_space<vmem>> -> memref<64xi32, #tpu.memory_space<vmem>>
        %dma_wait3A_257 = arith.constant 0 : i32
        %dma_wait3A_258 = tpu.memref_slice %arg24[%dma_wait3A_257] : memref<10240xf32, #tpu.memory_space<vmem_shared>> -> memref<10240xf32, #tpu.memory_space<vmem_shared>>
        tpu.wait_indirect_dma semaphore(%run_scoped3A : memref<!tpu.dma_semaphore, #tpu.memory_space<semaphore_mem>>) src(%arg23 : memref<64xf32, #tpu.memory_space<vmem>>) dst(%dma_wait3A_258 : memref<10240xf32, #tpu.memory_space<vmem_shared>>)
        tpu.yield
      }) : () -> ()
      %add3A_138 = arith.constant 4 : i32
      %add3A_139 = arith.addi %add3A_92, %add3A_138 : i32
      %lt3A_140 = arith.cmpi slt, %add3A_139, %select_n3A : i32
      %convert_element_type3A_141 = arith.extui %lt3A_140 : i1 to i32
      %cond3A_142 = arith.constant 0 : i32
      %cond3A_143 = arith.cmpi ne, %convert_element_type3A_141, %cond3A_142 : i32
      scf.if %cond3A_143 {
        %rem3A_250 = arith.constant 16 : i32
        %rem3A_251 = arith.remsi %add3A_139, %rem3A_250 : i32
        %eq3A_252 = arith.constant 0 : i32
        %eq3A_253 = arith.cmpi eq, %rem3A_251, %eq3A_252 : i32
        %convert_element_type3A_254 = arith.extui %eq3A_253 : i1 to i32
        %cond3A_255 = arith.constant 0 : i32
        %cond3A_256 = arith.cmpi ne, %convert_element_type3A_254, %cond3A_255 : i32
        scf.if %cond3A_256 {
          %add3A_264 = arith.addi %multiple_of3A, %add3A_139 : i32
          %multiple_of3A_265 = tpu.assume_multiple %add3A_264, 8 : i32
          %jit3A_266 = arith.constant 16 : i32
          %div3A_267 = arith.divsi %add3A_139, %jit3A_266 : i32
          %sign3A_268 = arith.constant 0 : i32
          %sign3A_269 = arith.cmpi sgt, %add3A_139, %sign3A_268 : i32
          %sign3A_270 = arith.extui %sign3A_269 : i1 to i32
          %sign3A_271 = arith.constant 0 : i32
          %sign3A_272 = arith.cmpi slt, %add3A_139, %sign3A_271 : i32
          %sign3A_273 = arith.extui %sign3A_272 : i1 to i32
          %sign3A_274 = arith.subi %sign3A_270, %sign3A_273 : i32
          %sign3A_275 = arith.constant 0 : i32
          %sign3A_276 = arith.cmpi sgt, %jit3A_266, %sign3A_275 : i32
          %sign3A_277 = arith.extui %sign3A_276 : i1 to i32
          %sign3A_278 = arith.constant 0 : i32
          %sign3A_279 = arith.cmpi slt, %jit3A_266, %sign3A_278 : i32
          %sign3A_280 = arith.extui %sign3A_279 : i1 to i32
          %sign3A_281 = arith.subi %sign3A_277, %sign3A_280 : i32
          %ne3A_282 = arith.cmpi ne, %sign3A_274, %sign3A_281 : i32
          %rem3A_283 = arith.remsi %add3A_139, %jit3A_266 : i32
          %ne3A_284 = arith.constant 0 : i32
          %ne3A_285 = arith.cmpi ne, %rem3A_283, %ne3A_284 : i32
          %and3A_286 = arith.andi %ne3A_282, %ne3A_285 : i1
          %sub3A_287 = arith.constant 1 : i32
          %sub3A_288 = arith.subi %div3A_267, %sub3A_287 : i32
          %select_n3A_289 = arith.select %and3A_286, %sub3A_288, %div3A_267 : i32
          %rem3A_290 = arith.constant 2 : i32
          %rem3A_291 = arith.remsi %select_n3A_289, %rem3A_290 : i32
          %mul3A_292 = arith.constant 16 : i32
          %mul3A_293 = arith.muli %rem3A_291, %mul3A_292 : i32
          %multiple_of3A_294 = tpu.assume_multiple %mul3A_293, 8 : i32
          %dma_wait3A_295 = arith.constant 0 : i32
          %dma_wait3A_296 = tpu.memref_slice %arg10[%multiple_of3A_294, %dma_wait3A_295] : memref<32x64xi32, #tpu.memory_space<vmem>> -> memref<16x64xi32, #tpu.memory_space<vmem>>
          %dma_wait3A_297 = arith.constant 0 : i32
          %dma_wait3A_298 = tpu.memref_slice %arg3[%multiple_of3A_265, %dma_wait3A_297] : memref<5120x64xi32, #tpu.memory_space<hbm>> -> memref<16x64xi32, #tpu.memory_space<hbm>>
          %dma_wait3A_299 = arith.constant 0 : i32
          %dma_wait3A_300 = tpu.memref_slice %arg10[%multiple_of3A_294, %dma_wait3A_299] : memref<32x64xi32, #tpu.memory_space<vmem>> -> memref<16x64xi32, #tpu.memory_space<vmem>>
          %dma_wait3A_301 = arith.constant 0 : i32
          %dma_wait3A_302 = tpu.memref_slice %arg3[%multiple_of3A_265, %dma_wait3A_301] : memref<5120x64xi32, #tpu.memory_space<hbm>> -> memref<16x64xi32, #tpu.memory_space<hbm>>
          tpu.wait_dma2 semaphore(%arg21 : memref<!tpu.dma_semaphore, #tpu.memory_space<semaphore_mem>>) src(%dma_wait3A_302 : memref<16x64xi32, #tpu.memory_space<hbm>>) dst(%dma_wait3A_300 : memref<16x64xi32, #tpu.memory_space<vmem>>)
        } else {
        }
        %rem3A_257 = arith.constant 32 : i32
        %rem3A_258 = arith.remsi %add3A_139, %rem3A_257 : i32
        %dma_start3A = arith.constant 0 : i32
        %dma_start3A_259 = tpu.memref_slice %arg10[%rem3A_258, %dma_start3A] : memref<32x64xi32, #tpu.memory_space<vmem>> -> memref<1x64xi32, #tpu.memory_space<vmem>>
        %dma_start3A_260 = tpu.memref_squeeze %dma_start3A_259 : memref<1x64xi32, #tpu.memory_space<vmem>> -> memref<64xi32, #tpu.memory_space<vmem>>
        %dma_start3A_261 = arith.constant 0 : i32
        %dma_start3A_262 = arith.constant 0 : i32
        %dma_start3A_263 = tpu.memref_slice %arg2[%dma_start3A_261, %dma_start3A_262] : memref<10240x128xf32, #tpu.memory_space<hbm>> -> memref<10240x128xf32, #tpu.memory_space<hbm>>
        tpu.enqueue_indirect_dma source(%dma_start3A_263 : memref<10240x128xf32, #tpu.memory_space<hbm>>) target(%arg13 : memref<64x128xf32, #tpu.memory_space<vmem>>) offsets(%dma_start3A_260 : memref<64xi32, #tpu.memory_space<vmem>>) semaphore(%arg18 : memref<!tpu.dma_semaphore, #tpu.memory_space<semaphore_mem>>)
      } else {
      }
      %add3A_144 = arith.constant 2 : i32
      %add3A_145 = arith.addi %add3A_43, %add3A_144 : i32
      %jit3A_146 = arith.constant 16 : i32
      %div3A_147 = arith.divsi %add3A_145, %jit3A_146 : i32
      %sign3A_148 = arith.constant 0 : i32
      %sign3A_149 = arith.cmpi sgt, %add3A_145, %sign3A_148 : i32
      %sign3A_150 = arith.extui %sign3A_149 : i1 to i32
      %sign3A_151 = arith.constant 0 : i32
      %sign3A_152 = arith.cmpi slt, %add3A_145, %sign3A_151 : i32
      %sign3A_153 = arith.extui %sign3A_152 : i1 to i32
      %sign3A_154 = arith.subi %sign3A_150, %sign3A_153 : i32
      %sign3A_155 = arith.constant 0 : i32
      %sign3A_156 = arith.cmpi sgt, %jit3A_146, %sign3A_155 : i32
      %sign3A_157 = arith.extui %sign3A_156 : i1 to i32
      %sign3A_158 = arith.constant 0 : i32
      %sign3A_159 = arith.cmpi slt, %jit3A_146, %sign3A_158 : i32
      %sign3A_160 = arith.extui %sign3A_159 : i1 to i32
      %sign3A_161 = arith.subi %sign3A_157, %sign3A_160 : i32
      %ne3A_162 = arith.cmpi ne, %sign3A_154, %sign3A_161 : i32
      %rem3A_163 = arith.remsi %add3A_145, %jit3A_146 : i32
      %ne3A_164 = arith.constant 0 : i32
      %ne3A_165 = arith.cmpi ne, %rem3A_163, %ne3A_164 : i32
      %and3A_166 = arith.andi %ne3A_162, %ne3A_165 : i1
      %sub3A_167 = arith.constant 1 : i32
      %sub3A_168 = arith.subi %div3A_147, %sub3A_167 : i32
      %select_n3A_169 = arith.select %and3A_166, %sub3A_168, %div3A_147 : i32
      %rem3A_170 = arith.constant 16 : i32
      %rem3A_171 = arith.remsi %add3A_145, %rem3A_170 : i32
      %eq3A_172 = arith.constant 0 : i32
      %eq3A_173 = arith.cmpi eq, %rem3A_171, %eq3A_172 : i32
      %gt3A_174 = arith.constant 0 : i32
      %gt3A_175 = arith.cmpi sgt, %add3A_145, %gt3A_174 : i32
      %and3A_176 = arith.andi %eq3A_173, %gt3A_175 : i1
      %convert_element_type3A_177 = arith.extui %and3A_176 : i1 to i32
      %cond3A_178 = arith.constant 0 : i32
      %cond3A_179 = arith.cmpi ne, %convert_element_type3A_177, %cond3A_178 : i32
      scf.if %cond3A_179 {
        %add3A_250 = arith.addi %multiple_of3A, %add3A_145 : i32
        %multiple_of3A_251 = tpu.assume_multiple %add3A_250, 8 : i32
        %rem3A_252 = arith.constant 2 : i32
        %rem3A_253 = arith.remsi %select_n3A_169, %rem3A_252 : i32
        %mul3A_254 = arith.constant 16 : i32
        %mul3A_255 = arith.muli %rem3A_253, %mul3A_254 : i32
        %multiple_of3A_256 = tpu.assume_multiple %mul3A_255, 8 : i32
        %dma_wait3A_257 = arith.constant 0 : i32
        %dma_wait3A_258 = tpu.memref_slice %arg11[%multiple_of3A_256, %dma_wait3A_257] : memref<32x64xi32, #tpu.memory_space<vmem>> -> memref<16x64xi32, #tpu.memory_space<vmem>>
        %dma_wait3A_259 = arith.constant 0 : i32
        %dma_wait3A_260 = tpu.memref_slice %arg4[%multiple_of3A_251, %dma_wait3A_259] : memref<5120x64xi32, #tpu.memory_space<hbm>> -> memref<16x64xi32, #tpu.memory_space<hbm>>
        %dma_wait3A_261 = arith.constant 0 : i32
        %dma_wait3A_262 = tpu.memref_slice %arg11[%multiple_of3A_256, %dma_wait3A_261] : memref<32x64xi32, #tpu.memory_space<vmem>> -> memref<16x64xi32, #tpu.memory_space<vmem>>
        %dma_wait3A_263 = arith.constant 0 : i32
        %dma_wait3A_264 = tpu.memref_slice %arg4[%multiple_of3A_251, %dma_wait3A_263] : memref<5120x64xi32, #tpu.memory_space<hbm>> -> memref<16x64xi32, #tpu.memory_space<hbm>>
        tpu.wait_dma2 semaphore(%arg22 : memref<!tpu.dma_semaphore, #tpu.memory_space<semaphore_mem>>) src(%dma_wait3A_264 : memref<16x64xi32, #tpu.memory_space<hbm>>) dst(%dma_wait3A_262 : memref<16x64xi32, #tpu.memory_space<vmem>>)
        %add3A_265 = arith.constant 16 : i32
        %add3A_266 = arith.addi %add3A_145, %add3A_265 : i32
        %lt3A_267 = arith.cmpi slt, %add3A_266, %select_n3A : i32
        %convert_element_type3A_268 = arith.extui %lt3A_267 : i1 to i32
        %cond3A_269 = arith.constant 0 : i32
        %cond3A_270 = arith.cmpi ne, %convert_element_type3A_268, %cond3A_269 : i32
        scf.if %cond3A_270 {
          %add3A_271 = arith.constant 16 : i32
          %add3A_272 = arith.addi %add3A_145, %add3A_271 : i32
          %add3A_273 = arith.addi %multiple_of3A, %add3A_272 : i32
          %multiple_of3A_274 = tpu.assume_multiple %add3A_273, 8 : i32
          %add3A_275 = arith.constant 1 : i32
          %add3A_276 = arith.addi %select_n3A_169, %add3A_275 : i32
          %rem3A_277 = arith.constant 2 : i32
          %rem3A_278 = arith.remsi %add3A_276, %rem3A_277 : i32
          %mul3A_279 = arith.constant 16 : i32
          %mul3A_280 = arith.muli %rem3A_278, %mul3A_279 : i32
          %multiple_of3A_281 = tpu.assume_multiple %mul3A_280, 8 : i32
          %dma_start3A = arith.constant 0 : i32
          %dma_start3A_282 = tpu.memref_slice %arg10[%multiple_of3A_281, %dma_start3A] : memref<32x64xi32, #tpu.memory_space<vmem>> -> memref<16x64xi32, #tpu.memory_space<vmem>>
          %dma_start3A_283 = arith.constant 0 : i32
          %dma_start3A_284 = tpu.memref_slice %arg3[%multiple_of3A_274, %dma_start3A_283] : memref<5120x64xi32, #tpu.memory_space<hbm>> -> memref<16x64xi32, #tpu.memory_space<hbm>>
          %dma_start3A_285 = arith.constant 0 : i32
          %dma_start3A_286 = tpu.memref_slice %arg10[%multiple_of3A_281, %dma_start3A_285] : memref<32x64xi32, #tpu.memory_space<vmem>> -> memref<16x64xi32, #tpu.memory_space<vmem>>
          %dma_start3A_287 = arith.constant 0 : i32
          %dma_start3A_288 = tpu.memref_slice %arg3[%multiple_of3A_274, %dma_start3A_287] : memref<5120x64xi32, #tpu.memory_space<hbm>> -> memref<16x64xi32, #tpu.memory_space<hbm>>
          tpu.enqueue_dma source(%dma_start3A_288 : memref<16x64xi32, #tpu.memory_space<hbm>>) target(%dma_start3A_286 : memref<16x64xi32, #tpu.memory_space<vmem>>) target_semaphore(%arg21 : memref<!tpu.dma_semaphore, #tpu.memory_space<semaphore_mem>>)
          %add3A_289 = arith.constant 16 : i32
          %add3A_290 = arith.addi %add3A_145, %add3A_289 : i32
          %add3A_291 = arith.addi %multiple_of3A, %add3A_290 : i32
          %multiple_of3A_292 = tpu.assume_multiple %add3A_291, 8 : i32
          %add3A_293 = arith.constant 1 : i32
          %add3A_294 = arith.addi %select_n3A_169, %add3A_293 : i32
          %rem3A_295 = arith.constant 2 : i32
          %rem3A_296 = arith.remsi %add3A_294, %rem3A_295 : i32
          %mul3A_297 = arith.constant 16 : i32
          %mul3A_298 = arith.muli %rem3A_296, %mul3A_297 : i32
          %multiple_of3A_299 = tpu.assume_multiple %mul3A_298, 8 : i32
          %dma_start3A_300 = arith.constant 0 : i32
          %dma_start3A_301 = tpu.memref_slice %arg11[%multiple_of3A_299, %dma_start3A_300] : memref<32x64xi32, #tpu.memory_space<vmem>> -> memref<16x64xi32, #tpu.memory_space<vmem>>
          %dma_start3A_302 = arith.constant 0 : i32
          %dma_start3A_303 = tpu.memref_slice %arg4[%multiple_of3A_292, %dma_start3A_302] : memref<5120x64xi32, #tpu.memory_space<hbm>> -> memref<16x64xi32, #tpu.memory_space<hbm>>
          %dma_start3A_304 = arith.constant 0 : i32
          %dma_start3A_305 = tpu.memref_slice %arg11[%multiple_of3A_299, %dma_start3A_304] : memref<32x64xi32, #tpu.memory_space<vmem>> -> memref<16x64xi32, #tpu.memory_space<vmem>>
          %dma_start3A_306 = arith.constant 0 : i32
          %dma_start3A_307 = tpu.memref_slice %arg4[%multiple_of3A_292, %dma_start3A_306] : memref<5120x64xi32, #tpu.memory_space<hbm>> -> memref<16x64xi32, #tpu.memory_space<hbm>>
          tpu.enqueue_dma source(%dma_start3A_307 : memref<16x64xi32, #tpu.memory_space<hbm>>) target(%dma_start3A_305 : memref<16x64xi32, #tpu.memory_space<vmem>>) target_semaphore(%arg22 : memref<!tpu.dma_semaphore, #tpu.memory_space<semaphore_mem>>)
        } else {
        }
      } else {
      }
      %dma_wait3A_180 = arith.constant 0 : i32
      %dma_wait3A_181 = arith.constant 0 : i32
      %dma_wait3A_182 = tpu.memref_slice %arg10[%dma_wait3A_180, %dma_wait3A_181] : memref<32x64xi32, #tpu.memory_space<vmem>> -> memref<1x64xi32, #tpu.memory_space<vmem>>
      %dma_wait3A_183 = tpu.memref_squeeze %dma_wait3A_182 : memref<1x64xi32, #tpu.memory_space<vmem>> -> memref<64xi32, #tpu.memory_space<vmem>>
      %dma_wait3A_184 = arith.constant 0 : i32
      %dma_wait3A_185 = arith.constant 0 : i32
      %dma_wait3A_186 = tpu.memref_slice %arg2[%dma_wait3A_184, %dma_wait3A_185] : memref<10240x128xf32, #tpu.memory_space<hbm>> -> memref<10240x128xf32, #tpu.memory_space<hbm>>
      tpu.wait_indirect_dma semaphore(%arg19 : memref<!tpu.dma_semaphore, #tpu.memory_space<semaphore_mem>>) src(%dma_wait3A_186 : memref<10240x128xf32, #tpu.memory_space<hbm>>) dst(%arg14 : memref<64x128xf32, #tpu.memory_space<vmem>>)
      %rem3A_187 = arith.constant 32 : i32
      %rem3A_188 = arith.remsi %add3A_145, %rem3A_187 : i32
      "tpu.region"() ({
        %run_scoped3A = tpu.sem_alloc : memref<!tpu.dma_semaphore, #tpu.memory_space<semaphore_mem>>
        %dma_start3A = arith.constant 0 : i32
        %dma_start3A_250 = tpu.memref_slice %arg11[%rem3A_188, %dma_start3A] : memref<32x64xi32, #tpu.memory_space<vmem>> -> memref<1x64xi32, #tpu.memory_space<vmem>>
        %dma_start3A_251 = tpu.memref_squeeze %dma_start3A_250 : memref<1x64xi32, #tpu.memory_space<vmem>> -> memref<64xi32, #tpu.memory_space<vmem>>
        %dma_start3A_252 = arith.constant 0 : i32
        %dma_start3A_253 = arith.constant 0 : i32
        %dma_start3A_254 = tpu.memref_slice %arg16[%dma_start3A_252, %dma_start3A_253] : memref<10240x128xf32, #tpu.memory_space<vmem_shared>> -> memref<10240x128xf32, #tpu.memory_space<vmem_shared>>
        tpu.enqueue_indirect_dma source(%arg14 : memref<64x128xf32, #tpu.memory_space<vmem>>) target(%dma_start3A_254 : memref<10240x128xf32, #tpu.memory_space<vmem_shared>>) offsets(%dma_start3A_251 : memref<64xi32, #tpu.memory_space<vmem>>) semaphore(%run_scoped3A : memref<!tpu.dma_semaphore, #tpu.memory_space<semaphore_mem>>) {add = true}
        %dma_wait3A_255 = arith.constant 0 : i32
        %dma_wait3A_256 = tpu.memref_slice %arg11[%rem3A_188, %dma_wait3A_255] : memref<32x64xi32, #tpu.memory_space<vmem>> -> memref<1x64xi32, #tpu.memory_space<vmem>>
        %dma_wait3A_257 = tpu.memref_squeeze %dma_wait3A_256 : memref<1x64xi32, #tpu.memory_space<vmem>> -> memref<64xi32, #tpu.memory_space<vmem>>
        %dma_wait3A_258 = arith.constant 0 : i32
        %dma_wait3A_259 = arith.constant 0 : i32
        %dma_wait3A_260 = tpu.memref_slice %arg16[%dma_wait3A_258, %dma_wait3A_259] : memref<10240x128xf32, #tpu.memory_space<vmem_shared>> -> memref<10240x128xf32, #tpu.memory_space<vmem_shared>>
        tpu.wait_indirect_dma semaphore(%run_scoped3A : memref<!tpu.dma_semaphore, #tpu.memory_space<semaphore_mem>>) src(%arg14 : memref<64x128xf32, #tpu.memory_space<vmem>>) dst(%dma_wait3A_260 : memref<10240x128xf32, #tpu.memory_space<vmem_shared>>)
        tpu.yield
      }) : () -> ()
      %rem3A_189 = arith.constant 32 : i32
      %rem3A_190 = arith.remsi %add3A_145, %rem3A_189 : i32
      "tpu.region"() ({
        %run_scoped3A = tpu.sem_alloc : memref<!tpu.dma_semaphore, #tpu.memory_space<semaphore_mem>>
        %dma_start3A = arith.constant 0 : i32
        %dma_start3A_250 = tpu.memref_slice %arg11[%rem3A_190, %dma_start3A] : memref<32x64xi32, #tpu.memory_space<vmem>> -> memref<1x64xi32, #tpu.memory_space<vmem>>
        %dma_start3A_251 = tpu.memref_squeeze %dma_start3A_250 : memref<1x64xi32, #tpu.memory_space<vmem>> -> memref<64xi32, #tpu.memory_space<vmem>>
        %dma_start3A_252 = arith.constant 0 : i32
        %dma_start3A_253 = tpu.memref_slice %arg24[%dma_start3A_252] : memref<10240xf32, #tpu.memory_space<vmem_shared>> -> memref<10240xf32, #tpu.memory_space<vmem_shared>>
        tpu.enqueue_indirect_dma source(%arg23 : memref<64xf32, #tpu.memory_space<vmem>>) target(%dma_start3A_253 : memref<10240xf32, #tpu.memory_space<vmem_shared>>) offsets(%dma_start3A_251 : memref<64xi32, #tpu.memory_space<vmem>>) semaphore(%run_scoped3A : memref<!tpu.dma_semaphore, #tpu.memory_space<semaphore_mem>>) {add = true}
        %dma_wait3A_254 = arith.constant 0 : i32
        %dma_wait3A_255 = tpu.memref_slice %arg11[%rem3A_190, %dma_wait3A_254] : memref<32x64xi32, #tpu.memory_space<vmem>> -> memref<1x64xi32, #tpu.memory_space<vmem>>
        %dma_wait3A_256 = tpu.memref_squeeze %dma_wait3A_255 : memref<1x64xi32, #tpu.memory_space<vmem>> -> memref<64xi32, #tpu.memory_space<vmem>>
        %dma_wait3A_257 = arith.constant 0 : i32
        %dma_wait3A_258 = tpu.memref_slice %arg24[%dma_wait3A_257] : memref<10240xf32, #tpu.memory_space<vmem_shared>> -> memref<10240xf32, #tpu.memory_space<vmem_shared>>
        tpu.wait_indirect_dma semaphore(%run_scoped3A : memref<!tpu.dma_semaphore, #tpu.memory_space<semaphore_mem>>) src(%arg23 : memref<64xf32, #tpu.memory_space<vmem>>) dst(%dma_wait3A_258 : memref<10240xf32, #tpu.memory_space<vmem_shared>>)
        tpu.yield
      }) : () -> ()
      %add3A_191 = arith.constant 4 : i32
      %add3A_192 = arith.addi %add3A_145, %add3A_191 : i32
      %lt3A_193 = arith.cmpi slt, %add3A_192, %select_n3A : i32
      %convert_element_type3A_194 = arith.extui %lt3A_193 : i1 to i32
      %cond3A_195 = arith.constant 0 : i32
      %cond3A_196 = arith.cmpi ne, %convert_element_type3A_194, %cond3A_195 : i32
      scf.if %cond3A_196 {
        %rem3A_250 = arith.constant 16 : i32
        %rem3A_251 = arith.remsi %add3A_192, %rem3A_250 : i32
        %eq3A_252 = arith.constant 0 : i32
        %eq3A_253 = arith.cmpi eq, %rem3A_251, %eq3A_252 : i32
        %convert_element_type3A_254 = arith.extui %eq3A_253 : i1 to i32
        %cond3A_255 = arith.constant 0 : i32
        %cond3A_256 = arith.cmpi ne, %convert_element_type3A_254, %cond3A_255 : i32
        scf.if %cond3A_256 {
          %add3A_264 = arith.addi %multiple_of3A, %add3A_192 : i32
          %multiple_of3A_265 = tpu.assume_multiple %add3A_264, 8 : i32
          %jit3A_266 = arith.constant 16 : i32
          %div3A_267 = arith.divsi %add3A_192, %jit3A_266 : i32
          %sign3A_268 = arith.constant 0 : i32
          %sign3A_269 = arith.cmpi sgt, %add3A_192, %sign3A_268 : i32
          %sign3A_270 = arith.extui %sign3A_269 : i1 to i32
          %sign3A_271 = arith.constant 0 : i32
          %sign3A_272 = arith.cmpi slt, %add3A_192, %sign3A_271 : i32
          %sign3A_273 = arith.extui %sign3A_272 : i1 to i32
          %sign3A_274 = arith.subi %sign3A_270, %sign3A_273 : i32
          %sign3A_275 = arith.constant 0 : i32
          %sign3A_276 = arith.cmpi sgt, %jit3A_266, %sign3A_275 : i32
          %sign3A_277 = arith.extui %sign3A_276 : i1 to i32
          %sign3A_278 = arith.constant 0 : i32
          %sign3A_279 = arith.cmpi slt, %jit3A_266, %sign3A_278 : i32
          %sign3A_280 = arith.extui %sign3A_279 : i1 to i32
          %sign3A_281 = arith.subi %sign3A_277, %sign3A_280 : i32
          %ne3A_282 = arith.cmpi ne, %sign3A_274, %sign3A_281 : i32
          %rem3A_283 = arith.remsi %add3A_192, %jit3A_266 : i32
          %ne3A_284 = arith.constant 0 : i32
          %ne3A_285 = arith.cmpi ne, %rem3A_283, %ne3A_284 : i32
          %and3A_286 = arith.andi %ne3A_282, %ne3A_285 : i1
          %sub3A_287 = arith.constant 1 : i32
          %sub3A_288 = arith.subi %div3A_267, %sub3A_287 : i32
          %select_n3A_289 = arith.select %and3A_286, %sub3A_288, %div3A_267 : i32
          %rem3A_290 = arith.constant 2 : i32
          %rem3A_291 = arith.remsi %select_n3A_289, %rem3A_290 : i32
          %mul3A_292 = arith.constant 16 : i32
          %mul3A_293 = arith.muli %rem3A_291, %mul3A_292 : i32
          %multiple_of3A_294 = tpu.assume_multiple %mul3A_293, 8 : i32
          %dma_wait3A_295 = arith.constant 0 : i32
          %dma_wait3A_296 = tpu.memref_slice %arg10[%multiple_of3A_294, %dma_wait3A_295] : memref<32x64xi32, #tpu.memory_space<vmem>> -> memref<16x64xi32, #tpu.memory_space<vmem>>
          %dma_wait3A_297 = arith.constant 0 : i32
          %dma_wait3A_298 = tpu.memref_slice %arg3[%multiple_of3A_265, %dma_wait3A_297] : memref<5120x64xi32, #tpu.memory_space<hbm>> -> memref<16x64xi32, #tpu.memory_space<hbm>>
          %dma_wait3A_299 = arith.constant 0 : i32
          %dma_wait3A_300 = tpu.memref_slice %arg10[%multiple_of3A_294, %dma_wait3A_299] : memref<32x64xi32, #tpu.memory_space<vmem>> -> memref<16x64xi32, #tpu.memory_space<vmem>>
          %dma_wait3A_301 = arith.constant 0 : i32
          %dma_wait3A_302 = tpu.memref_slice %arg3[%multiple_of3A_265, %dma_wait3A_301] : memref<5120x64xi32, #tpu.memory_space<hbm>> -> memref<16x64xi32, #tpu.memory_space<hbm>>
          tpu.wait_dma2 semaphore(%arg21 : memref<!tpu.dma_semaphore, #tpu.memory_space<semaphore_mem>>) src(%dma_wait3A_302 : memref<16x64xi32, #tpu.memory_space<hbm>>) dst(%dma_wait3A_300 : memref<16x64xi32, #tpu.memory_space<vmem>>)
        } else {
        }
        %rem3A_257 = arith.constant 32 : i32
        %rem3A_258 = arith.remsi %add3A_192, %rem3A_257 : i32
        %dma_start3A = arith.constant 0 : i32
        %dma_start3A_259 = tpu.memref_slice %arg10[%rem3A_258, %dma_start3A] : memref<32x64xi32, #tpu.memory_space<vmem>> -> memref<1x64xi32, #tpu.memory_space<vmem>>
        %dma_start3A_260 = tpu.memref_squeeze %dma_start3A_259 : memref<1x64xi32, #tpu.memory_space<vmem>> -> memref<64xi32, #tpu.memory_space<vmem>>
        %dma_start3A_261 = arith.constant 0 : i32
        %dma_start3A_262 = arith.constant 0 : i32
        %dma_start3A_263 = tpu.memref_slice %arg2[%dma_start3A_261, %dma_start3A_262] : memref<10240x128xf32, #tpu.memory_space<hbm>> -> memref<10240x128xf32, #tpu.memory_space<hbm>>
        tpu.enqueue_indirect_dma source(%dma_start3A_263 : memref<10240x128xf32, #tpu.memory_space<hbm>>) target(%arg14 : memref<64x128xf32, #tpu.memory_space<vmem>>) offsets(%dma_start3A_260 : memref<64xi32, #tpu.memory_space<vmem>>) semaphore(%arg19 : memref<!tpu.dma_semaphore, #tpu.memory_space<semaphore_mem>>)
      } else {
      }
      %add3A_197 = arith.constant 3 : i32
      %add3A_198 = arith.addi %add3A_43, %add3A_197 : i32
      %jit3A_199 = arith.constant 16 : i32
      %div3A_200 = arith.divsi %add3A_198, %jit3A_199 : i32
      %sign3A_201 = arith.constant 0 : i32
      %sign3A_202 = arith.cmpi sgt, %add3A_198, %sign3A_201 : i32
      %sign3A_203 = arith.extui %sign3A_202 : i1 to i32
      %sign3A_204 = arith.constant 0 : i32
      %sign3A_205 = arith.cmpi slt, %add3A_198, %sign3A_204 : i32
      %sign3A_206 = arith.extui %sign3A_205 : i1 to i32
      %sign3A_207 = arith.subi %sign3A_203, %sign3A_206 : i32
      %sign3A_208 = arith.constant 0 : i32
      %sign3A_209 = arith.cmpi sgt, %jit3A_199, %sign3A_208 : i32
      %sign3A_210 = arith.extui %sign3A_209 : i1 to i32
      %sign3A_211 = arith.constant 0 : i32
      %sign3A_212 = arith.cmpi slt, %jit3A_199, %sign3A_211 : i32
      %sign3A_213 = arith.extui %sign3A_212 : i1 to i32
      %sign3A_214 = arith.subi %sign3A_210, %sign3A_213 : i32
      %ne3A_215 = arith.cmpi ne, %sign3A_207, %sign3A_214 : i32
      %rem3A_216 = arith.remsi %add3A_198, %jit3A_199 : i32
      %ne3A_217 = arith.constant 0 : i32
      %ne3A_218 = arith.cmpi ne, %rem3A_216, %ne3A_217 : i32
      %and3A_219 = arith.andi %ne3A_215, %ne3A_218 : i1
      %sub3A_220 = arith.constant 1 : i32
      %sub3A_221 = arith.subi %div3A_200, %sub3A_220 : i32
      %select_n3A_222 = arith.select %and3A_219, %sub3A_221, %div3A_200 : i32
      %rem3A_223 = arith.constant 16 : i32
      %rem3A_224 = arith.remsi %add3A_198, %rem3A_223 : i32
      %eq3A_225 = arith.constant 0 : i32
      %eq3A_226 = arith.cmpi eq, %rem3A_224, %eq3A_225 : i32
      %gt3A_227 = arith.constant 0 : i32
      %gt3A_228 = arith.cmpi sgt, %add3A_198, %gt3A_227 : i32
      %and3A_229 = arith.andi %eq3A_226, %gt3A_228 : i1
      %convert_element_type3A_230 = arith.extui %and3A_229 : i1 to i32
      %cond3A_231 = arith.constant 0 : i32
      %cond3A_232 = arith.cmpi ne, %convert_element_type3A_230, %cond3A_231 : i32
      scf.if %cond3A_232 {
        %add3A_250 = arith.addi %multiple_of3A, %add3A_198 : i32
        %multiple_of3A_251 = tpu.assume_multiple %add3A_250, 8 : i32
        %rem3A_252 = arith.constant 2 : i32
        %rem3A_253 = arith.remsi %select_n3A_222, %rem3A_252 : i32
        %mul3A_254 = arith.constant 16 : i32
        %mul3A_255 = arith.muli %rem3A_253, %mul3A_254 : i32
        %multiple_of3A_256 = tpu.assume_multiple %mul3A_255, 8 : i32
        %dma_wait3A_257 = arith.constant 0 : i32
        %dma_wait3A_258 = tpu.memref_slice %arg11[%multiple_of3A_256, %dma_wait3A_257] : memref<32x64xi32, #tpu.memory_space<vmem>> -> memref<16x64xi32, #tpu.memory_space<vmem>>
        %dma_wait3A_259 = arith.constant 0 : i32
        %dma_wait3A_260 = tpu.memref_slice %arg4[%multiple_of3A_251, %dma_wait3A_259] : memref<5120x64xi32, #tpu.memory_space<hbm>> -> memref<16x64xi32, #tpu.memory_space<hbm>>
        %dma_wait3A_261 = arith.constant 0 : i32
        %dma_wait3A_262 = tpu.memref_slice %arg11[%multiple_of3A_256, %dma_wait3A_261] : memref<32x64xi32, #tpu.memory_space<vmem>> -> memref<16x64xi32, #tpu.memory_space<vmem>>
        %dma_wait3A_263 = arith.constant 0 : i32
        %dma_wait3A_264 = tpu.memref_slice %arg4[%multiple_of3A_251, %dma_wait3A_263] : memref<5120x64xi32, #tpu.memory_space<hbm>> -> memref<16x64xi32, #tpu.memory_space<hbm>>
        tpu.wait_dma2 semaphore(%arg22 : memref<!tpu.dma_semaphore, #tpu.memory_space<semaphore_mem>>) src(%dma_wait3A_264 : memref<16x64xi32, #tpu.memory_space<hbm>>) dst(%dma_wait3A_262 : memref<16x64xi32, #tpu.memory_space<vmem>>)
        %add3A_265 = arith.constant 16 : i32
        %add3A_266 = arith.addi %add3A_198, %add3A_265 : i32
        %lt3A_267 = arith.cmpi slt, %add3A_266, %select_n3A : i32
        %convert_element_type3A_268 = arith.extui %lt3A_267 : i1 to i32
        %cond3A_269 = arith.constant 0 : i32
        %cond3A_270 = arith.cmpi ne, %convert_element_type3A_268, %cond3A_269 : i32
        scf.if %cond3A_270 {
          %add3A_271 = arith.constant 16 : i32
          %add3A_272 = arith.addi %add3A_198, %add3A_271 : i32
          %add3A_273 = arith.addi %multiple_of3A, %add3A_272 : i32
          %multiple_of3A_274 = tpu.assume_multiple %add3A_273, 8 : i32
          %add3A_275 = arith.constant 1 : i32
          %add3A_276 = arith.addi %select_n3A_222, %add3A_275 : i32
          %rem3A_277 = arith.constant 2 : i32
          %rem3A_278 = arith.remsi %add3A_276, %rem3A_277 : i32
          %mul3A_279 = arith.constant 16 : i32
          %mul3A_280 = arith.muli %rem3A_278, %mul3A_279 : i32
          %multiple_of3A_281 = tpu.assume_multiple %mul3A_280, 8 : i32
          %dma_start3A = arith.constant 0 : i32
          %dma_start3A_282 = tpu.memref_slice %arg10[%multiple_of3A_281, %dma_start3A] : memref<32x64xi32, #tpu.memory_space<vmem>> -> memref<16x64xi32, #tpu.memory_space<vmem>>
          %dma_start3A_283 = arith.constant 0 : i32
          %dma_start3A_284 = tpu.memref_slice %arg3[%multiple_of3A_274, %dma_start3A_283] : memref<5120x64xi32, #tpu.memory_space<hbm>> -> memref<16x64xi32, #tpu.memory_space<hbm>>
          %dma_start3A_285 = arith.constant 0 : i32
          %dma_start3A_286 = tpu.memref_slice %arg10[%multiple_of3A_281, %dma_start3A_285] : memref<32x64xi32, #tpu.memory_space<vmem>> -> memref<16x64xi32, #tpu.memory_space<vmem>>
          %dma_start3A_287 = arith.constant 0 : i32
          %dma_start3A_288 = tpu.memref_slice %arg3[%multiple_of3A_274, %dma_start3A_287] : memref<5120x64xi32, #tpu.memory_space<hbm>> -> memref<16x64xi32, #tpu.memory_space<hbm>>
          tpu.enqueue_dma source(%dma_start3A_288 : memref<16x64xi32, #tpu.memory_space<hbm>>) target(%dma_start3A_286 : memref<16x64xi32, #tpu.memory_space<vmem>>) target_semaphore(%arg21 : memref<!tpu.dma_semaphore, #tpu.memory_space<semaphore_mem>>)
          %add3A_289 = arith.constant 16 : i32
          %add3A_290 = arith.addi %add3A_198, %add3A_289 : i32
          %add3A_291 = arith.addi %multiple_of3A, %add3A_290 : i32
          %multiple_of3A_292 = tpu.assume_multiple %add3A_291, 8 : i32
          %add3A_293 = arith.constant 1 : i32
          %add3A_294 = arith.addi %select_n3A_222, %add3A_293 : i32
          %rem3A_295 = arith.constant 2 : i32
          %rem3A_296 = arith.remsi %add3A_294, %rem3A_295 : i32
          %mul3A_297 = arith.constant 16 : i32
          %mul3A_298 = arith.muli %rem3A_296, %mul3A_297 : i32
          %multiple_of3A_299 = tpu.assume_multiple %mul3A_298, 8 : i32
          %dma_start3A_300 = arith.constant 0 : i32
          %dma_start3A_301 = tpu.memref_slice %arg11[%multiple_of3A_299, %dma_start3A_300] : memref<32x64xi32, #tpu.memory_space<vmem>> -> memref<16x64xi32, #tpu.memory_space<vmem>>
          %dma_start3A_302 = arith.constant 0 : i32
          %dma_start3A_303 = tpu.memref_slice %arg4[%multiple_of3A_292, %dma_start3A_302] : memref<5120x64xi32, #tpu.memory_space<hbm>> -> memref<16x64xi32, #tpu.memory_space<hbm>>
          %dma_start3A_304 = arith.constant 0 : i32
          %dma_start3A_305 = tpu.memref_slice %arg11[%multiple_of3A_299, %dma_start3A_304] : memref<32x64xi32, #tpu.memory_space<vmem>> -> memref<16x64xi32, #tpu.memory_space<vmem>>
          %dma_start3A_306 = arith.constant 0 : i32
          %dma_start3A_307 = tpu.memref_slice %arg4[%multiple_of3A_292, %dma_start3A_306] : memref<5120x64xi32, #tpu.memory_space<hbm>> -> memref<16x64xi32, #tpu.memory_space<hbm>>
          tpu.enqueue_dma source(%dma_start3A_307 : memref<16x64xi32, #tpu.memory_space<hbm>>) target(%dma_start3A_305 : memref<16x64xi32, #tpu.memory_space<vmem>>) target_semaphore(%arg22 : memref<!tpu.dma_semaphore, #tpu.memory_space<semaphore_mem>>)
        } else {
        }
      } else {
      }
      %dma_wait3A_233 = arith.constant 0 : i32
      %dma_wait3A_234 = arith.constant 0 : i32
      %dma_wait3A_235 = tpu.memref_slice %arg10[%dma_wait3A_233, %dma_wait3A_234] : memref<32x64xi32, #tpu.memory_space<vmem>> -> memref<1x64xi32, #tpu.memory_space<vmem>>
      %dma_wait3A_236 = tpu.memref_squeeze %dma_wait3A_235 : memref<1x64xi32, #tpu.memory_space<vmem>> -> memref<64xi32, #tpu.memory_space<vmem>>
      %dma_wait3A_237 = arith.constant 0 : i32
      %dma_wait3A_238 = arith.constant 0 : i32
      %dma_wait3A_239 = tpu.memref_slice %arg2[%dma_wait3A_237, %dma_wait3A_238] : memref<10240x128xf32, #tpu.memory_space<hbm>> -> memref<10240x128xf32, #tpu.memory_space<hbm>>
      tpu.wait_indirect_dma semaphore(%arg20 : memref<!tpu.dma_semaphore, #tpu.memory_space<semaphore_mem>>) src(%dma_wait3A_239 : memref<10240x128xf32, #tpu.memory_space<hbm>>) dst(%arg15 : memref<64x128xf32, #tpu.memory_space<vmem>>)
      %rem3A_240 = arith.constant 32 : i32
      %rem3A_241 = arith.remsi %add3A_198, %rem3A_240 : i32
      "tpu.region"() ({
        %run_scoped3A = tpu.sem_alloc : memref<!tpu.dma_semaphore, #tpu.memory_space<semaphore_mem>>
        %dma_start3A = arith.constant 0 : i32
        %dma_start3A_250 = tpu.memref_slice %arg11[%rem3A_241, %dma_start3A] : memref<32x64xi32, #tpu.memory_space<vmem>> -> memref<1x64xi32, #tpu.memory_space<vmem>>
        %dma_start3A_251 = tpu.memref_squeeze %dma_start3A_250 : memref<1x64xi32, #tpu.memory_space<vmem>> -> memref<64xi32, #tpu.memory_space<vmem>>
        %dma_start3A_252 = arith.constant 0 : i32
        %dma_start3A_253 = arith.constant 0 : i32
        %dma_start3A_254 = tpu.memref_slice %arg16[%dma_start3A_252, %dma_start3A_253] : memref<10240x128xf32, #tpu.memory_space<vmem_shared>> -> memref<10240x128xf32, #tpu.memory_space<vmem_shared>>
        tpu.enqueue_indirect_dma source(%arg15 : memref<64x128xf32, #tpu.memory_space<vmem>>) target(%dma_start3A_254 : memref<10240x128xf32, #tpu.memory_space<vmem_shared>>) offsets(%dma_start3A_251 : memref<64xi32, #tpu.memory_space<vmem>>) semaphore(%run_scoped3A : memref<!tpu.dma_semaphore, #tpu.memory_space<semaphore_mem>>) {add = true}
        %dma_wait3A_255 = arith.constant 0 : i32
        %dma_wait3A_256 = tpu.memref_slice %arg11[%rem3A_241, %dma_wait3A_255] : memref<32x64xi32, #tpu.memory_space<vmem>> -> memref<1x64xi32, #tpu.memory_space<vmem>>
        %dma_wait3A_257 = tpu.memref_squeeze %dma_wait3A_256 : memref<1x64xi32, #tpu.memory_space<vmem>> -> memref<64xi32, #tpu.memory_space<vmem>>
        %dma_wait3A_258 = arith.constant 0 : i32
        %dma_wait3A_259 = arith.constant 0 : i32
        %dma_wait3A_260 = tpu.memref_slice %arg16[%dma_wait3A_258, %dma_wait3A_259] : memref<10240x128xf32, #tpu.memory_space<vmem_shared>> -> memref<10240x128xf32, #tpu.memory_space<vmem_shared>>
        tpu.wait_indirect_dma semaphore(%run_scoped3A : memref<!tpu.dma_semaphore, #tpu.memory_space<semaphore_mem>>) src(%arg15 : memref<64x128xf32, #tpu.memory_space<vmem>>) dst(%dma_wait3A_260 : memref<10240x128xf32, #tpu.memory_space<vmem_shared>>)
        tpu.yield
      }) : () -> ()
      %rem3A_242 = arith.constant 32 : i32
      %rem3A_243 = arith.remsi %add3A_198, %rem3A_242 : i32
      "tpu.region"() ({
        %run_scoped3A = tpu.sem_alloc : memref<!tpu.dma_semaphore, #tpu.memory_space<semaphore_mem>>
        %dma_start3A = arith.constant 0 : i32
        %dma_start3A_250 = tpu.memref_slice %arg11[%rem3A_243, %dma_start3A] : memref<32x64xi32, #tpu.memory_space<vmem>> -> memref<1x64xi32, #tpu.memory_space<vmem>>
        %dma_start3A_251 = tpu.memref_squeeze %dma_start3A_250 : memref<1x64xi32, #tpu.memory_space<vmem>> -> memref<64xi32, #tpu.memory_space<vmem>>
        %dma_start3A_252 = arith.constant 0 : i32
        %dma_start3A_253 = tpu.memref_slice %arg24[%dma_start3A_252] : memref<10240xf32, #tpu.memory_space<vmem_shared>> -> memref<10240xf32, #tpu.memory_space<vmem_shared>>
        tpu.enqueue_indirect_dma source(%arg23 : memref<64xf32, #tpu.memory_space<vmem>>) target(%dma_start3A_253 : memref<10240xf32, #tpu.memory_space<vmem_shared>>) offsets(%dma_start3A_251 : memref<64xi32, #tpu.memory_space<vmem>>) semaphore(%run_scoped3A : memref<!tpu.dma_semaphore, #tpu.memory_space<semaphore_mem>>) {add = true}
        %dma_wait3A_254 = arith.constant 0 : i32
        %dma_wait3A_255 = tpu.memref_slice %arg11[%rem3A_243, %dma_wait3A_254] : memref<32x64xi32, #tpu.memory_space<vmem>> -> memref<1x64xi32, #tpu.memory_space<vmem>>
        %dma_wait3A_256 = tpu.memref_squeeze %dma_wait3A_255 : memref<1x64xi32, #tpu.memory_space<vmem>> -> memref<64xi32, #tpu.memory_space<vmem>>
        %dma_wait3A_257 = arith.constant 0 : i32
        %dma_wait3A_258 = tpu.memref_slice %arg24[%dma_wait3A_257] : memref<10240xf32, #tpu.memory_space<vmem_shared>> -> memref<10240xf32, #tpu.memory_space<vmem_shared>>
        tpu.wait_indirect_dma semaphore(%run_scoped3A : memref<!tpu.dma_semaphore, #tpu.memory_space<semaphore_mem>>) src(%arg23 : memref<64xf32, #tpu.memory_space<vmem>>) dst(%dma_wait3A_258 : memref<10240xf32, #tpu.memory_space<vmem_shared>>)
        tpu.yield
      }) : () -> ()
      %add3A_244 = arith.constant 4 : i32
      %add3A_245 = arith.addi %add3A_198, %add3A_244 : i32
      %lt3A_246 = arith.cmpi slt, %add3A_245, %select_n3A : i32
      %convert_element_type3A_247 = arith.extui %lt3A_246 : i1 to i32
      %cond3A_248 = arith.constant 0 : i32
      %cond3A_249 = arith.cmpi ne, %convert_element_type3A_247, %cond3A_248 : i32
      scf.if %cond3A_249 {
        %rem3A_250 = arith.constant 16 : i32
        %rem3A_251 = arith.remsi %add3A_245, %rem3A_250 : i32
        %eq3A_252 = arith.constant 0 : i32
        %eq3A_253 = arith.cmpi eq, %rem3A_251, %eq3A_252 : i32
        %convert_element_type3A_254 = arith.extui %eq3A_253 : i1 to i32
        %cond3A_255 = arith.constant 0 : i32
        %cond3A_256 = arith.cmpi ne, %convert_element_type3A_254, %cond3A_255 : i32
        scf.if %cond3A_256 {
          %add3A_264 = arith.addi %multiple_of3A, %add3A_245 : i32
          %multiple_of3A_265 = tpu.assume_multiple %add3A_264, 8 : i32
          %jit3A_266 = arith.constant 16 : i32
          %div3A_267 = arith.divsi %add3A_245, %jit3A_266 : i32
          %sign3A_268 = arith.constant 0 : i32
          %sign3A_269 = arith.cmpi sgt, %add3A_245, %sign3A_268 : i32
          %sign3A_270 = arith.extui %sign3A_269 : i1 to i32
          %sign3A_271 = arith.constant 0 : i32
          %sign3A_272 = arith.cmpi slt, %add3A_245, %sign3A_271 : i32
          %sign3A_273 = arith.extui %sign3A_272 : i1 to i32
          %sign3A_274 = arith.subi %sign3A_270, %sign3A_273 : i32
          %sign3A_275 = arith.constant 0 : i32
          %sign3A_276 = arith.cmpi sgt, %jit3A_266, %sign3A_275 : i32
          %sign3A_277 = arith.extui %sign3A_276 : i1 to i32
          %sign3A_278 = arith.constant 0 : i32
          %sign3A_279 = arith.cmpi slt, %jit3A_266, %sign3A_278 : i32
          %sign3A_280 = arith.extui %sign3A_279 : i1 to i32
          %sign3A_281 = arith.subi %sign3A_277, %sign3A_280 : i32
          %ne3A_282 = arith.cmpi ne, %sign3A_274, %sign3A_281 : i32
          %rem3A_283 = arith.remsi %add3A_245, %jit3A_266 : i32
          %ne3A_284 = arith.constant 0 : i32
          %ne3A_285 = arith.cmpi ne, %rem3A_283, %ne3A_284 : i32
          %and3A_286 = arith.andi %ne3A_282, %ne3A_285 : i1
          %sub3A_287 = arith.constant 1 : i32
          %sub3A_288 = arith.subi %div3A_267, %sub3A_287 : i32
          %select_n3A_289 = arith.select %and3A_286, %sub3A_288, %div3A_267 : i32
          %rem3A_290 = arith.constant 2 : i32
          %rem3A_291 = arith.remsi %select_n3A_289, %rem3A_290 : i32
          %mul3A_292 = arith.constant 16 : i32
          %mul3A_293 = arith.muli %rem3A_291, %mul3A_292 : i32
          %multiple_of3A_294 = tpu.assume_multiple %mul3A_293, 8 : i32
          %dma_wait3A_295 = arith.constant 0 : i32
          %dma_wait3A_296 = tpu.memref_slice %arg10[%multiple_of3A_294, %dma_wait3A_295] : memref<32x64xi32, #tpu.memory_space<vmem>> -> memref<16x64xi32, #tpu.memory_space<vmem>>
          %dma_wait3A_297 = arith.constant 0 : i32
          %dma_wait3A_298 = tpu.memref_slice %arg3[%multiple_of3A_265, %dma_wait3A_297] : memref<5120x64xi32, #tpu.memory_space<hbm>> -> memref<16x64xi32, #tpu.memory_space<hbm>>
          %dma_wait3A_299 = arith.constant 0 : i32
          %dma_wait3A_300 = tpu.memref_slice %arg10[%multiple_of3A_294, %dma_wait3A_299] : memref<32x64xi32, #tpu.memory_space<vmem>> -> memref<16x64xi32, #tpu.memory_space<vmem>>
          %dma_wait3A_301 = arith.constant 0 : i32
          %dma_wait3A_302 = tpu.memref_slice %arg3[%multiple_of3A_265, %dma_wait3A_301] : memref<5120x64xi32, #tpu.memory_space<hbm>> -> memref<16x64xi32, #tpu.memory_space<hbm>>
          tpu.wait_dma2 semaphore(%arg21 : memref<!tpu.dma_semaphore, #tpu.memory_space<semaphore_mem>>) src(%dma_wait3A_302 : memref<16x64xi32, #tpu.memory_space<hbm>>) dst(%dma_wait3A_300 : memref<16x64xi32, #tpu.memory_space<vmem>>)
        } else {
        }
        %rem3A_257 = arith.constant 32 : i32
        %rem3A_258 = arith.remsi %add3A_245, %rem3A_257 : i32
        %dma_start3A = arith.constant 0 : i32
        %dma_start3A_259 = tpu.memref_slice %arg10[%rem3A_258, %dma_start3A] : memref<32x64xi32, #tpu.memory_space<vmem>> -> memref<1x64xi32, #tpu.memory_space<vmem>>
        %dma_start3A_260 = tpu.memref_squeeze %dma_start3A_259 : memref<1x64xi32, #tpu.memory_space<vmem>> -> memref<64xi32, #tpu.memory_space<vmem>>
        %dma_start3A_261 = arith.constant 0 : i32
        %dma_start3A_262 = arith.constant 0 : i32
        %dma_start3A_263 = tpu.memref_slice %arg2[%dma_start3A_261, %dma_start3A_262] : memref<10240x128xf32, #tpu.memory_space<hbm>> -> memref<10240x128xf32, #tpu.memory_space<hbm>>
        tpu.enqueue_indirect_dma source(%dma_start3A_263 : memref<10240x128xf32, #tpu.memory_space<hbm>>) target(%arg15 : memref<64x128xf32, #tpu.memory_space<vmem>>) offsets(%dma_start3A_260 : memref<64xi32, #tpu.memory_space<vmem>>) semaphore(%arg20 : memref<!tpu.dma_semaphore, #tpu.memory_space<semaphore_mem>>)
      } else {
      }
    }
    %while3A_31 = arith.constant 1 : i32
    scf.for %while3A_41 = %while3A_29 to %while3A_25 step %while3A_31  : i32 {
      %mul3A_42 = arith.muli %while3A_41, %while3A : i32
      %add3A_43 = arith.addi %while3A_22, %mul3A_42 : i32
      %add3A_44 = arith.constant 0 : i32
      %add3A_45 = arith.addi %add3A_43, %add3A_44 : i32
      %jit3A_46 = arith.constant 16 : i32
      %div3A_47 = arith.divsi %add3A_45, %jit3A_46 : i32
      %sign3A = arith.constant 0 : i32
      %sign3A_48 = arith.cmpi sgt, %add3A_45, %sign3A : i32
      %sign3A_49 = arith.extui %sign3A_48 : i1 to i32
      %sign3A_50 = arith.constant 0 : i32
      %sign3A_51 = arith.cmpi slt, %add3A_45, %sign3A_50 : i32
      %sign3A_52 = arith.extui %sign3A_51 : i1 to i32
      %sign3A_53 = arith.subi %sign3A_49, %sign3A_52 : i32
      %sign3A_54 = arith.constant 0 : i32
      %sign3A_55 = arith.cmpi sgt, %jit3A_46, %sign3A_54 : i32
      %sign3A_56 = arith.extui %sign3A_55 : i1 to i32
      %sign3A_57 = arith.constant 0 : i32
      %sign3A_58 = arith.cmpi slt, %jit3A_46, %sign3A_57 : i32
      %sign3A_59 = arith.extui %sign3A_58 : i1 to i32
      %sign3A_60 = arith.subi %sign3A_56, %sign3A_59 : i32
      %ne3A = arith.cmpi ne, %sign3A_53, %sign3A_60 : i32
      %rem3A = arith.remsi %add3A_45, %jit3A_46 : i32
      %ne3A_61 = arith.constant 0 : i32
      %ne3A_62 = arith.cmpi ne, %rem3A, %ne3A_61 : i32
      %and3A = arith.andi %ne3A, %ne3A_62 : i1
      %sub3A_63 = arith.constant 1 : i32
      %sub3A_64 = arith.subi %div3A_47, %sub3A_63 : i32
      %select_n3A_65 = arith.select %and3A, %sub3A_64, %div3A_47 : i32
      %rem3A_66 = arith.constant 16 : i32
      %rem3A_67 = arith.remsi %add3A_45, %rem3A_66 : i32
      %eq3A_68 = arith.constant 0 : i32
      %eq3A_69 = arith.cmpi eq, %rem3A_67, %eq3A_68 : i32
      %gt3A_70 = arith.constant 0 : i32
      %gt3A_71 = arith.cmpi sgt, %add3A_45, %gt3A_70 : i32
      %and3A_72 = arith.andi %eq3A_69, %gt3A_71 : i1
      %convert_element_type3A_73 = arith.extui %and3A_72 : i1 to i32
      %cond3A_74 = arith.constant 0 : i32
      %cond3A_75 = arith.cmpi ne, %convert_element_type3A_73, %cond3A_74 : i32
      scf.if %cond3A_75 {
        %add3A_250 = arith.addi %multiple_of3A, %add3A_45 : i32
        %multiple_of3A_251 = tpu.assume_multiple %add3A_250, 8 : i32
        %rem3A_252 = arith.constant 2 : i32
        %rem3A_253 = arith.remsi %select_n3A_65, %rem3A_252 : i32
        %mul3A_254 = arith.constant 16 : i32
        %mul3A_255 = arith.muli %rem3A_253, %mul3A_254 : i32
        %multiple_of3A_256 = tpu.assume_multiple %mul3A_255, 8 : i32
        %dma_wait3A_257 = arith.constant 0 : i32
        %dma_wait3A_258 = tpu.memref_slice %arg11[%multiple_of3A_256, %dma_wait3A_257] : memref<32x64xi32, #tpu.memory_space<vmem>> -> memref<16x64xi32, #tpu.memory_space<vmem>>
        %dma_wait3A_259 = arith.constant 0 : i32
        %dma_wait3A_260 = tpu.memref_slice %arg4[%multiple_of3A_251, %dma_wait3A_259] : memref<5120x64xi32, #tpu.memory_space<hbm>> -> memref<16x64xi32, #tpu.memory_space<hbm>>
        %dma_wait3A_261 = arith.constant 0 : i32
        %dma_wait3A_262 = tpu.memref_slice %arg11[%multiple_of3A_256, %dma_wait3A_261] : memref<32x64xi32, #tpu.memory_space<vmem>> -> memref<16x64xi32, #tpu.memory_space<vmem>>
        %dma_wait3A_263 = arith.constant 0 : i32
        %dma_wait3A_264 = tpu.memref_slice %arg4[%multiple_of3A_251, %dma_wait3A_263] : memref<5120x64xi32, #tpu.memory_space<hbm>> -> memref<16x64xi32, #tpu.memory_space<hbm>>
        tpu.wait_dma2 semaphore(%arg22 : memref<!tpu.dma_semaphore, #tpu.memory_space<semaphore_mem>>) src(%dma_wait3A_264 : memref<16x64xi32, #tpu.memory_space<hbm>>) dst(%dma_wait3A_262 : memref<16x64xi32, #tpu.memory_space<vmem>>)
        %add3A_265 = arith.constant 16 : i32
        %add3A_266 = arith.addi %add3A_45, %add3A_265 : i32
        %lt3A_267 = arith.cmpi slt, %add3A_266, %select_n3A : i32
        %convert_element_type3A_268 = arith.extui %lt3A_267 : i1 to i32
        %cond3A_269 = arith.constant 0 : i32
        %cond3A_270 = arith.cmpi ne, %convert_element_type3A_268, %cond3A_269 : i32
        scf.if %cond3A_270 {
          %add3A_271 = arith.constant 16 : i32
          %add3A_272 = arith.addi %add3A_45, %add3A_271 : i32
          %add3A_273 = arith.addi %multiple_of3A, %add3A_272 : i32
          %multiple_of3A_274 = tpu.assume_multiple %add3A_273, 8 : i32
          %add3A_275 = arith.constant 1 : i32
          %add3A_276 = arith.addi %select_n3A_65, %add3A_275 : i32
          %rem3A_277 = arith.constant 2 : i32
          %rem3A_278 = arith.remsi %add3A_276, %rem3A_277 : i32
          %mul3A_279 = arith.constant 16 : i32
          %mul3A_280 = arith.muli %rem3A_278, %mul3A_279 : i32
          %multiple_of3A_281 = tpu.assume_multiple %mul3A_280, 8 : i32
          %dma_start3A = arith.constant 0 : i32
          %dma_start3A_282 = tpu.memref_slice %arg10[%multiple_of3A_281, %dma_start3A] : memref<32x64xi32, #tpu.memory_space<vmem>> -> memref<16x64xi32, #tpu.memory_space<vmem>>
          %dma_start3A_283 = arith.constant 0 : i32
          %dma_start3A_284 = tpu.memref_slice %arg3[%multiple_of3A_274, %dma_start3A_283] : memref<5120x64xi32, #tpu.memory_space<hbm>> -> memref<16x64xi32, #tpu.memory_space<hbm>>
          %dma_start3A_285 = arith.constant 0 : i32
          %dma_start3A_286 = tpu.memref_slice %arg10[%multiple_of3A_281, %dma_start3A_285] : memref<32x64xi32, #tpu.memory_space<vmem>> -> memref<16x64xi32, #tpu.memory_space<vmem>>
          %dma_start3A_287 = arith.constant 0 : i32
          %dma_start3A_288 = tpu.memref_slice %arg3[%multiple_of3A_274, %dma_start3A_287] : memref<5120x64xi32, #tpu.memory_space<hbm>> -> memref<16x64xi32, #tpu.memory_space<hbm>>
          tpu.enqueue_dma source(%dma_start3A_288 : memref<16x64xi32, #tpu.memory_space<hbm>>) target(%dma_start3A_286 : memref<16x64xi32, #tpu.memory_space<vmem>>) target_semaphore(%arg21 : memref<!tpu.dma_semaphore, #tpu.memory_space<semaphore_mem>>)
          %add3A_289 = arith.constant 16 : i32
          %add3A_290 = arith.addi %add3A_45, %add3A_289 : i32
          %add3A_291 = arith.addi %multiple_of3A, %add3A_290 : i32
          %multiple_of3A_292 = tpu.assume_multiple %add3A_291, 8 : i32
          %add3A_293 = arith.constant 1 : i32
          %add3A_294 = arith.addi %select_n3A_65, %add3A_293 : i32
          %rem3A_295 = arith.constant 2 : i32
          %rem3A_296 = arith.remsi %add3A_294, %rem3A_295 : i32
          %mul3A_297 = arith.constant 16 : i32
          %mul3A_298 = arith.muli %rem3A_296, %mul3A_297 : i32
          %multiple_of3A_299 = tpu.assume_multiple %mul3A_298, 8 : i32
          %dma_start3A_300 = arith.constant 0 : i32
          %dma_start3A_301 = tpu.memref_slice %arg11[%multiple_of3A_299, %dma_start3A_300] : memref<32x64xi32, #tpu.memory_space<vmem>> -> memref<16x64xi32, #tpu.memory_space<vmem>>
          %dma_start3A_302 = arith.constant 0 : i32
          %dma_start3A_303 = tpu.memref_slice %arg4[%multiple_of3A_292, %dma_start3A_302] : memref<5120x64xi32, #tpu.memory_space<hbm>> -> memref<16x64xi32, #tpu.memory_space<hbm>>
          %dma_start3A_304 = arith.constant 0 : i32
          %dma_start3A_305 = tpu.memref_slice %arg11[%multiple_of3A_299, %dma_start3A_304] : memref<32x64xi32, #tpu.memory_space<vmem>> -> memref<16x64xi32, #tpu.memory_space<vmem>>
          %dma_start3A_306 = arith.constant 0 : i32
          %dma_start3A_307 = tpu.memref_slice %arg4[%multiple_of3A_292, %dma_start3A_306] : memref<5120x64xi32, #tpu.memory_space<hbm>> -> memref<16x64xi32, #tpu.memory_space<hbm>>
          tpu.enqueue_dma source(%dma_start3A_307 : memref<16x64xi32, #tpu.memory_space<hbm>>) target(%dma_start3A_305 : memref<16x64xi32, #tpu.memory_space<vmem>>) target_semaphore(%arg22 : memref<!tpu.dma_semaphore, #tpu.memory_space<semaphore_mem>>)
        } else {
        }
      } else {
      }
      %dma_wait3A = arith.constant 0 : i32
      %dma_wait3A_76 = arith.constant 0 : i32
      %dma_wait3A_77 = tpu.memref_slice %arg10[%dma_wait3A, %dma_wait3A_76] : memref<32x64xi32, #tpu.memory_space<vmem>> -> memref<1x64xi32, #tpu.memory_space<vmem>>
      %dma_wait3A_78 = tpu.memref_squeeze %dma_wait3A_77 : memref<1x64xi32, #tpu.memory_space<vmem>> -> memref<64xi32, #tpu.memory_space<vmem>>
      %dma_wait3A_79 = arith.constant 0 : i32
      %dma_wait3A_80 = arith.constant 0 : i32
      %dma_wait3A_81 = tpu.memref_slice %arg2[%dma_wait3A_79, %dma_wait3A_80] : memref<10240x128xf32, #tpu.memory_space<hbm>> -> memref<10240x128xf32, #tpu.memory_space<hbm>>
      tpu.wait_indirect_dma semaphore(%arg17 : memref<!tpu.dma_semaphore, #tpu.memory_space<semaphore_mem>>) src(%dma_wait3A_81 : memref<10240x128xf32, #tpu.memory_space<hbm>>) dst(%arg12 : memref<64x128xf32, #tpu.memory_space<vmem>>)
      %rem3A_82 = arith.constant 32 : i32
      %rem3A_83 = arith.remsi %add3A_45, %rem3A_82 : i32
      "tpu.region"() ({
        %run_scoped3A = tpu.sem_alloc : memref<!tpu.dma_semaphore, #tpu.memory_space<semaphore_mem>>
        %dma_start3A = arith.constant 0 : i32
        %dma_start3A_250 = tpu.memref_slice %arg11[%rem3A_83, %dma_start3A] : memref<32x64xi32, #tpu.memory_space<vmem>> -> memref<1x64xi32, #tpu.memory_space<vmem>>
        %dma_start3A_251 = tpu.memref_squeeze %dma_start3A_250 : memref<1x64xi32, #tpu.memory_space<vmem>> -> memref<64xi32, #tpu.memory_space<vmem>>
        %dma_start3A_252 = arith.constant 0 : i32
        %dma_start3A_253 = arith.constant 0 : i32
        %dma_start3A_254 = tpu.memref_slice %arg16[%dma_start3A_252, %dma_start3A_253] : memref<10240x128xf32, #tpu.memory_space<vmem_shared>> -> memref<10240x128xf32, #tpu.memory_space<vmem_shared>>
        tpu.enqueue_indirect_dma source(%arg12 : memref<64x128xf32, #tpu.memory_space<vmem>>) target(%dma_start3A_254 : memref<10240x128xf32, #tpu.memory_space<vmem_shared>>) offsets(%dma_start3A_251 : memref<64xi32, #tpu.memory_space<vmem>>) semaphore(%run_scoped3A : memref<!tpu.dma_semaphore, #tpu.memory_space<semaphore_mem>>) {add = true}
        %dma_wait3A_255 = arith.constant 0 : i32
        %dma_wait3A_256 = tpu.memref_slice %arg11[%rem3A_83, %dma_wait3A_255] : memref<32x64xi32, #tpu.memory_space<vmem>> -> memref<1x64xi32, #tpu.memory_space<vmem>>
        %dma_wait3A_257 = tpu.memref_squeeze %dma_wait3A_256 : memref<1x64xi32, #tpu.memory_space<vmem>> -> memref<64xi32, #tpu.memory_space<vmem>>
        %dma_wait3A_258 = arith.constant 0 : i32
        %dma_wait3A_259 = arith.constant 0 : i32
        %dma_wait3A_260 = tpu.memref_slice %arg16[%dma_wait3A_258, %dma_wait3A_259] : memref<10240x128xf32, #tpu.memory_space<vmem_shared>> -> memref<10240x128xf32, #tpu.memory_space<vmem_shared>>
        tpu.wait_indirect_dma semaphore(%run_scoped3A : memref<!tpu.dma_semaphore, #tpu.memory_space<semaphore_mem>>) src(%arg12 : memref<64x128xf32, #tpu.memory_space<vmem>>) dst(%dma_wait3A_260 : memref<10240x128xf32, #tpu.memory_space<vmem_shared>>)
        tpu.yield
      }) : () -> ()
      %rem3A_84 = arith.constant 32 : i32
      %rem3A_85 = arith.remsi %add3A_45, %rem3A_84 : i32
      "tpu.region"() ({
        %run_scoped3A = tpu.sem_alloc : memref<!tpu.dma_semaphore, #tpu.memory_space<semaphore_mem>>
        %dma_start3A = arith.constant 0 : i32
        %dma_start3A_250 = tpu.memref_slice %arg11[%rem3A_85, %dma_start3A] : memref<32x64xi32, #tpu.memory_space<vmem>> -> memref<1x64xi32, #tpu.memory_space<vmem>>
        %dma_start3A_251 = tpu.memref_squeeze %dma_start3A_250 : memref<1x64xi32, #tpu.memory_space<vmem>> -> memref<64xi32, #tpu.memory_space<vmem>>
        %dma_start3A_252 = arith.constant 0 : i32
        %dma_start3A_253 = tpu.memref_slice %arg24[%dma_start3A_252] : memref<10240xf32, #tpu.memory_space<vmem_shared>> -> memref<10240xf32, #tpu.memory_space<vmem_shared>>
        tpu.enqueue_indirect_dma source(%arg23 : memref<64xf32, #tpu.memory_space<vmem>>) target(%dma_start3A_253 : memref<10240xf32, #tpu.memory_space<vmem_shared>>) offsets(%dma_start3A_251 : memref<64xi32, #tpu.memory_space<vmem>>) semaphore(%run_scoped3A : memref<!tpu.dma_semaphore, #tpu.memory_space<semaphore_mem>>) {add = true}
        %dma_wait3A_254 = arith.constant 0 : i32
        %dma_wait3A_255 = tpu.memref_slice %arg11[%rem3A_85, %dma_wait3A_254] : memref<32x64xi32, #tpu.memory_space<vmem>> -> memref<1x64xi32, #tpu.memory_space<vmem>>
        %dma_wait3A_256 = tpu.memref_squeeze %dma_wait3A_255 : memref<1x64xi32, #tpu.memory_space<vmem>> -> memref<64xi32, #tpu.memory_space<vmem>>
        %dma_wait3A_257 = arith.constant 0 : i32
        %dma_wait3A_258 = tpu.memref_slice %arg24[%dma_wait3A_257] : memref<10240xf32, #tpu.memory_space<vmem_shared>> -> memref<10240xf32, #tpu.memory_space<vmem_shared>>
        tpu.wait_indirect_dma semaphore(%run_scoped3A : memref<!tpu.dma_semaphore, #tpu.memory_space<semaphore_mem>>) src(%arg23 : memref<64xf32, #tpu.memory_space<vmem>>) dst(%dma_wait3A_258 : memref<10240xf32, #tpu.memory_space<vmem_shared>>)
        tpu.yield
      }) : () -> ()
      %add3A_86 = arith.constant 4 : i32
      %add3A_87 = arith.addi %add3A_45, %add3A_86 : i32
      %lt3A = arith.cmpi slt, %add3A_87, %select_n3A : i32
      %convert_element_type3A_88 = arith.extui %lt3A : i1 to i32
      %cond3A_89 = arith.constant 0 : i32
      %cond3A_90 = arith.cmpi ne, %convert_element_type3A_88, %cond3A_89 : i32
      scf.if %cond3A_90 {
        %rem3A_250 = arith.constant 16 : i32
        %rem3A_251 = arith.remsi %add3A_87, %rem3A_250 : i32
        %eq3A_252 = arith.constant 0 : i32
        %eq3A_253 = arith.cmpi eq, %rem3A_251, %eq3A_252 : i32
        %convert_element_type3A_254 = arith.extui %eq3A_253 : i1 to i32
        %cond3A_255 = arith.constant 0 : i32
        %cond3A_256 = arith.cmpi ne, %convert_element_type3A_254, %cond3A_255 : i32
        scf.if %cond3A_256 {
          %add3A_264 = arith.addi %multiple_of3A, %add3A_87 : i32
          %multiple_of3A_265 = tpu.assume_multiple %add3A_264, 8 : i32
          %jit3A_266 = arith.constant 16 : i32
          %div3A_267 = arith.divsi %add3A_87, %jit3A_266 : i32
          %sign3A_268 = arith.constant 0 : i32
          %sign3A_269 = arith.cmpi sgt, %add3A_87, %sign3A_268 : i32
          %sign3A_270 = arith.extui %sign3A_269 : i1 to i32
          %sign3A_271 = arith.constant 0 : i32
          %sign3A_272 = arith.cmpi slt, %add3A_87, %sign3A_271 : i32
          %sign3A_273 = arith.extui %sign3A_272 : i1 to i32
          %sign3A_274 = arith.subi %sign3A_270, %sign3A_273 : i32
          %sign3A_275 = arith.constant 0 : i32
          %sign3A_276 = arith.cmpi sgt, %jit3A_266, %sign3A_275 : i32
          %sign3A_277 = arith.extui %sign3A_276 : i1 to i32
          %sign3A_278 = arith.constant 0 : i32
          %sign3A_279 = arith.cmpi slt, %jit3A_266, %sign3A_278 : i32
          %sign3A_280 = arith.extui %sign3A_279 : i1 to i32
          %sign3A_281 = arith.subi %sign3A_277, %sign3A_280 : i32
          %ne3A_282 = arith.cmpi ne, %sign3A_274, %sign3A_281 : i32
          %rem3A_283 = arith.remsi %add3A_87, %jit3A_266 : i32
          %ne3A_284 = arith.constant 0 : i32
          %ne3A_285 = arith.cmpi ne, %rem3A_283, %ne3A_284 : i32
          %and3A_286 = arith.andi %ne3A_282, %ne3A_285 : i1
          %sub3A_287 = arith.constant 1 : i32
          %sub3A_288 = arith.subi %div3A_267, %sub3A_287 : i32
          %select_n3A_289 = arith.select %and3A_286, %sub3A_288, %div3A_267 : i32
          %rem3A_290 = arith.constant 2 : i32
          %rem3A_291 = arith.remsi %select_n3A_289, %rem3A_290 : i32
          %mul3A_292 = arith.constant 16 : i32
          %mul3A_293 = arith.muli %rem3A_291, %mul3A_292 : i32
          %multiple_of3A_294 = tpu.assume_multiple %mul3A_293, 8 : i32
          %dma_wait3A_295 = arith.constant 0 : i32
          %dma_wait3A_296 = tpu.memref_slice %arg10[%multiple_of3A_294, %dma_wait3A_295] : memref<32x64xi32, #tpu.memory_space<vmem>> -> memref<16x64xi32, #tpu.memory_space<vmem>>
          %dma_wait3A_297 = arith.constant 0 : i32
          %dma_wait3A_298 = tpu.memref_slice %arg3[%multiple_of3A_265, %dma_wait3A_297] : memref<5120x64xi32, #tpu.memory_space<hbm>> -> memref<16x64xi32, #tpu.memory_space<hbm>>
          %dma_wait3A_299 = arith.constant 0 : i32
          %dma_wait3A_300 = tpu.memref_slice %arg10[%multiple_of3A_294, %dma_wait3A_299] : memref<32x64xi32, #tpu.memory_space<vmem>> -> memref<16x64xi32, #tpu.memory_space<vmem>>
          %dma_wait3A_301 = arith.constant 0 : i32
          %dma_wait3A_302 = tpu.memref_slice %arg3[%multiple_of3A_265, %dma_wait3A_301] : memref<5120x64xi32, #tpu.memory_space<hbm>> -> memref<16x64xi32, #tpu.memory_space<hbm>>
          tpu.wait_dma2 semaphore(%arg21 : memref<!tpu.dma_semaphore, #tpu.memory_space<semaphore_mem>>) src(%dma_wait3A_302 : memref<16x64xi32, #tpu.memory_space<hbm>>) dst(%dma_wait3A_300 : memref<16x64xi32, #tpu.memory_space<vmem>>)
        } else {
        }
        %rem3A_257 = arith.constant 32 : i32
        %rem3A_258 = arith.remsi %add3A_87, %rem3A_257 : i32
        %dma_start3A = arith.constant 0 : i32
        %dma_start3A_259 = tpu.memref_slice %arg10[%rem3A_258, %dma_start3A] : memref<32x64xi32, #tpu.memory_space<vmem>> -> memref<1x64xi32, #tpu.memory_space<vmem>>
        %dma_start3A_260 = tpu.memref_squeeze %dma_start3A_259 : memref<1x64xi32, #tpu.memory_space<vmem>> -> memref<64xi32, #tpu.memory_space<vmem>>
        %dma_start3A_261 = arith.constant 0 : i32
        %dma_start3A_262 = arith.constant 0 : i32
        %dma_start3A_263 = tpu.memref_slice %arg2[%dma_start3A_261, %dma_start3A_262] : memref<10240x128xf32, #tpu.memory_space<hbm>> -> memref<10240x128xf32, #tpu.memory_space<hbm>>
        tpu.enqueue_indirect_dma source(%dma_start3A_263 : memref<10240x128xf32, #tpu.memory_space<hbm>>) target(%arg12 : memref<64x128xf32, #tpu.memory_space<vmem>>) offsets(%dma_start3A_260 : memref<64xi32, #tpu.memory_space<vmem>>) semaphore(%arg17 : memref<!tpu.dma_semaphore, #tpu.memory_space<semaphore_mem>>)
      } else {
      }
      %add3A_91 = arith.constant 1 : i32
      %add3A_92 = arith.addi %add3A_43, %add3A_91 : i32
      %jit3A_93 = arith.constant 16 : i32
      %div3A_94 = arith.divsi %add3A_92, %jit3A_93 : i32
      %sign3A_95 = arith.constant 0 : i32
      %sign3A_96 = arith.cmpi sgt, %add3A_92, %sign3A_95 : i32
      %sign3A_97 = arith.extui %sign3A_96 : i1 to i32
      %sign3A_98 = arith.constant 0 : i32
      %sign3A_99 = arith.cmpi slt, %add3A_92, %sign3A_98 : i32
      %sign3A_100 = arith.extui %sign3A_99 : i1 to i32
      %sign3A_101 = arith.subi %sign3A_97, %sign3A_100 : i32
      %sign3A_102 = arith.constant 0 : i32
      %sign3A_103 = arith.cmpi sgt, %jit3A_93, %sign3A_102 : i32
      %sign3A_104 = arith.extui %sign3A_103 : i1 to i32
      %sign3A_105 = arith.constant 0 : i32
      %sign3A_106 = arith.cmpi slt, %jit3A_93, %sign3A_105 : i32
      %sign3A_107 = arith.extui %sign3A_106 : i1 to i32
      %sign3A_108 = arith.subi %sign3A_104, %sign3A_107 : i32
      %ne3A_109 = arith.cmpi ne, %sign3A_101, %sign3A_108 : i32
      %rem3A_110 = arith.remsi %add3A_92, %jit3A_93 : i32
      %ne3A_111 = arith.constant 0 : i32
      %ne3A_112 = arith.cmpi ne, %rem3A_110, %ne3A_111 : i32
      %and3A_113 = arith.andi %ne3A_109, %ne3A_112 : i1
      %sub3A_114 = arith.constant 1 : i32
      %sub3A_115 = arith.subi %div3A_94, %sub3A_114 : i32
      %select_n3A_116 = arith.select %and3A_113, %sub3A_115, %div3A_94 : i32
      %rem3A_117 = arith.constant 16 : i32
      %rem3A_118 = arith.remsi %add3A_92, %rem3A_117 : i32
      %eq3A_119 = arith.constant 0 : i32
      %eq3A_120 = arith.cmpi eq, %rem3A_118, %eq3A_119 : i32
      %gt3A_121 = arith.constant 0 : i32
      %gt3A_122 = arith.cmpi sgt, %add3A_92, %gt3A_121 : i32
      %and3A_123 = arith.andi %eq3A_120, %gt3A_122 : i1
      %convert_element_type3A_124 = arith.extui %and3A_123 : i1 to i32
      %cond3A_125 = arith.constant 0 : i32
      %cond3A_126 = arith.cmpi ne, %convert_element_type3A_124, %cond3A_125 : i32
      scf.if %cond3A_126 {
        %add3A_250 = arith.addi %multiple_of3A, %add3A_92 : i32
        %multiple_of3A_251 = tpu.assume_multiple %add3A_250, 8 : i32
        %rem3A_252 = arith.constant 2 : i32
        %rem3A_253 = arith.remsi %select_n3A_116, %rem3A_252 : i32
        %mul3A_254 = arith.constant 16 : i32
        %mul3A_255 = arith.muli %rem3A_253, %mul3A_254 : i32
        %multiple_of3A_256 = tpu.assume_multiple %mul3A_255, 8 : i32
        %dma_wait3A_257 = arith.constant 0 : i32
        %dma_wait3A_258 = tpu.memref_slice %arg11[%multiple_of3A_256, %dma_wait3A_257] : memref<32x64xi32, #tpu.memory_space<vmem>> -> memref<16x64xi32, #tpu.memory_space<vmem>>
        %dma_wait3A_259 = arith.constant 0 : i32
        %dma_wait3A_260 = tpu.memref_slice %arg4[%multiple_of3A_251, %dma_wait3A_259] : memref<5120x64xi32, #tpu.memory_space<hbm>> -> memref<16x64xi32, #tpu.memory_space<hbm>>
        %dma_wait3A_261 = arith.constant 0 : i32
        %dma_wait3A_262 = tpu.memref_slice %arg11[%multiple_of3A_256, %dma_wait3A_261] : memref<32x64xi32, #tpu.memory_space<vmem>> -> memref<16x64xi32, #tpu.memory_space<vmem>>
        %dma_wait3A_263 = arith.constant 0 : i32
        %dma_wait3A_264 = tpu.memref_slice %arg4[%multiple_of3A_251, %dma_wait3A_263] : memref<5120x64xi32, #tpu.memory_space<hbm>> -> memref<16x64xi32, #tpu.memory_space<hbm>>
        tpu.wait_dma2 semaphore(%arg22 : memref<!tpu.dma_semaphore, #tpu.memory_space<semaphore_mem>>) src(%dma_wait3A_264 : memref<16x64xi32, #tpu.memory_space<hbm>>) dst(%dma_wait3A_262 : memref<16x64xi32, #tpu.memory_space<vmem>>)
        %add3A_265 = arith.constant 16 : i32
        %add3A_266 = arith.addi %add3A_92, %add3A_265 : i32
        %lt3A_267 = arith.cmpi slt, %add3A_266, %select_n3A : i32
        %convert_element_type3A_268 = arith.extui %lt3A_267 : i1 to i32
        %cond3A_269 = arith.constant 0 : i32
        %cond3A_270 = arith.cmpi ne, %convert_element_type3A_268, %cond3A_269 : i32
        scf.if %cond3A_270 {
          %add3A_271 = arith.constant 16 : i32
          %add3A_272 = arith.addi %add3A_92, %add3A_271 : i32
          %add3A_273 = arith.addi %multiple_of3A, %add3A_272 : i32
          %multiple_of3A_274 = tpu.assume_multiple %add3A_273, 8 : i32
          %add3A_275 = arith.constant 1 : i32
          %add3A_276 = arith.addi %select_n3A_116, %add3A_275 : i32
          %rem3A_277 = arith.constant 2 : i32
          %rem3A_278 = arith.remsi %add3A_276, %rem3A_277 : i32
          %mul3A_279 = arith.constant 16 : i32
          %mul3A_280 = arith.muli %rem3A_278, %mul3A_279 : i32
          %multiple_of3A_281 = tpu.assume_multiple %mul3A_280, 8 : i32
          %dma_start3A = arith.constant 0 : i32
          %dma_start3A_282 = tpu.memref_slice %arg10[%multiple_of3A_281, %dma_start3A] : memref<32x64xi32, #tpu.memory_space<vmem>> -> memref<16x64xi32, #tpu.memory_space<vmem>>
          %dma_start3A_283 = arith.constant 0 : i32
          %dma_start3A_284 = tpu.memref_slice %arg3[%multiple_of3A_274, %dma_start3A_283] : memref<5120x64xi32, #tpu.memory_space<hbm>> -> memref<16x64xi32, #tpu.memory_space<hbm>>
          %dma_start3A_285 = arith.constant 0 : i32
          %dma_start3A_286 = tpu.memref_slice %arg10[%multiple_of3A_281, %dma_start3A_285] : memref<32x64xi32, #tpu.memory_space<vmem>> -> memref<16x64xi32, #tpu.memory_space<vmem>>
          %dma_start3A_287 = arith.constant 0 : i32
          %dma_start3A_288 = tpu.memref_slice %arg3[%multiple_of3A_274, %dma_start3A_287] : memref<5120x64xi32, #tpu.memory_space<hbm>> -> memref<16x64xi32, #tpu.memory_space<hbm>>
          tpu.enqueue_dma source(%dma_start3A_288 : memref<16x64xi32, #tpu.memory_space<hbm>>) target(%dma_start3A_286 : memref<16x64xi32, #tpu.memory_space<vmem>>) target_semaphore(%arg21 : memref<!tpu.dma_semaphore, #tpu.memory_space<semaphore_mem>>)
          %add3A_289 = arith.constant 16 : i32
          %add3A_290 = arith.addi %add3A_92, %add3A_289 : i32
          %add3A_291 = arith.addi %multiple_of3A, %add3A_290 : i32
          %multiple_of3A_292 = tpu.assume_multiple %add3A_291, 8 : i32
          %add3A_293 = arith.constant 1 : i32
          %add3A_294 = arith.addi %select_n3A_116, %add3A_293 : i32
          %rem3A_295 = arith.constant 2 : i32
          %rem3A_296 = arith.remsi %add3A_294, %rem3A_295 : i32
          %mul3A_297 = arith.constant 16 : i32
          %mul3A_298 = arith.muli %rem3A_296, %mul3A_297 : i32
          %multiple_of3A_299 = tpu.assume_multiple %mul3A_298, 8 : i32
          %dma_start3A_300 = arith.constant 0 : i32
          %dma_start3A_301 = tpu.memref_slice %arg11[%multiple_of3A_299, %dma_start3A_300] : memref<32x64xi32, #tpu.memory_space<vmem>> -> memref<16x64xi32, #tpu.memory_space<vmem>>
          %dma_start3A_302 = arith.constant 0 : i32
          %dma_start3A_303 = tpu.memref_slice %arg4[%multiple_of3A_292, %dma_start3A_302] : memref<5120x64xi32, #tpu.memory_space<hbm>> -> memref<16x64xi32, #tpu.memory_space<hbm>>
          %dma_start3A_304 = arith.constant 0 : i32
          %dma_start3A_305 = tpu.memref_slice %arg11[%multiple_of3A_299, %dma_start3A_304] : memref<32x64xi32, #tpu.memory_space<vmem>> -> memref<16x64xi32, #tpu.memory_space<vmem>>
          %dma_start3A_306 = arith.constant 0 : i32
          %dma_start3A_307 = tpu.memref_slice %arg4[%multiple_of3A_292, %dma_start3A_306] : memref<5120x64xi32, #tpu.memory_space<hbm>> -> memref<16x64xi32, #tpu.memory_space<hbm>>
          tpu.enqueue_dma source(%dma_start3A_307 : memref<16x64xi32, #tpu.memory_space<hbm>>) target(%dma_start3A_305 : memref<16x64xi32, #tpu.memory_space<vmem>>) target_semaphore(%arg22 : memref<!tpu.dma_semaphore, #tpu.memory_space<semaphore_mem>>)
        } else {
        }
      } else {
      }
      %dma_wait3A_127 = arith.constant 0 : i32
      %dma_wait3A_128 = arith.constant 0 : i32
      %dma_wait3A_129 = tpu.memref_slice %arg10[%dma_wait3A_127, %dma_wait3A_128] : memref<32x64xi32, #tpu.memory_space<vmem>> -> memref<1x64xi32, #tpu.memory_space<vmem>>
      %dma_wait3A_130 = tpu.memref_squeeze %dma_wait3A_129 : memref<1x64xi32, #tpu.memory_space<vmem>> -> memref<64xi32, #tpu.memory_space<vmem>>
      %dma_wait3A_131 = arith.constant 0 : i32
      %dma_wait3A_132 = arith.constant 0 : i32
      %dma_wait3A_133 = tpu.memref_slice %arg2[%dma_wait3A_131, %dma_wait3A_132] : memref<10240x128xf32, #tpu.memory_space<hbm>> -> memref<10240x128xf32, #tpu.memory_space<hbm>>
      tpu.wait_indirect_dma semaphore(%arg18 : memref<!tpu.dma_semaphore, #tpu.memory_space<semaphore_mem>>) src(%dma_wait3A_133 : memref<10240x128xf32, #tpu.memory_space<hbm>>) dst(%arg13 : memref<64x128xf32, #tpu.memory_space<vmem>>)
      %rem3A_134 = arith.constant 32 : i32
      %rem3A_135 = arith.remsi %add3A_92, %rem3A_134 : i32
      "tpu.region"() ({
        %run_scoped3A = tpu.sem_alloc : memref<!tpu.dma_semaphore, #tpu.memory_space<semaphore_mem>>
        %dma_start3A = arith.constant 0 : i32
        %dma_start3A_250 = tpu.memref_slice %arg11[%rem3A_135, %dma_start3A] : memref<32x64xi32, #tpu.memory_space<vmem>> -> memref<1x64xi32, #tpu.memory_space<vmem>>
        %dma_start3A_251 = tpu.memref_squeeze %dma_start3A_250 : memref<1x64xi32, #tpu.memory_space<vmem>> -> memref<64xi32, #tpu.memory_space<vmem>>
        %dma_start3A_252 = arith.constant 0 : i32
        %dma_start3A_253 = arith.constant 0 : i32
        %dma_start3A_254 = tpu.memref_slice %arg16[%dma_start3A_252, %dma_start3A_253] : memref<10240x128xf32, #tpu.memory_space<vmem_shared>> -> memref<10240x128xf32, #tpu.memory_space<vmem_shared>>
        tpu.enqueue_indirect_dma source(%arg13 : memref<64x128xf32, #tpu.memory_space<vmem>>) target(%dma_start3A_254 : memref<10240x128xf32, #tpu.memory_space<vmem_shared>>) offsets(%dma_start3A_251 : memref<64xi32, #tpu.memory_space<vmem>>) semaphore(%run_scoped3A : memref<!tpu.dma_semaphore, #tpu.memory_space<semaphore_mem>>) {add = true}
        %dma_wait3A_255 = arith.constant 0 : i32
        %dma_wait3A_256 = tpu.memref_slice %arg11[%rem3A_135, %dma_wait3A_255] : memref<32x64xi32, #tpu.memory_space<vmem>> -> memref<1x64xi32, #tpu.memory_space<vmem>>
        %dma_wait3A_257 = tpu.memref_squeeze %dma_wait3A_256 : memref<1x64xi32, #tpu.memory_space<vmem>> -> memref<64xi32, #tpu.memory_space<vmem>>
        %dma_wait3A_258 = arith.constant 0 : i32
        %dma_wait3A_259 = arith.constant 0 : i32
        %dma_wait3A_260 = tpu.memref_slice %arg16[%dma_wait3A_258, %dma_wait3A_259] : memref<10240x128xf32, #tpu.memory_space<vmem_shared>> -> memref<10240x128xf32, #tpu.memory_space<vmem_shared>>
        tpu.wait_indirect_dma semaphore(%run_scoped3A : memref<!tpu.dma_semaphore, #tpu.memory_space<semaphore_mem>>) src(%arg13 : memref<64x128xf32, #tpu.memory_space<vmem>>) dst(%dma_wait3A_260 : memref<10240x128xf32, #tpu.memory_space<vmem_shared>>)
        tpu.yield
      }) : () -> ()
      %rem3A_136 = arith.constant 32 : i32
      %rem3A_137 = arith.remsi %add3A_92, %rem3A_136 : i32
      "tpu.region"() ({
        %run_scoped3A = tpu.sem_alloc : memref<!tpu.dma_semaphore, #tpu.memory_space<semaphore_mem>>
        %dma_start3A = arith.constant 0 : i32
        %dma_start3A_250 = tpu.memref_slice %arg11[%rem3A_137, %dma_start3A] : memref<32x64xi32, #tpu.memory_space<vmem>> -> memref<1x64xi32, #tpu.memory_space<vmem>>
        %dma_start3A_251 = tpu.memref_squeeze %dma_start3A_250 : memref<1x64xi32, #tpu.memory_space<vmem>> -> memref<64xi32, #tpu.memory_space<vmem>>
        %dma_start3A_252 = arith.constant 0 : i32
        %dma_start3A_253 = tpu.memref_slice %arg24[%dma_start3A_252] : memref<10240xf32, #tpu.memory_space<vmem_shared>> -> memref<10240xf32, #tpu.memory_space<vmem_shared>>
        tpu.enqueue_indirect_dma source(%arg23 : memref<64xf32, #tpu.memory_space<vmem>>) target(%dma_start3A_253 : memref<10240xf32, #tpu.memory_space<vmem_shared>>) offsets(%dma_start3A_251 : memref<64xi32, #tpu.memory_space<vmem>>) semaphore(%run_scoped3A : memref<!tpu.dma_semaphore, #tpu.memory_space<semaphore_mem>>) {add = true}
        %dma_wait3A_254 = arith.constant 0 : i32
        %dma_wait3A_255 = tpu.memref_slice %arg11[%rem3A_137, %dma_wait3A_254] : memref<32x64xi32, #tpu.memory_space<vmem>> -> memref<1x64xi32, #tpu.memory_space<vmem>>
        %dma_wait3A_256 = tpu.memref_squeeze %dma_wait3A_255 : memref<1x64xi32, #tpu.memory_space<vmem>> -> memref<64xi32, #tpu.memory_space<vmem>>
        %dma_wait3A_257 = arith.constant 0 : i32
        %dma_wait3A_258 = tpu.memref_slice %arg24[%dma_wait3A_257] : memref<10240xf32, #tpu.memory_space<vmem_shared>> -> memref<10240xf32, #tpu.memory_space<vmem_shared>>
        tpu.wait_indirect_dma semaphore(%run_scoped3A : memref<!tpu.dma_semaphore, #tpu.memory_space<semaphore_mem>>) src(%arg23 : memref<64xf32, #tpu.memory_space<vmem>>) dst(%dma_wait3A_258 : memref<10240xf32, #tpu.memory_space<vmem_shared>>)
        tpu.yield
      }) : () -> ()
      %add3A_138 = arith.constant 4 : i32
      %add3A_139 = arith.addi %add3A_92, %add3A_138 : i32
      %lt3A_140 = arith.cmpi slt, %add3A_139, %select_n3A : i32
      %convert_element_type3A_141 = arith.extui %lt3A_140 : i1 to i32
      %cond3A_142 = arith.constant 0 : i32
      %cond3A_143 = arith.cmpi ne, %convert_element_type3A_141, %cond3A_142 : i32
      scf.if %cond3A_143 {
        %rem3A_250 = arith.constant 16 : i32
        %rem3A_251 = arith.remsi %add3A_139, %rem3A_250 : i32
        %eq3A_252 = arith.constant 0 : i32
        %eq3A_253 = arith.cmpi eq, %rem3A_251, %eq3A_252 : i32
        %convert_element_type3A_254 = arith.extui %eq3A_253 : i1 to i32
        %cond3A_255 = arith.constant 0 : i32
        %cond3A_256 = arith.cmpi ne, %convert_element_type3A_254, %cond3A_255 : i32
        scf.if %cond3A_256 {
          %add3A_264 = arith.addi %multiple_of3A, %add3A_139 : i32
          %multiple_of3A_265 = tpu.assume_multiple %add3A_264, 8 : i32
          %jit3A_266 = arith.constant 16 : i32
          %div3A_267 = arith.divsi %add3A_139, %jit3A_266 : i32
          %sign3A_268 = arith.constant 0 : i32
          %sign3A_269 = arith.cmpi sgt, %add3A_139, %sign3A_268 : i32
          %sign3A_270 = arith.extui %sign3A_269 : i1 to i32
          %sign3A_271 = arith.constant 0 : i32
          %sign3A_272 = arith.cmpi slt, %add3A_139, %sign3A_271 : i32
          %sign3A_273 = arith.extui %sign3A_272 : i1 to i32
          %sign3A_274 = arith.subi %sign3A_270, %sign3A_273 : i32
          %sign3A_275 = arith.constant 0 : i32
          %sign3A_276 = arith.cmpi sgt, %jit3A_266, %sign3A_275 : i32
          %sign3A_277 = arith.extui %sign3A_276 : i1 to i32
          %sign3A_278 = arith.constant 0 : i32
          %sign3A_279 = arith.cmpi slt, %jit3A_266, %sign3A_278 : i32
          %sign3A_280 = arith.extui %sign3A_279 : i1 to i32
          %sign3A_281 = arith.subi %sign3A_277, %sign3A_280 : i32
          %ne3A_282 = arith.cmpi ne, %sign3A_274, %sign3A_281 : i32
          %rem3A_283 = arith.remsi %add3A_139, %jit3A_266 : i32
          %ne3A_284 = arith.constant 0 : i32
          %ne3A_285 = arith.cmpi ne, %rem3A_283, %ne3A_284 : i32
          %and3A_286 = arith.andi %ne3A_282, %ne3A_285 : i1
          %sub3A_287 = arith.constant 1 : i32
          %sub3A_288 = arith.subi %div3A_267, %sub3A_287 : i32
          %select_n3A_289 = arith.select %and3A_286, %sub3A_288, %div3A_267 : i32
          %rem3A_290 = arith.constant 2 : i32
          %rem3A_291 = arith.remsi %select_n3A_289, %rem3A_290 : i32
          %mul3A_292 = arith.constant 16 : i32
          %mul3A_293 = arith.muli %rem3A_291, %mul3A_292 : i32
          %multiple_of3A_294 = tpu.assume_multiple %mul3A_293, 8 : i32
          %dma_wait3A_295 = arith.constant 0 : i32
          %dma_wait3A_296 = tpu.memref_slice %arg10[%multiple_of3A_294, %dma_wait3A_295] : memref<32x64xi32, #tpu.memory_space<vmem>> -> memref<16x64xi32, #tpu.memory_space<vmem>>
          %dma_wait3A_297 = arith.constant 0 : i32
          %dma_wait3A_298 = tpu.memref_slice %arg3[%multiple_of3A_265, %dma_wait3A_297] : memref<5120x64xi32, #tpu.memory_space<hbm>> -> memref<16x64xi32, #tpu.memory_space<hbm>>
          %dma_wait3A_299 = arith.constant 0 : i32
          %dma_wait3A_300 = tpu.memref_slice %arg10[%multiple_of3A_294, %dma_wait3A_299] : memref<32x64xi32, #tpu.memory_space<vmem>> -> memref<16x64xi32, #tpu.memory_space<vmem>>
          %dma_wait3A_301 = arith.constant 0 : i32
          %dma_wait3A_302 = tpu.memref_slice %arg3[%multiple_of3A_265, %dma_wait3A_301] : memref<5120x64xi32, #tpu.memory_space<hbm>> -> memref<16x64xi32, #tpu.memory_space<hbm>>
          tpu.wait_dma2 semaphore(%arg21 : memref<!tpu.dma_semaphore, #tpu.memory_space<semaphore_mem>>) src(%dma_wait3A_302 : memref<16x64xi32, #tpu.memory_space<hbm>>) dst(%dma_wait3A_300 : memref<16x64xi32, #tpu.memory_space<vmem>>)
        } else {
        }
        %rem3A_257 = arith.constant 32 : i32
        %rem3A_258 = arith.remsi %add3A_139, %rem3A_257 : i32
        %dma_start3A = arith.constant 0 : i32
        %dma_start3A_259 = tpu.memref_slice %arg10[%rem3A_258, %dma_start3A] : memref<32x64xi32, #tpu.memory_space<vmem>> -> memref<1x64xi32, #tpu.memory_space<vmem>>
        %dma_start3A_260 = tpu.memref_squeeze %dma_start3A_259 : memref<1x64xi32, #tpu.memory_space<vmem>> -> memref<64xi32, #tpu.memory_space<vmem>>
        %dma_start3A_261 = arith.constant 0 : i32
        %dma_start3A_262 = arith.constant 0 : i32
        %dma_start3A_263 = tpu.memref_slice %arg2[%dma_start3A_261, %dma_start3A_262] : memref<10240x128xf32, #tpu.memory_space<hbm>> -> memref<10240x128xf32, #tpu.memory_space<hbm>>
        tpu.enqueue_indirect_dma source(%dma_start3A_263 : memref<10240x128xf32, #tpu.memory_space<hbm>>) target(%arg13 : memref<64x128xf32, #tpu.memory_space<vmem>>) offsets(%dma_start3A_260 : memref<64xi32, #tpu.memory_space<vmem>>) semaphore(%arg18 : memref<!tpu.dma_semaphore, #tpu.memory_space<semaphore_mem>>)
      } else {
      }
      %add3A_144 = arith.constant 2 : i32
      %add3A_145 = arith.addi %add3A_43, %add3A_144 : i32
      %jit3A_146 = arith.constant 16 : i32
      %div3A_147 = arith.divsi %add3A_145, %jit3A_146 : i32
      %sign3A_148 = arith.constant 0 : i32
      %sign3A_149 = arith.cmpi sgt, %add3A_145, %sign3A_148 : i32
      %sign3A_150 = arith.extui %sign3A_149 : i1 to i32
      %sign3A_151 = arith.constant 0 : i32
      %sign3A_152 = arith.cmpi slt, %add3A_145, %sign3A_151 : i32
      %sign3A_153 = arith.extui %sign3A_152 : i1 to i32
      %sign3A_154 = arith.subi %sign3A_150, %sign3A_153 : i32
      %sign3A_155 = arith.constant 0 : i32
      %sign3A_156 = arith.cmpi sgt, %jit3A_146, %sign3A_155 : i32
      %sign3A_157 = arith.extui %sign3A_156 : i1 to i32
      %sign3A_158 = arith.constant 0 : i32
      %sign3A_159 = arith.cmpi slt, %jit3A_146, %sign3A_158 : i32
      %sign3A_160 = arith.extui %sign3A_159 : i1 to i32
      %sign3A_161 = arith.subi %sign3A_157, %sign3A_160 : i32
      %ne3A_162 = arith.cmpi ne, %sign3A_154, %sign3A_161 : i32
      %rem3A_163 = arith.remsi %add3A_145, %jit3A_146 : i32
      %ne3A_164 = arith.constant 0 : i32
      %ne3A_165 = arith.cmpi ne, %rem3A_163, %ne3A_164 : i32
      %and3A_166 = arith.andi %ne3A_162, %ne3A_165 : i1
      %sub3A_167 = arith.constant 1 : i32
      %sub3A_168 = arith.subi %div3A_147, %sub3A_167 : i32
      %select_n3A_169 = arith.select %and3A_166, %sub3A_168, %div3A_147 : i32
      %rem3A_170 = arith.constant 16 : i32
      %rem3A_171 = arith.remsi %add3A_145, %rem3A_170 : i32
      %eq3A_172 = arith.constant 0 : i32
      %eq3A_173 = arith.cmpi eq, %rem3A_171, %eq3A_172 : i32
      %gt3A_174 = arith.constant 0 : i32
      %gt3A_175 = arith.cmpi sgt, %add3A_145, %gt3A_174 : i32
      %and3A_176 = arith.andi %eq3A_173, %gt3A_175 : i1
      %convert_element_type3A_177 = arith.extui %and3A_176 : i1 to i32
      %cond3A_178 = arith.constant 0 : i32
      %cond3A_179 = arith.cmpi ne, %convert_element_type3A_177, %cond3A_178 : i32
      scf.if %cond3A_179 {
        %add3A_250 = arith.addi %multiple_of3A, %add3A_145 : i32
        %multiple_of3A_251 = tpu.assume_multiple %add3A_250, 8 : i32
        %rem3A_252 = arith.constant 2 : i32
        %rem3A_253 = arith.remsi %select_n3A_169, %rem3A_252 : i32
        %mul3A_254 = arith.constant 16 : i32
        %mul3A_255 = arith.muli %rem3A_253, %mul3A_254 : i32
        %multiple_of3A_256 = tpu.assume_multiple %mul3A_255, 8 : i32
        %dma_wait3A_257 = arith.constant 0 : i32
        %dma_wait3A_258 = tpu.memref_slice %arg11[%multiple_of3A_256, %dma_wait3A_257] : memref<32x64xi32, #tpu.memory_space<vmem>> -> memref<16x64xi32, #tpu.memory_space<vmem>>
        %dma_wait3A_259 = arith.constant 0 : i32
        %dma_wait3A_260 = tpu.memref_slice %arg4[%multiple_of3A_251, %dma_wait3A_259] : memref<5120x64xi32, #tpu.memory_space<hbm>> -> memref<16x64xi32, #tpu.memory_space<hbm>>
        %dma_wait3A_261 = arith.constant 0 : i32
        %dma_wait3A_262 = tpu.memref_slice %arg11[%multiple_of3A_256, %dma_wait3A_261] : memref<32x64xi32, #tpu.memory_space<vmem>> -> memref<16x64xi32, #tpu.memory_space<vmem>>
        %dma_wait3A_263 = arith.constant 0 : i32
        %dma_wait3A_264 = tpu.memref_slice %arg4[%multiple_of3A_251, %dma_wait3A_263] : memref<5120x64xi32, #tpu.memory_space<hbm>> -> memref<16x64xi32, #tpu.memory_space<hbm>>
        tpu.wait_dma2 semaphore(%arg22 : memref<!tpu.dma_semaphore, #tpu.memory_space<semaphore_mem>>) src(%dma_wait3A_264 : memref<16x64xi32, #tpu.memory_space<hbm>>) dst(%dma_wait3A_262 : memref<16x64xi32, #tpu.memory_space<vmem>>)
        %add3A_265 = arith.constant 16 : i32
        %add3A_266 = arith.addi %add3A_145, %add3A_265 : i32
        %lt3A_267 = arith.cmpi slt, %add3A_266, %select_n3A : i32
        %convert_element_type3A_268 = arith.extui %lt3A_267 : i1 to i32
        %cond3A_269 = arith.constant 0 : i32
        %cond3A_270 = arith.cmpi ne, %convert_element_type3A_268, %cond3A_269 : i32
        scf.if %cond3A_270 {
          %add3A_271 = arith.constant 16 : i32
          %add3A_272 = arith.addi %add3A_145, %add3A_271 : i32
          %add3A_273 = arith.addi %multiple_of3A, %add3A_272 : i32
          %multiple_of3A_274 = tpu.assume_multiple %add3A_273, 8 : i32
          %add3A_275 = arith.constant 1 : i32
          %add3A_276 = arith.addi %select_n3A_169, %add3A_275 : i32
          %rem3A_277 = arith.constant 2 : i32
          %rem3A_278 = arith.remsi %add3A_276, %rem3A_277 : i32
          %mul3A_279 = arith.constant 16 : i32
          %mul3A_280 = arith.muli %rem3A_278, %mul3A_279 : i32
          %multiple_of3A_281 = tpu.assume_multiple %mul3A_280, 8 : i32
          %dma_start3A = arith.constant 0 : i32
          %dma_start3A_282 = tpu.memref_slice %arg10[%multiple_of3A_281, %dma_start3A] : memref<32x64xi32, #tpu.memory_space<vmem>> -> memref<16x64xi32, #tpu.memory_space<vmem>>
          %dma_start3A_283 = arith.constant 0 : i32
          %dma_start3A_284 = tpu.memref_slice %arg3[%multiple_of3A_274, %dma_start3A_283] : memref<5120x64xi32, #tpu.memory_space<hbm>> -> memref<16x64xi32, #tpu.memory_space<hbm>>
          %dma_start3A_285 = arith.constant 0 : i32
          %dma_start3A_286 = tpu.memref_slice %arg10[%multiple_of3A_281, %dma_start3A_285] : memref<32x64xi32, #tpu.memory_space<vmem>> -> memref<16x64xi32, #tpu.memory_space<vmem>>
          %dma_start3A_287 = arith.constant 0 : i32
          %dma_start3A_288 = tpu.memref_slice %arg3[%multiple_of3A_274, %dma_start3A_287] : memref<5120x64xi32, #tpu.memory_space<hbm>> -> memref<16x64xi32, #tpu.memory_space<hbm>>
          tpu.enqueue_dma source(%dma_start3A_288 : memref<16x64xi32, #tpu.memory_space<hbm>>) target(%dma_start3A_286 : memref<16x64xi32, #tpu.memory_space<vmem>>) target_semaphore(%arg21 : memref<!tpu.dma_semaphore, #tpu.memory_space<semaphore_mem>>)
          %add3A_289 = arith.constant 16 : i32
          %add3A_290 = arith.addi %add3A_145, %add3A_289 : i32
          %add3A_291 = arith.addi %multiple_of3A, %add3A_290 : i32
          %multiple_of3A_292 = tpu.assume_multiple %add3A_291, 8 : i32
          %add3A_293 = arith.constant 1 : i32
          %add3A_294 = arith.addi %select_n3A_169, %add3A_293 : i32
          %rem3A_295 = arith.constant 2 : i32
          %rem3A_296 = arith.remsi %add3A_294, %rem3A_295 : i32
          %mul3A_297 = arith.constant 16 : i32
          %mul3A_298 = arith.muli %rem3A_296, %mul3A_297 : i32
          %multiple_of3A_299 = tpu.assume_multiple %mul3A_298, 8 : i32
          %dma_start3A_300 = arith.constant 0 : i32
          %dma_start3A_301 = tpu.memref_slice %arg11[%multiple_of3A_299, %dma_start3A_300] : memref<32x64xi32, #tpu.memory_space<vmem>> -> memref<16x64xi32, #tpu.memory_space<vmem>>
          %dma_start3A_302 = arith.constant 0 : i32
          %dma_start3A_303 = tpu.memref_slice %arg4[%multiple_of3A_292, %dma_start3A_302] : memref<5120x64xi32, #tpu.memory_space<hbm>> -> memref<16x64xi32, #tpu.memory_space<hbm>>
          %dma_start3A_304 = arith.constant 0 : i32
          %dma_start3A_305 = tpu.memref_slice %arg11[%multiple_of3A_299, %dma_start3A_304] : memref<32x64xi32, #tpu.memory_space<vmem>> -> memref<16x64xi32, #tpu.memory_space<vmem>>
          %dma_start3A_306 = arith.constant 0 : i32
          %dma_start3A_307 = tpu.memref_slice %arg4[%multiple_of3A_292, %dma_start3A_306] : memref<5120x64xi32, #tpu.memory_space<hbm>> -> memref<16x64xi32, #tpu.memory_space<hbm>>
          tpu.enqueue_dma source(%dma_start3A_307 : memref<16x64xi32, #tpu.memory_space<hbm>>) target(%dma_start3A_305 : memref<16x64xi32, #tpu.memory_space<vmem>>) target_semaphore(%arg22 : memref<!tpu.dma_semaphore, #tpu.memory_space<semaphore_mem>>)
        } else {
        }
      } else {
      }
      %dma_wait3A_180 = arith.constant 0 : i32
      %dma_wait3A_181 = arith.constant 0 : i32
      %dma_wait3A_182 = tpu.memref_slice %arg10[%dma_wait3A_180, %dma_wait3A_181] : memref<32x64xi32, #tpu.memory_space<vmem>> -> memref<1x64xi32, #tpu.memory_space<vmem>>
      %dma_wait3A_183 = tpu.memref_squeeze %dma_wait3A_182 : memref<1x64xi32, #tpu.memory_space<vmem>> -> memref<64xi32, #tpu.memory_space<vmem>>
      %dma_wait3A_184 = arith.constant 0 : i32
      %dma_wait3A_185 = arith.constant 0 : i32
      %dma_wait3A_186 = tpu.memref_slice %arg2[%dma_wait3A_184, %dma_wait3A_185] : memref<10240x128xf32, #tpu.memory_space<hbm>> -> memref<10240x128xf32, #tpu.memory_space<hbm>>
      tpu.wait_indirect_dma semaphore(%arg19 : memref<!tpu.dma_semaphore, #tpu.memory_space<semaphore_mem>>) src(%dma_wait3A_186 : memref<10240x128xf32, #tpu.memory_space<hbm>>) dst(%arg14 : memref<64x128xf32, #tpu.memory_space<vmem>>)
      %rem3A_187 = arith.constant 32 : i32
      %rem3A_188 = arith.remsi %add3A_145, %rem3A_187 : i32
      "tpu.region"() ({
        %run_scoped3A = tpu.sem_alloc : memref<!tpu.dma_semaphore, #tpu.memory_space<semaphore_mem>>
        %dma_start3A = arith.constant 0 : i32
        %dma_start3A_250 = tpu.memref_slice %arg11[%rem3A_188, %dma_start3A] : memref<32x64xi32, #tpu.memory_space<vmem>> -> memref<1x64xi32, #tpu.memory_space<vmem>>
        %dma_start3A_251 = tpu.memref_squeeze %dma_start3A_250 : memref<1x64xi32, #tpu.memory_space<vmem>> -> memref<64xi32, #tpu.memory_space<vmem>>
        %dma_start3A_252 = arith.constant 0 : i32
        %dma_start3A_253 = arith.constant 0 : i32
        %dma_start3A_254 = tpu.memref_slice %arg16[%dma_start3A_252, %dma_start3A_253] : memref<10240x128xf32, #tpu.memory_space<vmem_shared>> -> memref<10240x128xf32, #tpu.memory_space<vmem_shared>>
        tpu.enqueue_indirect_dma source(%arg14 : memref<64x128xf32, #tpu.memory_space<vmem>>) target(%dma_start3A_254 : memref<10240x128xf32, #tpu.memory_space<vmem_shared>>) offsets(%dma_start3A_251 : memref<64xi32, #tpu.memory_space<vmem>>) semaphore(%run_scoped3A : memref<!tpu.dma_semaphore, #tpu.memory_space<semaphore_mem>>) {add = true}
        %dma_wait3A_255 = arith.constant 0 : i32
        %dma_wait3A_256 = tpu.memref_slice %arg11[%rem3A_188, %dma_wait3A_255] : memref<32x64xi32, #tpu.memory_space<vmem>> -> memref<1x64xi32, #tpu.memory_space<vmem>>
        %dma_wait3A_257 = tpu.memref_squeeze %dma_wait3A_256 : memref<1x64xi32, #tpu.memory_space<vmem>> -> memref<64xi32, #tpu.memory_space<vmem>>
        %dma_wait3A_258 = arith.constant 0 : i32
        %dma_wait3A_259 = arith.constant 0 : i32
        %dma_wait3A_260 = tpu.memref_slice %arg16[%dma_wait3A_258, %dma_wait3A_259] : memref<10240x128xf32, #tpu.memory_space<vmem_shared>> -> memref<10240x128xf32, #tpu.memory_space<vmem_shared>>
        tpu.wait_indirect_dma semaphore(%run_scoped3A : memref<!tpu.dma_semaphore, #tpu.memory_space<semaphore_mem>>) src(%arg14 : memref<64x128xf32, #tpu.memory_space<vmem>>) dst(%dma_wait3A_260 : memref<10240x128xf32, #tpu.memory_space<vmem_shared>>)
        tpu.yield
      }) : () -> ()
      %rem3A_189 = arith.constant 32 : i32
      %rem3A_190 = arith.remsi %add3A_145, %rem3A_189 : i32
      "tpu.region"() ({
        %run_scoped3A = tpu.sem_alloc : memref<!tpu.dma_semaphore, #tpu.memory_space<semaphore_mem>>
        %dma_start3A = arith.constant 0 : i32
        %dma_start3A_250 = tpu.memref_slice %arg11[%rem3A_190, %dma_start3A] : memref<32x64xi32, #tpu.memory_space<vmem>> -> memref<1x64xi32, #tpu.memory_space<vmem>>
        %dma_start3A_251 = tpu.memref_squeeze %dma_start3A_250 : memref<1x64xi32, #tpu.memory_space<vmem>> -> memref<64xi32, #tpu.memory_space<vmem>>
        %dma_start3A_252 = arith.constant 0 : i32
        %dma_start3A_253 = tpu.memref_slice %arg24[%dma_start3A_252] : memref<10240xf32, #tpu.memory_space<vmem_shared>> -> memref<10240xf32, #tpu.memory_space<vmem_shared>>
        tpu.enqueue_indirect_dma source(%arg23 : memref<64xf32, #tpu.memory_space<vmem>>) target(%dma_start3A_253 : memref<10240xf32, #tpu.memory_space<vmem_shared>>) offsets(%dma_start3A_251 : memref<64xi32, #tpu.memory_space<vmem>>) semaphore(%run_scoped3A : memref<!tpu.dma_semaphore, #tpu.memory_space<semaphore_mem>>) {add = true}
        %dma_wait3A_254 = arith.constant 0 : i32
        %dma_wait3A_255 = tpu.memref_slice %arg11[%rem3A_190, %dma_wait3A_254] : memref<32x64xi32, #tpu.memory_space<vmem>> -> memref<1x64xi32, #tpu.memory_space<vmem>>
        %dma_wait3A_256 = tpu.memref_squeeze %dma_wait3A_255 : memref<1x64xi32, #tpu.memory_space<vmem>> -> memref<64xi32, #tpu.memory_space<vmem>>
        %dma_wait3A_257 = arith.constant 0 : i32
        %dma_wait3A_258 = tpu.memref_slice %arg24[%dma_wait3A_257] : memref<10240xf32, #tpu.memory_space<vmem_shared>> -> memref<10240xf32, #tpu.memory_space<vmem_shared>>
        tpu.wait_indirect_dma semaphore(%run_scoped3A : memref<!tpu.dma_semaphore, #tpu.memory_space<semaphore_mem>>) src(%arg23 : memref<64xf32, #tpu.memory_space<vmem>>) dst(%dma_wait3A_258 : memref<10240xf32, #tpu.memory_space<vmem_shared>>)
        tpu.yield
      }) : () -> ()
      %add3A_191 = arith.constant 4 : i32
      %add3A_192 = arith.addi %add3A_145, %add3A_191 : i32
      %lt3A_193 = arith.cmpi slt, %add3A_192, %select_n3A : i32
      %convert_element_type3A_194 = arith.extui %lt3A_193 : i1 to i32
      %cond3A_195 = arith.constant 0 : i32
      %cond3A_196 = arith.cmpi ne, %convert_element_type3A_194, %cond3A_195 : i32
      scf.if %cond3A_196 {
        %rem3A_250 = arith.constant 16 : i32
        %rem3A_251 = arith.remsi %add3A_192, %rem3A_250 : i32
        %eq3A_252 = arith.constant 0 : i32
        %eq3A_253 = arith.cmpi eq, %rem3A_251, %eq3A_252 : i32
        %convert_element_type3A_254 = arith.extui %eq3A_253 : i1 to i32
        %cond3A_255 = arith.constant 0 : i32
        %cond3A_256 = arith.cmpi ne, %convert_element_type3A_254, %cond3A_255 : i32
        scf.if %cond3A_256 {
          %add3A_264 = arith.addi %multiple_of3A, %add3A_192 : i32
          %multiple_of3A_265 = tpu.assume_multiple %add3A_264, 8 : i32
          %jit3A_266 = arith.constant 16 : i32
          %div3A_267 = arith.divsi %add3A_192, %jit3A_266 : i32
          %sign3A_268 = arith.constant 0 : i32
          %sign3A_269 = arith.cmpi sgt, %add3A_192, %sign3A_268 : i32
          %sign3A_270 = arith.extui %sign3A_269 : i1 to i32
          %sign3A_271 = arith.constant 0 : i32
          %sign3A_272 = arith.cmpi slt, %add3A_192, %sign3A_271 : i32
          %sign3A_273 = arith.extui %sign3A_272 : i1 to i32
          %sign3A_274 = arith.subi %sign3A_270, %sign3A_273 : i32
          %sign3A_275 = arith.constant 0 : i32
          %sign3A_276 = arith.cmpi sgt, %jit3A_266, %sign3A_275 : i32
          %sign3A_277 = arith.extui %sign3A_276 : i1 to i32
          %sign3A_278 = arith.constant 0 : i32
          %sign3A_279 = arith.cmpi slt, %jit3A_266, %sign3A_278 : i32
          %sign3A_280 = arith.extui %sign3A_279 : i1 to i32
          %sign3A_281 = arith.subi %sign3A_277, %sign3A_280 : i32
          %ne3A_282 = arith.cmpi ne, %sign3A_274, %sign3A_281 : i32
          %rem3A_283 = arith.remsi %add3A_192, %jit3A_266 : i32
          %ne3A_284 = arith.constant 0 : i32
          %ne3A_285 = arith.cmpi ne, %rem3A_283, %ne3A_284 : i32
          %and3A_286 = arith.andi %ne3A_282, %ne3A_285 : i1
          %sub3A_287 = arith.constant 1 : i32
          %sub3A_288 = arith.subi %div3A_267, %sub3A_287 : i32
          %select_n3A_289 = arith.select %and3A_286, %sub3A_288, %div3A_267 : i32
          %rem3A_290 = arith.constant 2 : i32
          %rem3A_291 = arith.remsi %select_n3A_289, %rem3A_290 : i32
          %mul3A_292 = arith.constant 16 : i32
          %mul3A_293 = arith.muli %rem3A_291, %mul3A_292 : i32
          %multiple_of3A_294 = tpu.assume_multiple %mul3A_293, 8 : i32
          %dma_wait3A_295 = arith.constant 0 : i32
          %dma_wait3A_296 = tpu.memref_slice %arg10[%multiple_of3A_294, %dma_wait3A_295] : memref<32x64xi32, #tpu.memory_space<vmem>> -> memref<16x64xi32, #tpu.memory_space<vmem>>
          %dma_wait3A_297 = arith.constant 0 : i32
          %dma_wait3A_298 = tpu.memref_slice %arg3[%multiple_of3A_265, %dma_wait3A_297] : memref<5120x64xi32, #tpu.memory_space<hbm>> -> memref<16x64xi32, #tpu.memory_space<hbm>>
          %dma_wait3A_299 = arith.constant 0 : i32
          %dma_wait3A_300 = tpu.memref_slice %arg10[%multiple_of3A_294, %dma_wait3A_299] : memref<32x64xi32, #tpu.memory_space<vmem>> -> memref<16x64xi32, #tpu.memory_space<vmem>>
          %dma_wait3A_301 = arith.constant 0 : i32
          %dma_wait3A_302 = tpu.memref_slice %arg3[%multiple_of3A_265, %dma_wait3A_301] : memref<5120x64xi32, #tpu.memory_space<hbm>> -> memref<16x64xi32, #tpu.memory_space<hbm>>
          tpu.wait_dma2 semaphore(%arg21 : memref<!tpu.dma_semaphore, #tpu.memory_space<semaphore_mem>>) src(%dma_wait3A_302 : memref<16x64xi32, #tpu.memory_space<hbm>>) dst(%dma_wait3A_300 : memref<16x64xi32, #tpu.memory_space<vmem>>)
        } else {
        }
        %rem3A_257 = arith.constant 32 : i32
        %rem3A_258 = arith.remsi %add3A_192, %rem3A_257 : i32
        %dma_start3A = arith.constant 0 : i32
        %dma_start3A_259 = tpu.memref_slice %arg10[%rem3A_258, %dma_start3A] : memref<32x64xi32, #tpu.memory_space<vmem>> -> memref<1x64xi32, #tpu.memory_space<vmem>>
        %dma_start3A_260 = tpu.memref_squeeze %dma_start3A_259 : memref<1x64xi32, #tpu.memory_space<vmem>> -> memref<64xi32, #tpu.memory_space<vmem>>
        %dma_start3A_261 = arith.constant 0 : i32
        %dma_start3A_262 = arith.constant 0 : i32
        %dma_start3A_263 = tpu.memref_slice %arg2[%dma_start3A_261, %dma_start3A_262] : memref<10240x128xf32, #tpu.memory_space<hbm>> -> memref<10240x128xf32, #tpu.memory_space<hbm>>
        tpu.enqueue_indirect_dma source(%dma_start3A_263 : memref<10240x128xf32, #tpu.memory_space<hbm>>) target(%arg14 : memref<64x128xf32, #tpu.memory_space<vmem>>) offsets(%dma_start3A_260 : memref<64xi32, #tpu.memory_space<vmem>>) semaphore(%arg19 : memref<!tpu.dma_semaphore, #tpu.memory_space<semaphore_mem>>)
      } else {
      }
      %add3A_197 = arith.constant 3 : i32
      %add3A_198 = arith.addi %add3A_43, %add3A_197 : i32
      %jit3A_199 = arith.constant 16 : i32
      %div3A_200 = arith.divsi %add3A_198, %jit3A_199 : i32
      %sign3A_201 = arith.constant 0 : i32
      %sign3A_202 = arith.cmpi sgt, %add3A_198, %sign3A_201 : i32
      %sign3A_203 = arith.extui %sign3A_202 : i1 to i32
      %sign3A_204 = arith.constant 0 : i32
      %sign3A_205 = arith.cmpi slt, %add3A_198, %sign3A_204 : i32
      %sign3A_206 = arith.extui %sign3A_205 : i1 to i32
      %sign3A_207 = arith.subi %sign3A_203, %sign3A_206 : i32
      %sign3A_208 = arith.constant 0 : i32
      %sign3A_209 = arith.cmpi sgt, %jit3A_199, %sign3A_208 : i32
      %sign3A_210 = arith.extui %sign3A_209 : i1 to i32
      %sign3A_211 = arith.constant 0 : i32
      %sign3A_212 = arith.cmpi slt, %jit3A_199, %sign3A_211 : i32
      %sign3A_213 = arith.extui %sign3A_212 : i1 to i32
      %sign3A_214 = arith.subi %sign3A_210, %sign3A_213 : i32
      %ne3A_215 = arith.cmpi ne, %sign3A_207, %sign3A_214 : i32
      %rem3A_216 = arith.remsi %add3A_198, %jit3A_199 : i32
      %ne3A_217 = arith.constant 0 : i32
      %ne3A_218 = arith.cmpi ne, %rem3A_216, %ne3A_217 : i32
      %and3A_219 = arith.andi %ne3A_215, %ne3A_218 : i1
      %sub3A_220 = arith.constant 1 : i32
      %sub3A_221 = arith.subi %div3A_200, %sub3A_220 : i32
      %select_n3A_222 = arith.select %and3A_219, %sub3A_221, %div3A_200 : i32
      %rem3A_223 = arith.constant 16 : i32
      %rem3A_224 = arith.remsi %add3A_198, %rem3A_223 : i32
      %eq3A_225 = arith.constant 0 : i32
      %eq3A_226 = arith.cmpi eq, %rem3A_224, %eq3A_225 : i32
      %gt3A_227 = arith.constant 0 : i32
      %gt3A_228 = arith.cmpi sgt, %add3A_198, %gt3A_227 : i32
      %and3A_229 = arith.andi %eq3A_226, %gt3A_228 : i1
      %convert_element_type3A_230 = arith.extui %and3A_229 : i1 to i32
      %cond3A_231 = arith.constant 0 : i32
      %cond3A_232 = arith.cmpi ne, %convert_element_type3A_230, %cond3A_231 : i32
      scf.if %cond3A_232 {
        %add3A_250 = arith.addi %multiple_of3A, %add3A_198 : i32
        %multiple_of3A_251 = tpu.assume_multiple %add3A_250, 8 : i32
        %rem3A_252 = arith.constant 2 : i32
        %rem3A_253 = arith.remsi %select_n3A_222, %rem3A_252 : i32
        %mul3A_254 = arith.constant 16 : i32
        %mul3A_255 = arith.muli %rem3A_253, %mul3A_254 : i32
        %multiple_of3A_256 = tpu.assume_multiple %mul3A_255, 8 : i32
        %dma_wait3A_257 = arith.constant 0 : i32
        %dma_wait3A_258 = tpu.memref_slice %arg11[%multiple_of3A_256, %dma_wait3A_257] : memref<32x64xi32, #tpu.memory_space<vmem>> -> memref<16x64xi32, #tpu.memory_space<vmem>>
        %dma_wait3A_259 = arith.constant 0 : i32
        %dma_wait3A_260 = tpu.memref_slice %arg4[%multiple_of3A_251, %dma_wait3A_259] : memref<5120x64xi32, #tpu.memory_space<hbm>> -> memref<16x64xi32, #tpu.memory_space<hbm>>
        %dma_wait3A_261 = arith.constant 0 : i32
        %dma_wait3A_262 = tpu.memref_slice %arg11[%multiple_of3A_256, %dma_wait3A_261] : memref<32x64xi32, #tpu.memory_space<vmem>> -> memref<16x64xi32, #tpu.memory_space<vmem>>
        %dma_wait3A_263 = arith.constant 0 : i32
        %dma_wait3A_264 = tpu.memref_slice %arg4[%multiple_of3A_251, %dma_wait3A_263] : memref<5120x64xi32, #tpu.memory_space<hbm>> -> memref<16x64xi32, #tpu.memory_space<hbm>>
        tpu.wait_dma2 semaphore(%arg22 : memref<!tpu.dma_semaphore, #tpu.memory_space<semaphore_mem>>) src(%dma_wait3A_264 : memref<16x64xi32, #tpu.memory_space<hbm>>) dst(%dma_wait3A_262 : memref<16x64xi32, #tpu.memory_space<vmem>>)
        %add3A_265 = arith.constant 16 : i32
        %add3A_266 = arith.addi %add3A_198, %add3A_265 : i32
        %lt3A_267 = arith.cmpi slt, %add3A_266, %select_n3A : i32
        %convert_element_type3A_268 = arith.extui %lt3A_267 : i1 to i32
        %cond3A_269 = arith.constant 0 : i32
        %cond3A_270 = arith.cmpi ne, %convert_element_type3A_268, %cond3A_269 : i32
        scf.if %cond3A_270 {
          %add3A_271 = arith.constant 16 : i32
          %add3A_272 = arith.addi %add3A_198, %add3A_271 : i32
          %add3A_273 = arith.addi %multiple_of3A, %add3A_272 : i32
          %multiple_of3A_274 = tpu.assume_multiple %add3A_273, 8 : i32
          %add3A_275 = arith.constant 1 : i32
          %add3A_276 = arith.addi %select_n3A_222, %add3A_275 : i32
          %rem3A_277 = arith.constant 2 : i32
          %rem3A_278 = arith.remsi %add3A_276, %rem3A_277 : i32
          %mul3A_279 = arith.constant 16 : i32
          %mul3A_280 = arith.muli %rem3A_278, %mul3A_279 : i32
          %multiple_of3A_281 = tpu.assume_multiple %mul3A_280, 8 : i32
          %dma_start3A = arith.constant 0 : i32
          %dma_start3A_282 = tpu.memref_slice %arg10[%multiple_of3A_281, %dma_start3A] : memref<32x64xi32, #tpu.memory_space<vmem>> -> memref<16x64xi32, #tpu.memory_space<vmem>>
          %dma_start3A_283 = arith.constant 0 : i32
          %dma_start3A_284 = tpu.memref_slice %arg3[%multiple_of3A_274, %dma_start3A_283] : memref<5120x64xi32, #tpu.memory_space<hbm>> -> memref<16x64xi32, #tpu.memory_space<hbm>>
          %dma_start3A_285 = arith.constant 0 : i32
          %dma_start3A_286 = tpu.memref_slice %arg10[%multiple_of3A_281, %dma_start3A_285] : memref<32x64xi32, #tpu.memory_space<vmem>> -> memref<16x64xi32, #tpu.memory_space<vmem>>
          %dma_start3A_287 = arith.constant 0 : i32
          %dma_start3A_288 = tpu.memref_slice %arg3[%multiple_of3A_274, %dma_start3A_287] : memref<5120x64xi32, #tpu.memory_space<hbm>> -> memref<16x64xi32, #tpu.memory_space<hbm>>
          tpu.enqueue_dma source(%dma_start3A_288 : memref<16x64xi32, #tpu.memory_space<hbm>>) target(%dma_start3A_286 : memref<16x64xi32, #tpu.memory_space<vmem>>) target_semaphore(%arg21 : memref<!tpu.dma_semaphore, #tpu.memory_space<semaphore_mem>>)
          %add3A_289 = arith.constant 16 : i32
          %add3A_290 = arith.addi %add3A_198, %add3A_289 : i32
          %add3A_291 = arith.addi %multiple_of3A, %add3A_290 : i32
          %multiple_of3A_292 = tpu.assume_multiple %add3A_291, 8 : i32
          %add3A_293 = arith.constant 1 : i32
          %add3A_294 = arith.addi %select_n3A_222, %add3A_293 : i32
          %rem3A_295 = arith.constant 2 : i32
          %rem3A_296 = arith.remsi %add3A_294, %rem3A_295 : i32
          %mul3A_297 = arith.constant 16 : i32
          %mul3A_298 = arith.muli %rem3A_296, %mul3A_297 : i32
          %multiple_of3A_299 = tpu.assume_multiple %mul3A_298, 8 : i32
          %dma_start3A_300 = arith.constant 0 : i32
          %dma_start3A_301 = tpu.memref_slice %arg11[%multiple_of3A_299, %dma_start3A_300] : memref<32x64xi32, #tpu.memory_space<vmem>> -> memref<16x64xi32, #tpu.memory_space<vmem>>
          %dma_start3A_302 = arith.constant 0 : i32
          %dma_start3A_303 = tpu.memref_slice %arg4[%multiple_of3A_292, %dma_start3A_302] : memref<5120x64xi32, #tpu.memory_space<hbm>> -> memref<16x64xi32, #tpu.memory_space<hbm>>
          %dma_start3A_304 = arith.constant 0 : i32
          %dma_start3A_305 = tpu.memref_slice %arg11[%multiple_of3A_299, %dma_start3A_304] : memref<32x64xi32, #tpu.memory_space<vmem>> -> memref<16x64xi32, #tpu.memory_space<vmem>>
          %dma_start3A_306 = arith.constant 0 : i32
          %dma_start3A_307 = tpu.memref_slice %arg4[%multiple_of3A_292, %dma_start3A_306] : memref<5120x64xi32, #tpu.memory_space<hbm>> -> memref<16x64xi32, #tpu.memory_space<hbm>>
          tpu.enqueue_dma source(%dma_start3A_307 : memref<16x64xi32, #tpu.memory_space<hbm>>) target(%dma_start3A_305 : memref<16x64xi32, #tpu.memory_space<vmem>>) target_semaphore(%arg22 : memref<!tpu.dma_semaphore, #tpu.memory_space<semaphore_mem>>)
        } else {
        }
      } else {
      }
      %dma_wait3A_233 = arith.constant 0 : i32
      %dma_wait3A_234 = arith.constant 0 : i32
      %dma_wait3A_235 = tpu.memref_slice %arg10[%dma_wait3A_233, %dma_wait3A_234] : memref<32x64xi32, #tpu.memory_space<vmem>> -> memref<1x64xi32, #tpu.memory_space<vmem>>
      %dma_wait3A_236 = tpu.memref_squeeze %dma_wait3A_235 : memref<1x64xi32, #tpu.memory_space<vmem>> -> memref<64xi32, #tpu.memory_space<vmem>>
      %dma_wait3A_237 = arith.constant 0 : i32
      %dma_wait3A_238 = arith.constant 0 : i32
      %dma_wait3A_239 = tpu.memref_slice %arg2[%dma_wait3A_237, %dma_wait3A_238] : memref<10240x128xf32, #tpu.memory_space<hbm>> -> memref<10240x128xf32, #tpu.memory_space<hbm>>
      tpu.wait_indirect_dma semaphore(%arg20 : memref<!tpu.dma_semaphore, #tpu.memory_space<semaphore_mem>>) src(%dma_wait3A_239 : memref<10240x128xf32, #tpu.memory_space<hbm>>) dst(%arg15 : memref<64x128xf32, #tpu.memory_space<vmem>>)
      %rem3A_240 = arith.constant 32 : i32
      %rem3A_241 = arith.remsi %add3A_198, %rem3A_240 : i32
      "tpu.region"() ({
        %run_scoped3A = tpu.sem_alloc : memref<!tpu.dma_semaphore, #tpu.memory_space<semaphore_mem>>
        %dma_start3A = arith.constant 0 : i32
        %dma_start3A_250 = tpu.memref_slice %arg11[%rem3A_241, %dma_start3A] : memref<32x64xi32, #tpu.memory_space<vmem>> -> memref<1x64xi32, #tpu.memory_space<vmem>>
        %dma_start3A_251 = tpu.memref_squeeze %dma_start3A_250 : memref<1x64xi32, #tpu.memory_space<vmem>> -> memref<64xi32, #tpu.memory_space<vmem>>
        %dma_start3A_252 = arith.constant 0 : i32
        %dma_start3A_253 = arith.constant 0 : i32
        %dma_start3A_254 = tpu.memref_slice %arg16[%dma_start3A_252, %dma_start3A_253] : memref<10240x128xf32, #tpu.memory_space<vmem_shared>> -> memref<10240x128xf32, #tpu.memory_space<vmem_shared>>
        tpu.enqueue_indirect_dma source(%arg15 : memref<64x128xf32, #tpu.memory_space<vmem>>) target(%dma_start3A_254 : memref<10240x128xf32, #tpu.memory_space<vmem_shared>>) offsets(%dma_start3A_251 : memref<64xi32, #tpu.memory_space<vmem>>) semaphore(%run_scoped3A : memref<!tpu.dma_semaphore, #tpu.memory_space<semaphore_mem>>) {add = true}
        %dma_wait3A_255 = arith.constant 0 : i32
        %dma_wait3A_256 = tpu.memref_slice %arg11[%rem3A_241, %dma_wait3A_255] : memref<32x64xi32, #tpu.memory_space<vmem>> -> memref<1x64xi32, #tpu.memory_space<vmem>>
        %dma_wait3A_257 = tpu.memref_squeeze %dma_wait3A_256 : memref<1x64xi32, #tpu.memory_space<vmem>> -> memref<64xi32, #tpu.memory_space<vmem>>
        %dma_wait3A_258 = arith.constant 0 : i32
        %dma_wait3A_259 = arith.constant 0 : i32
        %dma_wait3A_260 = tpu.memref_slice %arg16[%dma_wait3A_258, %dma_wait3A_259] : memref<10240x128xf32, #tpu.memory_space<vmem_shared>> -> memref<10240x128xf32, #tpu.memory_space<vmem_shared>>
        tpu.wait_indirect_dma semaphore(%run_scoped3A : memref<!tpu.dma_semaphore, #tpu.memory_space<semaphore_mem>>) src(%arg15 : memref<64x128xf32, #tpu.memory_space<vmem>>) dst(%dma_wait3A_260 : memref<10240x128xf32, #tpu.memory_space<vmem_shared>>)
        tpu.yield
      }) : () -> ()
      %rem3A_242 = arith.constant 32 : i32
      %rem3A_243 = arith.remsi %add3A_198, %rem3A_242 : i32
      "tpu.region"() ({
        %run_scoped3A = tpu.sem_alloc : memref<!tpu.dma_semaphore, #tpu.memory_space<semaphore_mem>>
        %dma_start3A = arith.constant 0 : i32
        %dma_start3A_250 = tpu.memref_slice %arg11[%rem3A_243, %dma_start3A] : memref<32x64xi32, #tpu.memory_space<vmem>> -> memref<1x64xi32, #tpu.memory_space<vmem>>
        %dma_start3A_251 = tpu.memref_squeeze %dma_start3A_250 : memref<1x64xi32, #tpu.memory_space<vmem>> -> memref<64xi32, #tpu.memory_space<vmem>>
        %dma_start3A_252 = arith.constant 0 : i32
        %dma_start3A_253 = tpu.memref_slice %arg24[%dma_start3A_252] : memref<10240xf32, #tpu.memory_space<vmem_shared>> -> memref<10240xf32, #tpu.memory_space<vmem_shared>>
        tpu.enqueue_indirect_dma source(%arg23 : memref<64xf32, #tpu.memory_space<vmem>>) target(%dma_start3A_253 : memref<10240xf32, #tpu.memory_space<vmem_shared>>) offsets(%dma_start3A_251 : memref<64xi32, #tpu.memory_space<vmem>>) semaphore(%run_scoped3A : memref<!tpu.dma_semaphore, #tpu.memory_space<semaphore_mem>>) {add = true}
        %dma_wait3A_254 = arith.constant 0 : i32
        %dma_wait3A_255 = tpu.memref_slice %arg11[%rem3A_243, %dma_wait3A_254] : memref<32x64xi32, #tpu.memory_space<vmem>> -> memref<1x64xi32, #tpu.memory_space<vmem>>
        %dma_wait3A_256 = tpu.memref_squeeze %dma_wait3A_255 : memref<1x64xi32, #tpu.memory_space<vmem>> -> memref<64xi32, #tpu.memory_space<vmem>>
        %dma_wait3A_257 = arith.constant 0 : i32
        %dma_wait3A_258 = tpu.memref_slice %arg24[%dma_wait3A_257] : memref<10240xf32, #tpu.memory_space<vmem_shared>> -> memref<10240xf32, #tpu.memory_space<vmem_shared>>
        tpu.wait_indirect_dma semaphore(%run_scoped3A : memref<!tpu.dma_semaphore, #tpu.memory_space<semaphore_mem>>) src(%arg23 : memref<64xf32, #tpu.memory_space<vmem>>) dst(%dma_wait3A_258 : memref<10240xf32, #tpu.memory_space<vmem_shared>>)
        tpu.yield
      }) : () -> ()
      %add3A_244 = arith.constant 4 : i32
      %add3A_245 = arith.addi %add3A_198, %add3A_244 : i32
      %lt3A_246 = arith.cmpi slt, %add3A_245, %select_n3A : i32
      %convert_element_type3A_247 = arith.extui %lt3A_246 : i1 to i32
      %cond3A_248 = arith.constant 0 : i32
      %cond3A_249 = arith.cmpi ne, %convert_element_type3A_247, %cond3A_248 : i32
      scf.if %cond3A_249 {
        %rem3A_250 = arith.constant 16 : i32
        %rem3A_251 = arith.remsi %add3A_245, %rem3A_250 : i32
        %eq3A_252 = arith.constant 0 : i32
        %eq3A_253 = arith.cmpi eq, %rem3A_251, %eq3A_252 : i32
        %convert_element_type3A_254 = arith.extui %eq3A_253 : i1 to i32
        %cond3A_255 = arith.constant 0 : i32
        %cond3A_256 = arith.cmpi ne, %convert_element_type3A_254, %cond3A_255 : i32
        scf.if %cond3A_256 {
          %add3A_264 = arith.addi %multiple_of3A, %add3A_245 : i32
          %multiple_of3A_265 = tpu.assume_multiple %add3A_264, 8 : i32
          %jit3A_266 = arith.constant 16 : i32
          %div3A_267 = arith.divsi %add3A_245, %jit3A_266 : i32
          %sign3A_268 = arith.constant 0 : i32
          %sign3A_269 = arith.cmpi sgt, %add3A_245, %sign3A_268 : i32
          %sign3A_270 = arith.extui %sign3A_269 : i1 to i32
          %sign3A_271 = arith.constant 0 : i32
          %sign3A_272 = arith.cmpi slt, %add3A_245, %sign3A_271 : i32
          %sign3A_273 = arith.extui %sign3A_272 : i1 to i32
          %sign3A_274 = arith.subi %sign3A_270, %sign3A_273 : i32
          %sign3A_275 = arith.constant 0 : i32
          %sign3A_276 = arith.cmpi sgt, %jit3A_266, %sign3A_275 : i32
          %sign3A_277 = arith.extui %sign3A_276 : i1 to i32
          %sign3A_278 = arith.constant 0 : i32
          %sign3A_279 = arith.cmpi slt, %jit3A_266, %sign3A_278 : i32
          %sign3A_280 = arith.extui %sign3A_279 : i1 to i32
          %sign3A_281 = arith.subi %sign3A_277, %sign3A_280 : i32
          %ne3A_282 = arith.cmpi ne, %sign3A_274, %sign3A_281 : i32
          %rem3A_283 = arith.remsi %add3A_245, %jit3A_266 : i32
          %ne3A_284 = arith.constant 0 : i32
          %ne3A_285 = arith.cmpi ne, %rem3A_283, %ne3A_284 : i32
          %and3A_286 = arith.andi %ne3A_282, %ne3A_285 : i1
          %sub3A_287 = arith.constant 1 : i32
          %sub3A_288 = arith.subi %div3A_267, %sub3A_287 : i32
          %select_n3A_289 = arith.select %and3A_286, %sub3A_288, %div3A_267 : i32
          %rem3A_290 = arith.constant 2 : i32
          %rem3A_291 = arith.remsi %select_n3A_289, %rem3A_290 : i32
          %mul3A_292 = arith.constant 16 : i32
          %mul3A_293 = arith.muli %rem3A_291, %mul3A_292 : i32
          %multiple_of3A_294 = tpu.assume_multiple %mul3A_293, 8 : i32
          %dma_wait3A_295 = arith.constant 0 : i32
          %dma_wait3A_296 = tpu.memref_slice %arg10[%multiple_of3A_294, %dma_wait3A_295] : memref<32x64xi32, #tpu.memory_space<vmem>> -> memref<16x64xi32, #tpu.memory_space<vmem>>
          %dma_wait3A_297 = arith.constant 0 : i32
          %dma_wait3A_298 = tpu.memref_slice %arg3[%multiple_of3A_265, %dma_wait3A_297] : memref<5120x64xi32, #tpu.memory_space<hbm>> -> memref<16x64xi32, #tpu.memory_space<hbm>>
          %dma_wait3A_299 = arith.constant 0 : i32
          %dma_wait3A_300 = tpu.memref_slice %arg10[%multiple_of3A_294, %dma_wait3A_299] : memref<32x64xi32, #tpu.memory_space<vmem>> -> memref<16x64xi32, #tpu.memory_space<vmem>>
          %dma_wait3A_301 = arith.constant 0 : i32
          %dma_wait3A_302 = tpu.memref_slice %arg3[%multiple_of3A_265, %dma_wait3A_301] : memref<5120x64xi32, #tpu.memory_space<hbm>> -> memref<16x64xi32, #tpu.memory_space<hbm>>
          tpu.wait_dma2 semaphore(%arg21 : memref<!tpu.dma_semaphore, #tpu.memory_space<semaphore_mem>>) src(%dma_wait3A_302 : memref<16x64xi32, #tpu.memory_space<hbm>>) dst(%dma_wait3A_300 : memref<16x64xi32, #tpu.memory_space<vmem>>)
        } else {
        }
        %rem3A_257 = arith.constant 32 : i32
        %rem3A_258 = arith.remsi %add3A_245, %rem3A_257 : i32
        %dma_start3A = arith.constant 0 : i32
        %dma_start3A_259 = tpu.memref_slice %arg10[%rem3A_258, %dma_start3A] : memref<32x64xi32, #tpu.memory_space<vmem>> -> memref<1x64xi32, #tpu.memory_space<vmem>>
        %dma_start3A_260 = tpu.memref_squeeze %dma_start3A_259 : memref<1x64xi32, #tpu.memory_space<vmem>> -> memref<64xi32, #tpu.memory_space<vmem>>
        %dma_start3A_261 = arith.constant 0 : i32
        %dma_start3A_262 = arith.constant 0 : i32
        %dma_start3A_263 = tpu.memref_slice %arg2[%dma_start3A_261, %dma_start3A_262] : memref<10240x128xf32, #tpu.memory_space<hbm>> -> memref<10240x128xf32, #tpu.memory_space<hbm>>
        tpu.enqueue_indirect_dma source(%dma_start3A_263 : memref<10240x128xf32, #tpu.memory_space<hbm>>) target(%arg15 : memref<64x128xf32, #tpu.memory_space<vmem>>) offsets(%dma_start3A_260 : memref<64xi32, #tpu.memory_space<vmem>>) semaphore(%arg20 : memref<!tpu.dma_semaphore, #tpu.memory_space<semaphore_mem>>)
      } else {
      }
    }
    %barrier3A_32 = arith.constant 0 : index
    tpu.barrier barrier_id(%barrier3A_32)
    %mul3A_33 = arith.constant 640 : i32
    %mul3A_34 = arith.muli %arg1, %mul3A_33 : i32
    %mul3A_35 = arith.constant 640 : i32
    %mul3A_36 = arith.muli %arg1, %mul3A_35 : i32
    "tpu.region"() ({
      %run_scoped3A = tpu.sem_alloc : memref<!tpu.dma_semaphore, #tpu.memory_space<semaphore_mem>>
      %dma_start3A = arith.constant 0 : i32
      %dma_start3A_41 = tpu.memref_slice %arg8[%arg0, %mul3A_36, %dma_start3A] : memref<2x10240x128xf32, #tpu.memory_space<hbm>> -> memref<1x640x128xf32, #tpu.memory_space<hbm>>
      %dma_start3A_42 = tpu.memref_squeeze %dma_start3A_41 : memref<1x640x128xf32, #tpu.memory_space<hbm>> -> memref<640x128xf32, #tpu.memory_space<hbm>>
      %dma_start3A_43 = arith.constant 0 : i32
      %dma_start3A_44 = tpu.memref_slice %arg16[%mul3A_34, %dma_start3A_43] : memref<10240x128xf32, #tpu.memory_space<vmem_shared>> -> memref<640x128xf32, #tpu.memory_space<vmem_shared>>
      tpu.enqueue_dma source(%dma_start3A_44 : memref<640x128xf32, #tpu.memory_space<vmem_shared>>) target(%dma_start3A_42 : memref<640x128xf32, #tpu.memory_space<hbm>>) target_semaphore(%run_scoped3A : memref<!tpu.dma_semaphore, #tpu.memory_space<semaphore_mem>>)
      %dma_wait3A = arith.constant 0 : i32
      %dma_wait3A_45 = tpu.memref_slice %arg8[%arg0, %mul3A_36, %dma_wait3A] : memref<2x10240x128xf32, #tpu.memory_space<hbm>> -> memref<1x640x128xf32, #tpu.memory_space<hbm>>
      %dma_wait3A_46 = tpu.memref_squeeze %dma_wait3A_45 : memref<1x640x128xf32, #tpu.memory_space<hbm>> -> memref<640x128xf32, #tpu.memory_space<hbm>>
      %dma_wait3A_47 = arith.constant 0 : i32
      %dma_wait3A_48 = tpu.memref_slice %arg16[%mul3A_34, %dma_wait3A_47] : memref<10240x128xf32, #tpu.memory_space<vmem_shared>> -> memref<640x128xf32, #tpu.memory_space<vmem_shared>>
      tpu.wait_dma2 semaphore(%run_scoped3A : memref<!tpu.dma_semaphore, #tpu.memory_space<semaphore_mem>>) src(%dma_wait3A_48 : memref<640x128xf32, #tpu.memory_space<vmem_shared>>) dst(%dma_wait3A_46 : memref<640x128xf32, #tpu.memory_space<hbm>>)
      tpu.yield
    }) : () -> ()
    %mul3A_37 = arith.constant 640 : i32
    %mul3A_38 = arith.muli %arg1, %mul3A_37 : i32
    %mul3A_39 = arith.constant 640 : i32
    %mul3A_40 = arith.muli %arg1, %mul3A_39 : i32
    "tpu.region"() ({
      %run_scoped3A = tpu.sem_alloc : memref<!tpu.dma_semaphore, #tpu.memory_space<semaphore_mem>>
      %dma_start3A = tpu.memref_slice %arg9[%arg0, %mul3A_40] : memref<2x10240xf32, #tpu.memory_space<hbm>> -> memref<1x640xf32, #tpu.memory_space<hbm>>
      %dma_start3A_41 = tpu.memref_squeeze %dma_start3A : memref<1x640xf32, #tpu.memory_space<hbm>> -> memref<640xf32, #tpu.memory_space<hbm>>
      %dma_start3A_42 = tpu.memref_slice %arg24[%mul3A_38] : memref<10240xf32, #tpu.memory_space<vmem_shared>> -> memref<640xf32, #tpu.memory_space<vmem_shared>>
      tpu.enqueue_dma source(%dma_start3A_42 : memref<640xf32, #tpu.memory_space<vmem_shared>>) target(%dma_start3A_41 : memref<640xf32, #tpu.memory_space<hbm>>) target_semaphore(%run_scoped3A : memref<!tpu.dma_semaphore, #tpu.memory_space<semaphore_mem>>)
      %dma_wait3A = tpu.memref_slice %arg9[%arg0, %mul3A_40] : memref<2x10240xf32, #tpu.memory_space<hbm>> -> memref<1x640xf32, #tpu.memory_space<hbm>>
      %dma_wait3A_43 = tpu.memref_squeeze %dma_wait3A : memref<1x640xf32, #tpu.memory_space<hbm>> -> memref<640xf32, #tpu.memory_space<hbm>>
      %dma_wait3A_44 = tpu.memref_slice %arg24[%mul3A_38] : memref<10240xf32, #tpu.memory_space<vmem_shared>> -> memref<640xf32, #tpu.memory_space<vmem_shared>>
      tpu.wait_dma2 semaphore(%run_scoped3A : memref<!tpu.dma_semaphore, #tpu.memory_space<semaphore_mem>>) src(%dma_wait3A_44 : memref<640xf32, #tpu.memory_space<vmem_shared>>) dst(%dma_wait3A_43 : memref<640xf32, #tpu.memory_space<hbm>>)
      tpu.yield
    }) : () -> ()
    return
  }
}

#map = affine_map<(d0, d1) -> (0, 0)>
#map1 = affine_map<(d0, d1) -> (0, 0, 0)>
module attributes {stable_mosaic.version = 14 : i64} {
  func.func @body(%arg0: i32, %arg1: i32, %arg2: memref<10240x128xf32, #tpu.memory_space<hbm>>, %arg3: memref<5120x64xi32, #tpu.memory_space<hbm>>, %arg4: memref<5120x64xi32, #tpu.memory_space<hbm>>, %arg5: memref<640x128xf32, #tpu.memory_space<hbm>>, %arg6: memref<2x10240x128xf32, #tpu.memory_space<hbm>>, %arg7: memref<32x64xi32, #tpu.memory_space<vmem>>, %arg8: memref<32x64xi32, #tpu.memory_space<vmem>>, %arg9: memref<64x128xf32, #tpu.memory_space<vmem>>, %arg10: memref<64x128xf32, #tpu.memory_space<vmem>>, %arg11: memref<64x128xf32, #tpu.memory_space<vmem>>, %arg12: memref<64x128xf32, #tpu.memory_space<vmem>>, %arg13: memref<10240x128xf32, #tpu.memory_space<vmem_shared>>, %arg14: memref<!tpu.dma_semaphore, #tpu.memory_space<semaphore_mem>>, %arg15: memref<!tpu.dma_semaphore, #tpu.memory_space<semaphore_mem>>, %arg16: memref<!tpu.dma_semaphore, #tpu.memory_space<semaphore_mem>>, %arg17: memref<!tpu.dma_semaphore, #tpu.memory_space<semaphore_mem>>, %arg18: memref<!tpu.dma_semaphore, #tpu.memory_space<semaphore_mem>>, %arg19: memref<!tpu.dma_semaphore, #tpu.memory_space<semaphore_mem>>) attributes {dimension_semantics = [#tpu.dimension_semantics<core_parallel>, #tpu.dimension_semantics<subcore_parallel>], iteration_bounds = array<i64: 2, 16>, scalar_prefetch = 0 : i64, scratch_operands = 13 : i64, tpu.core_type = #tpu.core_type<sc_vector_subcore>, window_params = [{transform_indices = #map}, {transform_indices = #map}, {transform_indices = #map}, {transform_indices = #map}, {transform_indices = #map1}]} {
    %eq3A = arith.constant 0 : i32
    %eq3A_0 = arith.cmpi eq, %arg0, %eq3A : i32
    %jit3A = arith.constant 248 : i32
    %jit3A_1 = arith.constant 72 : i32
    %select_n3A = arith.select %eq3A_0, %jit3A, %jit3A_1 : i32
    %mul3A = arith.constant 320 : i32
    %mul3A_2 = arith.muli %arg1, %mul3A : i32
    %mul3A_3 = arith.constant 248 : i32
    %mul3A_4 = arith.muli %arg0, %mul3A_3 : i32
    %add3A = arith.addi %mul3A_2, %mul3A_4 : i32
    %multiple_of3A = tpu.assume_multiple %add3A, 8 : i32
    %mul3A_5 = arith.constant 640 : i32
    %mul3A_6 = arith.muli %arg1, %mul3A_5 : i32
    "tpu.region"() ({
      %run_scoped3A = tpu.sem_alloc : memref<!tpu.dma_semaphore, #tpu.memory_space<semaphore_mem>>
      %dma_start3A = arith.constant 0 : i32
      %dma_start3A_35 = tpu.memref_slice %arg13[%mul3A_6, %dma_start3A] : memref<10240x128xf32, #tpu.memory_space<vmem_shared>> -> memref<640x128xf32, #tpu.memory_space<vmem_shared>>
      tpu.enqueue_dma source(%arg5 : memref<640x128xf32, #tpu.memory_space<hbm>>) target(%dma_start3A_35 : memref<640x128xf32, #tpu.memory_space<vmem_shared>>) target_semaphore(%run_scoped3A : memref<!tpu.dma_semaphore, #tpu.memory_space<semaphore_mem>>)
      %dma_wait3A = arith.constant 0 : i32
      %dma_wait3A_36 = tpu.memref_slice %arg13[%mul3A_6, %dma_wait3A] : memref<10240x128xf32, #tpu.memory_space<vmem_shared>> -> memref<640x128xf32, #tpu.memory_space<vmem_shared>>
      tpu.wait_dma2 semaphore(%run_scoped3A : memref<!tpu.dma_semaphore, #tpu.memory_space<semaphore_mem>>) src(%arg5 : memref<640x128xf32, #tpu.memory_space<hbm>>) dst(%dma_wait3A_36 : memref<640x128xf32, #tpu.memory_space<vmem_shared>>)
      tpu.yield
    }) : () -> ()
    %gt3A = arith.constant 0 : i32
    %gt3A_7 = arith.cmpi sgt, %select_n3A, %gt3A : i32
    %convert_element_type3A = arith.extui %gt3A_7 : i1 to i32
    %cond3A = arith.constant 0 : i32
    %cond3A_8 = arith.cmpi ne, %convert_element_type3A, %cond3A : i32
    scf.if %cond3A_8 {
      %add3A_35 = arith.constant 0 : i32
      %add3A_36 = arith.addi %multiple_of3A, %add3A_35 : i32
      %multiple_of3A_37 = tpu.assume_multiple %add3A_36, 8 : i32
      %rem3A = arith.constant 0 : i32
      %rem3A_38 = arith.constant 2 : i32
      %rem3A_39 = arith.remsi %rem3A, %rem3A_38 : i32
      %mul3A_40 = arith.constant 16 : i32
      %mul3A_41 = arith.muli %rem3A_39, %mul3A_40 : i32
      %multiple_of3A_42 = tpu.assume_multiple %mul3A_41, 8 : i32
      "tpu.region"() ({
        %run_scoped3A = tpu.sem_alloc : memref<!tpu.dma_semaphore, #tpu.memory_space<semaphore_mem>>
        %dma_start3A = arith.constant 0 : i32
        %dma_start3A_52 = tpu.memref_slice %arg7[%multiple_of3A_42, %dma_start3A] : memref<32x64xi32, #tpu.memory_space<vmem>> -> memref<16x64xi32, #tpu.memory_space<vmem>>
        %dma_start3A_53 = arith.constant 0 : i32
        %dma_start3A_54 = tpu.memref_slice %arg3[%multiple_of3A_37, %dma_start3A_53] : memref<5120x64xi32, #tpu.memory_space<hbm>> -> memref<16x64xi32, #tpu.memory_space<hbm>>
        %dma_start3A_55 = arith.constant 0 : i32
        %dma_start3A_56 = tpu.memref_slice %arg7[%multiple_of3A_42, %dma_start3A_55] : memref<32x64xi32, #tpu.memory_space<vmem>> -> memref<16x64xi32, #tpu.memory_space<vmem>>
        %dma_start3A_57 = arith.constant 0 : i32
        %dma_start3A_58 = tpu.memref_slice %arg3[%multiple_of3A_37, %dma_start3A_57] : memref<5120x64xi32, #tpu.memory_space<hbm>> -> memref<16x64xi32, #tpu.memory_space<hbm>>
        tpu.enqueue_dma source(%dma_start3A_58 : memref<16x64xi32, #tpu.memory_space<hbm>>) target(%dma_start3A_56 : memref<16x64xi32, #tpu.memory_space<vmem>>) target_semaphore(%run_scoped3A : memref<!tpu.dma_semaphore, #tpu.memory_space<semaphore_mem>>)
        %dma_wait3A = arith.constant 0 : i32
        %dma_wait3A_59 = tpu.memref_slice %arg7[%multiple_of3A_42, %dma_wait3A] : memref<32x64xi32, #tpu.memory_space<vmem>> -> memref<16x64xi32, #tpu.memory_space<vmem>>
        %dma_wait3A_60 = arith.constant 0 : i32
        %dma_wait3A_61 = tpu.memref_slice %arg3[%multiple_of3A_37, %dma_wait3A_60] : memref<5120x64xi32, #tpu.memory_space<hbm>> -> memref<16x64xi32, #tpu.memory_space<hbm>>
        %dma_wait3A_62 = arith.constant 0 : i32
        %dma_wait3A_63 = tpu.memref_slice %arg7[%multiple_of3A_42, %dma_wait3A_62] : memref<32x64xi32, #tpu.memory_space<vmem>> -> memref<16x64xi32, #tpu.memory_space<vmem>>
        %dma_wait3A_64 = arith.constant 0 : i32
        %dma_wait3A_65 = tpu.memref_slice %arg3[%multiple_of3A_37, %dma_wait3A_64] : memref<5120x64xi32, #tpu.memory_space<hbm>> -> memref<16x64xi32, #tpu.memory_space<hbm>>
        tpu.wait_dma2 semaphore(%run_scoped3A : memref<!tpu.dma_semaphore, #tpu.memory_space<semaphore_mem>>) src(%dma_wait3A_65 : memref<16x64xi32, #tpu.memory_space<hbm>>) dst(%dma_wait3A_63 : memref<16x64xi32, #tpu.memory_space<vmem>>)
        tpu.yield
      }) : () -> ()
      %add3A_43 = arith.constant 0 : i32
      %add3A_44 = arith.addi %multiple_of3A, %add3A_43 : i32
      %multiple_of3A_45 = tpu.assume_multiple %add3A_44, 8 : i32
      %rem3A_46 = arith.constant 0 : i32
      %rem3A_47 = arith.constant 2 : i32
      %rem3A_48 = arith.remsi %rem3A_46, %rem3A_47 : i32
      %mul3A_49 = arith.constant 16 : i32
      %mul3A_50 = arith.muli %rem3A_48, %mul3A_49 : i32
      %multiple_of3A_51 = tpu.assume_multiple %mul3A_50, 8 : i32
      "tpu.region"() ({
        %run_scoped3A = tpu.sem_alloc : memref<!tpu.dma_semaphore, #tpu.memory_space<semaphore_mem>>
        %dma_start3A = arith.constant 0 : i32
        %dma_start3A_52 = tpu.memref_slice %arg8[%multiple_of3A_51, %dma_start3A] : memref<32x64xi32, #tpu.memory_space<vmem>> -> memref<16x64xi32, #tpu.memory_space<vmem>>
        %dma_start3A_53 = arith.constant 0 : i32
        %dma_start3A_54 = tpu.memref_slice %arg4[%multiple_of3A_45, %dma_start3A_53] : memref<5120x64xi32, #tpu.memory_space<hbm>> -> memref<16x64xi32, #tpu.memory_space<hbm>>
        %dma_start3A_55 = arith.constant 0 : i32
        %dma_start3A_56 = tpu.memref_slice %arg8[%multiple_of3A_51, %dma_start3A_55] : memref<32x64xi32, #tpu.memory_space<vmem>> -> memref<16x64xi32, #tpu.memory_space<vmem>>
        %dma_start3A_57 = arith.constant 0 : i32
        %dma_start3A_58 = tpu.memref_slice %arg4[%multiple_of3A_45, %dma_start3A_57] : memref<5120x64xi32, #tpu.memory_space<hbm>> -> memref<16x64xi32, #tpu.memory_space<hbm>>
        tpu.enqueue_dma source(%dma_start3A_58 : memref<16x64xi32, #tpu.memory_space<hbm>>) target(%dma_start3A_56 : memref<16x64xi32, #tpu.memory_space<vmem>>) target_semaphore(%run_scoped3A : memref<!tpu.dma_semaphore, #tpu.memory_space<semaphore_mem>>)
        %dma_wait3A = arith.constant 0 : i32
        %dma_wait3A_59 = tpu.memref_slice %arg8[%multiple_of3A_51, %dma_wait3A] : memref<32x64xi32, #tpu.memory_space<vmem>> -> memref<16x64xi32, #tpu.memory_space<vmem>>
        %dma_wait3A_60 = arith.constant 0 : i32
        %dma_wait3A_61 = tpu.memref_slice %arg4[%multiple_of3A_45, %dma_wait3A_60] : memref<5120x64xi32, #tpu.memory_space<hbm>> -> memref<16x64xi32, #tpu.memory_space<hbm>>
        %dma_wait3A_62 = arith.constant 0 : i32
        %dma_wait3A_63 = tpu.memref_slice %arg8[%multiple_of3A_51, %dma_wait3A_62] : memref<32x64xi32, #tpu.memory_space<vmem>> -> memref<16x64xi32, #tpu.memory_space<vmem>>
        %dma_wait3A_64 = arith.constant 0 : i32
        %dma_wait3A_65 = tpu.memref_slice %arg4[%multiple_of3A_45, %dma_wait3A_64] : memref<5120x64xi32, #tpu.memory_space<hbm>> -> memref<16x64xi32, #tpu.memory_space<hbm>>
        tpu.wait_dma2 semaphore(%run_scoped3A : memref<!tpu.dma_semaphore, #tpu.memory_space<semaphore_mem>>) src(%dma_wait3A_65 : memref<16x64xi32, #tpu.memory_space<hbm>>) dst(%dma_wait3A_63 : memref<16x64xi32, #tpu.memory_space<vmem>>)
        tpu.yield
      }) : () -> ()
    } else {
    }
    %barrier3A = arith.constant 0 : index
    tpu.barrier barrier_id(%barrier3A)
    %gt3A_9 = arith.constant 0 : i32
    %gt3A_10 = arith.cmpi sgt, %select_n3A, %gt3A_9 : i32
    %convert_element_type3A_11 = arith.extui %gt3A_10 : i1 to i32
    %cond3A_12 = arith.constant 0 : i32
    %cond3A_13 = arith.cmpi ne, %convert_element_type3A_11, %cond3A_12 : i32
    scf.if %cond3A_13 {
      %add3A_35 = arith.constant 16 : i32
      %add3A_36 = arith.addi %multiple_of3A, %add3A_35 : i32
      %multiple_of3A_37 = tpu.assume_multiple %add3A_36, 8 : i32
      %rem3A = arith.constant 1 : i32
      %rem3A_38 = arith.constant 2 : i32
      %rem3A_39 = arith.remsi %rem3A, %rem3A_38 : i32
      %mul3A_40 = arith.constant 16 : i32
      %mul3A_41 = arith.muli %rem3A_39, %mul3A_40 : i32
      %multiple_of3A_42 = tpu.assume_multiple %mul3A_41, 8 : i32
      %dma_start3A = arith.constant 0 : i32
      %dma_start3A_43 = tpu.memref_slice %arg7[%multiple_of3A_42, %dma_start3A] : memref<32x64xi32, #tpu.memory_space<vmem>> -> memref<16x64xi32, #tpu.memory_space<vmem>>
      %dma_start3A_44 = arith.constant 0 : i32
      %dma_start3A_45 = tpu.memref_slice %arg3[%multiple_of3A_37, %dma_start3A_44] : memref<5120x64xi32, #tpu.memory_space<hbm>> -> memref<16x64xi32, #tpu.memory_space<hbm>>
      %dma_start3A_46 = arith.constant 0 : i32
      %dma_start3A_47 = tpu.memref_slice %arg7[%multiple_of3A_42, %dma_start3A_46] : memref<32x64xi32, #tpu.memory_space<vmem>> -> memref<16x64xi32, #tpu.memory_space<vmem>>
      %dma_start3A_48 = arith.constant 0 : i32
      %dma_start3A_49 = tpu.memref_slice %arg3[%multiple_of3A_37, %dma_start3A_48] : memref<5120x64xi32, #tpu.memory_space<hbm>> -> memref<16x64xi32, #tpu.memory_space<hbm>>
      tpu.enqueue_dma source(%dma_start3A_49 : memref<16x64xi32, #tpu.memory_space<hbm>>) target(%dma_start3A_47 : memref<16x64xi32, #tpu.memory_space<vmem>>) target_semaphore(%arg18 : memref<!tpu.dma_semaphore, #tpu.memory_space<semaphore_mem>>)
      %add3A_50 = arith.constant 16 : i32
      %add3A_51 = arith.addi %multiple_of3A, %add3A_50 : i32
      %multiple_of3A_52 = tpu.assume_multiple %add3A_51, 8 : i32
      %rem3A_53 = arith.constant 1 : i32
      %rem3A_54 = arith.constant 2 : i32
      %rem3A_55 = arith.remsi %rem3A_53, %rem3A_54 : i32
      %mul3A_56 = arith.constant 16 : i32
      %mul3A_57 = arith.muli %rem3A_55, %mul3A_56 : i32
      %multiple_of3A_58 = tpu.assume_multiple %mul3A_57, 8 : i32
      %dma_start3A_59 = arith.constant 0 : i32
      %dma_start3A_60 = tpu.memref_slice %arg8[%multiple_of3A_58, %dma_start3A_59] : memref<32x64xi32, #tpu.memory_space<vmem>> -> memref<16x64xi32, #tpu.memory_space<vmem>>
      %dma_start3A_61 = arith.constant 0 : i32
      %dma_start3A_62 = tpu.memref_slice %arg4[%multiple_of3A_52, %dma_start3A_61] : memref<5120x64xi32, #tpu.memory_space<hbm>> -> memref<16x64xi32, #tpu.memory_space<hbm>>
      %dma_start3A_63 = arith.constant 0 : i32
      %dma_start3A_64 = tpu.memref_slice %arg8[%multiple_of3A_58, %dma_start3A_63] : memref<32x64xi32, #tpu.memory_space<vmem>> -> memref<16x64xi32, #tpu.memory_space<vmem>>
      %dma_start3A_65 = arith.constant 0 : i32
      %dma_start3A_66 = tpu.memref_slice %arg4[%multiple_of3A_52, %dma_start3A_65] : memref<5120x64xi32, #tpu.memory_space<hbm>> -> memref<16x64xi32, #tpu.memory_space<hbm>>
      tpu.enqueue_dma source(%dma_start3A_66 : memref<16x64xi32, #tpu.memory_space<hbm>>) target(%dma_start3A_64 : memref<16x64xi32, #tpu.memory_space<vmem>>) target_semaphore(%arg19 : memref<!tpu.dma_semaphore, #tpu.memory_space<semaphore_mem>>)
      %dma_start3A_67 = arith.constant 0 : i32
      %dma_start3A_68 = arith.constant 0 : i32
      %dma_start3A_69 = tpu.memref_slice %arg7[%dma_start3A_67, %dma_start3A_68] : memref<32x64xi32, #tpu.memory_space<vmem>> -> memref<1x64xi32, #tpu.memory_space<vmem>>
      %dma_start3A_70 = tpu.memref_squeeze %dma_start3A_69 : memref<1x64xi32, #tpu.memory_space<vmem>> -> memref<64xi32, #tpu.memory_space<vmem>>
      %dma_start3A_71 = arith.constant 0 : i32
      %dma_start3A_72 = arith.constant 0 : i32
      %dma_start3A_73 = tpu.memref_slice %arg2[%dma_start3A_71, %dma_start3A_72] : memref<10240x128xf32, #tpu.memory_space<hbm>> -> memref<10240x128xf32, #tpu.memory_space<hbm>>
      tpu.enqueue_indirect_dma source(%dma_start3A_73 : memref<10240x128xf32, #tpu.memory_space<hbm>>) target(%arg9 : memref<64x128xf32, #tpu.memory_space<vmem>>) offsets(%dma_start3A_70 : memref<64xi32, #tpu.memory_space<vmem>>) semaphore(%arg14 : memref<!tpu.dma_semaphore, #tpu.memory_space<semaphore_mem>>)
      %dma_start3A_74 = arith.constant 1 : i32
      %dma_start3A_75 = arith.constant 0 : i32
      %dma_start3A_76 = tpu.memref_slice %arg7[%dma_start3A_74, %dma_start3A_75] : memref<32x64xi32, #tpu.memory_space<vmem>> -> memref<1x64xi32, #tpu.memory_space<vmem>>
      %dma_start3A_77 = tpu.memref_squeeze %dma_start3A_76 : memref<1x64xi32, #tpu.memory_space<vmem>> -> memref<64xi32, #tpu.memory_space<vmem>>
      %dma_start3A_78 = arith.constant 0 : i32
      %dma_start3A_79 = arith.constant 0 : i32
      %dma_start3A_80 = tpu.memref_slice %arg2[%dma_start3A_78, %dma_start3A_79] : memref<10240x128xf32, #tpu.memory_space<hbm>> -> memref<10240x128xf32, #tpu.memory_space<hbm>>
      tpu.enqueue_indirect_dma source(%dma_start3A_80 : memref<10240x128xf32, #tpu.memory_space<hbm>>) target(%arg10 : memref<64x128xf32, #tpu.memory_space<vmem>>) offsets(%dma_start3A_77 : memref<64xi32, #tpu.memory_space<vmem>>) semaphore(%arg15 : memref<!tpu.dma_semaphore, #tpu.memory_space<semaphore_mem>>)
      %dma_start3A_81 = arith.constant 2 : i32
      %dma_start3A_82 = arith.constant 0 : i32
      %dma_start3A_83 = tpu.memref_slice %arg7[%dma_start3A_81, %dma_start3A_82] : memref<32x64xi32, #tpu.memory_space<vmem>> -> memref<1x64xi32, #tpu.memory_space<vmem>>
      %dma_start3A_84 = tpu.memref_squeeze %dma_start3A_83 : memref<1x64xi32, #tpu.memory_space<vmem>> -> memref<64xi32, #tpu.memory_space<vmem>>
      %dma_start3A_85 = arith.constant 0 : i32
      %dma_start3A_86 = arith.constant 0 : i32
      %dma_start3A_87 = tpu.memref_slice %arg2[%dma_start3A_85, %dma_start3A_86] : memref<10240x128xf32, #tpu.memory_space<hbm>> -> memref<10240x128xf32, #tpu.memory_space<hbm>>
      tpu.enqueue_indirect_dma source(%dma_start3A_87 : memref<10240x128xf32, #tpu.memory_space<hbm>>) target(%arg11 : memref<64x128xf32, #tpu.memory_space<vmem>>) offsets(%dma_start3A_84 : memref<64xi32, #tpu.memory_space<vmem>>) semaphore(%arg16 : memref<!tpu.dma_semaphore, #tpu.memory_space<semaphore_mem>>)
      %dma_start3A_88 = arith.constant 3 : i32
      %dma_start3A_89 = arith.constant 0 : i32
      %dma_start3A_90 = tpu.memref_slice %arg7[%dma_start3A_88, %dma_start3A_89] : memref<32x64xi32, #tpu.memory_space<vmem>> -> memref<1x64xi32, #tpu.memory_space<vmem>>
      %dma_start3A_91 = tpu.memref_squeeze %dma_start3A_90 : memref<1x64xi32, #tpu.memory_space<vmem>> -> memref<64xi32, #tpu.memory_space<vmem>>
      %dma_start3A_92 = arith.constant 0 : i32
      %dma_start3A_93 = arith.constant 0 : i32
      %dma_start3A_94 = tpu.memref_slice %arg2[%dma_start3A_92, %dma_start3A_93] : memref<10240x128xf32, #tpu.memory_space<hbm>> -> memref<10240x128xf32, #tpu.memory_space<hbm>>
      tpu.enqueue_indirect_dma source(%dma_start3A_94 : memref<10240x128xf32, #tpu.memory_space<hbm>>) target(%arg12 : memref<64x128xf32, #tpu.memory_space<vmem>>) offsets(%dma_start3A_91 : memref<64xi32, #tpu.memory_space<vmem>>) semaphore(%arg17 : memref<!tpu.dma_semaphore, #tpu.memory_space<semaphore_mem>>)
    } else {
    }
    %sub3A = arith.constant 0 : i32
    %sub3A_14 = arith.subi %select_n3A, %sub3A : i32
    %sub3A_15 = arith.constant 4 : i32
    %sub3A_16 = arith.constant 1 : i32
    %sub3A_17 = arith.subi %sub3A_15, %sub3A_16 : i32
    %add3A_18 = arith.addi %sub3A_14, %sub3A_17 : i32
    %div3A = arith.constant 4 : i32
    %div3A_19 = arith.divsi %add3A_18, %div3A : i32
    %while3A = arith.constant 4 : i32
    %while3A_20 = arith.constant 0 : i32
    %while3A_21 = arith.constant 0 : i32
    %while3A_22 = arith.subi %div3A_19, %while3A_21 : i32
    %while3A_23 = arith.addi %while3A_21, %while3A_22 : i32
    %while3A_24 = arith.constant 1 : i32
    %while3A_25 = arith.divsi %while3A_22, %while3A_24 : i32
    %while3A_26 = arith.muli %while3A_25, %while3A_24 : i32
    %while3A_27 = arith.addi %while3A_21, %while3A_26 : i32
    %while3A_28 = arith.constant 1 : i32
    scf.for %while3A_35 = %while3A_21 to %while3A_27 step %while3A_28  : i32 {
      %mul3A_36 = arith.muli %while3A_35, %while3A : i32
      %add3A_37 = arith.addi %while3A_20, %mul3A_36 : i32
      %add3A_38 = arith.constant 0 : i32
      %add3A_39 = arith.addi %add3A_37, %add3A_38 : i32
      %jit3A_40 = arith.constant 16 : i32
      %div3A_41 = arith.divsi %add3A_39, %jit3A_40 : i32
      %sign3A = arith.constant 0 : i32
      %sign3A_42 = arith.cmpi sgt, %add3A_39, %sign3A : i32
      %sign3A_43 = arith.extui %sign3A_42 : i1 to i32
      %sign3A_44 = arith.constant 0 : i32
      %sign3A_45 = arith.cmpi slt, %add3A_39, %sign3A_44 : i32
      %sign3A_46 = arith.extui %sign3A_45 : i1 to i32
      %sign3A_47 = arith.subi %sign3A_43, %sign3A_46 : i32
      %sign3A_48 = arith.constant 0 : i32
      %sign3A_49 = arith.cmpi sgt, %jit3A_40, %sign3A_48 : i32
      %sign3A_50 = arith.extui %sign3A_49 : i1 to i32
      %sign3A_51 = arith.constant 0 : i32
      %sign3A_52 = arith.cmpi slt, %jit3A_40, %sign3A_51 : i32
      %sign3A_53 = arith.extui %sign3A_52 : i1 to i32
      %sign3A_54 = arith.subi %sign3A_50, %sign3A_53 : i32
      %ne3A = arith.cmpi ne, %sign3A_47, %sign3A_54 : i32
      %rem3A = arith.remsi %add3A_39, %jit3A_40 : i32
      %ne3A_55 = arith.constant 0 : i32
      %ne3A_56 = arith.cmpi ne, %rem3A, %ne3A_55 : i32
      %and3A = arith.andi %ne3A, %ne3A_56 : i1
      %sub3A_57 = arith.constant 1 : i32
      %sub3A_58 = arith.subi %div3A_41, %sub3A_57 : i32
      %select_n3A_59 = arith.select %and3A, %sub3A_58, %div3A_41 : i32
      %rem3A_60 = arith.constant 16 : i32
      %rem3A_61 = arith.remsi %add3A_39, %rem3A_60 : i32
      %eq3A_62 = arith.constant 0 : i32
      %eq3A_63 = arith.cmpi eq, %rem3A_61, %eq3A_62 : i32
      %gt3A_64 = arith.constant 0 : i32
      %gt3A_65 = arith.cmpi sgt, %add3A_39, %gt3A_64 : i32
      %and3A_66 = arith.andi %eq3A_63, %gt3A_65 : i1
      %convert_element_type3A_67 = arith.extui %and3A_66 : i1 to i32
      %cond3A_68 = arith.constant 0 : i32
      %cond3A_69 = arith.cmpi ne, %convert_element_type3A_67, %cond3A_68 : i32
      scf.if %cond3A_69 {
        %add3A_236 = arith.addi %multiple_of3A, %add3A_39 : i32
        %multiple_of3A_237 = tpu.assume_multiple %add3A_236, 8 : i32
        %rem3A_238 = arith.constant 2 : i32
        %rem3A_239 = arith.remsi %select_n3A_59, %rem3A_238 : i32
        %mul3A_240 = arith.constant 16 : i32
        %mul3A_241 = arith.muli %rem3A_239, %mul3A_240 : i32
        %multiple_of3A_242 = tpu.assume_multiple %mul3A_241, 8 : i32
        %dma_wait3A_243 = arith.constant 0 : i32
        %dma_wait3A_244 = tpu.memref_slice %arg8[%multiple_of3A_242, %dma_wait3A_243] : memref<32x64xi32, #tpu.memory_space<vmem>> -> memref<16x64xi32, #tpu.memory_space<vmem>>
        %dma_wait3A_245 = arith.constant 0 : i32
        %dma_wait3A_246 = tpu.memref_slice %arg4[%multiple_of3A_237, %dma_wait3A_245] : memref<5120x64xi32, #tpu.memory_space<hbm>> -> memref<16x64xi32, #tpu.memory_space<hbm>>
        %dma_wait3A_247 = arith.constant 0 : i32
        %dma_wait3A_248 = tpu.memref_slice %arg8[%multiple_of3A_242, %dma_wait3A_247] : memref<32x64xi32, #tpu.memory_space<vmem>> -> memref<16x64xi32, #tpu.memory_space<vmem>>
        %dma_wait3A_249 = arith.constant 0 : i32
        %dma_wait3A_250 = tpu.memref_slice %arg4[%multiple_of3A_237, %dma_wait3A_249] : memref<5120x64xi32, #tpu.memory_space<hbm>> -> memref<16x64xi32, #tpu.memory_space<hbm>>
        tpu.wait_dma2 semaphore(%arg19 : memref<!tpu.dma_semaphore, #tpu.memory_space<semaphore_mem>>) src(%dma_wait3A_250 : memref<16x64xi32, #tpu.memory_space<hbm>>) dst(%dma_wait3A_248 : memref<16x64xi32, #tpu.memory_space<vmem>>)
        %add3A_251 = arith.constant 16 : i32
        %add3A_252 = arith.addi %add3A_39, %add3A_251 : i32
        %lt3A_253 = arith.cmpi slt, %add3A_252, %select_n3A : i32
        %convert_element_type3A_254 = arith.extui %lt3A_253 : i1 to i32
        %cond3A_255 = arith.constant 0 : i32
        %cond3A_256 = arith.cmpi ne, %convert_element_type3A_254, %cond3A_255 : i32
        scf.if %cond3A_256 {
          %add3A_257 = arith.constant 16 : i32
          %add3A_258 = arith.addi %add3A_39, %add3A_257 : i32
          %add3A_259 = arith.addi %multiple_of3A, %add3A_258 : i32
          %multiple_of3A_260 = tpu.assume_multiple %add3A_259, 8 : i32
          %add3A_261 = arith.constant 1 : i32
          %add3A_262 = arith.addi %select_n3A_59, %add3A_261 : i32
          %rem3A_263 = arith.constant 2 : i32
          %rem3A_264 = arith.remsi %add3A_262, %rem3A_263 : i32
          %mul3A_265 = arith.constant 16 : i32
          %mul3A_266 = arith.muli %rem3A_264, %mul3A_265 : i32
          %multiple_of3A_267 = tpu.assume_multiple %mul3A_266, 8 : i32
          %dma_start3A = arith.constant 0 : i32
          %dma_start3A_268 = tpu.memref_slice %arg7[%multiple_of3A_267, %dma_start3A] : memref<32x64xi32, #tpu.memory_space<vmem>> -> memref<16x64xi32, #tpu.memory_space<vmem>>
          %dma_start3A_269 = arith.constant 0 : i32
          %dma_start3A_270 = tpu.memref_slice %arg3[%multiple_of3A_260, %dma_start3A_269] : memref<5120x64xi32, #tpu.memory_space<hbm>> -> memref<16x64xi32, #tpu.memory_space<hbm>>
          %dma_start3A_271 = arith.constant 0 : i32
          %dma_start3A_272 = tpu.memref_slice %arg7[%multiple_of3A_267, %dma_start3A_271] : memref<32x64xi32, #tpu.memory_space<vmem>> -> memref<16x64xi32, #tpu.memory_space<vmem>>
          %dma_start3A_273 = arith.constant 0 : i32
          %dma_start3A_274 = tpu.memref_slice %arg3[%multiple_of3A_260, %dma_start3A_273] : memref<5120x64xi32, #tpu.memory_space<hbm>> -> memref<16x64xi32, #tpu.memory_space<hbm>>
          tpu.enqueue_dma source(%dma_start3A_274 : memref<16x64xi32, #tpu.memory_space<hbm>>) target(%dma_start3A_272 : memref<16x64xi32, #tpu.memory_space<vmem>>) target_semaphore(%arg18 : memref<!tpu.dma_semaphore, #tpu.memory_space<semaphore_mem>>)
          %add3A_275 = arith.constant 16 : i32
          %add3A_276 = arith.addi %add3A_39, %add3A_275 : i32
          %add3A_277 = arith.addi %multiple_of3A, %add3A_276 : i32
          %multiple_of3A_278 = tpu.assume_multiple %add3A_277, 8 : i32
          %add3A_279 = arith.constant 1 : i32
          %add3A_280 = arith.addi %select_n3A_59, %add3A_279 : i32
          %rem3A_281 = arith.constant 2 : i32
          %rem3A_282 = arith.remsi %add3A_280, %rem3A_281 : i32
          %mul3A_283 = arith.constant 16 : i32
          %mul3A_284 = arith.muli %rem3A_282, %mul3A_283 : i32
          %multiple_of3A_285 = tpu.assume_multiple %mul3A_284, 8 : i32
          %dma_start3A_286 = arith.constant 0 : i32
          %dma_start3A_287 = tpu.memref_slice %arg8[%multiple_of3A_285, %dma_start3A_286] : memref<32x64xi32, #tpu.memory_space<vmem>> -> memref<16x64xi32, #tpu.memory_space<vmem>>
          %dma_start3A_288 = arith.constant 0 : i32
          %dma_start3A_289 = tpu.memref_slice %arg4[%multiple_of3A_278, %dma_start3A_288] : memref<5120x64xi32, #tpu.memory_space<hbm>> -> memref<16x64xi32, #tpu.memory_space<hbm>>
          %dma_start3A_290 = arith.constant 0 : i32
          %dma_start3A_291 = tpu.memref_slice %arg8[%multiple_of3A_285, %dma_start3A_290] : memref<32x64xi32, #tpu.memory_space<vmem>> -> memref<16x64xi32, #tpu.memory_space<vmem>>
          %dma_start3A_292 = arith.constant 0 : i32
          %dma_start3A_293 = tpu.memref_slice %arg4[%multiple_of3A_278, %dma_start3A_292] : memref<5120x64xi32, #tpu.memory_space<hbm>> -> memref<16x64xi32, #tpu.memory_space<hbm>>
          tpu.enqueue_dma source(%dma_start3A_293 : memref<16x64xi32, #tpu.memory_space<hbm>>) target(%dma_start3A_291 : memref<16x64xi32, #tpu.memory_space<vmem>>) target_semaphore(%arg19 : memref<!tpu.dma_semaphore, #tpu.memory_space<semaphore_mem>>)
        } else {
        }
      } else {
      }
      %dma_wait3A = arith.constant 0 : i32
      %dma_wait3A_70 = arith.constant 0 : i32
      %dma_wait3A_71 = tpu.memref_slice %arg7[%dma_wait3A, %dma_wait3A_70] : memref<32x64xi32, #tpu.memory_space<vmem>> -> memref<1x64xi32, #tpu.memory_space<vmem>>
      %dma_wait3A_72 = tpu.memref_squeeze %dma_wait3A_71 : memref<1x64xi32, #tpu.memory_space<vmem>> -> memref<64xi32, #tpu.memory_space<vmem>>
      %dma_wait3A_73 = arith.constant 0 : i32
      %dma_wait3A_74 = arith.constant 0 : i32
      %dma_wait3A_75 = tpu.memref_slice %arg2[%dma_wait3A_73, %dma_wait3A_74] : memref<10240x128xf32, #tpu.memory_space<hbm>> -> memref<10240x128xf32, #tpu.memory_space<hbm>>
      tpu.wait_indirect_dma semaphore(%arg14 : memref<!tpu.dma_semaphore, #tpu.memory_space<semaphore_mem>>) src(%dma_wait3A_75 : memref<10240x128xf32, #tpu.memory_space<hbm>>) dst(%arg9 : memref<64x128xf32, #tpu.memory_space<vmem>>)
      %rem3A_76 = arith.constant 32 : i32
      %rem3A_77 = arith.remsi %add3A_39, %rem3A_76 : i32
      "tpu.region"() ({
        %run_scoped3A = tpu.sem_alloc : memref<!tpu.dma_semaphore, #tpu.memory_space<semaphore_mem>>
        %dma_start3A = arith.constant 0 : i32
        %dma_start3A_236 = tpu.memref_slice %arg8[%rem3A_77, %dma_start3A] : memref<32x64xi32, #tpu.memory_space<vmem>> -> memref<1x64xi32, #tpu.memory_space<vmem>>
        %dma_start3A_237 = tpu.memref_squeeze %dma_start3A_236 : memref<1x64xi32, #tpu.memory_space<vmem>> -> memref<64xi32, #tpu.memory_space<vmem>>
        %dma_start3A_238 = arith.constant 0 : i32
        %dma_start3A_239 = arith.constant 0 : i32
        %dma_start3A_240 = tpu.memref_slice %arg13[%dma_start3A_238, %dma_start3A_239] : memref<10240x128xf32, #tpu.memory_space<vmem_shared>> -> memref<10240x128xf32, #tpu.memory_space<vmem_shared>>
        tpu.enqueue_indirect_dma source(%arg9 : memref<64x128xf32, #tpu.memory_space<vmem>>) target(%dma_start3A_240 : memref<10240x128xf32, #tpu.memory_space<vmem_shared>>) offsets(%dma_start3A_237 : memref<64xi32, #tpu.memory_space<vmem>>) semaphore(%run_scoped3A : memref<!tpu.dma_semaphore, #tpu.memory_space<semaphore_mem>>) {add = true}
        %dma_wait3A_241 = arith.constant 0 : i32
        %dma_wait3A_242 = tpu.memref_slice %arg8[%rem3A_77, %dma_wait3A_241] : memref<32x64xi32, #tpu.memory_space<vmem>> -> memref<1x64xi32, #tpu.memory_space<vmem>>
        %dma_wait3A_243 = tpu.memref_squeeze %dma_wait3A_242 : memref<1x64xi32, #tpu.memory_space<vmem>> -> memref<64xi32, #tpu.memory_space<vmem>>
        %dma_wait3A_244 = arith.constant 0 : i32
        %dma_wait3A_245 = arith.constant 0 : i32
        %dma_wait3A_246 = tpu.memref_slice %arg13[%dma_wait3A_244, %dma_wait3A_245] : memref<10240x128xf32, #tpu.memory_space<vmem_shared>> -> memref<10240x128xf32, #tpu.memory_space<vmem_shared>>
        tpu.wait_indirect_dma semaphore(%run_scoped3A : memref<!tpu.dma_semaphore, #tpu.memory_space<semaphore_mem>>) src(%arg9 : memref<64x128xf32, #tpu.memory_space<vmem>>) dst(%dma_wait3A_246 : memref<10240x128xf32, #tpu.memory_space<vmem_shared>>)
        tpu.yield
      }) : () -> ()
      %add3A_78 = arith.constant 4 : i32
      %add3A_79 = arith.addi %add3A_39, %add3A_78 : i32
      %lt3A = arith.cmpi slt, %add3A_79, %select_n3A : i32
      %convert_element_type3A_80 = arith.extui %lt3A : i1 to i32
      %cond3A_81 = arith.constant 0 : i32
      %cond3A_82 = arith.cmpi ne, %convert_element_type3A_80, %cond3A_81 : i32
      scf.if %cond3A_82 {
        %rem3A_236 = arith.constant 16 : i32
        %rem3A_237 = arith.remsi %add3A_79, %rem3A_236 : i32
        %eq3A_238 = arith.constant 0 : i32
        %eq3A_239 = arith.cmpi eq, %rem3A_237, %eq3A_238 : i32
        %convert_element_type3A_240 = arith.extui %eq3A_239 : i1 to i32
        %cond3A_241 = arith.constant 0 : i32
        %cond3A_242 = arith.cmpi ne, %convert_element_type3A_240, %cond3A_241 : i32
        scf.if %cond3A_242 {
          %add3A_250 = arith.addi %multiple_of3A, %add3A_79 : i32
          %multiple_of3A_251 = tpu.assume_multiple %add3A_250, 8 : i32
          %jit3A_252 = arith.constant 16 : i32
          %div3A_253 = arith.divsi %add3A_79, %jit3A_252 : i32
          %sign3A_254 = arith.constant 0 : i32
          %sign3A_255 = arith.cmpi sgt, %add3A_79, %sign3A_254 : i32
          %sign3A_256 = arith.extui %sign3A_255 : i1 to i32
          %sign3A_257 = arith.constant 0 : i32
          %sign3A_258 = arith.cmpi slt, %add3A_79, %sign3A_257 : i32
          %sign3A_259 = arith.extui %sign3A_258 : i1 to i32
          %sign3A_260 = arith.subi %sign3A_256, %sign3A_259 : i32
          %sign3A_261 = arith.constant 0 : i32
          %sign3A_262 = arith.cmpi sgt, %jit3A_252, %sign3A_261 : i32
          %sign3A_263 = arith.extui %sign3A_262 : i1 to i32
          %sign3A_264 = arith.constant 0 : i32
          %sign3A_265 = arith.cmpi slt, %jit3A_252, %sign3A_264 : i32
          %sign3A_266 = arith.extui %sign3A_265 : i1 to i32
          %sign3A_267 = arith.subi %sign3A_263, %sign3A_266 : i32
          %ne3A_268 = arith.cmpi ne, %sign3A_260, %sign3A_267 : i32
          %rem3A_269 = arith.remsi %add3A_79, %jit3A_252 : i32
          %ne3A_270 = arith.constant 0 : i32
          %ne3A_271 = arith.cmpi ne, %rem3A_269, %ne3A_270 : i32
          %and3A_272 = arith.andi %ne3A_268, %ne3A_271 : i1
          %sub3A_273 = arith.constant 1 : i32
          %sub3A_274 = arith.subi %div3A_253, %sub3A_273 : i32
          %select_n3A_275 = arith.select %and3A_272, %sub3A_274, %div3A_253 : i32
          %rem3A_276 = arith.constant 2 : i32
          %rem3A_277 = arith.remsi %select_n3A_275, %rem3A_276 : i32
          %mul3A_278 = arith.constant 16 : i32
          %mul3A_279 = arith.muli %rem3A_277, %mul3A_278 : i32
          %multiple_of3A_280 = tpu.assume_multiple %mul3A_279, 8 : i32
          %dma_wait3A_281 = arith.constant 0 : i32
          %dma_wait3A_282 = tpu.memref_slice %arg7[%multiple_of3A_280, %dma_wait3A_281] : memref<32x64xi32, #tpu.memory_space<vmem>> -> memref<16x64xi32, #tpu.memory_space<vmem>>
          %dma_wait3A_283 = arith.constant 0 : i32
          %dma_wait3A_284 = tpu.memref_slice %arg3[%multiple_of3A_251, %dma_wait3A_283] : memref<5120x64xi32, #tpu.memory_space<hbm>> -> memref<16x64xi32, #tpu.memory_space<hbm>>
          %dma_wait3A_285 = arith.constant 0 : i32
          %dma_wait3A_286 = tpu.memref_slice %arg7[%multiple_of3A_280, %dma_wait3A_285] : memref<32x64xi32, #tpu.memory_space<vmem>> -> memref<16x64xi32, #tpu.memory_space<vmem>>
          %dma_wait3A_287 = arith.constant 0 : i32
          %dma_wait3A_288 = tpu.memref_slice %arg3[%multiple_of3A_251, %dma_wait3A_287] : memref<5120x64xi32, #tpu.memory_space<hbm>> -> memref<16x64xi32, #tpu.memory_space<hbm>>
          tpu.wait_dma2 semaphore(%arg18 : memref<!tpu.dma_semaphore, #tpu.memory_space<semaphore_mem>>) src(%dma_wait3A_288 : memref<16x64xi32, #tpu.memory_space<hbm>>) dst(%dma_wait3A_286 : memref<16x64xi32, #tpu.memory_space<vmem>>)
        } else {
        }
        %rem3A_243 = arith.constant 32 : i32
        %rem3A_244 = arith.remsi %add3A_79, %rem3A_243 : i32
        %dma_start3A = arith.constant 0 : i32
        %dma_start3A_245 = tpu.memref_slice %arg7[%rem3A_244, %dma_start3A] : memref<32x64xi32, #tpu.memory_space<vmem>> -> memref<1x64xi32, #tpu.memory_space<vmem>>
        %dma_start3A_246 = tpu.memref_squeeze %dma_start3A_245 : memref<1x64xi32, #tpu.memory_space<vmem>> -> memref<64xi32, #tpu.memory_space<vmem>>
        %dma_start3A_247 = arith.constant 0 : i32
        %dma_start3A_248 = arith.constant 0 : i32
        %dma_start3A_249 = tpu.memref_slice %arg2[%dma_start3A_247, %dma_start3A_248] : memref<10240x128xf32, #tpu.memory_space<hbm>> -> memref<10240x128xf32, #tpu.memory_space<hbm>>
        tpu.enqueue_indirect_dma source(%dma_start3A_249 : memref<10240x128xf32, #tpu.memory_space<hbm>>) target(%arg9 : memref<64x128xf32, #tpu.memory_space<vmem>>) offsets(%dma_start3A_246 : memref<64xi32, #tpu.memory_space<vmem>>) semaphore(%arg14 : memref<!tpu.dma_semaphore, #tpu.memory_space<semaphore_mem>>)
      } else {
      }
      %add3A_83 = arith.constant 1 : i32
      %add3A_84 = arith.addi %add3A_37, %add3A_83 : i32
      %jit3A_85 = arith.constant 16 : i32
      %div3A_86 = arith.divsi %add3A_84, %jit3A_85 : i32
      %sign3A_87 = arith.constant 0 : i32
      %sign3A_88 = arith.cmpi sgt, %add3A_84, %sign3A_87 : i32
      %sign3A_89 = arith.extui %sign3A_88 : i1 to i32
      %sign3A_90 = arith.constant 0 : i32
      %sign3A_91 = arith.cmpi slt, %add3A_84, %sign3A_90 : i32
      %sign3A_92 = arith.extui %sign3A_91 : i1 to i32
      %sign3A_93 = arith.subi %sign3A_89, %sign3A_92 : i32
      %sign3A_94 = arith.constant 0 : i32
      %sign3A_95 = arith.cmpi sgt, %jit3A_85, %sign3A_94 : i32
      %sign3A_96 = arith.extui %sign3A_95 : i1 to i32
      %sign3A_97 = arith.constant 0 : i32
      %sign3A_98 = arith.cmpi slt, %jit3A_85, %sign3A_97 : i32
      %sign3A_99 = arith.extui %sign3A_98 : i1 to i32
      %sign3A_100 = arith.subi %sign3A_96, %sign3A_99 : i32
      %ne3A_101 = arith.cmpi ne, %sign3A_93, %sign3A_100 : i32
      %rem3A_102 = arith.remsi %add3A_84, %jit3A_85 : i32
      %ne3A_103 = arith.constant 0 : i32
      %ne3A_104 = arith.cmpi ne, %rem3A_102, %ne3A_103 : i32
      %and3A_105 = arith.andi %ne3A_101, %ne3A_104 : i1
      %sub3A_106 = arith.constant 1 : i32
      %sub3A_107 = arith.subi %div3A_86, %sub3A_106 : i32
      %select_n3A_108 = arith.select %and3A_105, %sub3A_107, %div3A_86 : i32
      %rem3A_109 = arith.constant 16 : i32
      %rem3A_110 = arith.remsi %add3A_84, %rem3A_109 : i32
      %eq3A_111 = arith.constant 0 : i32
      %eq3A_112 = arith.cmpi eq, %rem3A_110, %eq3A_111 : i32
      %gt3A_113 = arith.constant 0 : i32
      %gt3A_114 = arith.cmpi sgt, %add3A_84, %gt3A_113 : i32
      %and3A_115 = arith.andi %eq3A_112, %gt3A_114 : i1
      %convert_element_type3A_116 = arith.extui %and3A_115 : i1 to i32
      %cond3A_117 = arith.constant 0 : i32
      %cond3A_118 = arith.cmpi ne, %convert_element_type3A_116, %cond3A_117 : i32
      scf.if %cond3A_118 {
        %add3A_236 = arith.addi %multiple_of3A, %add3A_84 : i32
        %multiple_of3A_237 = tpu.assume_multiple %add3A_236, 8 : i32
        %rem3A_238 = arith.constant 2 : i32
        %rem3A_239 = arith.remsi %select_n3A_108, %rem3A_238 : i32
        %mul3A_240 = arith.constant 16 : i32
        %mul3A_241 = arith.muli %rem3A_239, %mul3A_240 : i32
        %multiple_of3A_242 = tpu.assume_multiple %mul3A_241, 8 : i32
        %dma_wait3A_243 = arith.constant 0 : i32
        %dma_wait3A_244 = tpu.memref_slice %arg8[%multiple_of3A_242, %dma_wait3A_243] : memref<32x64xi32, #tpu.memory_space<vmem>> -> memref<16x64xi32, #tpu.memory_space<vmem>>
        %dma_wait3A_245 = arith.constant 0 : i32
        %dma_wait3A_246 = tpu.memref_slice %arg4[%multiple_of3A_237, %dma_wait3A_245] : memref<5120x64xi32, #tpu.memory_space<hbm>> -> memref<16x64xi32, #tpu.memory_space<hbm>>
        %dma_wait3A_247 = arith.constant 0 : i32
        %dma_wait3A_248 = tpu.memref_slice %arg8[%multiple_of3A_242, %dma_wait3A_247] : memref<32x64xi32, #tpu.memory_space<vmem>> -> memref<16x64xi32, #tpu.memory_space<vmem>>
        %dma_wait3A_249 = arith.constant 0 : i32
        %dma_wait3A_250 = tpu.memref_slice %arg4[%multiple_of3A_237, %dma_wait3A_249] : memref<5120x64xi32, #tpu.memory_space<hbm>> -> memref<16x64xi32, #tpu.memory_space<hbm>>
        tpu.wait_dma2 semaphore(%arg19 : memref<!tpu.dma_semaphore, #tpu.memory_space<semaphore_mem>>) src(%dma_wait3A_250 : memref<16x64xi32, #tpu.memory_space<hbm>>) dst(%dma_wait3A_248 : memref<16x64xi32, #tpu.memory_space<vmem>>)
        %add3A_251 = arith.constant 16 : i32
        %add3A_252 = arith.addi %add3A_84, %add3A_251 : i32
        %lt3A_253 = arith.cmpi slt, %add3A_252, %select_n3A : i32
        %convert_element_type3A_254 = arith.extui %lt3A_253 : i1 to i32
        %cond3A_255 = arith.constant 0 : i32
        %cond3A_256 = arith.cmpi ne, %convert_element_type3A_254, %cond3A_255 : i32
        scf.if %cond3A_256 {
          %add3A_257 = arith.constant 16 : i32
          %add3A_258 = arith.addi %add3A_84, %add3A_257 : i32
          %add3A_259 = arith.addi %multiple_of3A, %add3A_258 : i32
          %multiple_of3A_260 = tpu.assume_multiple %add3A_259, 8 : i32
          %add3A_261 = arith.constant 1 : i32
          %add3A_262 = arith.addi %select_n3A_108, %add3A_261 : i32
          %rem3A_263 = arith.constant 2 : i32
          %rem3A_264 = arith.remsi %add3A_262, %rem3A_263 : i32
          %mul3A_265 = arith.constant 16 : i32
          %mul3A_266 = arith.muli %rem3A_264, %mul3A_265 : i32
          %multiple_of3A_267 = tpu.assume_multiple %mul3A_266, 8 : i32
          %dma_start3A = arith.constant 0 : i32
          %dma_start3A_268 = tpu.memref_slice %arg7[%multiple_of3A_267, %dma_start3A] : memref<32x64xi32, #tpu.memory_space<vmem>> -> memref<16x64xi32, #tpu.memory_space<vmem>>
          %dma_start3A_269 = arith.constant 0 : i32
          %dma_start3A_270 = tpu.memref_slice %arg3[%multiple_of3A_260, %dma_start3A_269] : memref<5120x64xi32, #tpu.memory_space<hbm>> -> memref<16x64xi32, #tpu.memory_space<hbm>>
          %dma_start3A_271 = arith.constant 0 : i32
          %dma_start3A_272 = tpu.memref_slice %arg7[%multiple_of3A_267, %dma_start3A_271] : memref<32x64xi32, #tpu.memory_space<vmem>> -> memref<16x64xi32, #tpu.memory_space<vmem>>
          %dma_start3A_273 = arith.constant 0 : i32
          %dma_start3A_274 = tpu.memref_slice %arg3[%multiple_of3A_260, %dma_start3A_273] : memref<5120x64xi32, #tpu.memory_space<hbm>> -> memref<16x64xi32, #tpu.memory_space<hbm>>
          tpu.enqueue_dma source(%dma_start3A_274 : memref<16x64xi32, #tpu.memory_space<hbm>>) target(%dma_start3A_272 : memref<16x64xi32, #tpu.memory_space<vmem>>) target_semaphore(%arg18 : memref<!tpu.dma_semaphore, #tpu.memory_space<semaphore_mem>>)
          %add3A_275 = arith.constant 16 : i32
          %add3A_276 = arith.addi %add3A_84, %add3A_275 : i32
          %add3A_277 = arith.addi %multiple_of3A, %add3A_276 : i32
          %multiple_of3A_278 = tpu.assume_multiple %add3A_277, 8 : i32
          %add3A_279 = arith.constant 1 : i32
          %add3A_280 = arith.addi %select_n3A_108, %add3A_279 : i32
          %rem3A_281 = arith.constant 2 : i32
          %rem3A_282 = arith.remsi %add3A_280, %rem3A_281 : i32
          %mul3A_283 = arith.constant 16 : i32
          %mul3A_284 = arith.muli %rem3A_282, %mul3A_283 : i32
          %multiple_of3A_285 = tpu.assume_multiple %mul3A_284, 8 : i32
          %dma_start3A_286 = arith.constant 0 : i32
          %dma_start3A_287 = tpu.memref_slice %arg8[%multiple_of3A_285, %dma_start3A_286] : memref<32x64xi32, #tpu.memory_space<vmem>> -> memref<16x64xi32, #tpu.memory_space<vmem>>
          %dma_start3A_288 = arith.constant 0 : i32
          %dma_start3A_289 = tpu.memref_slice %arg4[%multiple_of3A_278, %dma_start3A_288] : memref<5120x64xi32, #tpu.memory_space<hbm>> -> memref<16x64xi32, #tpu.memory_space<hbm>>
          %dma_start3A_290 = arith.constant 0 : i32
          %dma_start3A_291 = tpu.memref_slice %arg8[%multiple_of3A_285, %dma_start3A_290] : memref<32x64xi32, #tpu.memory_space<vmem>> -> memref<16x64xi32, #tpu.memory_space<vmem>>
          %dma_start3A_292 = arith.constant 0 : i32
          %dma_start3A_293 = tpu.memref_slice %arg4[%multiple_of3A_278, %dma_start3A_292] : memref<5120x64xi32, #tpu.memory_space<hbm>> -> memref<16x64xi32, #tpu.memory_space<hbm>>
          tpu.enqueue_dma source(%dma_start3A_293 : memref<16x64xi32, #tpu.memory_space<hbm>>) target(%dma_start3A_291 : memref<16x64xi32, #tpu.memory_space<vmem>>) target_semaphore(%arg19 : memref<!tpu.dma_semaphore, #tpu.memory_space<semaphore_mem>>)
        } else {
        }
      } else {
      }
      %dma_wait3A_119 = arith.constant 0 : i32
      %dma_wait3A_120 = arith.constant 0 : i32
      %dma_wait3A_121 = tpu.memref_slice %arg7[%dma_wait3A_119, %dma_wait3A_120] : memref<32x64xi32, #tpu.memory_space<vmem>> -> memref<1x64xi32, #tpu.memory_space<vmem>>
      %dma_wait3A_122 = tpu.memref_squeeze %dma_wait3A_121 : memref<1x64xi32, #tpu.memory_space<vmem>> -> memref<64xi32, #tpu.memory_space<vmem>>
      %dma_wait3A_123 = arith.constant 0 : i32
      %dma_wait3A_124 = arith.constant 0 : i32
      %dma_wait3A_125 = tpu.memref_slice %arg2[%dma_wait3A_123, %dma_wait3A_124] : memref<10240x128xf32, #tpu.memory_space<hbm>> -> memref<10240x128xf32, #tpu.memory_space<hbm>>
      tpu.wait_indirect_dma semaphore(%arg15 : memref<!tpu.dma_semaphore, #tpu.memory_space<semaphore_mem>>) src(%dma_wait3A_125 : memref<10240x128xf32, #tpu.memory_space<hbm>>) dst(%arg10 : memref<64x128xf32, #tpu.memory_space<vmem>>)
      %rem3A_126 = arith.constant 32 : i32
      %rem3A_127 = arith.remsi %add3A_84, %rem3A_126 : i32
      "tpu.region"() ({
        %run_scoped3A = tpu.sem_alloc : memref<!tpu.dma_semaphore, #tpu.memory_space<semaphore_mem>>
        %dma_start3A = arith.constant 0 : i32
        %dma_start3A_236 = tpu.memref_slice %arg8[%rem3A_127, %dma_start3A] : memref<32x64xi32, #tpu.memory_space<vmem>> -> memref<1x64xi32, #tpu.memory_space<vmem>>
        %dma_start3A_237 = tpu.memref_squeeze %dma_start3A_236 : memref<1x64xi32, #tpu.memory_space<vmem>> -> memref<64xi32, #tpu.memory_space<vmem>>
        %dma_start3A_238 = arith.constant 0 : i32
        %dma_start3A_239 = arith.constant 0 : i32
        %dma_start3A_240 = tpu.memref_slice %arg13[%dma_start3A_238, %dma_start3A_239] : memref<10240x128xf32, #tpu.memory_space<vmem_shared>> -> memref<10240x128xf32, #tpu.memory_space<vmem_shared>>
        tpu.enqueue_indirect_dma source(%arg10 : memref<64x128xf32, #tpu.memory_space<vmem>>) target(%dma_start3A_240 : memref<10240x128xf32, #tpu.memory_space<vmem_shared>>) offsets(%dma_start3A_237 : memref<64xi32, #tpu.memory_space<vmem>>) semaphore(%run_scoped3A : memref<!tpu.dma_semaphore, #tpu.memory_space<semaphore_mem>>) {add = true}
        %dma_wait3A_241 = arith.constant 0 : i32
        %dma_wait3A_242 = tpu.memref_slice %arg8[%rem3A_127, %dma_wait3A_241] : memref<32x64xi32, #tpu.memory_space<vmem>> -> memref<1x64xi32, #tpu.memory_space<vmem>>
        %dma_wait3A_243 = tpu.memref_squeeze %dma_wait3A_242 : memref<1x64xi32, #tpu.memory_space<vmem>> -> memref<64xi32, #tpu.memory_space<vmem>>
        %dma_wait3A_244 = arith.constant 0 : i32
        %dma_wait3A_245 = arith.constant 0 : i32
        %dma_wait3A_246 = tpu.memref_slice %arg13[%dma_wait3A_244, %dma_wait3A_245] : memref<10240x128xf32, #tpu.memory_space<vmem_shared>> -> memref<10240x128xf32, #tpu.memory_space<vmem_shared>>
        tpu.wait_indirect_dma semaphore(%run_scoped3A : memref<!tpu.dma_semaphore, #tpu.memory_space<semaphore_mem>>) src(%arg10 : memref<64x128xf32, #tpu.memory_space<vmem>>) dst(%dma_wait3A_246 : memref<10240x128xf32, #tpu.memory_space<vmem_shared>>)
        tpu.yield
      }) : () -> ()
      %add3A_128 = arith.constant 4 : i32
      %add3A_129 = arith.addi %add3A_84, %add3A_128 : i32
      %lt3A_130 = arith.cmpi slt, %add3A_129, %select_n3A : i32
      %convert_element_type3A_131 = arith.extui %lt3A_130 : i1 to i32
      %cond3A_132 = arith.constant 0 : i32
      %cond3A_133 = arith.cmpi ne, %convert_element_type3A_131, %cond3A_132 : i32
      scf.if %cond3A_133 {
        %rem3A_236 = arith.constant 16 : i32
        %rem3A_237 = arith.remsi %add3A_129, %rem3A_236 : i32
        %eq3A_238 = arith.constant 0 : i32
        %eq3A_239 = arith.cmpi eq, %rem3A_237, %eq3A_238 : i32
        %convert_element_type3A_240 = arith.extui %eq3A_239 : i1 to i32
        %cond3A_241 = arith.constant 0 : i32
        %cond3A_242 = arith.cmpi ne, %convert_element_type3A_240, %cond3A_241 : i32
        scf.if %cond3A_242 {
          %add3A_250 = arith.addi %multiple_of3A, %add3A_129 : i32
          %multiple_of3A_251 = tpu.assume_multiple %add3A_250, 8 : i32
          %jit3A_252 = arith.constant 16 : i32
          %div3A_253 = arith.divsi %add3A_129, %jit3A_252 : i32
          %sign3A_254 = arith.constant 0 : i32
          %sign3A_255 = arith.cmpi sgt, %add3A_129, %sign3A_254 : i32
          %sign3A_256 = arith.extui %sign3A_255 : i1 to i32
          %sign3A_257 = arith.constant 0 : i32
          %sign3A_258 = arith.cmpi slt, %add3A_129, %sign3A_257 : i32
          %sign3A_259 = arith.extui %sign3A_258 : i1 to i32
          %sign3A_260 = arith.subi %sign3A_256, %sign3A_259 : i32
          %sign3A_261 = arith.constant 0 : i32
          %sign3A_262 = arith.cmpi sgt, %jit3A_252, %sign3A_261 : i32
          %sign3A_263 = arith.extui %sign3A_262 : i1 to i32
          %sign3A_264 = arith.constant 0 : i32
          %sign3A_265 = arith.cmpi slt, %jit3A_252, %sign3A_264 : i32
          %sign3A_266 = arith.extui %sign3A_265 : i1 to i32
          %sign3A_267 = arith.subi %sign3A_263, %sign3A_266 : i32
          %ne3A_268 = arith.cmpi ne, %sign3A_260, %sign3A_267 : i32
          %rem3A_269 = arith.remsi %add3A_129, %jit3A_252 : i32
          %ne3A_270 = arith.constant 0 : i32
          %ne3A_271 = arith.cmpi ne, %rem3A_269, %ne3A_270 : i32
          %and3A_272 = arith.andi %ne3A_268, %ne3A_271 : i1
          %sub3A_273 = arith.constant 1 : i32
          %sub3A_274 = arith.subi %div3A_253, %sub3A_273 : i32
          %select_n3A_275 = arith.select %and3A_272, %sub3A_274, %div3A_253 : i32
          %rem3A_276 = arith.constant 2 : i32
          %rem3A_277 = arith.remsi %select_n3A_275, %rem3A_276 : i32
          %mul3A_278 = arith.constant 16 : i32
          %mul3A_279 = arith.muli %rem3A_277, %mul3A_278 : i32
          %multiple_of3A_280 = tpu.assume_multiple %mul3A_279, 8 : i32
          %dma_wait3A_281 = arith.constant 0 : i32
          %dma_wait3A_282 = tpu.memref_slice %arg7[%multiple_of3A_280, %dma_wait3A_281] : memref<32x64xi32, #tpu.memory_space<vmem>> -> memref<16x64xi32, #tpu.memory_space<vmem>>
          %dma_wait3A_283 = arith.constant 0 : i32
          %dma_wait3A_284 = tpu.memref_slice %arg3[%multiple_of3A_251, %dma_wait3A_283] : memref<5120x64xi32, #tpu.memory_space<hbm>> -> memref<16x64xi32, #tpu.memory_space<hbm>>
          %dma_wait3A_285 = arith.constant 0 : i32
          %dma_wait3A_286 = tpu.memref_slice %arg7[%multiple_of3A_280, %dma_wait3A_285] : memref<32x64xi32, #tpu.memory_space<vmem>> -> memref<16x64xi32, #tpu.memory_space<vmem>>
          %dma_wait3A_287 = arith.constant 0 : i32
          %dma_wait3A_288 = tpu.memref_slice %arg3[%multiple_of3A_251, %dma_wait3A_287] : memref<5120x64xi32, #tpu.memory_space<hbm>> -> memref<16x64xi32, #tpu.memory_space<hbm>>
          tpu.wait_dma2 semaphore(%arg18 : memref<!tpu.dma_semaphore, #tpu.memory_space<semaphore_mem>>) src(%dma_wait3A_288 : memref<16x64xi32, #tpu.memory_space<hbm>>) dst(%dma_wait3A_286 : memref<16x64xi32, #tpu.memory_space<vmem>>)
        } else {
        }
        %rem3A_243 = arith.constant 32 : i32
        %rem3A_244 = arith.remsi %add3A_129, %rem3A_243 : i32
        %dma_start3A = arith.constant 0 : i32
        %dma_start3A_245 = tpu.memref_slice %arg7[%rem3A_244, %dma_start3A] : memref<32x64xi32, #tpu.memory_space<vmem>> -> memref<1x64xi32, #tpu.memory_space<vmem>>
        %dma_start3A_246 = tpu.memref_squeeze %dma_start3A_245 : memref<1x64xi32, #tpu.memory_space<vmem>> -> memref<64xi32, #tpu.memory_space<vmem>>
        %dma_start3A_247 = arith.constant 0 : i32
        %dma_start3A_248 = arith.constant 0 : i32
        %dma_start3A_249 = tpu.memref_slice %arg2[%dma_start3A_247, %dma_start3A_248] : memref<10240x128xf32, #tpu.memory_space<hbm>> -> memref<10240x128xf32, #tpu.memory_space<hbm>>
        tpu.enqueue_indirect_dma source(%dma_start3A_249 : memref<10240x128xf32, #tpu.memory_space<hbm>>) target(%arg10 : memref<64x128xf32, #tpu.memory_space<vmem>>) offsets(%dma_start3A_246 : memref<64xi32, #tpu.memory_space<vmem>>) semaphore(%arg15 : memref<!tpu.dma_semaphore, #tpu.memory_space<semaphore_mem>>)
      } else {
      }
      %add3A_134 = arith.constant 2 : i32
      %add3A_135 = arith.addi %add3A_37, %add3A_134 : i32
      %jit3A_136 = arith.constant 16 : i32
      %div3A_137 = arith.divsi %add3A_135, %jit3A_136 : i32
      %sign3A_138 = arith.constant 0 : i32
      %sign3A_139 = arith.cmpi sgt, %add3A_135, %sign3A_138 : i32
      %sign3A_140 = arith.extui %sign3A_139 : i1 to i32
      %sign3A_141 = arith.constant 0 : i32
      %sign3A_142 = arith.cmpi slt, %add3A_135, %sign3A_141 : i32
      %sign3A_143 = arith.extui %sign3A_142 : i1 to i32
      %sign3A_144 = arith.subi %sign3A_140, %sign3A_143 : i32
      %sign3A_145 = arith.constant 0 : i32
      %sign3A_146 = arith.cmpi sgt, %jit3A_136, %sign3A_145 : i32
      %sign3A_147 = arith.extui %sign3A_146 : i1 to i32
      %sign3A_148 = arith.constant 0 : i32
      %sign3A_149 = arith.cmpi slt, %jit3A_136, %sign3A_148 : i32
      %sign3A_150 = arith.extui %sign3A_149 : i1 to i32
      %sign3A_151 = arith.subi %sign3A_147, %sign3A_150 : i32
      %ne3A_152 = arith.cmpi ne, %sign3A_144, %sign3A_151 : i32
      %rem3A_153 = arith.remsi %add3A_135, %jit3A_136 : i32
      %ne3A_154 = arith.constant 0 : i32
      %ne3A_155 = arith.cmpi ne, %rem3A_153, %ne3A_154 : i32
      %and3A_156 = arith.andi %ne3A_152, %ne3A_155 : i1
      %sub3A_157 = arith.constant 1 : i32
      %sub3A_158 = arith.subi %div3A_137, %sub3A_157 : i32
      %select_n3A_159 = arith.select %and3A_156, %sub3A_158, %div3A_137 : i32
      %rem3A_160 = arith.constant 16 : i32
      %rem3A_161 = arith.remsi %add3A_135, %rem3A_160 : i32
      %eq3A_162 = arith.constant 0 : i32
      %eq3A_163 = arith.cmpi eq, %rem3A_161, %eq3A_162 : i32
      %gt3A_164 = arith.constant 0 : i32
      %gt3A_165 = arith.cmpi sgt, %add3A_135, %gt3A_164 : i32
      %and3A_166 = arith.andi %eq3A_163, %gt3A_165 : i1
      %convert_element_type3A_167 = arith.extui %and3A_166 : i1 to i32
      %cond3A_168 = arith.constant 0 : i32
      %cond3A_169 = arith.cmpi ne, %convert_element_type3A_167, %cond3A_168 : i32
      scf.if %cond3A_169 {
        %add3A_236 = arith.addi %multiple_of3A, %add3A_135 : i32
        %multiple_of3A_237 = tpu.assume_multiple %add3A_236, 8 : i32
        %rem3A_238 = arith.constant 2 : i32
        %rem3A_239 = arith.remsi %select_n3A_159, %rem3A_238 : i32
        %mul3A_240 = arith.constant 16 : i32
        %mul3A_241 = arith.muli %rem3A_239, %mul3A_240 : i32
        %multiple_of3A_242 = tpu.assume_multiple %mul3A_241, 8 : i32
        %dma_wait3A_243 = arith.constant 0 : i32
        %dma_wait3A_244 = tpu.memref_slice %arg8[%multiple_of3A_242, %dma_wait3A_243] : memref<32x64xi32, #tpu.memory_space<vmem>> -> memref<16x64xi32, #tpu.memory_space<vmem>>
        %dma_wait3A_245 = arith.constant 0 : i32
        %dma_wait3A_246 = tpu.memref_slice %arg4[%multiple_of3A_237, %dma_wait3A_245] : memref<5120x64xi32, #tpu.memory_space<hbm>> -> memref<16x64xi32, #tpu.memory_space<hbm>>
        %dma_wait3A_247 = arith.constant 0 : i32
        %dma_wait3A_248 = tpu.memref_slice %arg8[%multiple_of3A_242, %dma_wait3A_247] : memref<32x64xi32, #tpu.memory_space<vmem>> -> memref<16x64xi32, #tpu.memory_space<vmem>>
        %dma_wait3A_249 = arith.constant 0 : i32
        %dma_wait3A_250 = tpu.memref_slice %arg4[%multiple_of3A_237, %dma_wait3A_249] : memref<5120x64xi32, #tpu.memory_space<hbm>> -> memref<16x64xi32, #tpu.memory_space<hbm>>
        tpu.wait_dma2 semaphore(%arg19 : memref<!tpu.dma_semaphore, #tpu.memory_space<semaphore_mem>>) src(%dma_wait3A_250 : memref<16x64xi32, #tpu.memory_space<hbm>>) dst(%dma_wait3A_248 : memref<16x64xi32, #tpu.memory_space<vmem>>)
        %add3A_251 = arith.constant 16 : i32
        %add3A_252 = arith.addi %add3A_135, %add3A_251 : i32
        %lt3A_253 = arith.cmpi slt, %add3A_252, %select_n3A : i32
        %convert_element_type3A_254 = arith.extui %lt3A_253 : i1 to i32
        %cond3A_255 = arith.constant 0 : i32
        %cond3A_256 = arith.cmpi ne, %convert_element_type3A_254, %cond3A_255 : i32
        scf.if %cond3A_256 {
          %add3A_257 = arith.constant 16 : i32
          %add3A_258 = arith.addi %add3A_135, %add3A_257 : i32
          %add3A_259 = arith.addi %multiple_of3A, %add3A_258 : i32
          %multiple_of3A_260 = tpu.assume_multiple %add3A_259, 8 : i32
          %add3A_261 = arith.constant 1 : i32
          %add3A_262 = arith.addi %select_n3A_159, %add3A_261 : i32
          %rem3A_263 = arith.constant 2 : i32
          %rem3A_264 = arith.remsi %add3A_262, %rem3A_263 : i32
          %mul3A_265 = arith.constant 16 : i32
          %mul3A_266 = arith.muli %rem3A_264, %mul3A_265 : i32
          %multiple_of3A_267 = tpu.assume_multiple %mul3A_266, 8 : i32
          %dma_start3A = arith.constant 0 : i32
          %dma_start3A_268 = tpu.memref_slice %arg7[%multiple_of3A_267, %dma_start3A] : memref<32x64xi32, #tpu.memory_space<vmem>> -> memref<16x64xi32, #tpu.memory_space<vmem>>
          %dma_start3A_269 = arith.constant 0 : i32
          %dma_start3A_270 = tpu.memref_slice %arg3[%multiple_of3A_260, %dma_start3A_269] : memref<5120x64xi32, #tpu.memory_space<hbm>> -> memref<16x64xi32, #tpu.memory_space<hbm>>
          %dma_start3A_271 = arith.constant 0 : i32
          %dma_start3A_272 = tpu.memref_slice %arg7[%multiple_of3A_267, %dma_start3A_271] : memref<32x64xi32, #tpu.memory_space<vmem>> -> memref<16x64xi32, #tpu.memory_space<vmem>>
          %dma_start3A_273 = arith.constant 0 : i32
          %dma_start3A_274 = tpu.memref_slice %arg3[%multiple_of3A_260, %dma_start3A_273] : memref<5120x64xi32, #tpu.memory_space<hbm>> -> memref<16x64xi32, #tpu.memory_space<hbm>>
          tpu.enqueue_dma source(%dma_start3A_274 : memref<16x64xi32, #tpu.memory_space<hbm>>) target(%dma_start3A_272 : memref<16x64xi32, #tpu.memory_space<vmem>>) target_semaphore(%arg18 : memref<!tpu.dma_semaphore, #tpu.memory_space<semaphore_mem>>)
          %add3A_275 = arith.constant 16 : i32
          %add3A_276 = arith.addi %add3A_135, %add3A_275 : i32
          %add3A_277 = arith.addi %multiple_of3A, %add3A_276 : i32
          %multiple_of3A_278 = tpu.assume_multiple %add3A_277, 8 : i32
          %add3A_279 = arith.constant 1 : i32
          %add3A_280 = arith.addi %select_n3A_159, %add3A_279 : i32
          %rem3A_281 = arith.constant 2 : i32
          %rem3A_282 = arith.remsi %add3A_280, %rem3A_281 : i32
          %mul3A_283 = arith.constant 16 : i32
          %mul3A_284 = arith.muli %rem3A_282, %mul3A_283 : i32
          %multiple_of3A_285 = tpu.assume_multiple %mul3A_284, 8 : i32
          %dma_start3A_286 = arith.constant 0 : i32
          %dma_start3A_287 = tpu.memref_slice %arg8[%multiple_of3A_285, %dma_start3A_286] : memref<32x64xi32, #tpu.memory_space<vmem>> -> memref<16x64xi32, #tpu.memory_space<vmem>>
          %dma_start3A_288 = arith.constant 0 : i32
          %dma_start3A_289 = tpu.memref_slice %arg4[%multiple_of3A_278, %dma_start3A_288] : memref<5120x64xi32, #tpu.memory_space<hbm>> -> memref<16x64xi32, #tpu.memory_space<hbm>>
          %dma_start3A_290 = arith.constant 0 : i32
          %dma_start3A_291 = tpu.memref_slice %arg8[%multiple_of3A_285, %dma_start3A_290] : memref<32x64xi32, #tpu.memory_space<vmem>> -> memref<16x64xi32, #tpu.memory_space<vmem>>
          %dma_start3A_292 = arith.constant 0 : i32
          %dma_start3A_293 = tpu.memref_slice %arg4[%multiple_of3A_278, %dma_start3A_292] : memref<5120x64xi32, #tpu.memory_space<hbm>> -> memref<16x64xi32, #tpu.memory_space<hbm>>
          tpu.enqueue_dma source(%dma_start3A_293 : memref<16x64xi32, #tpu.memory_space<hbm>>) target(%dma_start3A_291 : memref<16x64xi32, #tpu.memory_space<vmem>>) target_semaphore(%arg19 : memref<!tpu.dma_semaphore, #tpu.memory_space<semaphore_mem>>)
        } else {
        }
      } else {
      }
      %dma_wait3A_170 = arith.constant 0 : i32
      %dma_wait3A_171 = arith.constant 0 : i32
      %dma_wait3A_172 = tpu.memref_slice %arg7[%dma_wait3A_170, %dma_wait3A_171] : memref<32x64xi32, #tpu.memory_space<vmem>> -> memref<1x64xi32, #tpu.memory_space<vmem>>
      %dma_wait3A_173 = tpu.memref_squeeze %dma_wait3A_172 : memref<1x64xi32, #tpu.memory_space<vmem>> -> memref<64xi32, #tpu.memory_space<vmem>>
      %dma_wait3A_174 = arith.constant 0 : i32
      %dma_wait3A_175 = arith.constant 0 : i32
      %dma_wait3A_176 = tpu.memref_slice %arg2[%dma_wait3A_174, %dma_wait3A_175] : memref<10240x128xf32, #tpu.memory_space<hbm>> -> memref<10240x128xf32, #tpu.memory_space<hbm>>
      tpu.wait_indirect_dma semaphore(%arg16 : memref<!tpu.dma_semaphore, #tpu.memory_space<semaphore_mem>>) src(%dma_wait3A_176 : memref<10240x128xf32, #tpu.memory_space<hbm>>) dst(%arg11 : memref<64x128xf32, #tpu.memory_space<vmem>>)
      %rem3A_177 = arith.constant 32 : i32
      %rem3A_178 = arith.remsi %add3A_135, %rem3A_177 : i32
      "tpu.region"() ({
        %run_scoped3A = tpu.sem_alloc : memref<!tpu.dma_semaphore, #tpu.memory_space<semaphore_mem>>
        %dma_start3A = arith.constant 0 : i32
        %dma_start3A_236 = tpu.memref_slice %arg8[%rem3A_178, %dma_start3A] : memref<32x64xi32, #tpu.memory_space<vmem>> -> memref<1x64xi32, #tpu.memory_space<vmem>>
        %dma_start3A_237 = tpu.memref_squeeze %dma_start3A_236 : memref<1x64xi32, #tpu.memory_space<vmem>> -> memref<64xi32, #tpu.memory_space<vmem>>
        %dma_start3A_238 = arith.constant 0 : i32
        %dma_start3A_239 = arith.constant 0 : i32
        %dma_start3A_240 = tpu.memref_slice %arg13[%dma_start3A_238, %dma_start3A_239] : memref<10240x128xf32, #tpu.memory_space<vmem_shared>> -> memref<10240x128xf32, #tpu.memory_space<vmem_shared>>
        tpu.enqueue_indirect_dma source(%arg11 : memref<64x128xf32, #tpu.memory_space<vmem>>) target(%dma_start3A_240 : memref<10240x128xf32, #tpu.memory_space<vmem_shared>>) offsets(%dma_start3A_237 : memref<64xi32, #tpu.memory_space<vmem>>) semaphore(%run_scoped3A : memref<!tpu.dma_semaphore, #tpu.memory_space<semaphore_mem>>) {add = true}
        %dma_wait3A_241 = arith.constant 0 : i32
        %dma_wait3A_242 = tpu.memref_slice %arg8[%rem3A_178, %dma_wait3A_241] : memref<32x64xi32, #tpu.memory_space<vmem>> -> memref<1x64xi32, #tpu.memory_space<vmem>>
        %dma_wait3A_243 = tpu.memref_squeeze %dma_wait3A_242 : memref<1x64xi32, #tpu.memory_space<vmem>> -> memref<64xi32, #tpu.memory_space<vmem>>
        %dma_wait3A_244 = arith.constant 0 : i32
        %dma_wait3A_245 = arith.constant 0 : i32
        %dma_wait3A_246 = tpu.memref_slice %arg13[%dma_wait3A_244, %dma_wait3A_245] : memref<10240x128xf32, #tpu.memory_space<vmem_shared>> -> memref<10240x128xf32, #tpu.memory_space<vmem_shared>>
        tpu.wait_indirect_dma semaphore(%run_scoped3A : memref<!tpu.dma_semaphore, #tpu.memory_space<semaphore_mem>>) src(%arg11 : memref<64x128xf32, #tpu.memory_space<vmem>>) dst(%dma_wait3A_246 : memref<10240x128xf32, #tpu.memory_space<vmem_shared>>)
        tpu.yield
      }) : () -> ()
      %add3A_179 = arith.constant 4 : i32
      %add3A_180 = arith.addi %add3A_135, %add3A_179 : i32
      %lt3A_181 = arith.cmpi slt, %add3A_180, %select_n3A : i32
      %convert_element_type3A_182 = arith.extui %lt3A_181 : i1 to i32
      %cond3A_183 = arith.constant 0 : i32
      %cond3A_184 = arith.cmpi ne, %convert_element_type3A_182, %cond3A_183 : i32
      scf.if %cond3A_184 {
        %rem3A_236 = arith.constant 16 : i32
        %rem3A_237 = arith.remsi %add3A_180, %rem3A_236 : i32
        %eq3A_238 = arith.constant 0 : i32
        %eq3A_239 = arith.cmpi eq, %rem3A_237, %eq3A_238 : i32
        %convert_element_type3A_240 = arith.extui %eq3A_239 : i1 to i32
        %cond3A_241 = arith.constant 0 : i32
        %cond3A_242 = arith.cmpi ne, %convert_element_type3A_240, %cond3A_241 : i32
        scf.if %cond3A_242 {
          %add3A_250 = arith.addi %multiple_of3A, %add3A_180 : i32
          %multiple_of3A_251 = tpu.assume_multiple %add3A_250, 8 : i32
          %jit3A_252 = arith.constant 16 : i32
          %div3A_253 = arith.divsi %add3A_180, %jit3A_252 : i32
          %sign3A_254 = arith.constant 0 : i32
          %sign3A_255 = arith.cmpi sgt, %add3A_180, %sign3A_254 : i32
          %sign3A_256 = arith.extui %sign3A_255 : i1 to i32
          %sign3A_257 = arith.constant 0 : i32
          %sign3A_258 = arith.cmpi slt, %add3A_180, %sign3A_257 : i32
          %sign3A_259 = arith.extui %sign3A_258 : i1 to i32
          %sign3A_260 = arith.subi %sign3A_256, %sign3A_259 : i32
          %sign3A_261 = arith.constant 0 : i32
          %sign3A_262 = arith.cmpi sgt, %jit3A_252, %sign3A_261 : i32
          %sign3A_263 = arith.extui %sign3A_262 : i1 to i32
          %sign3A_264 = arith.constant 0 : i32
          %sign3A_265 = arith.cmpi slt, %jit3A_252, %sign3A_264 : i32
          %sign3A_266 = arith.extui %sign3A_265 : i1 to i32
          %sign3A_267 = arith.subi %sign3A_263, %sign3A_266 : i32
          %ne3A_268 = arith.cmpi ne, %sign3A_260, %sign3A_267 : i32
          %rem3A_269 = arith.remsi %add3A_180, %jit3A_252 : i32
          %ne3A_270 = arith.constant 0 : i32
          %ne3A_271 = arith.cmpi ne, %rem3A_269, %ne3A_270 : i32
          %and3A_272 = arith.andi %ne3A_268, %ne3A_271 : i1
          %sub3A_273 = arith.constant 1 : i32
          %sub3A_274 = arith.subi %div3A_253, %sub3A_273 : i32
          %select_n3A_275 = arith.select %and3A_272, %sub3A_274, %div3A_253 : i32
          %rem3A_276 = arith.constant 2 : i32
          %rem3A_277 = arith.remsi %select_n3A_275, %rem3A_276 : i32
          %mul3A_278 = arith.constant 16 : i32
          %mul3A_279 = arith.muli %rem3A_277, %mul3A_278 : i32
          %multiple_of3A_280 = tpu.assume_multiple %mul3A_279, 8 : i32
          %dma_wait3A_281 = arith.constant 0 : i32
          %dma_wait3A_282 = tpu.memref_slice %arg7[%multiple_of3A_280, %dma_wait3A_281] : memref<32x64xi32, #tpu.memory_space<vmem>> -> memref<16x64xi32, #tpu.memory_space<vmem>>
          %dma_wait3A_283 = arith.constant 0 : i32
          %dma_wait3A_284 = tpu.memref_slice %arg3[%multiple_of3A_251, %dma_wait3A_283] : memref<5120x64xi32, #tpu.memory_space<hbm>> -> memref<16x64xi32, #tpu.memory_space<hbm>>
          %dma_wait3A_285 = arith.constant 0 : i32
          %dma_wait3A_286 = tpu.memref_slice %arg7[%multiple_of3A_280, %dma_wait3A_285] : memref<32x64xi32, #tpu.memory_space<vmem>> -> memref<16x64xi32, #tpu.memory_space<vmem>>
          %dma_wait3A_287 = arith.constant 0 : i32
          %dma_wait3A_288 = tpu.memref_slice %arg3[%multiple_of3A_251, %dma_wait3A_287] : memref<5120x64xi32, #tpu.memory_space<hbm>> -> memref<16x64xi32, #tpu.memory_space<hbm>>
          tpu.wait_dma2 semaphore(%arg18 : memref<!tpu.dma_semaphore, #tpu.memory_space<semaphore_mem>>) src(%dma_wait3A_288 : memref<16x64xi32, #tpu.memory_space<hbm>>) dst(%dma_wait3A_286 : memref<16x64xi32, #tpu.memory_space<vmem>>)
        } else {
        }
        %rem3A_243 = arith.constant 32 : i32
        %rem3A_244 = arith.remsi %add3A_180, %rem3A_243 : i32
        %dma_start3A = arith.constant 0 : i32
        %dma_start3A_245 = tpu.memref_slice %arg7[%rem3A_244, %dma_start3A] : memref<32x64xi32, #tpu.memory_space<vmem>> -> memref<1x64xi32, #tpu.memory_space<vmem>>
        %dma_start3A_246 = tpu.memref_squeeze %dma_start3A_245 : memref<1x64xi32, #tpu.memory_space<vmem>> -> memref<64xi32, #tpu.memory_space<vmem>>
        %dma_start3A_247 = arith.constant 0 : i32
        %dma_start3A_248 = arith.constant 0 : i32
        %dma_start3A_249 = tpu.memref_slice %arg2[%dma_start3A_247, %dma_start3A_248] : memref<10240x128xf32, #tpu.memory_space<hbm>> -> memref<10240x128xf32, #tpu.memory_space<hbm>>
        tpu.enqueue_indirect_dma source(%dma_start3A_249 : memref<10240x128xf32, #tpu.memory_space<hbm>>) target(%arg11 : memref<64x128xf32, #tpu.memory_space<vmem>>) offsets(%dma_start3A_246 : memref<64xi32, #tpu.memory_space<vmem>>) semaphore(%arg16 : memref<!tpu.dma_semaphore, #tpu.memory_space<semaphore_mem>>)
      } else {
      }
      %add3A_185 = arith.constant 3 : i32
      %add3A_186 = arith.addi %add3A_37, %add3A_185 : i32
      %jit3A_187 = arith.constant 16 : i32
      %div3A_188 = arith.divsi %add3A_186, %jit3A_187 : i32
      %sign3A_189 = arith.constant 0 : i32
      %sign3A_190 = arith.cmpi sgt, %add3A_186, %sign3A_189 : i32
      %sign3A_191 = arith.extui %sign3A_190 : i1 to i32
      %sign3A_192 = arith.constant 0 : i32
      %sign3A_193 = arith.cmpi slt, %add3A_186, %sign3A_192 : i32
      %sign3A_194 = arith.extui %sign3A_193 : i1 to i32
      %sign3A_195 = arith.subi %sign3A_191, %sign3A_194 : i32
      %sign3A_196 = arith.constant 0 : i32
      %sign3A_197 = arith.cmpi sgt, %jit3A_187, %sign3A_196 : i32
      %sign3A_198 = arith.extui %sign3A_197 : i1 to i32
      %sign3A_199 = arith.constant 0 : i32
      %sign3A_200 = arith.cmpi slt, %jit3A_187, %sign3A_199 : i32
      %sign3A_201 = arith.extui %sign3A_200 : i1 to i32
      %sign3A_202 = arith.subi %sign3A_198, %sign3A_201 : i32
      %ne3A_203 = arith.cmpi ne, %sign3A_195, %sign3A_202 : i32
      %rem3A_204 = arith.remsi %add3A_186, %jit3A_187 : i32
      %ne3A_205 = arith.constant 0 : i32
      %ne3A_206 = arith.cmpi ne, %rem3A_204, %ne3A_205 : i32
      %and3A_207 = arith.andi %ne3A_203, %ne3A_206 : i1
      %sub3A_208 = arith.constant 1 : i32
      %sub3A_209 = arith.subi %div3A_188, %sub3A_208 : i32
      %select_n3A_210 = arith.select %and3A_207, %sub3A_209, %div3A_188 : i32
      %rem3A_211 = arith.constant 16 : i32
      %rem3A_212 = arith.remsi %add3A_186, %rem3A_211 : i32
      %eq3A_213 = arith.constant 0 : i32
      %eq3A_214 = arith.cmpi eq, %rem3A_212, %eq3A_213 : i32
      %gt3A_215 = arith.constant 0 : i32
      %gt3A_216 = arith.cmpi sgt, %add3A_186, %gt3A_215 : i32
      %and3A_217 = arith.andi %eq3A_214, %gt3A_216 : i1
      %convert_element_type3A_218 = arith.extui %and3A_217 : i1 to i32
      %cond3A_219 = arith.constant 0 : i32
      %cond3A_220 = arith.cmpi ne, %convert_element_type3A_218, %cond3A_219 : i32
      scf.if %cond3A_220 {
        %add3A_236 = arith.addi %multiple_of3A, %add3A_186 : i32
        %multiple_of3A_237 = tpu.assume_multiple %add3A_236, 8 : i32
        %rem3A_238 = arith.constant 2 : i32
        %rem3A_239 = arith.remsi %select_n3A_210, %rem3A_238 : i32
        %mul3A_240 = arith.constant 16 : i32
        %mul3A_241 = arith.muli %rem3A_239, %mul3A_240 : i32
        %multiple_of3A_242 = tpu.assume_multiple %mul3A_241, 8 : i32
        %dma_wait3A_243 = arith.constant 0 : i32
        %dma_wait3A_244 = tpu.memref_slice %arg8[%multiple_of3A_242, %dma_wait3A_243] : memref<32x64xi32, #tpu.memory_space<vmem>> -> memref<16x64xi32, #tpu.memory_space<vmem>>
        %dma_wait3A_245 = arith.constant 0 : i32
        %dma_wait3A_246 = tpu.memref_slice %arg4[%multiple_of3A_237, %dma_wait3A_245] : memref<5120x64xi32, #tpu.memory_space<hbm>> -> memref<16x64xi32, #tpu.memory_space<hbm>>
        %dma_wait3A_247 = arith.constant 0 : i32
        %dma_wait3A_248 = tpu.memref_slice %arg8[%multiple_of3A_242, %dma_wait3A_247] : memref<32x64xi32, #tpu.memory_space<vmem>> -> memref<16x64xi32, #tpu.memory_space<vmem>>
        %dma_wait3A_249 = arith.constant 0 : i32
        %dma_wait3A_250 = tpu.memref_slice %arg4[%multiple_of3A_237, %dma_wait3A_249] : memref<5120x64xi32, #tpu.memory_space<hbm>> -> memref<16x64xi32, #tpu.memory_space<hbm>>
        tpu.wait_dma2 semaphore(%arg19 : memref<!tpu.dma_semaphore, #tpu.memory_space<semaphore_mem>>) src(%dma_wait3A_250 : memref<16x64xi32, #tpu.memory_space<hbm>>) dst(%dma_wait3A_248 : memref<16x64xi32, #tpu.memory_space<vmem>>)
        %add3A_251 = arith.constant 16 : i32
        %add3A_252 = arith.addi %add3A_186, %add3A_251 : i32
        %lt3A_253 = arith.cmpi slt, %add3A_252, %select_n3A : i32
        %convert_element_type3A_254 = arith.extui %lt3A_253 : i1 to i32
        %cond3A_255 = arith.constant 0 : i32
        %cond3A_256 = arith.cmpi ne, %convert_element_type3A_254, %cond3A_255 : i32
        scf.if %cond3A_256 {
          %add3A_257 = arith.constant 16 : i32
          %add3A_258 = arith.addi %add3A_186, %add3A_257 : i32
          %add3A_259 = arith.addi %multiple_of3A, %add3A_258 : i32
          %multiple_of3A_260 = tpu.assume_multiple %add3A_259, 8 : i32
          %add3A_261 = arith.constant 1 : i32
          %add3A_262 = arith.addi %select_n3A_210, %add3A_261 : i32
          %rem3A_263 = arith.constant 2 : i32
          %rem3A_264 = arith.remsi %add3A_262, %rem3A_263 : i32
          %mul3A_265 = arith.constant 16 : i32
          %mul3A_266 = arith.muli %rem3A_264, %mul3A_265 : i32
          %multiple_of3A_267 = tpu.assume_multiple %mul3A_266, 8 : i32
          %dma_start3A = arith.constant 0 : i32
          %dma_start3A_268 = tpu.memref_slice %arg7[%multiple_of3A_267, %dma_start3A] : memref<32x64xi32, #tpu.memory_space<vmem>> -> memref<16x64xi32, #tpu.memory_space<vmem>>
          %dma_start3A_269 = arith.constant 0 : i32
          %dma_start3A_270 = tpu.memref_slice %arg3[%multiple_of3A_260, %dma_start3A_269] : memref<5120x64xi32, #tpu.memory_space<hbm>> -> memref<16x64xi32, #tpu.memory_space<hbm>>
          %dma_start3A_271 = arith.constant 0 : i32
          %dma_start3A_272 = tpu.memref_slice %arg7[%multiple_of3A_267, %dma_start3A_271] : memref<32x64xi32, #tpu.memory_space<vmem>> -> memref<16x64xi32, #tpu.memory_space<vmem>>
          %dma_start3A_273 = arith.constant 0 : i32
          %dma_start3A_274 = tpu.memref_slice %arg3[%multiple_of3A_260, %dma_start3A_273] : memref<5120x64xi32, #tpu.memory_space<hbm>> -> memref<16x64xi32, #tpu.memory_space<hbm>>
          tpu.enqueue_dma source(%dma_start3A_274 : memref<16x64xi32, #tpu.memory_space<hbm>>) target(%dma_start3A_272 : memref<16x64xi32, #tpu.memory_space<vmem>>) target_semaphore(%arg18 : memref<!tpu.dma_semaphore, #tpu.memory_space<semaphore_mem>>)
          %add3A_275 = arith.constant 16 : i32
          %add3A_276 = arith.addi %add3A_186, %add3A_275 : i32
          %add3A_277 = arith.addi %multiple_of3A, %add3A_276 : i32
          %multiple_of3A_278 = tpu.assume_multiple %add3A_277, 8 : i32
          %add3A_279 = arith.constant 1 : i32
          %add3A_280 = arith.addi %select_n3A_210, %add3A_279 : i32
          %rem3A_281 = arith.constant 2 : i32
          %rem3A_282 = arith.remsi %add3A_280, %rem3A_281 : i32
          %mul3A_283 = arith.constant 16 : i32
          %mul3A_284 = arith.muli %rem3A_282, %mul3A_283 : i32
          %multiple_of3A_285 = tpu.assume_multiple %mul3A_284, 8 : i32
          %dma_start3A_286 = arith.constant 0 : i32
          %dma_start3A_287 = tpu.memref_slice %arg8[%multiple_of3A_285, %dma_start3A_286] : memref<32x64xi32, #tpu.memory_space<vmem>> -> memref<16x64xi32, #tpu.memory_space<vmem>>
          %dma_start3A_288 = arith.constant 0 : i32
          %dma_start3A_289 = tpu.memref_slice %arg4[%multiple_of3A_278, %dma_start3A_288] : memref<5120x64xi32, #tpu.memory_space<hbm>> -> memref<16x64xi32, #tpu.memory_space<hbm>>
          %dma_start3A_290 = arith.constant 0 : i32
          %dma_start3A_291 = tpu.memref_slice %arg8[%multiple_of3A_285, %dma_start3A_290] : memref<32x64xi32, #tpu.memory_space<vmem>> -> memref<16x64xi32, #tpu.memory_space<vmem>>
          %dma_start3A_292 = arith.constant 0 : i32
          %dma_start3A_293 = tpu.memref_slice %arg4[%multiple_of3A_278, %dma_start3A_292] : memref<5120x64xi32, #tpu.memory_space<hbm>> -> memref<16x64xi32, #tpu.memory_space<hbm>>
          tpu.enqueue_dma source(%dma_start3A_293 : memref<16x64xi32, #tpu.memory_space<hbm>>) target(%dma_start3A_291 : memref<16x64xi32, #tpu.memory_space<vmem>>) target_semaphore(%arg19 : memref<!tpu.dma_semaphore, #tpu.memory_space<semaphore_mem>>)
        } else {
        }
      } else {
      }
      %dma_wait3A_221 = arith.constant 0 : i32
      %dma_wait3A_222 = arith.constant 0 : i32
      %dma_wait3A_223 = tpu.memref_slice %arg7[%dma_wait3A_221, %dma_wait3A_222] : memref<32x64xi32, #tpu.memory_space<vmem>> -> memref<1x64xi32, #tpu.memory_space<vmem>>
      %dma_wait3A_224 = tpu.memref_squeeze %dma_wait3A_223 : memref<1x64xi32, #tpu.memory_space<vmem>> -> memref<64xi32, #tpu.memory_space<vmem>>
      %dma_wait3A_225 = arith.constant 0 : i32
      %dma_wait3A_226 = arith.constant 0 : i32
      %dma_wait3A_227 = tpu.memref_slice %arg2[%dma_wait3A_225, %dma_wait3A_226] : memref<10240x128xf32, #tpu.memory_space<hbm>> -> memref<10240x128xf32, #tpu.memory_space<hbm>>
      tpu.wait_indirect_dma semaphore(%arg17 : memref<!tpu.dma_semaphore, #tpu.memory_space<semaphore_mem>>) src(%dma_wait3A_227 : memref<10240x128xf32, #tpu.memory_space<hbm>>) dst(%arg12 : memref<64x128xf32, #tpu.memory_space<vmem>>)
      %rem3A_228 = arith.constant 32 : i32
      %rem3A_229 = arith.remsi %add3A_186, %rem3A_228 : i32
      "tpu.region"() ({
        %run_scoped3A = tpu.sem_alloc : memref<!tpu.dma_semaphore, #tpu.memory_space<semaphore_mem>>
        %dma_start3A = arith.constant 0 : i32
        %dma_start3A_236 = tpu.memref_slice %arg8[%rem3A_229, %dma_start3A] : memref<32x64xi32, #tpu.memory_space<vmem>> -> memref<1x64xi32, #tpu.memory_space<vmem>>
        %dma_start3A_237 = tpu.memref_squeeze %dma_start3A_236 : memref<1x64xi32, #tpu.memory_space<vmem>> -> memref<64xi32, #tpu.memory_space<vmem>>
        %dma_start3A_238 = arith.constant 0 : i32
        %dma_start3A_239 = arith.constant 0 : i32
        %dma_start3A_240 = tpu.memref_slice %arg13[%dma_start3A_238, %dma_start3A_239] : memref<10240x128xf32, #tpu.memory_space<vmem_shared>> -> memref<10240x128xf32, #tpu.memory_space<vmem_shared>>
        tpu.enqueue_indirect_dma source(%arg12 : memref<64x128xf32, #tpu.memory_space<vmem>>) target(%dma_start3A_240 : memref<10240x128xf32, #tpu.memory_space<vmem_shared>>) offsets(%dma_start3A_237 : memref<64xi32, #tpu.memory_space<vmem>>) semaphore(%run_scoped3A : memref<!tpu.dma_semaphore, #tpu.memory_space<semaphore_mem>>) {add = true}
        %dma_wait3A_241 = arith.constant 0 : i32
        %dma_wait3A_242 = tpu.memref_slice %arg8[%rem3A_229, %dma_wait3A_241] : memref<32x64xi32, #tpu.memory_space<vmem>> -> memref<1x64xi32, #tpu.memory_space<vmem>>
        %dma_wait3A_243 = tpu.memref_squeeze %dma_wait3A_242 : memref<1x64xi32, #tpu.memory_space<vmem>> -> memref<64xi32, #tpu.memory_space<vmem>>
        %dma_wait3A_244 = arith.constant 0 : i32
        %dma_wait3A_245 = arith.constant 0 : i32
        %dma_wait3A_246 = tpu.memref_slice %arg13[%dma_wait3A_244, %dma_wait3A_245] : memref<10240x128xf32, #tpu.memory_space<vmem_shared>> -> memref<10240x128xf32, #tpu.memory_space<vmem_shared>>
        tpu.wait_indirect_dma semaphore(%run_scoped3A : memref<!tpu.dma_semaphore, #tpu.memory_space<semaphore_mem>>) src(%arg12 : memref<64x128xf32, #tpu.memory_space<vmem>>) dst(%dma_wait3A_246 : memref<10240x128xf32, #tpu.memory_space<vmem_shared>>)
        tpu.yield
      }) : () -> ()
      %add3A_230 = arith.constant 4 : i32
      %add3A_231 = arith.addi %add3A_186, %add3A_230 : i32
      %lt3A_232 = arith.cmpi slt, %add3A_231, %select_n3A : i32
      %convert_element_type3A_233 = arith.extui %lt3A_232 : i1 to i32
      %cond3A_234 = arith.constant 0 : i32
      %cond3A_235 = arith.cmpi ne, %convert_element_type3A_233, %cond3A_234 : i32
      scf.if %cond3A_235 {
        %rem3A_236 = arith.constant 16 : i32
        %rem3A_237 = arith.remsi %add3A_231, %rem3A_236 : i32
        %eq3A_238 = arith.constant 0 : i32
        %eq3A_239 = arith.cmpi eq, %rem3A_237, %eq3A_238 : i32
        %convert_element_type3A_240 = arith.extui %eq3A_239 : i1 to i32
        %cond3A_241 = arith.constant 0 : i32
        %cond3A_242 = arith.cmpi ne, %convert_element_type3A_240, %cond3A_241 : i32
        scf.if %cond3A_242 {
          %add3A_250 = arith.addi %multiple_of3A, %add3A_231 : i32
          %multiple_of3A_251 = tpu.assume_multiple %add3A_250, 8 : i32
          %jit3A_252 = arith.constant 16 : i32
          %div3A_253 = arith.divsi %add3A_231, %jit3A_252 : i32
          %sign3A_254 = arith.constant 0 : i32
          %sign3A_255 = arith.cmpi sgt, %add3A_231, %sign3A_254 : i32
          %sign3A_256 = arith.extui %sign3A_255 : i1 to i32
          %sign3A_257 = arith.constant 0 : i32
          %sign3A_258 = arith.cmpi slt, %add3A_231, %sign3A_257 : i32
          %sign3A_259 = arith.extui %sign3A_258 : i1 to i32
          %sign3A_260 = arith.subi %sign3A_256, %sign3A_259 : i32
          %sign3A_261 = arith.constant 0 : i32
          %sign3A_262 = arith.cmpi sgt, %jit3A_252, %sign3A_261 : i32
          %sign3A_263 = arith.extui %sign3A_262 : i1 to i32
          %sign3A_264 = arith.constant 0 : i32
          %sign3A_265 = arith.cmpi slt, %jit3A_252, %sign3A_264 : i32
          %sign3A_266 = arith.extui %sign3A_265 : i1 to i32
          %sign3A_267 = arith.subi %sign3A_263, %sign3A_266 : i32
          %ne3A_268 = arith.cmpi ne, %sign3A_260, %sign3A_267 : i32
          %rem3A_269 = arith.remsi %add3A_231, %jit3A_252 : i32
          %ne3A_270 = arith.constant 0 : i32
          %ne3A_271 = arith.cmpi ne, %rem3A_269, %ne3A_270 : i32
          %and3A_272 = arith.andi %ne3A_268, %ne3A_271 : i1
          %sub3A_273 = arith.constant 1 : i32
          %sub3A_274 = arith.subi %div3A_253, %sub3A_273 : i32
          %select_n3A_275 = arith.select %and3A_272, %sub3A_274, %div3A_253 : i32
          %rem3A_276 = arith.constant 2 : i32
          %rem3A_277 = arith.remsi %select_n3A_275, %rem3A_276 : i32
          %mul3A_278 = arith.constant 16 : i32
          %mul3A_279 = arith.muli %rem3A_277, %mul3A_278 : i32
          %multiple_of3A_280 = tpu.assume_multiple %mul3A_279, 8 : i32
          %dma_wait3A_281 = arith.constant 0 : i32
          %dma_wait3A_282 = tpu.memref_slice %arg7[%multiple_of3A_280, %dma_wait3A_281] : memref<32x64xi32, #tpu.memory_space<vmem>> -> memref<16x64xi32, #tpu.memory_space<vmem>>
          %dma_wait3A_283 = arith.constant 0 : i32
          %dma_wait3A_284 = tpu.memref_slice %arg3[%multiple_of3A_251, %dma_wait3A_283] : memref<5120x64xi32, #tpu.memory_space<hbm>> -> memref<16x64xi32, #tpu.memory_space<hbm>>
          %dma_wait3A_285 = arith.constant 0 : i32
          %dma_wait3A_286 = tpu.memref_slice %arg7[%multiple_of3A_280, %dma_wait3A_285] : memref<32x64xi32, #tpu.memory_space<vmem>> -> memref<16x64xi32, #tpu.memory_space<vmem>>
          %dma_wait3A_287 = arith.constant 0 : i32
          %dma_wait3A_288 = tpu.memref_slice %arg3[%multiple_of3A_251, %dma_wait3A_287] : memref<5120x64xi32, #tpu.memory_space<hbm>> -> memref<16x64xi32, #tpu.memory_space<hbm>>
          tpu.wait_dma2 semaphore(%arg18 : memref<!tpu.dma_semaphore, #tpu.memory_space<semaphore_mem>>) src(%dma_wait3A_288 : memref<16x64xi32, #tpu.memory_space<hbm>>) dst(%dma_wait3A_286 : memref<16x64xi32, #tpu.memory_space<vmem>>)
        } else {
        }
        %rem3A_243 = arith.constant 32 : i32
        %rem3A_244 = arith.remsi %add3A_231, %rem3A_243 : i32
        %dma_start3A = arith.constant 0 : i32
        %dma_start3A_245 = tpu.memref_slice %arg7[%rem3A_244, %dma_start3A] : memref<32x64xi32, #tpu.memory_space<vmem>> -> memref<1x64xi32, #tpu.memory_space<vmem>>
        %dma_start3A_246 = tpu.memref_squeeze %dma_start3A_245 : memref<1x64xi32, #tpu.memory_space<vmem>> -> memref<64xi32, #tpu.memory_space<vmem>>
        %dma_start3A_247 = arith.constant 0 : i32
        %dma_start3A_248 = arith.constant 0 : i32
        %dma_start3A_249 = tpu.memref_slice %arg2[%dma_start3A_247, %dma_start3A_248] : memref<10240x128xf32, #tpu.memory_space<hbm>> -> memref<10240x128xf32, #tpu.memory_space<hbm>>
        tpu.enqueue_indirect_dma source(%dma_start3A_249 : memref<10240x128xf32, #tpu.memory_space<hbm>>) target(%arg12 : memref<64x128xf32, #tpu.memory_space<vmem>>) offsets(%dma_start3A_246 : memref<64xi32, #tpu.memory_space<vmem>>) semaphore(%arg17 : memref<!tpu.dma_semaphore, #tpu.memory_space<semaphore_mem>>)
      } else {
      }
    }
    %while3A_29 = arith.constant 1 : i32
    scf.for %while3A_35 = %while3A_27 to %while3A_23 step %while3A_29  : i32 {
      %mul3A_36 = arith.muli %while3A_35, %while3A : i32
      %add3A_37 = arith.addi %while3A_20, %mul3A_36 : i32
      %add3A_38 = arith.constant 0 : i32
      %add3A_39 = arith.addi %add3A_37, %add3A_38 : i32
      %jit3A_40 = arith.constant 16 : i32
      %div3A_41 = arith.divsi %add3A_39, %jit3A_40 : i32
      %sign3A = arith.constant 0 : i32
      %sign3A_42 = arith.cmpi sgt, %add3A_39, %sign3A : i32
      %sign3A_43 = arith.extui %sign3A_42 : i1 to i32
      %sign3A_44 = arith.constant 0 : i32
      %sign3A_45 = arith.cmpi slt, %add3A_39, %sign3A_44 : i32
      %sign3A_46 = arith.extui %sign3A_45 : i1 to i32
      %sign3A_47 = arith.subi %sign3A_43, %sign3A_46 : i32
      %sign3A_48 = arith.constant 0 : i32
      %sign3A_49 = arith.cmpi sgt, %jit3A_40, %sign3A_48 : i32
      %sign3A_50 = arith.extui %sign3A_49 : i1 to i32
      %sign3A_51 = arith.constant 0 : i32
      %sign3A_52 = arith.cmpi slt, %jit3A_40, %sign3A_51 : i32
      %sign3A_53 = arith.extui %sign3A_52 : i1 to i32
      %sign3A_54 = arith.subi %sign3A_50, %sign3A_53 : i32
      %ne3A = arith.cmpi ne, %sign3A_47, %sign3A_54 : i32
      %rem3A = arith.remsi %add3A_39, %jit3A_40 : i32
      %ne3A_55 = arith.constant 0 : i32
      %ne3A_56 = arith.cmpi ne, %rem3A, %ne3A_55 : i32
      %and3A = arith.andi %ne3A, %ne3A_56 : i1
      %sub3A_57 = arith.constant 1 : i32
      %sub3A_58 = arith.subi %div3A_41, %sub3A_57 : i32
      %select_n3A_59 = arith.select %and3A, %sub3A_58, %div3A_41 : i32
      %rem3A_60 = arith.constant 16 : i32
      %rem3A_61 = arith.remsi %add3A_39, %rem3A_60 : i32
      %eq3A_62 = arith.constant 0 : i32
      %eq3A_63 = arith.cmpi eq, %rem3A_61, %eq3A_62 : i32
      %gt3A_64 = arith.constant 0 : i32
      %gt3A_65 = arith.cmpi sgt, %add3A_39, %gt3A_64 : i32
      %and3A_66 = arith.andi %eq3A_63, %gt3A_65 : i1
      %convert_element_type3A_67 = arith.extui %and3A_66 : i1 to i32
      %cond3A_68 = arith.constant 0 : i32
      %cond3A_69 = arith.cmpi ne, %convert_element_type3A_67, %cond3A_68 : i32
      scf.if %cond3A_69 {
        %add3A_236 = arith.addi %multiple_of3A, %add3A_39 : i32
        %multiple_of3A_237 = tpu.assume_multiple %add3A_236, 8 : i32
        %rem3A_238 = arith.constant 2 : i32
        %rem3A_239 = arith.remsi %select_n3A_59, %rem3A_238 : i32
        %mul3A_240 = arith.constant 16 : i32
        %mul3A_241 = arith.muli %rem3A_239, %mul3A_240 : i32
        %multiple_of3A_242 = tpu.assume_multiple %mul3A_241, 8 : i32
        %dma_wait3A_243 = arith.constant 0 : i32
        %dma_wait3A_244 = tpu.memref_slice %arg8[%multiple_of3A_242, %dma_wait3A_243] : memref<32x64xi32, #tpu.memory_space<vmem>> -> memref<16x64xi32, #tpu.memory_space<vmem>>
        %dma_wait3A_245 = arith.constant 0 : i32
        %dma_wait3A_246 = tpu.memref_slice %arg4[%multiple_of3A_237, %dma_wait3A_245] : memref<5120x64xi32, #tpu.memory_space<hbm>> -> memref<16x64xi32, #tpu.memory_space<hbm>>
        %dma_wait3A_247 = arith.constant 0 : i32
        %dma_wait3A_248 = tpu.memref_slice %arg8[%multiple_of3A_242, %dma_wait3A_247] : memref<32x64xi32, #tpu.memory_space<vmem>> -> memref<16x64xi32, #tpu.memory_space<vmem>>
        %dma_wait3A_249 = arith.constant 0 : i32
        %dma_wait3A_250 = tpu.memref_slice %arg4[%multiple_of3A_237, %dma_wait3A_249] : memref<5120x64xi32, #tpu.memory_space<hbm>> -> memref<16x64xi32, #tpu.memory_space<hbm>>
        tpu.wait_dma2 semaphore(%arg19 : memref<!tpu.dma_semaphore, #tpu.memory_space<semaphore_mem>>) src(%dma_wait3A_250 : memref<16x64xi32, #tpu.memory_space<hbm>>) dst(%dma_wait3A_248 : memref<16x64xi32, #tpu.memory_space<vmem>>)
        %add3A_251 = arith.constant 16 : i32
        %add3A_252 = arith.addi %add3A_39, %add3A_251 : i32
        %lt3A_253 = arith.cmpi slt, %add3A_252, %select_n3A : i32
        %convert_element_type3A_254 = arith.extui %lt3A_253 : i1 to i32
        %cond3A_255 = arith.constant 0 : i32
        %cond3A_256 = arith.cmpi ne, %convert_element_type3A_254, %cond3A_255 : i32
        scf.if %cond3A_256 {
          %add3A_257 = arith.constant 16 : i32
          %add3A_258 = arith.addi %add3A_39, %add3A_257 : i32
          %add3A_259 = arith.addi %multiple_of3A, %add3A_258 : i32
          %multiple_of3A_260 = tpu.assume_multiple %add3A_259, 8 : i32
          %add3A_261 = arith.constant 1 : i32
          %add3A_262 = arith.addi %select_n3A_59, %add3A_261 : i32
          %rem3A_263 = arith.constant 2 : i32
          %rem3A_264 = arith.remsi %add3A_262, %rem3A_263 : i32
          %mul3A_265 = arith.constant 16 : i32
          %mul3A_266 = arith.muli %rem3A_264, %mul3A_265 : i32
          %multiple_of3A_267 = tpu.assume_multiple %mul3A_266, 8 : i32
          %dma_start3A = arith.constant 0 : i32
          %dma_start3A_268 = tpu.memref_slice %arg7[%multiple_of3A_267, %dma_start3A] : memref<32x64xi32, #tpu.memory_space<vmem>> -> memref<16x64xi32, #tpu.memory_space<vmem>>
          %dma_start3A_269 = arith.constant 0 : i32
          %dma_start3A_270 = tpu.memref_slice %arg3[%multiple_of3A_260, %dma_start3A_269] : memref<5120x64xi32, #tpu.memory_space<hbm>> -> memref<16x64xi32, #tpu.memory_space<hbm>>
          %dma_start3A_271 = arith.constant 0 : i32
          %dma_start3A_272 = tpu.memref_slice %arg7[%multiple_of3A_267, %dma_start3A_271] : memref<32x64xi32, #tpu.memory_space<vmem>> -> memref<16x64xi32, #tpu.memory_space<vmem>>
          %dma_start3A_273 = arith.constant 0 : i32
          %dma_start3A_274 = tpu.memref_slice %arg3[%multiple_of3A_260, %dma_start3A_273] : memref<5120x64xi32, #tpu.memory_space<hbm>> -> memref<16x64xi32, #tpu.memory_space<hbm>>
          tpu.enqueue_dma source(%dma_start3A_274 : memref<16x64xi32, #tpu.memory_space<hbm>>) target(%dma_start3A_272 : memref<16x64xi32, #tpu.memory_space<vmem>>) target_semaphore(%arg18 : memref<!tpu.dma_semaphore, #tpu.memory_space<semaphore_mem>>)
          %add3A_275 = arith.constant 16 : i32
          %add3A_276 = arith.addi %add3A_39, %add3A_275 : i32
          %add3A_277 = arith.addi %multiple_of3A, %add3A_276 : i32
          %multiple_of3A_278 = tpu.assume_multiple %add3A_277, 8 : i32
          %add3A_279 = arith.constant 1 : i32
          %add3A_280 = arith.addi %select_n3A_59, %add3A_279 : i32
          %rem3A_281 = arith.constant 2 : i32
          %rem3A_282 = arith.remsi %add3A_280, %rem3A_281 : i32
          %mul3A_283 = arith.constant 16 : i32
          %mul3A_284 = arith.muli %rem3A_282, %mul3A_283 : i32
          %multiple_of3A_285 = tpu.assume_multiple %mul3A_284, 8 : i32
          %dma_start3A_286 = arith.constant 0 : i32
          %dma_start3A_287 = tpu.memref_slice %arg8[%multiple_of3A_285, %dma_start3A_286] : memref<32x64xi32, #tpu.memory_space<vmem>> -> memref<16x64xi32, #tpu.memory_space<vmem>>
          %dma_start3A_288 = arith.constant 0 : i32
          %dma_start3A_289 = tpu.memref_slice %arg4[%multiple_of3A_278, %dma_start3A_288] : memref<5120x64xi32, #tpu.memory_space<hbm>> -> memref<16x64xi32, #tpu.memory_space<hbm>>
          %dma_start3A_290 = arith.constant 0 : i32
          %dma_start3A_291 = tpu.memref_slice %arg8[%multiple_of3A_285, %dma_start3A_290] : memref<32x64xi32, #tpu.memory_space<vmem>> -> memref<16x64xi32, #tpu.memory_space<vmem>>
          %dma_start3A_292 = arith.constant 0 : i32
          %dma_start3A_293 = tpu.memref_slice %arg4[%multiple_of3A_278, %dma_start3A_292] : memref<5120x64xi32, #tpu.memory_space<hbm>> -> memref<16x64xi32, #tpu.memory_space<hbm>>
          tpu.enqueue_dma source(%dma_start3A_293 : memref<16x64xi32, #tpu.memory_space<hbm>>) target(%dma_start3A_291 : memref<16x64xi32, #tpu.memory_space<vmem>>) target_semaphore(%arg19 : memref<!tpu.dma_semaphore, #tpu.memory_space<semaphore_mem>>)
        } else {
        }
      } else {
      }
      %dma_wait3A = arith.constant 0 : i32
      %dma_wait3A_70 = arith.constant 0 : i32
      %dma_wait3A_71 = tpu.memref_slice %arg7[%dma_wait3A, %dma_wait3A_70] : memref<32x64xi32, #tpu.memory_space<vmem>> -> memref<1x64xi32, #tpu.memory_space<vmem>>
      %dma_wait3A_72 = tpu.memref_squeeze %dma_wait3A_71 : memref<1x64xi32, #tpu.memory_space<vmem>> -> memref<64xi32, #tpu.memory_space<vmem>>
      %dma_wait3A_73 = arith.constant 0 : i32
      %dma_wait3A_74 = arith.constant 0 : i32
      %dma_wait3A_75 = tpu.memref_slice %arg2[%dma_wait3A_73, %dma_wait3A_74] : memref<10240x128xf32, #tpu.memory_space<hbm>> -> memref<10240x128xf32, #tpu.memory_space<hbm>>
      tpu.wait_indirect_dma semaphore(%arg14 : memref<!tpu.dma_semaphore, #tpu.memory_space<semaphore_mem>>) src(%dma_wait3A_75 : memref<10240x128xf32, #tpu.memory_space<hbm>>) dst(%arg9 : memref<64x128xf32, #tpu.memory_space<vmem>>)
      %rem3A_76 = arith.constant 32 : i32
      %rem3A_77 = arith.remsi %add3A_39, %rem3A_76 : i32
      "tpu.region"() ({
        %run_scoped3A = tpu.sem_alloc : memref<!tpu.dma_semaphore, #tpu.memory_space<semaphore_mem>>
        %dma_start3A = arith.constant 0 : i32
        %dma_start3A_236 = tpu.memref_slice %arg8[%rem3A_77, %dma_start3A] : memref<32x64xi32, #tpu.memory_space<vmem>> -> memref<1x64xi32, #tpu.memory_space<vmem>>
        %dma_start3A_237 = tpu.memref_squeeze %dma_start3A_236 : memref<1x64xi32, #tpu.memory_space<vmem>> -> memref<64xi32, #tpu.memory_space<vmem>>
        %dma_start3A_238 = arith.constant 0 : i32
        %dma_start3A_239 = arith.constant 0 : i32
        %dma_start3A_240 = tpu.memref_slice %arg13[%dma_start3A_238, %dma_start3A_239] : memref<10240x128xf32, #tpu.memory_space<vmem_shared>> -> memref<10240x128xf32, #tpu.memory_space<vmem_shared>>
        tpu.enqueue_indirect_dma source(%arg9 : memref<64x128xf32, #tpu.memory_space<vmem>>) target(%dma_start3A_240 : memref<10240x128xf32, #tpu.memory_space<vmem_shared>>) offsets(%dma_start3A_237 : memref<64xi32, #tpu.memory_space<vmem>>) semaphore(%run_scoped3A : memref<!tpu.dma_semaphore, #tpu.memory_space<semaphore_mem>>) {add = true}
        %dma_wait3A_241 = arith.constant 0 : i32
        %dma_wait3A_242 = tpu.memref_slice %arg8[%rem3A_77, %dma_wait3A_241] : memref<32x64xi32, #tpu.memory_space<vmem>> -> memref<1x64xi32, #tpu.memory_space<vmem>>
        %dma_wait3A_243 = tpu.memref_squeeze %dma_wait3A_242 : memref<1x64xi32, #tpu.memory_space<vmem>> -> memref<64xi32, #tpu.memory_space<vmem>>
        %dma_wait3A_244 = arith.constant 0 : i32
        %dma_wait3A_245 = arith.constant 0 : i32
        %dma_wait3A_246 = tpu.memref_slice %arg13[%dma_wait3A_244, %dma_wait3A_245] : memref<10240x128xf32, #tpu.memory_space<vmem_shared>> -> memref<10240x128xf32, #tpu.memory_space<vmem_shared>>
        tpu.wait_indirect_dma semaphore(%run_scoped3A : memref<!tpu.dma_semaphore, #tpu.memory_space<semaphore_mem>>) src(%arg9 : memref<64x128xf32, #tpu.memory_space<vmem>>) dst(%dma_wait3A_246 : memref<10240x128xf32, #tpu.memory_space<vmem_shared>>)
        tpu.yield
      }) : () -> ()
      %add3A_78 = arith.constant 4 : i32
      %add3A_79 = arith.addi %add3A_39, %add3A_78 : i32
      %lt3A = arith.cmpi slt, %add3A_79, %select_n3A : i32
      %convert_element_type3A_80 = arith.extui %lt3A : i1 to i32
      %cond3A_81 = arith.constant 0 : i32
      %cond3A_82 = arith.cmpi ne, %convert_element_type3A_80, %cond3A_81 : i32
      scf.if %cond3A_82 {
        %rem3A_236 = arith.constant 16 : i32
        %rem3A_237 = arith.remsi %add3A_79, %rem3A_236 : i32
        %eq3A_238 = arith.constant 0 : i32
        %eq3A_239 = arith.cmpi eq, %rem3A_237, %eq3A_238 : i32
        %convert_element_type3A_240 = arith.extui %eq3A_239 : i1 to i32
        %cond3A_241 = arith.constant 0 : i32
        %cond3A_242 = arith.cmpi ne, %convert_element_type3A_240, %cond3A_241 : i32
        scf.if %cond3A_242 {
          %add3A_250 = arith.addi %multiple_of3A, %add3A_79 : i32
          %multiple_of3A_251 = tpu.assume_multiple %add3A_250, 8 : i32
          %jit3A_252 = arith.constant 16 : i32
          %div3A_253 = arith.divsi %add3A_79, %jit3A_252 : i32
          %sign3A_254 = arith.constant 0 : i32
          %sign3A_255 = arith.cmpi sgt, %add3A_79, %sign3A_254 : i32
          %sign3A_256 = arith.extui %sign3A_255 : i1 to i32
          %sign3A_257 = arith.constant 0 : i32
          %sign3A_258 = arith.cmpi slt, %add3A_79, %sign3A_257 : i32
          %sign3A_259 = arith.extui %sign3A_258 : i1 to i32
          %sign3A_260 = arith.subi %sign3A_256, %sign3A_259 : i32
          %sign3A_261 = arith.constant 0 : i32
          %sign3A_262 = arith.cmpi sgt, %jit3A_252, %sign3A_261 : i32
          %sign3A_263 = arith.extui %sign3A_262 : i1 to i32
          %sign3A_264 = arith.constant 0 : i32
          %sign3A_265 = arith.cmpi slt, %jit3A_252, %sign3A_264 : i32
          %sign3A_266 = arith.extui %sign3A_265 : i1 to i32
          %sign3A_267 = arith.subi %sign3A_263, %sign3A_266 : i32
          %ne3A_268 = arith.cmpi ne, %sign3A_260, %sign3A_267 : i32
          %rem3A_269 = arith.remsi %add3A_79, %jit3A_252 : i32
          %ne3A_270 = arith.constant 0 : i32
          %ne3A_271 = arith.cmpi ne, %rem3A_269, %ne3A_270 : i32
          %and3A_272 = arith.andi %ne3A_268, %ne3A_271 : i1
          %sub3A_273 = arith.constant 1 : i32
          %sub3A_274 = arith.subi %div3A_253, %sub3A_273 : i32
          %select_n3A_275 = arith.select %and3A_272, %sub3A_274, %div3A_253 : i32
          %rem3A_276 = arith.constant 2 : i32
          %rem3A_277 = arith.remsi %select_n3A_275, %rem3A_276 : i32
          %mul3A_278 = arith.constant 16 : i32
          %mul3A_279 = arith.muli %rem3A_277, %mul3A_278 : i32
          %multiple_of3A_280 = tpu.assume_multiple %mul3A_279, 8 : i32
          %dma_wait3A_281 = arith.constant 0 : i32
          %dma_wait3A_282 = tpu.memref_slice %arg7[%multiple_of3A_280, %dma_wait3A_281] : memref<32x64xi32, #tpu.memory_space<vmem>> -> memref<16x64xi32, #tpu.memory_space<vmem>>
          %dma_wait3A_283 = arith.constant 0 : i32
          %dma_wait3A_284 = tpu.memref_slice %arg3[%multiple_of3A_251, %dma_wait3A_283] : memref<5120x64xi32, #tpu.memory_space<hbm>> -> memref<16x64xi32, #tpu.memory_space<hbm>>
          %dma_wait3A_285 = arith.constant 0 : i32
          %dma_wait3A_286 = tpu.memref_slice %arg7[%multiple_of3A_280, %dma_wait3A_285] : memref<32x64xi32, #tpu.memory_space<vmem>> -> memref<16x64xi32, #tpu.memory_space<vmem>>
          %dma_wait3A_287 = arith.constant 0 : i32
          %dma_wait3A_288 = tpu.memref_slice %arg3[%multiple_of3A_251, %dma_wait3A_287] : memref<5120x64xi32, #tpu.memory_space<hbm>> -> memref<16x64xi32, #tpu.memory_space<hbm>>
          tpu.wait_dma2 semaphore(%arg18 : memref<!tpu.dma_semaphore, #tpu.memory_space<semaphore_mem>>) src(%dma_wait3A_288 : memref<16x64xi32, #tpu.memory_space<hbm>>) dst(%dma_wait3A_286 : memref<16x64xi32, #tpu.memory_space<vmem>>)
        } else {
        }
        %rem3A_243 = arith.constant 32 : i32
        %rem3A_244 = arith.remsi %add3A_79, %rem3A_243 : i32
        %dma_start3A = arith.constant 0 : i32
        %dma_start3A_245 = tpu.memref_slice %arg7[%rem3A_244, %dma_start3A] : memref<32x64xi32, #tpu.memory_space<vmem>> -> memref<1x64xi32, #tpu.memory_space<vmem>>
        %dma_start3A_246 = tpu.memref_squeeze %dma_start3A_245 : memref<1x64xi32, #tpu.memory_space<vmem>> -> memref<64xi32, #tpu.memory_space<vmem>>
        %dma_start3A_247 = arith.constant 0 : i32
        %dma_start3A_248 = arith.constant 0 : i32
        %dma_start3A_249 = tpu.memref_slice %arg2[%dma_start3A_247, %dma_start3A_248] : memref<10240x128xf32, #tpu.memory_space<hbm>> -> memref<10240x128xf32, #tpu.memory_space<hbm>>
        tpu.enqueue_indirect_dma source(%dma_start3A_249 : memref<10240x128xf32, #tpu.memory_space<hbm>>) target(%arg9 : memref<64x128xf32, #tpu.memory_space<vmem>>) offsets(%dma_start3A_246 : memref<64xi32, #tpu.memory_space<vmem>>) semaphore(%arg14 : memref<!tpu.dma_semaphore, #tpu.memory_space<semaphore_mem>>)
      } else {
      }
      %add3A_83 = arith.constant 1 : i32
      %add3A_84 = arith.addi %add3A_37, %add3A_83 : i32
      %jit3A_85 = arith.constant 16 : i32
      %div3A_86 = arith.divsi %add3A_84, %jit3A_85 : i32
      %sign3A_87 = arith.constant 0 : i32
      %sign3A_88 = arith.cmpi sgt, %add3A_84, %sign3A_87 : i32
      %sign3A_89 = arith.extui %sign3A_88 : i1 to i32
      %sign3A_90 = arith.constant 0 : i32
      %sign3A_91 = arith.cmpi slt, %add3A_84, %sign3A_90 : i32
      %sign3A_92 = arith.extui %sign3A_91 : i1 to i32
      %sign3A_93 = arith.subi %sign3A_89, %sign3A_92 : i32
      %sign3A_94 = arith.constant 0 : i32
      %sign3A_95 = arith.cmpi sgt, %jit3A_85, %sign3A_94 : i32
      %sign3A_96 = arith.extui %sign3A_95 : i1 to i32
      %sign3A_97 = arith.constant 0 : i32
      %sign3A_98 = arith.cmpi slt, %jit3A_85, %sign3A_97 : i32
      %sign3A_99 = arith.extui %sign3A_98 : i1 to i32
      %sign3A_100 = arith.subi %sign3A_96, %sign3A_99 : i32
      %ne3A_101 = arith.cmpi ne, %sign3A_93, %sign3A_100 : i32
      %rem3A_102 = arith.remsi %add3A_84, %jit3A_85 : i32
      %ne3A_103 = arith.constant 0 : i32
      %ne3A_104 = arith.cmpi ne, %rem3A_102, %ne3A_103 : i32
      %and3A_105 = arith.andi %ne3A_101, %ne3A_104 : i1
      %sub3A_106 = arith.constant 1 : i32
      %sub3A_107 = arith.subi %div3A_86, %sub3A_106 : i32
      %select_n3A_108 = arith.select %and3A_105, %sub3A_107, %div3A_86 : i32
      %rem3A_109 = arith.constant 16 : i32
      %rem3A_110 = arith.remsi %add3A_84, %rem3A_109 : i32
      %eq3A_111 = arith.constant 0 : i32
      %eq3A_112 = arith.cmpi eq, %rem3A_110, %eq3A_111 : i32
      %gt3A_113 = arith.constant 0 : i32
      %gt3A_114 = arith.cmpi sgt, %add3A_84, %gt3A_113 : i32
      %and3A_115 = arith.andi %eq3A_112, %gt3A_114 : i1
      %convert_element_type3A_116 = arith.extui %and3A_115 : i1 to i32
      %cond3A_117 = arith.constant 0 : i32
      %cond3A_118 = arith.cmpi ne, %convert_element_type3A_116, %cond3A_117 : i32
      scf.if %cond3A_118 {
        %add3A_236 = arith.addi %multiple_of3A, %add3A_84 : i32
        %multiple_of3A_237 = tpu.assume_multiple %add3A_236, 8 : i32
        %rem3A_238 = arith.constant 2 : i32
        %rem3A_239 = arith.remsi %select_n3A_108, %rem3A_238 : i32
        %mul3A_240 = arith.constant 16 : i32
        %mul3A_241 = arith.muli %rem3A_239, %mul3A_240 : i32
        %multiple_of3A_242 = tpu.assume_multiple %mul3A_241, 8 : i32
        %dma_wait3A_243 = arith.constant 0 : i32
        %dma_wait3A_244 = tpu.memref_slice %arg8[%multiple_of3A_242, %dma_wait3A_243] : memref<32x64xi32, #tpu.memory_space<vmem>> -> memref<16x64xi32, #tpu.memory_space<vmem>>
        %dma_wait3A_245 = arith.constant 0 : i32
        %dma_wait3A_246 = tpu.memref_slice %arg4[%multiple_of3A_237, %dma_wait3A_245] : memref<5120x64xi32, #tpu.memory_space<hbm>> -> memref<16x64xi32, #tpu.memory_space<hbm>>
        %dma_wait3A_247 = arith.constant 0 : i32
        %dma_wait3A_248 = tpu.memref_slice %arg8[%multiple_of3A_242, %dma_wait3A_247] : memref<32x64xi32, #tpu.memory_space<vmem>> -> memref<16x64xi32, #tpu.memory_space<vmem>>
        %dma_wait3A_249 = arith.constant 0 : i32
        %dma_wait3A_250 = tpu.memref_slice %arg4[%multiple_of3A_237, %dma_wait3A_249] : memref<5120x64xi32, #tpu.memory_space<hbm>> -> memref<16x64xi32, #tpu.memory_space<hbm>>
        tpu.wait_dma2 semaphore(%arg19 : memref<!tpu.dma_semaphore, #tpu.memory_space<semaphore_mem>>) src(%dma_wait3A_250 : memref<16x64xi32, #tpu.memory_space<hbm>>) dst(%dma_wait3A_248 : memref<16x64xi32, #tpu.memory_space<vmem>>)
        %add3A_251 = arith.constant 16 : i32
        %add3A_252 = arith.addi %add3A_84, %add3A_251 : i32
        %lt3A_253 = arith.cmpi slt, %add3A_252, %select_n3A : i32
        %convert_element_type3A_254 = arith.extui %lt3A_253 : i1 to i32
        %cond3A_255 = arith.constant 0 : i32
        %cond3A_256 = arith.cmpi ne, %convert_element_type3A_254, %cond3A_255 : i32
        scf.if %cond3A_256 {
          %add3A_257 = arith.constant 16 : i32
          %add3A_258 = arith.addi %add3A_84, %add3A_257 : i32
          %add3A_259 = arith.addi %multiple_of3A, %add3A_258 : i32
          %multiple_of3A_260 = tpu.assume_multiple %add3A_259, 8 : i32
          %add3A_261 = arith.constant 1 : i32
          %add3A_262 = arith.addi %select_n3A_108, %add3A_261 : i32
          %rem3A_263 = arith.constant 2 : i32
          %rem3A_264 = arith.remsi %add3A_262, %rem3A_263 : i32
          %mul3A_265 = arith.constant 16 : i32
          %mul3A_266 = arith.muli %rem3A_264, %mul3A_265 : i32
          %multiple_of3A_267 = tpu.assume_multiple %mul3A_266, 8 : i32
          %dma_start3A = arith.constant 0 : i32
          %dma_start3A_268 = tpu.memref_slice %arg7[%multiple_of3A_267, %dma_start3A] : memref<32x64xi32, #tpu.memory_space<vmem>> -> memref<16x64xi32, #tpu.memory_space<vmem>>
          %dma_start3A_269 = arith.constant 0 : i32
          %dma_start3A_270 = tpu.memref_slice %arg3[%multiple_of3A_260, %dma_start3A_269] : memref<5120x64xi32, #tpu.memory_space<hbm>> -> memref<16x64xi32, #tpu.memory_space<hbm>>
          %dma_start3A_271 = arith.constant 0 : i32
          %dma_start3A_272 = tpu.memref_slice %arg7[%multiple_of3A_267, %dma_start3A_271] : memref<32x64xi32, #tpu.memory_space<vmem>> -> memref<16x64xi32, #tpu.memory_space<vmem>>
          %dma_start3A_273 = arith.constant 0 : i32
          %dma_start3A_274 = tpu.memref_slice %arg3[%multiple_of3A_260, %dma_start3A_273] : memref<5120x64xi32, #tpu.memory_space<hbm>> -> memref<16x64xi32, #tpu.memory_space<hbm>>
          tpu.enqueue_dma source(%dma_start3A_274 : memref<16x64xi32, #tpu.memory_space<hbm>>) target(%dma_start3A_272 : memref<16x64xi32, #tpu.memory_space<vmem>>) target_semaphore(%arg18 : memref<!tpu.dma_semaphore, #tpu.memory_space<semaphore_mem>>)
          %add3A_275 = arith.constant 16 : i32
          %add3A_276 = arith.addi %add3A_84, %add3A_275 : i32
          %add3A_277 = arith.addi %multiple_of3A, %add3A_276 : i32
          %multiple_of3A_278 = tpu.assume_multiple %add3A_277, 8 : i32
          %add3A_279 = arith.constant 1 : i32
          %add3A_280 = arith.addi %select_n3A_108, %add3A_279 : i32
          %rem3A_281 = arith.constant 2 : i32
          %rem3A_282 = arith.remsi %add3A_280, %rem3A_281 : i32
          %mul3A_283 = arith.constant 16 : i32
          %mul3A_284 = arith.muli %rem3A_282, %mul3A_283 : i32
          %multiple_of3A_285 = tpu.assume_multiple %mul3A_284, 8 : i32
          %dma_start3A_286 = arith.constant 0 : i32
          %dma_start3A_287 = tpu.memref_slice %arg8[%multiple_of3A_285, %dma_start3A_286] : memref<32x64xi32, #tpu.memory_space<vmem>> -> memref<16x64xi32, #tpu.memory_space<vmem>>
          %dma_start3A_288 = arith.constant 0 : i32
          %dma_start3A_289 = tpu.memref_slice %arg4[%multiple_of3A_278, %dma_start3A_288] : memref<5120x64xi32, #tpu.memory_space<hbm>> -> memref<16x64xi32, #tpu.memory_space<hbm>>
          %dma_start3A_290 = arith.constant 0 : i32
          %dma_start3A_291 = tpu.memref_slice %arg8[%multiple_of3A_285, %dma_start3A_290] : memref<32x64xi32, #tpu.memory_space<vmem>> -> memref<16x64xi32, #tpu.memory_space<vmem>>
          %dma_start3A_292 = arith.constant 0 : i32
          %dma_start3A_293 = tpu.memref_slice %arg4[%multiple_of3A_278, %dma_start3A_292] : memref<5120x64xi32, #tpu.memory_space<hbm>> -> memref<16x64xi32, #tpu.memory_space<hbm>>
          tpu.enqueue_dma source(%dma_start3A_293 : memref<16x64xi32, #tpu.memory_space<hbm>>) target(%dma_start3A_291 : memref<16x64xi32, #tpu.memory_space<vmem>>) target_semaphore(%arg19 : memref<!tpu.dma_semaphore, #tpu.memory_space<semaphore_mem>>)
        } else {
        }
      } else {
      }
      %dma_wait3A_119 = arith.constant 0 : i32
      %dma_wait3A_120 = arith.constant 0 : i32
      %dma_wait3A_121 = tpu.memref_slice %arg7[%dma_wait3A_119, %dma_wait3A_120] : memref<32x64xi32, #tpu.memory_space<vmem>> -> memref<1x64xi32, #tpu.memory_space<vmem>>
      %dma_wait3A_122 = tpu.memref_squeeze %dma_wait3A_121 : memref<1x64xi32, #tpu.memory_space<vmem>> -> memref<64xi32, #tpu.memory_space<vmem>>
      %dma_wait3A_123 = arith.constant 0 : i32
      %dma_wait3A_124 = arith.constant 0 : i32
      %dma_wait3A_125 = tpu.memref_slice %arg2[%dma_wait3A_123, %dma_wait3A_124] : memref<10240x128xf32, #tpu.memory_space<hbm>> -> memref<10240x128xf32, #tpu.memory_space<hbm>>
      tpu.wait_indirect_dma semaphore(%arg15 : memref<!tpu.dma_semaphore, #tpu.memory_space<semaphore_mem>>) src(%dma_wait3A_125 : memref<10240x128xf32, #tpu.memory_space<hbm>>) dst(%arg10 : memref<64x128xf32, #tpu.memory_space<vmem>>)
      %rem3A_126 = arith.constant 32 : i32
      %rem3A_127 = arith.remsi %add3A_84, %rem3A_126 : i32
      "tpu.region"() ({
        %run_scoped3A = tpu.sem_alloc : memref<!tpu.dma_semaphore, #tpu.memory_space<semaphore_mem>>
        %dma_start3A = arith.constant 0 : i32
        %dma_start3A_236 = tpu.memref_slice %arg8[%rem3A_127, %dma_start3A] : memref<32x64xi32, #tpu.memory_space<vmem>> -> memref<1x64xi32, #tpu.memory_space<vmem>>
        %dma_start3A_237 = tpu.memref_squeeze %dma_start3A_236 : memref<1x64xi32, #tpu.memory_space<vmem>> -> memref<64xi32, #tpu.memory_space<vmem>>
        %dma_start3A_238 = arith.constant 0 : i32
        %dma_start3A_239 = arith.constant 0 : i32
        %dma_start3A_240 = tpu.memref_slice %arg13[%dma_start3A_238, %dma_start3A_239] : memref<10240x128xf32, #tpu.memory_space<vmem_shared>> -> memref<10240x128xf32, #tpu.memory_space<vmem_shared>>
        tpu.enqueue_indirect_dma source(%arg10 : memref<64x128xf32, #tpu.memory_space<vmem>>) target(%dma_start3A_240 : memref<10240x128xf32, #tpu.memory_space<vmem_shared>>) offsets(%dma_start3A_237 : memref<64xi32, #tpu.memory_space<vmem>>) semaphore(%run_scoped3A : memref<!tpu.dma_semaphore, #tpu.memory_space<semaphore_mem>>) {add = true}
        %dma_wait3A_241 = arith.constant 0 : i32
        %dma_wait3A_242 = tpu.memref_slice %arg8[%rem3A_127, %dma_wait3A_241] : memref<32x64xi32, #tpu.memory_space<vmem>> -> memref<1x64xi32, #tpu.memory_space<vmem>>
        %dma_wait3A_243 = tpu.memref_squeeze %dma_wait3A_242 : memref<1x64xi32, #tpu.memory_space<vmem>> -> memref<64xi32, #tpu.memory_space<vmem>>
        %dma_wait3A_244 = arith.constant 0 : i32
        %dma_wait3A_245 = arith.constant 0 : i32
        %dma_wait3A_246 = tpu.memref_slice %arg13[%dma_wait3A_244, %dma_wait3A_245] : memref<10240x128xf32, #tpu.memory_space<vmem_shared>> -> memref<10240x128xf32, #tpu.memory_space<vmem_shared>>
        tpu.wait_indirect_dma semaphore(%run_scoped3A : memref<!tpu.dma_semaphore, #tpu.memory_space<semaphore_mem>>) src(%arg10 : memref<64x128xf32, #tpu.memory_space<vmem>>) dst(%dma_wait3A_246 : memref<10240x128xf32, #tpu.memory_space<vmem_shared>>)
        tpu.yield
      }) : () -> ()
      %add3A_128 = arith.constant 4 : i32
      %add3A_129 = arith.addi %add3A_84, %add3A_128 : i32
      %lt3A_130 = arith.cmpi slt, %add3A_129, %select_n3A : i32
      %convert_element_type3A_131 = arith.extui %lt3A_130 : i1 to i32
      %cond3A_132 = arith.constant 0 : i32
      %cond3A_133 = arith.cmpi ne, %convert_element_type3A_131, %cond3A_132 : i32
      scf.if %cond3A_133 {
        %rem3A_236 = arith.constant 16 : i32
        %rem3A_237 = arith.remsi %add3A_129, %rem3A_236 : i32
        %eq3A_238 = arith.constant 0 : i32
        %eq3A_239 = arith.cmpi eq, %rem3A_237, %eq3A_238 : i32
        %convert_element_type3A_240 = arith.extui %eq3A_239 : i1 to i32
        %cond3A_241 = arith.constant 0 : i32
        %cond3A_242 = arith.cmpi ne, %convert_element_type3A_240, %cond3A_241 : i32
        scf.if %cond3A_242 {
          %add3A_250 = arith.addi %multiple_of3A, %add3A_129 : i32
          %multiple_of3A_251 = tpu.assume_multiple %add3A_250, 8 : i32
          %jit3A_252 = arith.constant 16 : i32
          %div3A_253 = arith.divsi %add3A_129, %jit3A_252 : i32
          %sign3A_254 = arith.constant 0 : i32
          %sign3A_255 = arith.cmpi sgt, %add3A_129, %sign3A_254 : i32
          %sign3A_256 = arith.extui %sign3A_255 : i1 to i32
          %sign3A_257 = arith.constant 0 : i32
          %sign3A_258 = arith.cmpi slt, %add3A_129, %sign3A_257 : i32
          %sign3A_259 = arith.extui %sign3A_258 : i1 to i32
          %sign3A_260 = arith.subi %sign3A_256, %sign3A_259 : i32
          %sign3A_261 = arith.constant 0 : i32
          %sign3A_262 = arith.cmpi sgt, %jit3A_252, %sign3A_261 : i32
          %sign3A_263 = arith.extui %sign3A_262 : i1 to i32
          %sign3A_264 = arith.constant 0 : i32
          %sign3A_265 = arith.cmpi slt, %jit3A_252, %sign3A_264 : i32
          %sign3A_266 = arith.extui %sign3A_265 : i1 to i32
          %sign3A_267 = arith.subi %sign3A_263, %sign3A_266 : i32
          %ne3A_268 = arith.cmpi ne, %sign3A_260, %sign3A_267 : i32
          %rem3A_269 = arith.remsi %add3A_129, %jit3A_252 : i32
          %ne3A_270 = arith.constant 0 : i32
          %ne3A_271 = arith.cmpi ne, %rem3A_269, %ne3A_270 : i32
          %and3A_272 = arith.andi %ne3A_268, %ne3A_271 : i1
          %sub3A_273 = arith.constant 1 : i32
          %sub3A_274 = arith.subi %div3A_253, %sub3A_273 : i32
          %select_n3A_275 = arith.select %and3A_272, %sub3A_274, %div3A_253 : i32
          %rem3A_276 = arith.constant 2 : i32
          %rem3A_277 = arith.remsi %select_n3A_275, %rem3A_276 : i32
          %mul3A_278 = arith.constant 16 : i32
          %mul3A_279 = arith.muli %rem3A_277, %mul3A_278 : i32
          %multiple_of3A_280 = tpu.assume_multiple %mul3A_279, 8 : i32
          %dma_wait3A_281 = arith.constant 0 : i32
          %dma_wait3A_282 = tpu.memref_slice %arg7[%multiple_of3A_280, %dma_wait3A_281] : memref<32x64xi32, #tpu.memory_space<vmem>> -> memref<16x64xi32, #tpu.memory_space<vmem>>
          %dma_wait3A_283 = arith.constant 0 : i32
          %dma_wait3A_284 = tpu.memref_slice %arg3[%multiple_of3A_251, %dma_wait3A_283] : memref<5120x64xi32, #tpu.memory_space<hbm>> -> memref<16x64xi32, #tpu.memory_space<hbm>>
          %dma_wait3A_285 = arith.constant 0 : i32
          %dma_wait3A_286 = tpu.memref_slice %arg7[%multiple_of3A_280, %dma_wait3A_285] : memref<32x64xi32, #tpu.memory_space<vmem>> -> memref<16x64xi32, #tpu.memory_space<vmem>>
          %dma_wait3A_287 = arith.constant 0 : i32
          %dma_wait3A_288 = tpu.memref_slice %arg3[%multiple_of3A_251, %dma_wait3A_287] : memref<5120x64xi32, #tpu.memory_space<hbm>> -> memref<16x64xi32, #tpu.memory_space<hbm>>
          tpu.wait_dma2 semaphore(%arg18 : memref<!tpu.dma_semaphore, #tpu.memory_space<semaphore_mem>>) src(%dma_wait3A_288 : memref<16x64xi32, #tpu.memory_space<hbm>>) dst(%dma_wait3A_286 : memref<16x64xi32, #tpu.memory_space<vmem>>)
        } else {
        }
        %rem3A_243 = arith.constant 32 : i32
        %rem3A_244 = arith.remsi %add3A_129, %rem3A_243 : i32
        %dma_start3A = arith.constant 0 : i32
        %dma_start3A_245 = tpu.memref_slice %arg7[%rem3A_244, %dma_start3A] : memref<32x64xi32, #tpu.memory_space<vmem>> -> memref<1x64xi32, #tpu.memory_space<vmem>>
        %dma_start3A_246 = tpu.memref_squeeze %dma_start3A_245 : memref<1x64xi32, #tpu.memory_space<vmem>> -> memref<64xi32, #tpu.memory_space<vmem>>
        %dma_start3A_247 = arith.constant 0 : i32
        %dma_start3A_248 = arith.constant 0 : i32
        %dma_start3A_249 = tpu.memref_slice %arg2[%dma_start3A_247, %dma_start3A_248] : memref<10240x128xf32, #tpu.memory_space<hbm>> -> memref<10240x128xf32, #tpu.memory_space<hbm>>
        tpu.enqueue_indirect_dma source(%dma_start3A_249 : memref<10240x128xf32, #tpu.memory_space<hbm>>) target(%arg10 : memref<64x128xf32, #tpu.memory_space<vmem>>) offsets(%dma_start3A_246 : memref<64xi32, #tpu.memory_space<vmem>>) semaphore(%arg15 : memref<!tpu.dma_semaphore, #tpu.memory_space<semaphore_mem>>)
      } else {
      }
      %add3A_134 = arith.constant 2 : i32
      %add3A_135 = arith.addi %add3A_37, %add3A_134 : i32
      %jit3A_136 = arith.constant 16 : i32
      %div3A_137 = arith.divsi %add3A_135, %jit3A_136 : i32
      %sign3A_138 = arith.constant 0 : i32
      %sign3A_139 = arith.cmpi sgt, %add3A_135, %sign3A_138 : i32
      %sign3A_140 = arith.extui %sign3A_139 : i1 to i32
      %sign3A_141 = arith.constant 0 : i32
      %sign3A_142 = arith.cmpi slt, %add3A_135, %sign3A_141 : i32
      %sign3A_143 = arith.extui %sign3A_142 : i1 to i32
      %sign3A_144 = arith.subi %sign3A_140, %sign3A_143 : i32
      %sign3A_145 = arith.constant 0 : i32
      %sign3A_146 = arith.cmpi sgt, %jit3A_136, %sign3A_145 : i32
      %sign3A_147 = arith.extui %sign3A_146 : i1 to i32
      %sign3A_148 = arith.constant 0 : i32
      %sign3A_149 = arith.cmpi slt, %jit3A_136, %sign3A_148 : i32
      %sign3A_150 = arith.extui %sign3A_149 : i1 to i32
      %sign3A_151 = arith.subi %sign3A_147, %sign3A_150 : i32
      %ne3A_152 = arith.cmpi ne, %sign3A_144, %sign3A_151 : i32
      %rem3A_153 = arith.remsi %add3A_135, %jit3A_136 : i32
      %ne3A_154 = arith.constant 0 : i32
      %ne3A_155 = arith.cmpi ne, %rem3A_153, %ne3A_154 : i32
      %and3A_156 = arith.andi %ne3A_152, %ne3A_155 : i1
      %sub3A_157 = arith.constant 1 : i32
      %sub3A_158 = arith.subi %div3A_137, %sub3A_157 : i32
      %select_n3A_159 = arith.select %and3A_156, %sub3A_158, %div3A_137 : i32
      %rem3A_160 = arith.constant 16 : i32
      %rem3A_161 = arith.remsi %add3A_135, %rem3A_160 : i32
      %eq3A_162 = arith.constant 0 : i32
      %eq3A_163 = arith.cmpi eq, %rem3A_161, %eq3A_162 : i32
      %gt3A_164 = arith.constant 0 : i32
      %gt3A_165 = arith.cmpi sgt, %add3A_135, %gt3A_164 : i32
      %and3A_166 = arith.andi %eq3A_163, %gt3A_165 : i1
      %convert_element_type3A_167 = arith.extui %and3A_166 : i1 to i32
      %cond3A_168 = arith.constant 0 : i32
      %cond3A_169 = arith.cmpi ne, %convert_element_type3A_167, %cond3A_168 : i32
      scf.if %cond3A_169 {
        %add3A_236 = arith.addi %multiple_of3A, %add3A_135 : i32
        %multiple_of3A_237 = tpu.assume_multiple %add3A_236, 8 : i32
        %rem3A_238 = arith.constant 2 : i32
        %rem3A_239 = arith.remsi %select_n3A_159, %rem3A_238 : i32
        %mul3A_240 = arith.constant 16 : i32
        %mul3A_241 = arith.muli %rem3A_239, %mul3A_240 : i32
        %multiple_of3A_242 = tpu.assume_multiple %mul3A_241, 8 : i32
        %dma_wait3A_243 = arith.constant 0 : i32
        %dma_wait3A_244 = tpu.memref_slice %arg8[%multiple_of3A_242, %dma_wait3A_243] : memref<32x64xi32, #tpu.memory_space<vmem>> -> memref<16x64xi32, #tpu.memory_space<vmem>>
        %dma_wait3A_245 = arith.constant 0 : i32
        %dma_wait3A_246 = tpu.memref_slice %arg4[%multiple_of3A_237, %dma_wait3A_245] : memref<5120x64xi32, #tpu.memory_space<hbm>> -> memref<16x64xi32, #tpu.memory_space<hbm>>
        %dma_wait3A_247 = arith.constant 0 : i32
        %dma_wait3A_248 = tpu.memref_slice %arg8[%multiple_of3A_242, %dma_wait3A_247] : memref<32x64xi32, #tpu.memory_space<vmem>> -> memref<16x64xi32, #tpu.memory_space<vmem>>
        %dma_wait3A_249 = arith.constant 0 : i32
        %dma_wait3A_250 = tpu.memref_slice %arg4[%multiple_of3A_237, %dma_wait3A_249] : memref<5120x64xi32, #tpu.memory_space<hbm>> -> memref<16x64xi32, #tpu.memory_space<hbm>>
        tpu.wait_dma2 semaphore(%arg19 : memref<!tpu.dma_semaphore, #tpu.memory_space<semaphore_mem>>) src(%dma_wait3A_250 : memref<16x64xi32, #tpu.memory_space<hbm>>) dst(%dma_wait3A_248 : memref<16x64xi32, #tpu.memory_space<vmem>>)
        %add3A_251 = arith.constant 16 : i32
        %add3A_252 = arith.addi %add3A_135, %add3A_251 : i32
        %lt3A_253 = arith.cmpi slt, %add3A_252, %select_n3A : i32
        %convert_element_type3A_254 = arith.extui %lt3A_253 : i1 to i32
        %cond3A_255 = arith.constant 0 : i32
        %cond3A_256 = arith.cmpi ne, %convert_element_type3A_254, %cond3A_255 : i32
        scf.if %cond3A_256 {
          %add3A_257 = arith.constant 16 : i32
          %add3A_258 = arith.addi %add3A_135, %add3A_257 : i32
          %add3A_259 = arith.addi %multiple_of3A, %add3A_258 : i32
          %multiple_of3A_260 = tpu.assume_multiple %add3A_259, 8 : i32
          %add3A_261 = arith.constant 1 : i32
          %add3A_262 = arith.addi %select_n3A_159, %add3A_261 : i32
          %rem3A_263 = arith.constant 2 : i32
          %rem3A_264 = arith.remsi %add3A_262, %rem3A_263 : i32
          %mul3A_265 = arith.constant 16 : i32
          %mul3A_266 = arith.muli %rem3A_264, %mul3A_265 : i32
          %multiple_of3A_267 = tpu.assume_multiple %mul3A_266, 8 : i32
          %dma_start3A = arith.constant 0 : i32
          %dma_start3A_268 = tpu.memref_slice %arg7[%multiple_of3A_267, %dma_start3A] : memref<32x64xi32, #tpu.memory_space<vmem>> -> memref<16x64xi32, #tpu.memory_space<vmem>>
          %dma_start3A_269 = arith.constant 0 : i32
          %dma_start3A_270 = tpu.memref_slice %arg3[%multiple_of3A_260, %dma_start3A_269] : memref<5120x64xi32, #tpu.memory_space<hbm>> -> memref<16x64xi32, #tpu.memory_space<hbm>>
          %dma_start3A_271 = arith.constant 0 : i32
          %dma_start3A_272 = tpu.memref_slice %arg7[%multiple_of3A_267, %dma_start3A_271] : memref<32x64xi32, #tpu.memory_space<vmem>> -> memref<16x64xi32, #tpu.memory_space<vmem>>
          %dma_start3A_273 = arith.constant 0 : i32
          %dma_start3A_274 = tpu.memref_slice %arg3[%multiple_of3A_260, %dma_start3A_273] : memref<5120x64xi32, #tpu.memory_space<hbm>> -> memref<16x64xi32, #tpu.memory_space<hbm>>
          tpu.enqueue_dma source(%dma_start3A_274 : memref<16x64xi32, #tpu.memory_space<hbm>>) target(%dma_start3A_272 : memref<16x64xi32, #tpu.memory_space<vmem>>) target_semaphore(%arg18 : memref<!tpu.dma_semaphore, #tpu.memory_space<semaphore_mem>>)
          %add3A_275 = arith.constant 16 : i32
          %add3A_276 = arith.addi %add3A_135, %add3A_275 : i32
          %add3A_277 = arith.addi %multiple_of3A, %add3A_276 : i32
          %multiple_of3A_278 = tpu.assume_multiple %add3A_277, 8 : i32
          %add3A_279 = arith.constant 1 : i32
          %add3A_280 = arith.addi %select_n3A_159, %add3A_279 : i32
          %rem3A_281 = arith.constant 2 : i32
          %rem3A_282 = arith.remsi %add3A_280, %rem3A_281 : i32
          %mul3A_283 = arith.constant 16 : i32
          %mul3A_284 = arith.muli %rem3A_282, %mul3A_283 : i32
          %multiple_of3A_285 = tpu.assume_multiple %mul3A_284, 8 : i32
          %dma_start3A_286 = arith.constant 0 : i32
          %dma_start3A_287 = tpu.memref_slice %arg8[%multiple_of3A_285, %dma_start3A_286] : memref<32x64xi32, #tpu.memory_space<vmem>> -> memref<16x64xi32, #tpu.memory_space<vmem>>
          %dma_start3A_288 = arith.constant 0 : i32
          %dma_start3A_289 = tpu.memref_slice %arg4[%multiple_of3A_278, %dma_start3A_288] : memref<5120x64xi32, #tpu.memory_space<hbm>> -> memref<16x64xi32, #tpu.memory_space<hbm>>
          %dma_start3A_290 = arith.constant 0 : i32
          %dma_start3A_291 = tpu.memref_slice %arg8[%multiple_of3A_285, %dma_start3A_290] : memref<32x64xi32, #tpu.memory_space<vmem>> -> memref<16x64xi32, #tpu.memory_space<vmem>>
          %dma_start3A_292 = arith.constant 0 : i32
          %dma_start3A_293 = tpu.memref_slice %arg4[%multiple_of3A_278, %dma_start3A_292] : memref<5120x64xi32, #tpu.memory_space<hbm>> -> memref<16x64xi32, #tpu.memory_space<hbm>>
          tpu.enqueue_dma source(%dma_start3A_293 : memref<16x64xi32, #tpu.memory_space<hbm>>) target(%dma_start3A_291 : memref<16x64xi32, #tpu.memory_space<vmem>>) target_semaphore(%arg19 : memref<!tpu.dma_semaphore, #tpu.memory_space<semaphore_mem>>)
        } else {
        }
      } else {
      }
      %dma_wait3A_170 = arith.constant 0 : i32
      %dma_wait3A_171 = arith.constant 0 : i32
      %dma_wait3A_172 = tpu.memref_slice %arg7[%dma_wait3A_170, %dma_wait3A_171] : memref<32x64xi32, #tpu.memory_space<vmem>> -> memref<1x64xi32, #tpu.memory_space<vmem>>
      %dma_wait3A_173 = tpu.memref_squeeze %dma_wait3A_172 : memref<1x64xi32, #tpu.memory_space<vmem>> -> memref<64xi32, #tpu.memory_space<vmem>>
      %dma_wait3A_174 = arith.constant 0 : i32
      %dma_wait3A_175 = arith.constant 0 : i32
      %dma_wait3A_176 = tpu.memref_slice %arg2[%dma_wait3A_174, %dma_wait3A_175] : memref<10240x128xf32, #tpu.memory_space<hbm>> -> memref<10240x128xf32, #tpu.memory_space<hbm>>
      tpu.wait_indirect_dma semaphore(%arg16 : memref<!tpu.dma_semaphore, #tpu.memory_space<semaphore_mem>>) src(%dma_wait3A_176 : memref<10240x128xf32, #tpu.memory_space<hbm>>) dst(%arg11 : memref<64x128xf32, #tpu.memory_space<vmem>>)
      %rem3A_177 = arith.constant 32 : i32
      %rem3A_178 = arith.remsi %add3A_135, %rem3A_177 : i32
      "tpu.region"() ({
        %run_scoped3A = tpu.sem_alloc : memref<!tpu.dma_semaphore, #tpu.memory_space<semaphore_mem>>
        %dma_start3A = arith.constant 0 : i32
        %dma_start3A_236 = tpu.memref_slice %arg8[%rem3A_178, %dma_start3A] : memref<32x64xi32, #tpu.memory_space<vmem>> -> memref<1x64xi32, #tpu.memory_space<vmem>>
        %dma_start3A_237 = tpu.memref_squeeze %dma_start3A_236 : memref<1x64xi32, #tpu.memory_space<vmem>> -> memref<64xi32, #tpu.memory_space<vmem>>
        %dma_start3A_238 = arith.constant 0 : i32
        %dma_start3A_239 = arith.constant 0 : i32
        %dma_start3A_240 = tpu.memref_slice %arg13[%dma_start3A_238, %dma_start3A_239] : memref<10240x128xf32, #tpu.memory_space<vmem_shared>> -> memref<10240x128xf32, #tpu.memory_space<vmem_shared>>
        tpu.enqueue_indirect_dma source(%arg11 : memref<64x128xf32, #tpu.memory_space<vmem>>) target(%dma_start3A_240 : memref<10240x128xf32, #tpu.memory_space<vmem_shared>>) offsets(%dma_start3A_237 : memref<64xi32, #tpu.memory_space<vmem>>) semaphore(%run_scoped3A : memref<!tpu.dma_semaphore, #tpu.memory_space<semaphore_mem>>) {add = true}
        %dma_wait3A_241 = arith.constant 0 : i32
        %dma_wait3A_242 = tpu.memref_slice %arg8[%rem3A_178, %dma_wait3A_241] : memref<32x64xi32, #tpu.memory_space<vmem>> -> memref<1x64xi32, #tpu.memory_space<vmem>>
        %dma_wait3A_243 = tpu.memref_squeeze %dma_wait3A_242 : memref<1x64xi32, #tpu.memory_space<vmem>> -> memref<64xi32, #tpu.memory_space<vmem>>
        %dma_wait3A_244 = arith.constant 0 : i32
        %dma_wait3A_245 = arith.constant 0 : i32
        %dma_wait3A_246 = tpu.memref_slice %arg13[%dma_wait3A_244, %dma_wait3A_245] : memref<10240x128xf32, #tpu.memory_space<vmem_shared>> -> memref<10240x128xf32, #tpu.memory_space<vmem_shared>>
        tpu.wait_indirect_dma semaphore(%run_scoped3A : memref<!tpu.dma_semaphore, #tpu.memory_space<semaphore_mem>>) src(%arg11 : memref<64x128xf32, #tpu.memory_space<vmem>>) dst(%dma_wait3A_246 : memref<10240x128xf32, #tpu.memory_space<vmem_shared>>)
        tpu.yield
      }) : () -> ()
      %add3A_179 = arith.constant 4 : i32
      %add3A_180 = arith.addi %add3A_135, %add3A_179 : i32
      %lt3A_181 = arith.cmpi slt, %add3A_180, %select_n3A : i32
      %convert_element_type3A_182 = arith.extui %lt3A_181 : i1 to i32
      %cond3A_183 = arith.constant 0 : i32
      %cond3A_184 = arith.cmpi ne, %convert_element_type3A_182, %cond3A_183 : i32
      scf.if %cond3A_184 {
        %rem3A_236 = arith.constant 16 : i32
        %rem3A_237 = arith.remsi %add3A_180, %rem3A_236 : i32
        %eq3A_238 = arith.constant 0 : i32
        %eq3A_239 = arith.cmpi eq, %rem3A_237, %eq3A_238 : i32
        %convert_element_type3A_240 = arith.extui %eq3A_239 : i1 to i32
        %cond3A_241 = arith.constant 0 : i32
        %cond3A_242 = arith.cmpi ne, %convert_element_type3A_240, %cond3A_241 : i32
        scf.if %cond3A_242 {
          %add3A_250 = arith.addi %multiple_of3A, %add3A_180 : i32
          %multiple_of3A_251 = tpu.assume_multiple %add3A_250, 8 : i32
          %jit3A_252 = arith.constant 16 : i32
          %div3A_253 = arith.divsi %add3A_180, %jit3A_252 : i32
          %sign3A_254 = arith.constant 0 : i32
          %sign3A_255 = arith.cmpi sgt, %add3A_180, %sign3A_254 : i32
          %sign3A_256 = arith.extui %sign3A_255 : i1 to i32
          %sign3A_257 = arith.constant 0 : i32
          %sign3A_258 = arith.cmpi slt, %add3A_180, %sign3A_257 : i32
          %sign3A_259 = arith.extui %sign3A_258 : i1 to i32
          %sign3A_260 = arith.subi %sign3A_256, %sign3A_259 : i32
          %sign3A_261 = arith.constant 0 : i32
          %sign3A_262 = arith.cmpi sgt, %jit3A_252, %sign3A_261 : i32
          %sign3A_263 = arith.extui %sign3A_262 : i1 to i32
          %sign3A_264 = arith.constant 0 : i32
          %sign3A_265 = arith.cmpi slt, %jit3A_252, %sign3A_264 : i32
          %sign3A_266 = arith.extui %sign3A_265 : i1 to i32
          %sign3A_267 = arith.subi %sign3A_263, %sign3A_266 : i32
          %ne3A_268 = arith.cmpi ne, %sign3A_260, %sign3A_267 : i32
          %rem3A_269 = arith.remsi %add3A_180, %jit3A_252 : i32
          %ne3A_270 = arith.constant 0 : i32
          %ne3A_271 = arith.cmpi ne, %rem3A_269, %ne3A_270 : i32
          %and3A_272 = arith.andi %ne3A_268, %ne3A_271 : i1
          %sub3A_273 = arith.constant 1 : i32
          %sub3A_274 = arith.subi %div3A_253, %sub3A_273 : i32
          %select_n3A_275 = arith.select %and3A_272, %sub3A_274, %div3A_253 : i32
          %rem3A_276 = arith.constant 2 : i32
          %rem3A_277 = arith.remsi %select_n3A_275, %rem3A_276 : i32
          %mul3A_278 = arith.constant 16 : i32
          %mul3A_279 = arith.muli %rem3A_277, %mul3A_278 : i32
          %multiple_of3A_280 = tpu.assume_multiple %mul3A_279, 8 : i32
          %dma_wait3A_281 = arith.constant 0 : i32
          %dma_wait3A_282 = tpu.memref_slice %arg7[%multiple_of3A_280, %dma_wait3A_281] : memref<32x64xi32, #tpu.memory_space<vmem>> -> memref<16x64xi32, #tpu.memory_space<vmem>>
          %dma_wait3A_283 = arith.constant 0 : i32
          %dma_wait3A_284 = tpu.memref_slice %arg3[%multiple_of3A_251, %dma_wait3A_283] : memref<5120x64xi32, #tpu.memory_space<hbm>> -> memref<16x64xi32, #tpu.memory_space<hbm>>
          %dma_wait3A_285 = arith.constant 0 : i32
          %dma_wait3A_286 = tpu.memref_slice %arg7[%multiple_of3A_280, %dma_wait3A_285] : memref<32x64xi32, #tpu.memory_space<vmem>> -> memref<16x64xi32, #tpu.memory_space<vmem>>
          %dma_wait3A_287 = arith.constant 0 : i32
          %dma_wait3A_288 = tpu.memref_slice %arg3[%multiple_of3A_251, %dma_wait3A_287] : memref<5120x64xi32, #tpu.memory_space<hbm>> -> memref<16x64xi32, #tpu.memory_space<hbm>>
          tpu.wait_dma2 semaphore(%arg18 : memref<!tpu.dma_semaphore, #tpu.memory_space<semaphore_mem>>) src(%dma_wait3A_288 : memref<16x64xi32, #tpu.memory_space<hbm>>) dst(%dma_wait3A_286 : memref<16x64xi32, #tpu.memory_space<vmem>>)
        } else {
        }
        %rem3A_243 = arith.constant 32 : i32
        %rem3A_244 = arith.remsi %add3A_180, %rem3A_243 : i32
        %dma_start3A = arith.constant 0 : i32
        %dma_start3A_245 = tpu.memref_slice %arg7[%rem3A_244, %dma_start3A] : memref<32x64xi32, #tpu.memory_space<vmem>> -> memref<1x64xi32, #tpu.memory_space<vmem>>
        %dma_start3A_246 = tpu.memref_squeeze %dma_start3A_245 : memref<1x64xi32, #tpu.memory_space<vmem>> -> memref<64xi32, #tpu.memory_space<vmem>>
        %dma_start3A_247 = arith.constant 0 : i32
        %dma_start3A_248 = arith.constant 0 : i32
        %dma_start3A_249 = tpu.memref_slice %arg2[%dma_start3A_247, %dma_start3A_248] : memref<10240x128xf32, #tpu.memory_space<hbm>> -> memref<10240x128xf32, #tpu.memory_space<hbm>>
        tpu.enqueue_indirect_dma source(%dma_start3A_249 : memref<10240x128xf32, #tpu.memory_space<hbm>>) target(%arg11 : memref<64x128xf32, #tpu.memory_space<vmem>>) offsets(%dma_start3A_246 : memref<64xi32, #tpu.memory_space<vmem>>) semaphore(%arg16 : memref<!tpu.dma_semaphore, #tpu.memory_space<semaphore_mem>>)
      } else {
      }
      %add3A_185 = arith.constant 3 : i32
      %add3A_186 = arith.addi %add3A_37, %add3A_185 : i32
      %jit3A_187 = arith.constant 16 : i32
      %div3A_188 = arith.divsi %add3A_186, %jit3A_187 : i32
      %sign3A_189 = arith.constant 0 : i32
      %sign3A_190 = arith.cmpi sgt, %add3A_186, %sign3A_189 : i32
      %sign3A_191 = arith.extui %sign3A_190 : i1 to i32
      %sign3A_192 = arith.constant 0 : i32
      %sign3A_193 = arith.cmpi slt, %add3A_186, %sign3A_192 : i32
      %sign3A_194 = arith.extui %sign3A_193 : i1 to i32
      %sign3A_195 = arith.subi %sign3A_191, %sign3A_194 : i32
      %sign3A_196 = arith.constant 0 : i32
      %sign3A_197 = arith.cmpi sgt, %jit3A_187, %sign3A_196 : i32
      %sign3A_198 = arith.extui %sign3A_197 : i1 to i32
      %sign3A_199 = arith.constant 0 : i32
      %sign3A_200 = arith.cmpi slt, %jit3A_187, %sign3A_199 : i32
      %sign3A_201 = arith.extui %sign3A_200 : i1 to i32
      %sign3A_202 = arith.subi %sign3A_198, %sign3A_201 : i32
      %ne3A_203 = arith.cmpi ne, %sign3A_195, %sign3A_202 : i32
      %rem3A_204 = arith.remsi %add3A_186, %jit3A_187 : i32
      %ne3A_205 = arith.constant 0 : i32
      %ne3A_206 = arith.cmpi ne, %rem3A_204, %ne3A_205 : i32
      %and3A_207 = arith.andi %ne3A_203, %ne3A_206 : i1
      %sub3A_208 = arith.constant 1 : i32
      %sub3A_209 = arith.subi %div3A_188, %sub3A_208 : i32
      %select_n3A_210 = arith.select %and3A_207, %sub3A_209, %div3A_188 : i32
      %rem3A_211 = arith.constant 16 : i32
      %rem3A_212 = arith.remsi %add3A_186, %rem3A_211 : i32
      %eq3A_213 = arith.constant 0 : i32
      %eq3A_214 = arith.cmpi eq, %rem3A_212, %eq3A_213 : i32
      %gt3A_215 = arith.constant 0 : i32
      %gt3A_216 = arith.cmpi sgt, %add3A_186, %gt3A_215 : i32
      %and3A_217 = arith.andi %eq3A_214, %gt3A_216 : i1
      %convert_element_type3A_218 = arith.extui %and3A_217 : i1 to i32
      %cond3A_219 = arith.constant 0 : i32
      %cond3A_220 = arith.cmpi ne, %convert_element_type3A_218, %cond3A_219 : i32
      scf.if %cond3A_220 {
        %add3A_236 = arith.addi %multiple_of3A, %add3A_186 : i32
        %multiple_of3A_237 = tpu.assume_multiple %add3A_236, 8 : i32
        %rem3A_238 = arith.constant 2 : i32
        %rem3A_239 = arith.remsi %select_n3A_210, %rem3A_238 : i32
        %mul3A_240 = arith.constant 16 : i32
        %mul3A_241 = arith.muli %rem3A_239, %mul3A_240 : i32
        %multiple_of3A_242 = tpu.assume_multiple %mul3A_241, 8 : i32
        %dma_wait3A_243 = arith.constant 0 : i32
        %dma_wait3A_244 = tpu.memref_slice %arg8[%multiple_of3A_242, %dma_wait3A_243] : memref<32x64xi32, #tpu.memory_space<vmem>> -> memref<16x64xi32, #tpu.memory_space<vmem>>
        %dma_wait3A_245 = arith.constant 0 : i32
        %dma_wait3A_246 = tpu.memref_slice %arg4[%multiple_of3A_237, %dma_wait3A_245] : memref<5120x64xi32, #tpu.memory_space<hbm>> -> memref<16x64xi32, #tpu.memory_space<hbm>>
        %dma_wait3A_247 = arith.constant 0 : i32
        %dma_wait3A_248 = tpu.memref_slice %arg8[%multiple_of3A_242, %dma_wait3A_247] : memref<32x64xi32, #tpu.memory_space<vmem>> -> memref<16x64xi32, #tpu.memory_space<vmem>>
        %dma_wait3A_249 = arith.constant 0 : i32
        %dma_wait3A_250 = tpu.memref_slice %arg4[%multiple_of3A_237, %dma_wait3A_249] : memref<5120x64xi32, #tpu.memory_space<hbm>> -> memref<16x64xi32, #tpu.memory_space<hbm>>
        tpu.wait_dma2 semaphore(%arg19 : memref<!tpu.dma_semaphore, #tpu.memory_space<semaphore_mem>>) src(%dma_wait3A_250 : memref<16x64xi32, #tpu.memory_space<hbm>>) dst(%dma_wait3A_248 : memref<16x64xi32, #tpu.memory_space<vmem>>)
        %add3A_251 = arith.constant 16 : i32
        %add3A_252 = arith.addi %add3A_186, %add3A_251 : i32
        %lt3A_253 = arith.cmpi slt, %add3A_252, %select_n3A : i32
        %convert_element_type3A_254 = arith.extui %lt3A_253 : i1 to i32
        %cond3A_255 = arith.constant 0 : i32
        %cond3A_256 = arith.cmpi ne, %convert_element_type3A_254, %cond3A_255 : i32
        scf.if %cond3A_256 {
          %add3A_257 = arith.constant 16 : i32
          %add3A_258 = arith.addi %add3A_186, %add3A_257 : i32
          %add3A_259 = arith.addi %multiple_of3A, %add3A_258 : i32
          %multiple_of3A_260 = tpu.assume_multiple %add3A_259, 8 : i32
          %add3A_261 = arith.constant 1 : i32
          %add3A_262 = arith.addi %select_n3A_210, %add3A_261 : i32
          %rem3A_263 = arith.constant 2 : i32
          %rem3A_264 = arith.remsi %add3A_262, %rem3A_263 : i32
          %mul3A_265 = arith.constant 16 : i32
          %mul3A_266 = arith.muli %rem3A_264, %mul3A_265 : i32
          %multiple_of3A_267 = tpu.assume_multiple %mul3A_266, 8 : i32
          %dma_start3A = arith.constant 0 : i32
          %dma_start3A_268 = tpu.memref_slice %arg7[%multiple_of3A_267, %dma_start3A] : memref<32x64xi32, #tpu.memory_space<vmem>> -> memref<16x64xi32, #tpu.memory_space<vmem>>
          %dma_start3A_269 = arith.constant 0 : i32
          %dma_start3A_270 = tpu.memref_slice %arg3[%multiple_of3A_260, %dma_start3A_269] : memref<5120x64xi32, #tpu.memory_space<hbm>> -> memref<16x64xi32, #tpu.memory_space<hbm>>
          %dma_start3A_271 = arith.constant 0 : i32
          %dma_start3A_272 = tpu.memref_slice %arg7[%multiple_of3A_267, %dma_start3A_271] : memref<32x64xi32, #tpu.memory_space<vmem>> -> memref<16x64xi32, #tpu.memory_space<vmem>>
          %dma_start3A_273 = arith.constant 0 : i32
          %dma_start3A_274 = tpu.memref_slice %arg3[%multiple_of3A_260, %dma_start3A_273] : memref<5120x64xi32, #tpu.memory_space<hbm>> -> memref<16x64xi32, #tpu.memory_space<hbm>>
          tpu.enqueue_dma source(%dma_start3A_274 : memref<16x64xi32, #tpu.memory_space<hbm>>) target(%dma_start3A_272 : memref<16x64xi32, #tpu.memory_space<vmem>>) target_semaphore(%arg18 : memref<!tpu.dma_semaphore, #tpu.memory_space<semaphore_mem>>)
          %add3A_275 = arith.constant 16 : i32
          %add3A_276 = arith.addi %add3A_186, %add3A_275 : i32
          %add3A_277 = arith.addi %multiple_of3A, %add3A_276 : i32
          %multiple_of3A_278 = tpu.assume_multiple %add3A_277, 8 : i32
          %add3A_279 = arith.constant 1 : i32
          %add3A_280 = arith.addi %select_n3A_210, %add3A_279 : i32
          %rem3A_281 = arith.constant 2 : i32
          %rem3A_282 = arith.remsi %add3A_280, %rem3A_281 : i32
          %mul3A_283 = arith.constant 16 : i32
          %mul3A_284 = arith.muli %rem3A_282, %mul3A_283 : i32
          %multiple_of3A_285 = tpu.assume_multiple %mul3A_284, 8 : i32
          %dma_start3A_286 = arith.constant 0 : i32
          %dma_start3A_287 = tpu.memref_slice %arg8[%multiple_of3A_285, %dma_start3A_286] : memref<32x64xi32, #tpu.memory_space<vmem>> -> memref<16x64xi32, #tpu.memory_space<vmem>>
          %dma_start3A_288 = arith.constant 0 : i32
          %dma_start3A_289 = tpu.memref_slice %arg4[%multiple_of3A_278, %dma_start3A_288] : memref<5120x64xi32, #tpu.memory_space<hbm>> -> memref<16x64xi32, #tpu.memory_space<hbm>>
          %dma_start3A_290 = arith.constant 0 : i32
          %dma_start3A_291 = tpu.memref_slice %arg8[%multiple_of3A_285, %dma_start3A_290] : memref<32x64xi32, #tpu.memory_space<vmem>> -> memref<16x64xi32, #tpu.memory_space<vmem>>
          %dma_start3A_292 = arith.constant 0 : i32
          %dma_start3A_293 = tpu.memref_slice %arg4[%multiple_of3A_278, %dma_start3A_292] : memref<5120x64xi32, #tpu.memory_space<hbm>> -> memref<16x64xi32, #tpu.memory_space<hbm>>
          tpu.enqueue_dma source(%dma_start3A_293 : memref<16x64xi32, #tpu.memory_space<hbm>>) target(%dma_start3A_291 : memref<16x64xi32, #tpu.memory_space<vmem>>) target_semaphore(%arg19 : memref<!tpu.dma_semaphore, #tpu.memory_space<semaphore_mem>>)
        } else {
        }
      } else {
      }
      %dma_wait3A_221 = arith.constant 0 : i32
      %dma_wait3A_222 = arith.constant 0 : i32
      %dma_wait3A_223 = tpu.memref_slice %arg7[%dma_wait3A_221, %dma_wait3A_222] : memref<32x64xi32, #tpu.memory_space<vmem>> -> memref<1x64xi32, #tpu.memory_space<vmem>>
      %dma_wait3A_224 = tpu.memref_squeeze %dma_wait3A_223 : memref<1x64xi32, #tpu.memory_space<vmem>> -> memref<64xi32, #tpu.memory_space<vmem>>
      %dma_wait3A_225 = arith.constant 0 : i32
      %dma_wait3A_226 = arith.constant 0 : i32
      %dma_wait3A_227 = tpu.memref_slice %arg2[%dma_wait3A_225, %dma_wait3A_226] : memref<10240x128xf32, #tpu.memory_space<hbm>> -> memref<10240x128xf32, #tpu.memory_space<hbm>>
      tpu.wait_indirect_dma semaphore(%arg17 : memref<!tpu.dma_semaphore, #tpu.memory_space<semaphore_mem>>) src(%dma_wait3A_227 : memref<10240x128xf32, #tpu.memory_space<hbm>>) dst(%arg12 : memref<64x128xf32, #tpu.memory_space<vmem>>)
      %rem3A_228 = arith.constant 32 : i32
      %rem3A_229 = arith.remsi %add3A_186, %rem3A_228 : i32
      "tpu.region"() ({
        %run_scoped3A = tpu.sem_alloc : memref<!tpu.dma_semaphore, #tpu.memory_space<semaphore_mem>>
        %dma_start3A = arith.constant 0 : i32
        %dma_start3A_236 = tpu.memref_slice %arg8[%rem3A_229, %dma_start3A] : memref<32x64xi32, #tpu.memory_space<vmem>> -> memref<1x64xi32, #tpu.memory_space<vmem>>
        %dma_start3A_237 = tpu.memref_squeeze %dma_start3A_236 : memref<1x64xi32, #tpu.memory_space<vmem>> -> memref<64xi32, #tpu.memory_space<vmem>>
        %dma_start3A_238 = arith.constant 0 : i32
        %dma_start3A_239 = arith.constant 0 : i32
        %dma_start3A_240 = tpu.memref_slice %arg13[%dma_start3A_238, %dma_start3A_239] : memref<10240x128xf32, #tpu.memory_space<vmem_shared>> -> memref<10240x128xf32, #tpu.memory_space<vmem_shared>>
        tpu.enqueue_indirect_dma source(%arg12 : memref<64x128xf32, #tpu.memory_space<vmem>>) target(%dma_start3A_240 : memref<10240x128xf32, #tpu.memory_space<vmem_shared>>) offsets(%dma_start3A_237 : memref<64xi32, #tpu.memory_space<vmem>>) semaphore(%run_scoped3A : memref<!tpu.dma_semaphore, #tpu.memory_space<semaphore_mem>>) {add = true}
        %dma_wait3A_241 = arith.constant 0 : i32
        %dma_wait3A_242 = tpu.memref_slice %arg8[%rem3A_229, %dma_wait3A_241] : memref<32x64xi32, #tpu.memory_space<vmem>> -> memref<1x64xi32, #tpu.memory_space<vmem>>
        %dma_wait3A_243 = tpu.memref_squeeze %dma_wait3A_242 : memref<1x64xi32, #tpu.memory_space<vmem>> -> memref<64xi32, #tpu.memory_space<vmem>>
        %dma_wait3A_244 = arith.constant 0 : i32
        %dma_wait3A_245 = arith.constant 0 : i32
        %dma_wait3A_246 = tpu.memref_slice %arg13[%dma_wait3A_244, %dma_wait3A_245] : memref<10240x128xf32, #tpu.memory_space<vmem_shared>> -> memref<10240x128xf32, #tpu.memory_space<vmem_shared>>
        tpu.wait_indirect_dma semaphore(%run_scoped3A : memref<!tpu.dma_semaphore, #tpu.memory_space<semaphore_mem>>) src(%arg12 : memref<64x128xf32, #tpu.memory_space<vmem>>) dst(%dma_wait3A_246 : memref<10240x128xf32, #tpu.memory_space<vmem_shared>>)
        tpu.yield
      }) : () -> ()
      %add3A_230 = arith.constant 4 : i32
      %add3A_231 = arith.addi %add3A_186, %add3A_230 : i32
      %lt3A_232 = arith.cmpi slt, %add3A_231, %select_n3A : i32
      %convert_element_type3A_233 = arith.extui %lt3A_232 : i1 to i32
      %cond3A_234 = arith.constant 0 : i32
      %cond3A_235 = arith.cmpi ne, %convert_element_type3A_233, %cond3A_234 : i32
      scf.if %cond3A_235 {
        %rem3A_236 = arith.constant 16 : i32
        %rem3A_237 = arith.remsi %add3A_231, %rem3A_236 : i32
        %eq3A_238 = arith.constant 0 : i32
        %eq3A_239 = arith.cmpi eq, %rem3A_237, %eq3A_238 : i32
        %convert_element_type3A_240 = arith.extui %eq3A_239 : i1 to i32
        %cond3A_241 = arith.constant 0 : i32
        %cond3A_242 = arith.cmpi ne, %convert_element_type3A_240, %cond3A_241 : i32
        scf.if %cond3A_242 {
          %add3A_250 = arith.addi %multiple_of3A, %add3A_231 : i32
          %multiple_of3A_251 = tpu.assume_multiple %add3A_250, 8 : i32
          %jit3A_252 = arith.constant 16 : i32
          %div3A_253 = arith.divsi %add3A_231, %jit3A_252 : i32
          %sign3A_254 = arith.constant 0 : i32
          %sign3A_255 = arith.cmpi sgt, %add3A_231, %sign3A_254 : i32
          %sign3A_256 = arith.extui %sign3A_255 : i1 to i32
          %sign3A_257 = arith.constant 0 : i32
          %sign3A_258 = arith.cmpi slt, %add3A_231, %sign3A_257 : i32
          %sign3A_259 = arith.extui %sign3A_258 : i1 to i32
          %sign3A_260 = arith.subi %sign3A_256, %sign3A_259 : i32
          %sign3A_261 = arith.constant 0 : i32
          %sign3A_262 = arith.cmpi sgt, %jit3A_252, %sign3A_261 : i32
          %sign3A_263 = arith.extui %sign3A_262 : i1 to i32
          %sign3A_264 = arith.constant 0 : i32
          %sign3A_265 = arith.cmpi slt, %jit3A_252, %sign3A_264 : i32
          %sign3A_266 = arith.extui %sign3A_265 : i1 to i32
          %sign3A_267 = arith.subi %sign3A_263, %sign3A_266 : i32
          %ne3A_268 = arith.cmpi ne, %sign3A_260, %sign3A_267 : i32
          %rem3A_269 = arith.remsi %add3A_231, %jit3A_252 : i32
          %ne3A_270 = arith.constant 0 : i32
          %ne3A_271 = arith.cmpi ne, %rem3A_269, %ne3A_270 : i32
          %and3A_272 = arith.andi %ne3A_268, %ne3A_271 : i1
          %sub3A_273 = arith.constant 1 : i32
          %sub3A_274 = arith.subi %div3A_253, %sub3A_273 : i32
          %select_n3A_275 = arith.select %and3A_272, %sub3A_274, %div3A_253 : i32
          %rem3A_276 = arith.constant 2 : i32
          %rem3A_277 = arith.remsi %select_n3A_275, %rem3A_276 : i32
          %mul3A_278 = arith.constant 16 : i32
          %mul3A_279 = arith.muli %rem3A_277, %mul3A_278 : i32
          %multiple_of3A_280 = tpu.assume_multiple %mul3A_279, 8 : i32
          %dma_wait3A_281 = arith.constant 0 : i32
          %dma_wait3A_282 = tpu.memref_slice %arg7[%multiple_of3A_280, %dma_wait3A_281] : memref<32x64xi32, #tpu.memory_space<vmem>> -> memref<16x64xi32, #tpu.memory_space<vmem>>
          %dma_wait3A_283 = arith.constant 0 : i32
          %dma_wait3A_284 = tpu.memref_slice %arg3[%multiple_of3A_251, %dma_wait3A_283] : memref<5120x64xi32, #tpu.memory_space<hbm>> -> memref<16x64xi32, #tpu.memory_space<hbm>>
          %dma_wait3A_285 = arith.constant 0 : i32
          %dma_wait3A_286 = tpu.memref_slice %arg7[%multiple_of3A_280, %dma_wait3A_285] : memref<32x64xi32, #tpu.memory_space<vmem>> -> memref<16x64xi32, #tpu.memory_space<vmem>>
          %dma_wait3A_287 = arith.constant 0 : i32
          %dma_wait3A_288 = tpu.memref_slice %arg3[%multiple_of3A_251, %dma_wait3A_287] : memref<5120x64xi32, #tpu.memory_space<hbm>> -> memref<16x64xi32, #tpu.memory_space<hbm>>
          tpu.wait_dma2 semaphore(%arg18 : memref<!tpu.dma_semaphore, #tpu.memory_space<semaphore_mem>>) src(%dma_wait3A_288 : memref<16x64xi32, #tpu.memory_space<hbm>>) dst(%dma_wait3A_286 : memref<16x64xi32, #tpu.memory_space<vmem>>)
        } else {
        }
        %rem3A_243 = arith.constant 32 : i32
        %rem3A_244 = arith.remsi %add3A_231, %rem3A_243 : i32
        %dma_start3A = arith.constant 0 : i32
        %dma_start3A_245 = tpu.memref_slice %arg7[%rem3A_244, %dma_start3A] : memref<32x64xi32, #tpu.memory_space<vmem>> -> memref<1x64xi32, #tpu.memory_space<vmem>>
        %dma_start3A_246 = tpu.memref_squeeze %dma_start3A_245 : memref<1x64xi32, #tpu.memory_space<vmem>> -> memref<64xi32, #tpu.memory_space<vmem>>
        %dma_start3A_247 = arith.constant 0 : i32
        %dma_start3A_248 = arith.constant 0 : i32
        %dma_start3A_249 = tpu.memref_slice %arg2[%dma_start3A_247, %dma_start3A_248] : memref<10240x128xf32, #tpu.memory_space<hbm>> -> memref<10240x128xf32, #tpu.memory_space<hbm>>
        tpu.enqueue_indirect_dma source(%dma_start3A_249 : memref<10240x128xf32, #tpu.memory_space<hbm>>) target(%arg12 : memref<64x128xf32, #tpu.memory_space<vmem>>) offsets(%dma_start3A_246 : memref<64xi32, #tpu.memory_space<vmem>>) semaphore(%arg17 : memref<!tpu.dma_semaphore, #tpu.memory_space<semaphore_mem>>)
      } else {
      }
    }
    %barrier3A_30 = arith.constant 0 : index
    tpu.barrier barrier_id(%barrier3A_30)
    %mul3A_31 = arith.constant 640 : i32
    %mul3A_32 = arith.muli %arg1, %mul3A_31 : i32
    %mul3A_33 = arith.constant 640 : i32
    %mul3A_34 = arith.muli %arg1, %mul3A_33 : i32
    "tpu.region"() ({
      %run_scoped3A = tpu.sem_alloc : memref<!tpu.dma_semaphore, #tpu.memory_space<semaphore_mem>>
      %dma_start3A = arith.constant 0 : i32
      %dma_start3A_35 = tpu.memref_slice %arg6[%arg0, %mul3A_34, %dma_start3A] : memref<2x10240x128xf32, #tpu.memory_space<hbm>> -> memref<1x640x128xf32, #tpu.memory_space<hbm>>
      %dma_start3A_36 = tpu.memref_squeeze %dma_start3A_35 : memref<1x640x128xf32, #tpu.memory_space<hbm>> -> memref<640x128xf32, #tpu.memory_space<hbm>>
      %dma_start3A_37 = arith.constant 0 : i32
      %dma_start3A_38 = tpu.memref_slice %arg13[%mul3A_32, %dma_start3A_37] : memref<10240x128xf32, #tpu.memory_space<vmem_shared>> -> memref<640x128xf32, #tpu.memory_space<vmem_shared>>
      tpu.enqueue_dma source(%dma_start3A_38 : memref<640x128xf32, #tpu.memory_space<vmem_shared>>) target(%dma_start3A_36 : memref<640x128xf32, #tpu.memory_space<hbm>>) target_semaphore(%run_scoped3A : memref<!tpu.dma_semaphore, #tpu.memory_space<semaphore_mem>>)
      %dma_wait3A = arith.constant 0 : i32
      %dma_wait3A_39 = tpu.memref_slice %arg6[%arg0, %mul3A_34, %dma_wait3A] : memref<2x10240x128xf32, #tpu.memory_space<hbm>> -> memref<1x640x128xf32, #tpu.memory_space<hbm>>
      %dma_wait3A_40 = tpu.memref_squeeze %dma_wait3A_39 : memref<1x640x128xf32, #tpu.memory_space<hbm>> -> memref<640x128xf32, #tpu.memory_space<hbm>>
      %dma_wait3A_41 = arith.constant 0 : i32
      %dma_wait3A_42 = tpu.memref_slice %arg13[%mul3A_32, %dma_wait3A_41] : memref<10240x128xf32, #tpu.memory_space<vmem_shared>> -> memref<640x128xf32, #tpu.memory_space<vmem_shared>>
      tpu.wait_dma2 semaphore(%run_scoped3A : memref<!tpu.dma_semaphore, #tpu.memory_space<semaphore_mem>>) src(%dma_wait3A_42 : memref<640x128xf32, #tpu.memory_space<vmem_shared>>) dst(%dma_wait3A_40 : memref<640x128xf32, #tpu.memory_space<hbm>>)
      tpu.yield
    }) : () -> ()
    return
  }
}

#map = affine_map<(d0, d1) -> (0, 0)>
#map1 = affine_map<(d0, d1) -> (0, 0, 0)>
module attributes {stable_mosaic.version = 14 : i64} {
  func.func @body(%arg0: i32, %arg1: i32, %arg2: memref<10240x128xf32, #tpu.memory_space<hbm>>, %arg3: memref<5120x64xi32, #tpu.memory_space<hbm>>, %arg4: memref<5120x64xi32, #tpu.memory_space<hbm>>, %arg5: memref<640x128xf32, #tpu.memory_space<hbm>>, %arg6: memref<2x10240x128xf32, #tpu.memory_space<hbm>>, %arg7: memref<32x64xi32, #tpu.memory_space<vmem>>, %arg8: memref<32x64xi32, #tpu.memory_space<vmem>>, %arg9: memref<64x128xf32, #tpu.memory_space<vmem>>, %arg10: memref<64x128xf32, #tpu.memory_space<vmem>>, %arg11: memref<64x128xf32, #tpu.memory_space<vmem>>, %arg12: memref<64x128xf32, #tpu.memory_space<vmem>>, %arg13: memref<10240x128xf32, #tpu.memory_space<vmem_shared>>, %arg14: memref<!tpu.dma_semaphore, #tpu.memory_space<semaphore_mem>>, %arg15: memref<!tpu.dma_semaphore, #tpu.memory_space<semaphore_mem>>, %arg16: memref<!tpu.dma_semaphore, #tpu.memory_space<semaphore_mem>>, %arg17: memref<!tpu.dma_semaphore, #tpu.memory_space<semaphore_mem>>, %arg18: memref<!tpu.dma_semaphore, #tpu.memory_space<semaphore_mem>>, %arg19: memref<!tpu.dma_semaphore, #tpu.memory_space<semaphore_mem>>) attributes {dimension_semantics = [#tpu.dimension_semantics<core_parallel>, #tpu.dimension_semantics<subcore_parallel>], iteration_bounds = array<i64: 2, 16>, scalar_prefetch = 0 : i64, scratch_operands = 13 : i64, tpu.core_type = #tpu.core_type<sc_vector_subcore>, window_params = [{transform_indices = #map}, {transform_indices = #map}, {transform_indices = #map}, {transform_indices = #map}, {transform_indices = #map1}]} {
    %eq3A = arith.constant 0 : i32
    %eq3A_0 = arith.cmpi eq, %arg0, %eq3A : i32
    %jit3A = arith.constant 248 : i32
    %jit3A_1 = arith.constant 72 : i32
    %select_n3A = arith.select %eq3A_0, %jit3A, %jit3A_1 : i32
    %mul3A = arith.constant 320 : i32
    %mul3A_2 = arith.muli %arg1, %mul3A : i32
    %mul3A_3 = arith.constant 248 : i32
    %mul3A_4 = arith.muli %arg0, %mul3A_3 : i32
    %add3A = arith.addi %mul3A_2, %mul3A_4 : i32
    %multiple_of3A = tpu.assume_multiple %add3A, 8 : i32
    %mul3A_5 = arith.constant 640 : i32
    %mul3A_6 = arith.muli %arg1, %mul3A_5 : i32
    "tpu.region"() ({
      %run_scoped3A = tpu.sem_alloc : memref<!tpu.dma_semaphore, #tpu.memory_space<semaphore_mem>>
      %dma_start3A = arith.constant 0 : i32
      %dma_start3A_35 = tpu.memref_slice %arg13[%mul3A_6, %dma_start3A] : memref<10240x128xf32, #tpu.memory_space<vmem_shared>> -> memref<640x128xf32, #tpu.memory_space<vmem_shared>>
      tpu.enqueue_dma source(%arg5 : memref<640x128xf32, #tpu.memory_space<hbm>>) target(%dma_start3A_35 : memref<640x128xf32, #tpu.memory_space<vmem_shared>>) target_semaphore(%run_scoped3A : memref<!tpu.dma_semaphore, #tpu.memory_space<semaphore_mem>>)
      %dma_wait3A = arith.constant 0 : i32
      %dma_wait3A_36 = tpu.memref_slice %arg13[%mul3A_6, %dma_wait3A] : memref<10240x128xf32, #tpu.memory_space<vmem_shared>> -> memref<640x128xf32, #tpu.memory_space<vmem_shared>>
      tpu.wait_dma2 semaphore(%run_scoped3A : memref<!tpu.dma_semaphore, #tpu.memory_space<semaphore_mem>>) src(%arg5 : memref<640x128xf32, #tpu.memory_space<hbm>>) dst(%dma_wait3A_36 : memref<640x128xf32, #tpu.memory_space<vmem_shared>>)
      tpu.yield
    }) : () -> ()
    %gt3A = arith.constant 0 : i32
    %gt3A_7 = arith.cmpi sgt, %select_n3A, %gt3A : i32
    %convert_element_type3A = arith.extui %gt3A_7 : i1 to i32
    %cond3A = arith.constant 0 : i32
    %cond3A_8 = arith.cmpi ne, %convert_element_type3A, %cond3A : i32
    scf.if %cond3A_8 {
      %add3A_35 = arith.constant 0 : i32
      %add3A_36 = arith.addi %multiple_of3A, %add3A_35 : i32
      %multiple_of3A_37 = tpu.assume_multiple %add3A_36, 8 : i32
      %rem3A = arith.constant 0 : i32
      %rem3A_38 = arith.constant 2 : i32
      %rem3A_39 = arith.remsi %rem3A, %rem3A_38 : i32
      %mul3A_40 = arith.constant 16 : i32
      %mul3A_41 = arith.muli %rem3A_39, %mul3A_40 : i32
      %multiple_of3A_42 = tpu.assume_multiple %mul3A_41, 8 : i32
      "tpu.region"() ({
        %run_scoped3A = tpu.sem_alloc : memref<!tpu.dma_semaphore, #tpu.memory_space<semaphore_mem>>
        %dma_start3A = arith.constant 0 : i32
        %dma_start3A_52 = tpu.memref_slice %arg7[%multiple_of3A_42, %dma_start3A] : memref<32x64xi32, #tpu.memory_space<vmem>> -> memref<16x64xi32, #tpu.memory_space<vmem>>
        %dma_start3A_53 = arith.constant 0 : i32
        %dma_start3A_54 = tpu.memref_slice %arg3[%multiple_of3A_37, %dma_start3A_53] : memref<5120x64xi32, #tpu.memory_space<hbm>> -> memref<16x64xi32, #tpu.memory_space<hbm>>
        %dma_start3A_55 = arith.constant 0 : i32
        %dma_start3A_56 = tpu.memref_slice %arg7[%multiple_of3A_42, %dma_start3A_55] : memref<32x64xi32, #tpu.memory_space<vmem>> -> memref<16x64xi32, #tpu.memory_space<vmem>>
        %dma_start3A_57 = arith.constant 0 : i32
        %dma_start3A_58 = tpu.memref_slice %arg3[%multiple_of3A_37, %dma_start3A_57] : memref<5120x64xi32, #tpu.memory_space<hbm>> -> memref<16x64xi32, #tpu.memory_space<hbm>>
        tpu.enqueue_dma source(%dma_start3A_58 : memref<16x64xi32, #tpu.memory_space<hbm>>) target(%dma_start3A_56 : memref<16x64xi32, #tpu.memory_space<vmem>>) target_semaphore(%run_scoped3A : memref<!tpu.dma_semaphore, #tpu.memory_space<semaphore_mem>>)
        %dma_wait3A = arith.constant 0 : i32
        %dma_wait3A_59 = tpu.memref_slice %arg7[%multiple_of3A_42, %dma_wait3A] : memref<32x64xi32, #tpu.memory_space<vmem>> -> memref<16x64xi32, #tpu.memory_space<vmem>>
        %dma_wait3A_60 = arith.constant 0 : i32
        %dma_wait3A_61 = tpu.memref_slice %arg3[%multiple_of3A_37, %dma_wait3A_60] : memref<5120x64xi32, #tpu.memory_space<hbm>> -> memref<16x64xi32, #tpu.memory_space<hbm>>
        %dma_wait3A_62 = arith.constant 0 : i32
        %dma_wait3A_63 = tpu.memref_slice %arg7[%multiple_of3A_42, %dma_wait3A_62] : memref<32x64xi32, #tpu.memory_space<vmem>> -> memref<16x64xi32, #tpu.memory_space<vmem>>
        %dma_wait3A_64 = arith.constant 0 : i32
        %dma_wait3A_65 = tpu.memref_slice %arg3[%multiple_of3A_37, %dma_wait3A_64] : memref<5120x64xi32, #tpu.memory_space<hbm>> -> memref<16x64xi32, #tpu.memory_space<hbm>>
        tpu.wait_dma2 semaphore(%run_scoped3A : memref<!tpu.dma_semaphore, #tpu.memory_space<semaphore_mem>>) src(%dma_wait3A_65 : memref<16x64xi32, #tpu.memory_space<hbm>>) dst(%dma_wait3A_63 : memref<16x64xi32, #tpu.memory_space<vmem>>)
        tpu.yield
      }) : () -> ()
      %add3A_43 = arith.constant 0 : i32
      %add3A_44 = arith.addi %multiple_of3A, %add3A_43 : i32
      %multiple_of3A_45 = tpu.assume_multiple %add3A_44, 8 : i32
      %rem3A_46 = arith.constant 0 : i32
      %rem3A_47 = arith.constant 2 : i32
      %rem3A_48 = arith.remsi %rem3A_46, %rem3A_47 : i32
      %mul3A_49 = arith.constant 16 : i32
      %mul3A_50 = arith.muli %rem3A_48, %mul3A_49 : i32
      %multiple_of3A_51 = tpu.assume_multiple %mul3A_50, 8 : i32
      "tpu.region"() ({
        %run_scoped3A = tpu.sem_alloc : memref<!tpu.dma_semaphore, #tpu.memory_space<semaphore_mem>>
        %dma_start3A = arith.constant 0 : i32
        %dma_start3A_52 = tpu.memref_slice %arg8[%multiple_of3A_51, %dma_start3A] : memref<32x64xi32, #tpu.memory_space<vmem>> -> memref<16x64xi32, #tpu.memory_space<vmem>>
        %dma_start3A_53 = arith.constant 0 : i32
        %dma_start3A_54 = tpu.memref_slice %arg4[%multiple_of3A_45, %dma_start3A_53] : memref<5120x64xi32, #tpu.memory_space<hbm>> -> memref<16x64xi32, #tpu.memory_space<hbm>>
        %dma_start3A_55 = arith.constant 0 : i32
        %dma_start3A_56 = tpu.memref_slice %arg8[%multiple_of3A_51, %dma_start3A_55] : memref<32x64xi32, #tpu.memory_space<vmem>> -> memref<16x64xi32, #tpu.memory_space<vmem>>
        %dma_start3A_57 = arith.constant 0 : i32
        %dma_start3A_58 = tpu.memref_slice %arg4[%multiple_of3A_45, %dma_start3A_57] : memref<5120x64xi32, #tpu.memory_space<hbm>> -> memref<16x64xi32, #tpu.memory_space<hbm>>
        tpu.enqueue_dma source(%dma_start3A_58 : memref<16x64xi32, #tpu.memory_space<hbm>>) target(%dma_start3A_56 : memref<16x64xi32, #tpu.memory_space<vmem>>) target_semaphore(%run_scoped3A : memref<!tpu.dma_semaphore, #tpu.memory_space<semaphore_mem>>)
        %dma_wait3A = arith.constant 0 : i32
        %dma_wait3A_59 = tpu.memref_slice %arg8[%multiple_of3A_51, %dma_wait3A] : memref<32x64xi32, #tpu.memory_space<vmem>> -> memref<16x64xi32, #tpu.memory_space<vmem>>
        %dma_wait3A_60 = arith.constant 0 : i32
        %dma_wait3A_61 = tpu.memref_slice %arg4[%multiple_of3A_45, %dma_wait3A_60] : memref<5120x64xi32, #tpu.memory_space<hbm>> -> memref<16x64xi32, #tpu.memory_space<hbm>>
        %dma_wait3A_62 = arith.constant 0 : i32
        %dma_wait3A_63 = tpu.memref_slice %arg8[%multiple_of3A_51, %dma_wait3A_62] : memref<32x64xi32, #tpu.memory_space<vmem>> -> memref<16x64xi32, #tpu.memory_space<vmem>>
        %dma_wait3A_64 = arith.constant 0 : i32
        %dma_wait3A_65 = tpu.memref_slice %arg4[%multiple_of3A_45, %dma_wait3A_64] : memref<5120x64xi32, #tpu.memory_space<hbm>> -> memref<16x64xi32, #tpu.memory_space<hbm>>
        tpu.wait_dma2 semaphore(%run_scoped3A : memref<!tpu.dma_semaphore, #tpu.memory_space<semaphore_mem>>) src(%dma_wait3A_65 : memref<16x64xi32, #tpu.memory_space<hbm>>) dst(%dma_wait3A_63 : memref<16x64xi32, #tpu.memory_space<vmem>>)
        tpu.yield
      }) : () -> ()
    } else {
    }
    %barrier3A = arith.constant 0 : index
    tpu.barrier barrier_id(%barrier3A)
    %gt3A_9 = arith.constant 0 : i32
    %gt3A_10 = arith.cmpi sgt, %select_n3A, %gt3A_9 : i32
    %convert_element_type3A_11 = arith.extui %gt3A_10 : i1 to i32
    %cond3A_12 = arith.constant 0 : i32
    %cond3A_13 = arith.cmpi ne, %convert_element_type3A_11, %cond3A_12 : i32
    scf.if %cond3A_13 {
      %add3A_35 = arith.constant 16 : i32
      %add3A_36 = arith.addi %multiple_of3A, %add3A_35 : i32
      %multiple_of3A_37 = tpu.assume_multiple %add3A_36, 8 : i32
      %rem3A = arith.constant 1 : i32
      %rem3A_38 = arith.constant 2 : i32
      %rem3A_39 = arith.remsi %rem3A, %rem3A_38 : i32
      %mul3A_40 = arith.constant 16 : i32
      %mul3A_41 = arith.muli %rem3A_39, %mul3A_40 : i32
      %multiple_of3A_42 = tpu.assume_multiple %mul3A_41, 8 : i32
      %dma_start3A = arith.constant 0 : i32
      %dma_start3A_43 = tpu.memref_slice %arg7[%multiple_of3A_42, %dma_start3A] : memref<32x64xi32, #tpu.memory_space<vmem>> -> memref<16x64xi32, #tpu.memory_space<vmem>>
      %dma_start3A_44 = arith.constant 0 : i32
      %dma_start3A_45 = tpu.memref_slice %arg3[%multiple_of3A_37, %dma_start3A_44] : memref<5120x64xi32, #tpu.memory_space<hbm>> -> memref<16x64xi32, #tpu.memory_space<hbm>>
      %dma_start3A_46 = arith.constant 0 : i32
      %dma_start3A_47 = tpu.memref_slice %arg7[%multiple_of3A_42, %dma_start3A_46] : memref<32x64xi32, #tpu.memory_space<vmem>> -> memref<16x64xi32, #tpu.memory_space<vmem>>
      %dma_start3A_48 = arith.constant 0 : i32
      %dma_start3A_49 = tpu.memref_slice %arg3[%multiple_of3A_37, %dma_start3A_48] : memref<5120x64xi32, #tpu.memory_space<hbm>> -> memref<16x64xi32, #tpu.memory_space<hbm>>
      tpu.enqueue_dma source(%dma_start3A_49 : memref<16x64xi32, #tpu.memory_space<hbm>>) target(%dma_start3A_47 : memref<16x64xi32, #tpu.memory_space<vmem>>) target_semaphore(%arg18 : memref<!tpu.dma_semaphore, #tpu.memory_space<semaphore_mem>>)
      %add3A_50 = arith.constant 16 : i32
      %add3A_51 = arith.addi %multiple_of3A, %add3A_50 : i32
      %multiple_of3A_52 = tpu.assume_multiple %add3A_51, 8 : i32
      %rem3A_53 = arith.constant 1 : i32
      %rem3A_54 = arith.constant 2 : i32
      %rem3A_55 = arith.remsi %rem3A_53, %rem3A_54 : i32
      %mul3A_56 = arith.constant 16 : i32
      %mul3A_57 = arith.muli %rem3A_55, %mul3A_56 : i32
      %multiple_of3A_58 = tpu.assume_multiple %mul3A_57, 8 : i32
      %dma_start3A_59 = arith.constant 0 : i32
      %dma_start3A_60 = tpu.memref_slice %arg8[%multiple_of3A_58, %dma_start3A_59] : memref<32x64xi32, #tpu.memory_space<vmem>> -> memref<16x64xi32, #tpu.memory_space<vmem>>
      %dma_start3A_61 = arith.constant 0 : i32
      %dma_start3A_62 = tpu.memref_slice %arg4[%multiple_of3A_52, %dma_start3A_61] : memref<5120x64xi32, #tpu.memory_space<hbm>> -> memref<16x64xi32, #tpu.memory_space<hbm>>
      %dma_start3A_63 = arith.constant 0 : i32
      %dma_start3A_64 = tpu.memref_slice %arg8[%multiple_of3A_58, %dma_start3A_63] : memref<32x64xi32, #tpu.memory_space<vmem>> -> memref<16x64xi32, #tpu.memory_space<vmem>>
      %dma_start3A_65 = arith.constant 0 : i32
      %dma_start3A_66 = tpu.memref_slice %arg4[%multiple_of3A_52, %dma_start3A_65] : memref<5120x64xi32, #tpu.memory_space<hbm>> -> memref<16x64xi32, #tpu.memory_space<hbm>>
      tpu.enqueue_dma source(%dma_start3A_66 : memref<16x64xi32, #tpu.memory_space<hbm>>) target(%dma_start3A_64 : memref<16x64xi32, #tpu.memory_space<vmem>>) target_semaphore(%arg19 : memref<!tpu.dma_semaphore, #tpu.memory_space<semaphore_mem>>)
      %dma_start3A_67 = arith.constant 0 : i32
      %dma_start3A_68 = arith.constant 0 : i32
      %dma_start3A_69 = tpu.memref_slice %arg7[%dma_start3A_67, %dma_start3A_68] : memref<32x64xi32, #tpu.memory_space<vmem>> -> memref<1x64xi32, #tpu.memory_space<vmem>>
      %dma_start3A_70 = tpu.memref_squeeze %dma_start3A_69 : memref<1x64xi32, #tpu.memory_space<vmem>> -> memref<64xi32, #tpu.memory_space<vmem>>
      %dma_start3A_71 = arith.constant 0 : i32
      %dma_start3A_72 = arith.constant 0 : i32
      %dma_start3A_73 = tpu.memref_slice %arg2[%dma_start3A_71, %dma_start3A_72] : memref<10240x128xf32, #tpu.memory_space<hbm>> -> memref<10240x128xf32, #tpu.memory_space<hbm>>
      tpu.enqueue_indirect_dma source(%dma_start3A_73 : memref<10240x128xf32, #tpu.memory_space<hbm>>) target(%arg9 : memref<64x128xf32, #tpu.memory_space<vmem>>) offsets(%dma_start3A_70 : memref<64xi32, #tpu.memory_space<vmem>>) semaphore(%arg14 : memref<!tpu.dma_semaphore, #tpu.memory_space<semaphore_mem>>)
      %dma_start3A_74 = arith.constant 1 : i32
      %dma_start3A_75 = arith.constant 0 : i32
      %dma_start3A_76 = tpu.memref_slice %arg7[%dma_start3A_74, %dma_start3A_75] : memref<32x64xi32, #tpu.memory_space<vmem>> -> memref<1x64xi32, #tpu.memory_space<vmem>>
      %dma_start3A_77 = tpu.memref_squeeze %dma_start3A_76 : memref<1x64xi32, #tpu.memory_space<vmem>> -> memref<64xi32, #tpu.memory_space<vmem>>
      %dma_start3A_78 = arith.constant 0 : i32
      %dma_start3A_79 = arith.constant 0 : i32
      %dma_start3A_80 = tpu.memref_slice %arg2[%dma_start3A_78, %dma_start3A_79] : memref<10240x128xf32, #tpu.memory_space<hbm>> -> memref<10240x128xf32, #tpu.memory_space<hbm>>
      tpu.enqueue_indirect_dma source(%dma_start3A_80 : memref<10240x128xf32, #tpu.memory_space<hbm>>) target(%arg10 : memref<64x128xf32, #tpu.memory_space<vmem>>) offsets(%dma_start3A_77 : memref<64xi32, #tpu.memory_space<vmem>>) semaphore(%arg15 : memref<!tpu.dma_semaphore, #tpu.memory_space<semaphore_mem>>)
      %dma_start3A_81 = arith.constant 2 : i32
      %dma_start3A_82 = arith.constant 0 : i32
      %dma_start3A_83 = tpu.memref_slice %arg7[%dma_start3A_81, %dma_start3A_82] : memref<32x64xi32, #tpu.memory_space<vmem>> -> memref<1x64xi32, #tpu.memory_space<vmem>>
      %dma_start3A_84 = tpu.memref_squeeze %dma_start3A_83 : memref<1x64xi32, #tpu.memory_space<vmem>> -> memref<64xi32, #tpu.memory_space<vmem>>
      %dma_start3A_85 = arith.constant 0 : i32
      %dma_start3A_86 = arith.constant 0 : i32
      %dma_start3A_87 = tpu.memref_slice %arg2[%dma_start3A_85, %dma_start3A_86] : memref<10240x128xf32, #tpu.memory_space<hbm>> -> memref<10240x128xf32, #tpu.memory_space<hbm>>
      tpu.enqueue_indirect_dma source(%dma_start3A_87 : memref<10240x128xf32, #tpu.memory_space<hbm>>) target(%arg11 : memref<64x128xf32, #tpu.memory_space<vmem>>) offsets(%dma_start3A_84 : memref<64xi32, #tpu.memory_space<vmem>>) semaphore(%arg16 : memref<!tpu.dma_semaphore, #tpu.memory_space<semaphore_mem>>)
      %dma_start3A_88 = arith.constant 3 : i32
      %dma_start3A_89 = arith.constant 0 : i32
      %dma_start3A_90 = tpu.memref_slice %arg7[%dma_start3A_88, %dma_start3A_89] : memref<32x64xi32, #tpu.memory_space<vmem>> -> memref<1x64xi32, #tpu.memory_space<vmem>>
      %dma_start3A_91 = tpu.memref_squeeze %dma_start3A_90 : memref<1x64xi32, #tpu.memory_space<vmem>> -> memref<64xi32, #tpu.memory_space<vmem>>
      %dma_start3A_92 = arith.constant 0 : i32
      %dma_start3A_93 = arith.constant 0 : i32
      %dma_start3A_94 = tpu.memref_slice %arg2[%dma_start3A_92, %dma_start3A_93] : memref<10240x128xf32, #tpu.memory_space<hbm>> -> memref<10240x128xf32, #tpu.memory_space<hbm>>
      tpu.enqueue_indirect_dma source(%dma_start3A_94 : memref<10240x128xf32, #tpu.memory_space<hbm>>) target(%arg12 : memref<64x128xf32, #tpu.memory_space<vmem>>) offsets(%dma_start3A_91 : memref<64xi32, #tpu.memory_space<vmem>>) semaphore(%arg17 : memref<!tpu.dma_semaphore, #tpu.memory_space<semaphore_mem>>)
    } else {
    }
    %sub3A = arith.constant 0 : i32
    %sub3A_14 = arith.subi %select_n3A, %sub3A : i32
    %sub3A_15 = arith.constant 4 : i32
    %sub3A_16 = arith.constant 1 : i32
    %sub3A_17 = arith.subi %sub3A_15, %sub3A_16 : i32
    %add3A_18 = arith.addi %sub3A_14, %sub3A_17 : i32
    %div3A = arith.constant 4 : i32
    %div3A_19 = arith.divsi %add3A_18, %div3A : i32
    %while3A = arith.constant 4 : i32
    %while3A_20 = arith.constant 0 : i32
    %while3A_21 = arith.constant 0 : i32
    %while3A_22 = arith.subi %div3A_19, %while3A_21 : i32
    %while3A_23 = arith.addi %while3A_21, %while3A_22 : i32
    %while3A_24 = arith.constant 1 : i32
    %while3A_25 = arith.divsi %while3A_22, %while3A_24 : i32
    %while3A_26 = arith.muli %while3A_25, %while3A_24 : i32
    %while3A_27 = arith.addi %while3A_21, %while3A_26 : i32
    %while3A_28 = arith.constant 1 : i32
    scf.for %while3A_35 = %while3A_21 to %while3A_27 step %while3A_28  : i32 {
      %mul3A_36 = arith.muli %while3A_35, %while3A : i32
      %add3A_37 = arith.addi %while3A_20, %mul3A_36 : i32
      %add3A_38 = arith.constant 0 : i32
      %add3A_39 = arith.addi %add3A_37, %add3A_38 : i32
      %jit3A_40 = arith.constant 16 : i32
      %div3A_41 = arith.divsi %add3A_39, %jit3A_40 : i32
      %sign3A = arith.constant 0 : i32
      %sign3A_42 = arith.cmpi sgt, %add3A_39, %sign3A : i32
      %sign3A_43 = arith.extui %sign3A_42 : i1 to i32
      %sign3A_44 = arith.constant 0 : i32
      %sign3A_45 = arith.cmpi slt, %add3A_39, %sign3A_44 : i32
      %sign3A_46 = arith.extui %sign3A_45 : i1 to i32
      %sign3A_47 = arith.subi %sign3A_43, %sign3A_46 : i32
      %sign3A_48 = arith.constant 0 : i32
      %sign3A_49 = arith.cmpi sgt, %jit3A_40, %sign3A_48 : i32
      %sign3A_50 = arith.extui %sign3A_49 : i1 to i32
      %sign3A_51 = arith.constant 0 : i32
      %sign3A_52 = arith.cmpi slt, %jit3A_40, %sign3A_51 : i32
      %sign3A_53 = arith.extui %sign3A_52 : i1 to i32
      %sign3A_54 = arith.subi %sign3A_50, %sign3A_53 : i32
      %ne3A = arith.cmpi ne, %sign3A_47, %sign3A_54 : i32
      %rem3A = arith.remsi %add3A_39, %jit3A_40 : i32
      %ne3A_55 = arith.constant 0 : i32
      %ne3A_56 = arith.cmpi ne, %rem3A, %ne3A_55 : i32
      %and3A = arith.andi %ne3A, %ne3A_56 : i1
      %sub3A_57 = arith.constant 1 : i32
      %sub3A_58 = arith.subi %div3A_41, %sub3A_57 : i32
      %select_n3A_59 = arith.select %and3A, %sub3A_58, %div3A_41 : i32
      %rem3A_60 = arith.constant 16 : i32
      %rem3A_61 = arith.remsi %add3A_39, %rem3A_60 : i32
      %eq3A_62 = arith.constant 0 : i32
      %eq3A_63 = arith.cmpi eq, %rem3A_61, %eq3A_62 : i32
      %gt3A_64 = arith.constant 0 : i32
      %gt3A_65 = arith.cmpi sgt, %add3A_39, %gt3A_64 : i32
      %and3A_66 = arith.andi %eq3A_63, %gt3A_65 : i1
      %convert_element_type3A_67 = arith.extui %and3A_66 : i1 to i32
      %cond3A_68 = arith.constant 0 : i32
      %cond3A_69 = arith.cmpi ne, %convert_element_type3A_67, %cond3A_68 : i32
      scf.if %cond3A_69 {
        %add3A_236 = arith.addi %multiple_of3A, %add3A_39 : i32
        %multiple_of3A_237 = tpu.assume_multiple %add3A_236, 8 : i32
        %rem3A_238 = arith.constant 2 : i32
        %rem3A_239 = arith.remsi %select_n3A_59, %rem3A_238 : i32
        %mul3A_240 = arith.constant 16 : i32
        %mul3A_241 = arith.muli %rem3A_239, %mul3A_240 : i32
        %multiple_of3A_242 = tpu.assume_multiple %mul3A_241, 8 : i32
        %dma_wait3A_243 = arith.constant 0 : i32
        %dma_wait3A_244 = tpu.memref_slice %arg8[%multiple_of3A_242, %dma_wait3A_243] : memref<32x64xi32, #tpu.memory_space<vmem>> -> memref<16x64xi32, #tpu.memory_space<vmem>>
        %dma_wait3A_245 = arith.constant 0 : i32
        %dma_wait3A_246 = tpu.memref_slice %arg4[%multiple_of3A_237, %dma_wait3A_245] : memref<5120x64xi32, #tpu.memory_space<hbm>> -> memref<16x64xi32, #tpu.memory_space<hbm>>
        %dma_wait3A_247 = arith.constant 0 : i32
        %dma_wait3A_248 = tpu.memref_slice %arg8[%multiple_of3A_242, %dma_wait3A_247] : memref<32x64xi32, #tpu.memory_space<vmem>> -> memref<16x64xi32, #tpu.memory_space<vmem>>
        %dma_wait3A_249 = arith.constant 0 : i32
        %dma_wait3A_250 = tpu.memref_slice %arg4[%multiple_of3A_237, %dma_wait3A_249] : memref<5120x64xi32, #tpu.memory_space<hbm>> -> memref<16x64xi32, #tpu.memory_space<hbm>>
        tpu.wait_dma2 semaphore(%arg19 : memref<!tpu.dma_semaphore, #tpu.memory_space<semaphore_mem>>) src(%dma_wait3A_250 : memref<16x64xi32, #tpu.memory_space<hbm>>) dst(%dma_wait3A_248 : memref<16x64xi32, #tpu.memory_space<vmem>>)
        %add3A_251 = arith.constant 16 : i32
        %add3A_252 = arith.addi %add3A_39, %add3A_251 : i32
        %lt3A_253 = arith.cmpi slt, %add3A_252, %select_n3A : i32
        %convert_element_type3A_254 = arith.extui %lt3A_253 : i1 to i32
        %cond3A_255 = arith.constant 0 : i32
        %cond3A_256 = arith.cmpi ne, %convert_element_type3A_254, %cond3A_255 : i32
        scf.if %cond3A_256 {
          %add3A_257 = arith.constant 16 : i32
          %add3A_258 = arith.addi %add3A_39, %add3A_257 : i32
          %add3A_259 = arith.addi %multiple_of3A, %add3A_258 : i32
          %multiple_of3A_260 = tpu.assume_multiple %add3A_259, 8 : i32
          %add3A_261 = arith.constant 1 : i32
          %add3A_262 = arith.addi %select_n3A_59, %add3A_261 : i32
          %rem3A_263 = arith.constant 2 : i32
          %rem3A_264 = arith.remsi %add3A_262, %rem3A_263 : i32
          %mul3A_265 = arith.constant 16 : i32
          %mul3A_266 = arith.muli %rem3A_264, %mul3A_265 : i32
          %multiple_of3A_267 = tpu.assume_multiple %mul3A_266, 8 : i32
          %dma_start3A = arith.constant 0 : i32
          %dma_start3A_268 = tpu.memref_slice %arg7[%multiple_of3A_267, %dma_start3A] : memref<32x64xi32, #tpu.memory_space<vmem>> -> memref<16x64xi32, #tpu.memory_space<vmem>>
          %dma_start3A_269 = arith.constant 0 : i32
          %dma_start3A_270 = tpu.memref_slice %arg3[%multiple_of3A_260, %dma_start3A_269] : memref<5120x64xi32, #tpu.memory_space<hbm>> -> memref<16x64xi32, #tpu.memory_space<hbm>>
          %dma_start3A_271 = arith.constant 0 : i32
          %dma_start3A_272 = tpu.memref_slice %arg7[%multiple_of3A_267, %dma_start3A_271] : memref<32x64xi32, #tpu.memory_space<vmem>> -> memref<16x64xi32, #tpu.memory_space<vmem>>
          %dma_start3A_273 = arith.constant 0 : i32
          %dma_start3A_274 = tpu.memref_slice %arg3[%multiple_of3A_260, %dma_start3A_273] : memref<5120x64xi32, #tpu.memory_space<hbm>> -> memref<16x64xi32, #tpu.memory_space<hbm>>
          tpu.enqueue_dma source(%dma_start3A_274 : memref<16x64xi32, #tpu.memory_space<hbm>>) target(%dma_start3A_272 : memref<16x64xi32, #tpu.memory_space<vmem>>) target_semaphore(%arg18 : memref<!tpu.dma_semaphore, #tpu.memory_space<semaphore_mem>>)
          %add3A_275 = arith.constant 16 : i32
          %add3A_276 = arith.addi %add3A_39, %add3A_275 : i32
          %add3A_277 = arith.addi %multiple_of3A, %add3A_276 : i32
          %multiple_of3A_278 = tpu.assume_multiple %add3A_277, 8 : i32
          %add3A_279 = arith.constant 1 : i32
          %add3A_280 = arith.addi %select_n3A_59, %add3A_279 : i32
          %rem3A_281 = arith.constant 2 : i32
          %rem3A_282 = arith.remsi %add3A_280, %rem3A_281 : i32
          %mul3A_283 = arith.constant 16 : i32
          %mul3A_284 = arith.muli %rem3A_282, %mul3A_283 : i32
          %multiple_of3A_285 = tpu.assume_multiple %mul3A_284, 8 : i32
          %dma_start3A_286 = arith.constant 0 : i32
          %dma_start3A_287 = tpu.memref_slice %arg8[%multiple_of3A_285, %dma_start3A_286] : memref<32x64xi32, #tpu.memory_space<vmem>> -> memref<16x64xi32, #tpu.memory_space<vmem>>
          %dma_start3A_288 = arith.constant 0 : i32
          %dma_start3A_289 = tpu.memref_slice %arg4[%multiple_of3A_278, %dma_start3A_288] : memref<5120x64xi32, #tpu.memory_space<hbm>> -> memref<16x64xi32, #tpu.memory_space<hbm>>
          %dma_start3A_290 = arith.constant 0 : i32
          %dma_start3A_291 = tpu.memref_slice %arg8[%multiple_of3A_285, %dma_start3A_290] : memref<32x64xi32, #tpu.memory_space<vmem>> -> memref<16x64xi32, #tpu.memory_space<vmem>>
          %dma_start3A_292 = arith.constant 0 : i32
          %dma_start3A_293 = tpu.memref_slice %arg4[%multiple_of3A_278, %dma_start3A_292] : memref<5120x64xi32, #tpu.memory_space<hbm>> -> memref<16x64xi32, #tpu.memory_space<hbm>>
          tpu.enqueue_dma source(%dma_start3A_293 : memref<16x64xi32, #tpu.memory_space<hbm>>) target(%dma_start3A_291 : memref<16x64xi32, #tpu.memory_space<vmem>>) target_semaphore(%arg19 : memref<!tpu.dma_semaphore, #tpu.memory_space<semaphore_mem>>)
        } else {
        }
      } else {
      }
      %dma_wait3A = arith.constant 0 : i32
      %dma_wait3A_70 = arith.constant 0 : i32
      %dma_wait3A_71 = tpu.memref_slice %arg7[%dma_wait3A, %dma_wait3A_70] : memref<32x64xi32, #tpu.memory_space<vmem>> -> memref<1x64xi32, #tpu.memory_space<vmem>>
      %dma_wait3A_72 = tpu.memref_squeeze %dma_wait3A_71 : memref<1x64xi32, #tpu.memory_space<vmem>> -> memref<64xi32, #tpu.memory_space<vmem>>
      %dma_wait3A_73 = arith.constant 0 : i32
      %dma_wait3A_74 = arith.constant 0 : i32
      %dma_wait3A_75 = tpu.memref_slice %arg2[%dma_wait3A_73, %dma_wait3A_74] : memref<10240x128xf32, #tpu.memory_space<hbm>> -> memref<10240x128xf32, #tpu.memory_space<hbm>>
      tpu.wait_indirect_dma semaphore(%arg14 : memref<!tpu.dma_semaphore, #tpu.memory_space<semaphore_mem>>) src(%dma_wait3A_75 : memref<10240x128xf32, #tpu.memory_space<hbm>>) dst(%arg9 : memref<64x128xf32, #tpu.memory_space<vmem>>)
      %rem3A_76 = arith.constant 32 : i32
      %rem3A_77 = arith.remsi %add3A_39, %rem3A_76 : i32
      "tpu.region"() ({
        %run_scoped3A = tpu.sem_alloc : memref<!tpu.dma_semaphore, #tpu.memory_space<semaphore_mem>>
        %dma_start3A = arith.constant 0 : i32
        %dma_start3A_236 = tpu.memref_slice %arg8[%rem3A_77, %dma_start3A] : memref<32x64xi32, #tpu.memory_space<vmem>> -> memref<1x64xi32, #tpu.memory_space<vmem>>
        %dma_start3A_237 = tpu.memref_squeeze %dma_start3A_236 : memref<1x64xi32, #tpu.memory_space<vmem>> -> memref<64xi32, #tpu.memory_space<vmem>>
        %dma_start3A_238 = arith.constant 0 : i32
        %dma_start3A_239 = arith.constant 0 : i32
        %dma_start3A_240 = tpu.memref_slice %arg13[%dma_start3A_238, %dma_start3A_239] : memref<10240x128xf32, #tpu.memory_space<vmem_shared>> -> memref<10240x128xf32, #tpu.memory_space<vmem_shared>>
        tpu.enqueue_indirect_dma source(%arg9 : memref<64x128xf32, #tpu.memory_space<vmem>>) target(%dma_start3A_240 : memref<10240x128xf32, #tpu.memory_space<vmem_shared>>) offsets(%dma_start3A_237 : memref<64xi32, #tpu.memory_space<vmem>>) semaphore(%run_scoped3A : memref<!tpu.dma_semaphore, #tpu.memory_space<semaphore_mem>>) {add = true}
        %dma_wait3A_241 = arith.constant 0 : i32
        %dma_wait3A_242 = tpu.memref_slice %arg8[%rem3A_77, %dma_wait3A_241] : memref<32x64xi32, #tpu.memory_space<vmem>> -> memref<1x64xi32, #tpu.memory_space<vmem>>
        %dma_wait3A_243 = tpu.memref_squeeze %dma_wait3A_242 : memref<1x64xi32, #tpu.memory_space<vmem>> -> memref<64xi32, #tpu.memory_space<vmem>>
        %dma_wait3A_244 = arith.constant 0 : i32
        %dma_wait3A_245 = arith.constant 0 : i32
        %dma_wait3A_246 = tpu.memref_slice %arg13[%dma_wait3A_244, %dma_wait3A_245] : memref<10240x128xf32, #tpu.memory_space<vmem_shared>> -> memref<10240x128xf32, #tpu.memory_space<vmem_shared>>
        tpu.wait_indirect_dma semaphore(%run_scoped3A : memref<!tpu.dma_semaphore, #tpu.memory_space<semaphore_mem>>) src(%arg9 : memref<64x128xf32, #tpu.memory_space<vmem>>) dst(%dma_wait3A_246 : memref<10240x128xf32, #tpu.memory_space<vmem_shared>>)
        tpu.yield
      }) : () -> ()
      %add3A_78 = arith.constant 4 : i32
      %add3A_79 = arith.addi %add3A_39, %add3A_78 : i32
      %lt3A = arith.cmpi slt, %add3A_79, %select_n3A : i32
      %convert_element_type3A_80 = arith.extui %lt3A : i1 to i32
      %cond3A_81 = arith.constant 0 : i32
      %cond3A_82 = arith.cmpi ne, %convert_element_type3A_80, %cond3A_81 : i32
      scf.if %cond3A_82 {
        %rem3A_236 = arith.constant 16 : i32
        %rem3A_237 = arith.remsi %add3A_79, %rem3A_236 : i32
        %eq3A_238 = arith.constant 0 : i32
        %eq3A_239 = arith.cmpi eq, %rem3A_237, %eq3A_238 : i32
        %convert_element_type3A_240 = arith.extui %eq3A_239 : i1 to i32
        %cond3A_241 = arith.constant 0 : i32
        %cond3A_242 = arith.cmpi ne, %convert_element_type3A_240, %cond3A_241 : i32
        scf.if %cond3A_242 {
          %add3A_250 = arith.addi %multiple_of3A, %add3A_79 : i32
          %multiple_of3A_251 = tpu.assume_multiple %add3A_250, 8 : i32
          %jit3A_252 = arith.constant 16 : i32
          %div3A_253 = arith.divsi %add3A_79, %jit3A_252 : i32
          %sign3A_254 = arith.constant 0 : i32
          %sign3A_255 = arith.cmpi sgt, %add3A_79, %sign3A_254 : i32
          %sign3A_256 = arith.extui %sign3A_255 : i1 to i32
          %sign3A_257 = arith.constant 0 : i32
          %sign3A_258 = arith.cmpi slt, %add3A_79, %sign3A_257 : i32
          %sign3A_259 = arith.extui %sign3A_258 : i1 to i32
          %sign3A_260 = arith.subi %sign3A_256, %sign3A_259 : i32
          %sign3A_261 = arith.constant 0 : i32
          %sign3A_262 = arith.cmpi sgt, %jit3A_252, %sign3A_261 : i32
          %sign3A_263 = arith.extui %sign3A_262 : i1 to i32
          %sign3A_264 = arith.constant 0 : i32
          %sign3A_265 = arith.cmpi slt, %jit3A_252, %sign3A_264 : i32
          %sign3A_266 = arith.extui %sign3A_265 : i1 to i32
          %sign3A_267 = arith.subi %sign3A_263, %sign3A_266 : i32
          %ne3A_268 = arith.cmpi ne, %sign3A_260, %sign3A_267 : i32
          %rem3A_269 = arith.remsi %add3A_79, %jit3A_252 : i32
          %ne3A_270 = arith.constant 0 : i32
          %ne3A_271 = arith.cmpi ne, %rem3A_269, %ne3A_270 : i32
          %and3A_272 = arith.andi %ne3A_268, %ne3A_271 : i1
          %sub3A_273 = arith.constant 1 : i32
          %sub3A_274 = arith.subi %div3A_253, %sub3A_273 : i32
          %select_n3A_275 = arith.select %and3A_272, %sub3A_274, %div3A_253 : i32
          %rem3A_276 = arith.constant 2 : i32
          %rem3A_277 = arith.remsi %select_n3A_275, %rem3A_276 : i32
          %mul3A_278 = arith.constant 16 : i32
          %mul3A_279 = arith.muli %rem3A_277, %mul3A_278 : i32
          %multiple_of3A_280 = tpu.assume_multiple %mul3A_279, 8 : i32
          %dma_wait3A_281 = arith.constant 0 : i32
          %dma_wait3A_282 = tpu.memref_slice %arg7[%multiple_of3A_280, %dma_wait3A_281] : memref<32x64xi32, #tpu.memory_space<vmem>> -> memref<16x64xi32, #tpu.memory_space<vmem>>
          %dma_wait3A_283 = arith.constant 0 : i32
          %dma_wait3A_284 = tpu.memref_slice %arg3[%multiple_of3A_251, %dma_wait3A_283] : memref<5120x64xi32, #tpu.memory_space<hbm>> -> memref<16x64xi32, #tpu.memory_space<hbm>>
          %dma_wait3A_285 = arith.constant 0 : i32
          %dma_wait3A_286 = tpu.memref_slice %arg7[%multiple_of3A_280, %dma_wait3A_285] : memref<32x64xi32, #tpu.memory_space<vmem>> -> memref<16x64xi32, #tpu.memory_space<vmem>>
          %dma_wait3A_287 = arith.constant 0 : i32
          %dma_wait3A_288 = tpu.memref_slice %arg3[%multiple_of3A_251, %dma_wait3A_287] : memref<5120x64xi32, #tpu.memory_space<hbm>> -> memref<16x64xi32, #tpu.memory_space<hbm>>
          tpu.wait_dma2 semaphore(%arg18 : memref<!tpu.dma_semaphore, #tpu.memory_space<semaphore_mem>>) src(%dma_wait3A_288 : memref<16x64xi32, #tpu.memory_space<hbm>>) dst(%dma_wait3A_286 : memref<16x64xi32, #tpu.memory_space<vmem>>)
        } else {
        }
        %rem3A_243 = arith.constant 32 : i32
        %rem3A_244 = arith.remsi %add3A_79, %rem3A_243 : i32
        %dma_start3A = arith.constant 0 : i32
        %dma_start3A_245 = tpu.memref_slice %arg7[%rem3A_244, %dma_start3A] : memref<32x64xi32, #tpu.memory_space<vmem>> -> memref<1x64xi32, #tpu.memory_space<vmem>>
        %dma_start3A_246 = tpu.memref_squeeze %dma_start3A_245 : memref<1x64xi32, #tpu.memory_space<vmem>> -> memref<64xi32, #tpu.memory_space<vmem>>
        %dma_start3A_247 = arith.constant 0 : i32
        %dma_start3A_248 = arith.constant 0 : i32
        %dma_start3A_249 = tpu.memref_slice %arg2[%dma_start3A_247, %dma_start3A_248] : memref<10240x128xf32, #tpu.memory_space<hbm>> -> memref<10240x128xf32, #tpu.memory_space<hbm>>
        tpu.enqueue_indirect_dma source(%dma_start3A_249 : memref<10240x128xf32, #tpu.memory_space<hbm>>) target(%arg9 : memref<64x128xf32, #tpu.memory_space<vmem>>) offsets(%dma_start3A_246 : memref<64xi32, #tpu.memory_space<vmem>>) semaphore(%arg14 : memref<!tpu.dma_semaphore, #tpu.memory_space<semaphore_mem>>)
      } else {
      }
      %add3A_83 = arith.constant 1 : i32
      %add3A_84 = arith.addi %add3A_37, %add3A_83 : i32
      %jit3A_85 = arith.constant 16 : i32
      %div3A_86 = arith.divsi %add3A_84, %jit3A_85 : i32
      %sign3A_87 = arith.constant 0 : i32
      %sign3A_88 = arith.cmpi sgt, %add3A_84, %sign3A_87 : i32
      %sign3A_89 = arith.extui %sign3A_88 : i1 to i32
      %sign3A_90 = arith.constant 0 : i32
      %sign3A_91 = arith.cmpi slt, %add3A_84, %sign3A_90 : i32
      %sign3A_92 = arith.extui %sign3A_91 : i1 to i32
      %sign3A_93 = arith.subi %sign3A_89, %sign3A_92 : i32
      %sign3A_94 = arith.constant 0 : i32
      %sign3A_95 = arith.cmpi sgt, %jit3A_85, %sign3A_94 : i32
      %sign3A_96 = arith.extui %sign3A_95 : i1 to i32
      %sign3A_97 = arith.constant 0 : i32
      %sign3A_98 = arith.cmpi slt, %jit3A_85, %sign3A_97 : i32
      %sign3A_99 = arith.extui %sign3A_98 : i1 to i32
      %sign3A_100 = arith.subi %sign3A_96, %sign3A_99 : i32
      %ne3A_101 = arith.cmpi ne, %sign3A_93, %sign3A_100 : i32
      %rem3A_102 = arith.remsi %add3A_84, %jit3A_85 : i32
      %ne3A_103 = arith.constant 0 : i32
      %ne3A_104 = arith.cmpi ne, %rem3A_102, %ne3A_103 : i32
      %and3A_105 = arith.andi %ne3A_101, %ne3A_104 : i1
      %sub3A_106 = arith.constant 1 : i32
      %sub3A_107 = arith.subi %div3A_86, %sub3A_106 : i32
      %select_n3A_108 = arith.select %and3A_105, %sub3A_107, %div3A_86 : i32
      %rem3A_109 = arith.constant 16 : i32
      %rem3A_110 = arith.remsi %add3A_84, %rem3A_109 : i32
      %eq3A_111 = arith.constant 0 : i32
      %eq3A_112 = arith.cmpi eq, %rem3A_110, %eq3A_111 : i32
      %gt3A_113 = arith.constant 0 : i32
      %gt3A_114 = arith.cmpi sgt, %add3A_84, %gt3A_113 : i32
      %and3A_115 = arith.andi %eq3A_112, %gt3A_114 : i1
      %convert_element_type3A_116 = arith.extui %and3A_115 : i1 to i32
      %cond3A_117 = arith.constant 0 : i32
      %cond3A_118 = arith.cmpi ne, %convert_element_type3A_116, %cond3A_117 : i32
      scf.if %cond3A_118 {
        %add3A_236 = arith.addi %multiple_of3A, %add3A_84 : i32
        %multiple_of3A_237 = tpu.assume_multiple %add3A_236, 8 : i32
        %rem3A_238 = arith.constant 2 : i32
        %rem3A_239 = arith.remsi %select_n3A_108, %rem3A_238 : i32
        %mul3A_240 = arith.constant 16 : i32
        %mul3A_241 = arith.muli %rem3A_239, %mul3A_240 : i32
        %multiple_of3A_242 = tpu.assume_multiple %mul3A_241, 8 : i32
        %dma_wait3A_243 = arith.constant 0 : i32
        %dma_wait3A_244 = tpu.memref_slice %arg8[%multiple_of3A_242, %dma_wait3A_243] : memref<32x64xi32, #tpu.memory_space<vmem>> -> memref<16x64xi32, #tpu.memory_space<vmem>>
        %dma_wait3A_245 = arith.constant 0 : i32
        %dma_wait3A_246 = tpu.memref_slice %arg4[%multiple_of3A_237, %dma_wait3A_245] : memref<5120x64xi32, #tpu.memory_space<hbm>> -> memref<16x64xi32, #tpu.memory_space<hbm>>
        %dma_wait3A_247 = arith.constant 0 : i32
        %dma_wait3A_248 = tpu.memref_slice %arg8[%multiple_of3A_242, %dma_wait3A_247] : memref<32x64xi32, #tpu.memory_space<vmem>> -> memref<16x64xi32, #tpu.memory_space<vmem>>
        %dma_wait3A_249 = arith.constant 0 : i32
        %dma_wait3A_250 = tpu.memref_slice %arg4[%multiple_of3A_237, %dma_wait3A_249] : memref<5120x64xi32, #tpu.memory_space<hbm>> -> memref<16x64xi32, #tpu.memory_space<hbm>>
        tpu.wait_dma2 semaphore(%arg19 : memref<!tpu.dma_semaphore, #tpu.memory_space<semaphore_mem>>) src(%dma_wait3A_250 : memref<16x64xi32, #tpu.memory_space<hbm>>) dst(%dma_wait3A_248 : memref<16x64xi32, #tpu.memory_space<vmem>>)
        %add3A_251 = arith.constant 16 : i32
        %add3A_252 = arith.addi %add3A_84, %add3A_251 : i32
        %lt3A_253 = arith.cmpi slt, %add3A_252, %select_n3A : i32
        %convert_element_type3A_254 = arith.extui %lt3A_253 : i1 to i32
        %cond3A_255 = arith.constant 0 : i32
        %cond3A_256 = arith.cmpi ne, %convert_element_type3A_254, %cond3A_255 : i32
        scf.if %cond3A_256 {
          %add3A_257 = arith.constant 16 : i32
          %add3A_258 = arith.addi %add3A_84, %add3A_257 : i32
          %add3A_259 = arith.addi %multiple_of3A, %add3A_258 : i32
          %multiple_of3A_260 = tpu.assume_multiple %add3A_259, 8 : i32
          %add3A_261 = arith.constant 1 : i32
          %add3A_262 = arith.addi %select_n3A_108, %add3A_261 : i32
          %rem3A_263 = arith.constant 2 : i32
          %rem3A_264 = arith.remsi %add3A_262, %rem3A_263 : i32
          %mul3A_265 = arith.constant 16 : i32
          %mul3A_266 = arith.muli %rem3A_264, %mul3A_265 : i32
          %multiple_of3A_267 = tpu.assume_multiple %mul3A_266, 8 : i32
          %dma_start3A = arith.constant 0 : i32
          %dma_start3A_268 = tpu.memref_slice %arg7[%multiple_of3A_267, %dma_start3A] : memref<32x64xi32, #tpu.memory_space<vmem>> -> memref<16x64xi32, #tpu.memory_space<vmem>>
          %dma_start3A_269 = arith.constant 0 : i32
          %dma_start3A_270 = tpu.memref_slice %arg3[%multiple_of3A_260, %dma_start3A_269] : memref<5120x64xi32, #tpu.memory_space<hbm>> -> memref<16x64xi32, #tpu.memory_space<hbm>>
          %dma_start3A_271 = arith.constant 0 : i32
          %dma_start3A_272 = tpu.memref_slice %arg7[%multiple_of3A_267, %dma_start3A_271] : memref<32x64xi32, #tpu.memory_space<vmem>> -> memref<16x64xi32, #tpu.memory_space<vmem>>
          %dma_start3A_273 = arith.constant 0 : i32
          %dma_start3A_274 = tpu.memref_slice %arg3[%multiple_of3A_260, %dma_start3A_273] : memref<5120x64xi32, #tpu.memory_space<hbm>> -> memref<16x64xi32, #tpu.memory_space<hbm>>
          tpu.enqueue_dma source(%dma_start3A_274 : memref<16x64xi32, #tpu.memory_space<hbm>>) target(%dma_start3A_272 : memref<16x64xi32, #tpu.memory_space<vmem>>) target_semaphore(%arg18 : memref<!tpu.dma_semaphore, #tpu.memory_space<semaphore_mem>>)
          %add3A_275 = arith.constant 16 : i32
          %add3A_276 = arith.addi %add3A_84, %add3A_275 : i32
          %add3A_277 = arith.addi %multiple_of3A, %add3A_276 : i32
          %multiple_of3A_278 = tpu.assume_multiple %add3A_277, 8 : i32
          %add3A_279 = arith.constant 1 : i32
          %add3A_280 = arith.addi %select_n3A_108, %add3A_279 : i32
          %rem3A_281 = arith.constant 2 : i32
          %rem3A_282 = arith.remsi %add3A_280, %rem3A_281 : i32
          %mul3A_283 = arith.constant 16 : i32
          %mul3A_284 = arith.muli %rem3A_282, %mul3A_283 : i32
          %multiple_of3A_285 = tpu.assume_multiple %mul3A_284, 8 : i32
          %dma_start3A_286 = arith.constant 0 : i32
          %dma_start3A_287 = tpu.memref_slice %arg8[%multiple_of3A_285, %dma_start3A_286] : memref<32x64xi32, #tpu.memory_space<vmem>> -> memref<16x64xi32, #tpu.memory_space<vmem>>
          %dma_start3A_288 = arith.constant 0 : i32
          %dma_start3A_289 = tpu.memref_slice %arg4[%multiple_of3A_278, %dma_start3A_288] : memref<5120x64xi32, #tpu.memory_space<hbm>> -> memref<16x64xi32, #tpu.memory_space<hbm>>
          %dma_start3A_290 = arith.constant 0 : i32
          %dma_start3A_291 = tpu.memref_slice %arg8[%multiple_of3A_285, %dma_start3A_290] : memref<32x64xi32, #tpu.memory_space<vmem>> -> memref<16x64xi32, #tpu.memory_space<vmem>>
          %dma_start3A_292 = arith.constant 0 : i32
          %dma_start3A_293 = tpu.memref_slice %arg4[%multiple_of3A_278, %dma_start3A_292] : memref<5120x64xi32, #tpu.memory_space<hbm>> -> memref<16x64xi32, #tpu.memory_space<hbm>>
          tpu.enqueue_dma source(%dma_start3A_293 : memref<16x64xi32, #tpu.memory_space<hbm>>) target(%dma_start3A_291 : memref<16x64xi32, #tpu.memory_space<vmem>>) target_semaphore(%arg19 : memref<!tpu.dma_semaphore, #tpu.memory_space<semaphore_mem>>)
        } else {
        }
      } else {
      }
      %dma_wait3A_119 = arith.constant 0 : i32
      %dma_wait3A_120 = arith.constant 0 : i32
      %dma_wait3A_121 = tpu.memref_slice %arg7[%dma_wait3A_119, %dma_wait3A_120] : memref<32x64xi32, #tpu.memory_space<vmem>> -> memref<1x64xi32, #tpu.memory_space<vmem>>
      %dma_wait3A_122 = tpu.memref_squeeze %dma_wait3A_121 : memref<1x64xi32, #tpu.memory_space<vmem>> -> memref<64xi32, #tpu.memory_space<vmem>>
      %dma_wait3A_123 = arith.constant 0 : i32
      %dma_wait3A_124 = arith.constant 0 : i32
      %dma_wait3A_125 = tpu.memref_slice %arg2[%dma_wait3A_123, %dma_wait3A_124] : memref<10240x128xf32, #tpu.memory_space<hbm>> -> memref<10240x128xf32, #tpu.memory_space<hbm>>
      tpu.wait_indirect_dma semaphore(%arg15 : memref<!tpu.dma_semaphore, #tpu.memory_space<semaphore_mem>>) src(%dma_wait3A_125 : memref<10240x128xf32, #tpu.memory_space<hbm>>) dst(%arg10 : memref<64x128xf32, #tpu.memory_space<vmem>>)
      %rem3A_126 = arith.constant 32 : i32
      %rem3A_127 = arith.remsi %add3A_84, %rem3A_126 : i32
      "tpu.region"() ({
        %run_scoped3A = tpu.sem_alloc : memref<!tpu.dma_semaphore, #tpu.memory_space<semaphore_mem>>
        %dma_start3A = arith.constant 0 : i32
        %dma_start3A_236 = tpu.memref_slice %arg8[%rem3A_127, %dma_start3A] : memref<32x64xi32, #tpu.memory_space<vmem>> -> memref<1x64xi32, #tpu.memory_space<vmem>>
        %dma_start3A_237 = tpu.memref_squeeze %dma_start3A_236 : memref<1x64xi32, #tpu.memory_space<vmem>> -> memref<64xi32, #tpu.memory_space<vmem>>
        %dma_start3A_238 = arith.constant 0 : i32
        %dma_start3A_239 = arith.constant 0 : i32
        %dma_start3A_240 = tpu.memref_slice %arg13[%dma_start3A_238, %dma_start3A_239] : memref<10240x128xf32, #tpu.memory_space<vmem_shared>> -> memref<10240x128xf32, #tpu.memory_space<vmem_shared>>
        tpu.enqueue_indirect_dma source(%arg10 : memref<64x128xf32, #tpu.memory_space<vmem>>) target(%dma_start3A_240 : memref<10240x128xf32, #tpu.memory_space<vmem_shared>>) offsets(%dma_start3A_237 : memref<64xi32, #tpu.memory_space<vmem>>) semaphore(%run_scoped3A : memref<!tpu.dma_semaphore, #tpu.memory_space<semaphore_mem>>) {add = true}
        %dma_wait3A_241 = arith.constant 0 : i32
        %dma_wait3A_242 = tpu.memref_slice %arg8[%rem3A_127, %dma_wait3A_241] : memref<32x64xi32, #tpu.memory_space<vmem>> -> memref<1x64xi32, #tpu.memory_space<vmem>>
        %dma_wait3A_243 = tpu.memref_squeeze %dma_wait3A_242 : memref<1x64xi32, #tpu.memory_space<vmem>> -> memref<64xi32, #tpu.memory_space<vmem>>
        %dma_wait3A_244 = arith.constant 0 : i32
        %dma_wait3A_245 = arith.constant 0 : i32
        %dma_wait3A_246 = tpu.memref_slice %arg13[%dma_wait3A_244, %dma_wait3A_245] : memref<10240x128xf32, #tpu.memory_space<vmem_shared>> -> memref<10240x128xf32, #tpu.memory_space<vmem_shared>>
        tpu.wait_indirect_dma semaphore(%run_scoped3A : memref<!tpu.dma_semaphore, #tpu.memory_space<semaphore_mem>>) src(%arg10 : memref<64x128xf32, #tpu.memory_space<vmem>>) dst(%dma_wait3A_246 : memref<10240x128xf32, #tpu.memory_space<vmem_shared>>)
        tpu.yield
      }) : () -> ()
      %add3A_128 = arith.constant 4 : i32
      %add3A_129 = arith.addi %add3A_84, %add3A_128 : i32
      %lt3A_130 = arith.cmpi slt, %add3A_129, %select_n3A : i32
      %convert_element_type3A_131 = arith.extui %lt3A_130 : i1 to i32
      %cond3A_132 = arith.constant 0 : i32
      %cond3A_133 = arith.cmpi ne, %convert_element_type3A_131, %cond3A_132 : i32
      scf.if %cond3A_133 {
        %rem3A_236 = arith.constant 16 : i32
        %rem3A_237 = arith.remsi %add3A_129, %rem3A_236 : i32
        %eq3A_238 = arith.constant 0 : i32
        %eq3A_239 = arith.cmpi eq, %rem3A_237, %eq3A_238 : i32
        %convert_element_type3A_240 = arith.extui %eq3A_239 : i1 to i32
        %cond3A_241 = arith.constant 0 : i32
        %cond3A_242 = arith.cmpi ne, %convert_element_type3A_240, %cond3A_241 : i32
        scf.if %cond3A_242 {
          %add3A_250 = arith.addi %multiple_of3A, %add3A_129 : i32
          %multiple_of3A_251 = tpu.assume_multiple %add3A_250, 8 : i32
          %jit3A_252 = arith.constant 16 : i32
          %div3A_253 = arith.divsi %add3A_129, %jit3A_252 : i32
          %sign3A_254 = arith.constant 0 : i32
          %sign3A_255 = arith.cmpi sgt, %add3A_129, %sign3A_254 : i32
          %sign3A_256 = arith.extui %sign3A_255 : i1 to i32
          %sign3A_257 = arith.constant 0 : i32
          %sign3A_258 = arith.cmpi slt, %add3A_129, %sign3A_257 : i32
          %sign3A_259 = arith.extui %sign3A_258 : i1 to i32
          %sign3A_260 = arith.subi %sign3A_256, %sign3A_259 : i32
          %sign3A_261 = arith.constant 0 : i32
          %sign3A_262 = arith.cmpi sgt, %jit3A_252, %sign3A_261 : i32
          %sign3A_263 = arith.extui %sign3A_262 : i1 to i32
          %sign3A_264 = arith.constant 0 : i32
          %sign3A_265 = arith.cmpi slt, %jit3A_252, %sign3A_264 : i32
          %sign3A_266 = arith.extui %sign3A_265 : i1 to i32
          %sign3A_267 = arith.subi %sign3A_263, %sign3A_266 : i32
          %ne3A_268 = arith.cmpi ne, %sign3A_260, %sign3A_267 : i32
          %rem3A_269 = arith.remsi %add3A_129, %jit3A_252 : i32
          %ne3A_270 = arith.constant 0 : i32
          %ne3A_271 = arith.cmpi ne, %rem3A_269, %ne3A_270 : i32
          %and3A_272 = arith.andi %ne3A_268, %ne3A_271 : i1
          %sub3A_273 = arith.constant 1 : i32
          %sub3A_274 = arith.subi %div3A_253, %sub3A_273 : i32
          %select_n3A_275 = arith.select %and3A_272, %sub3A_274, %div3A_253 : i32
          %rem3A_276 = arith.constant 2 : i32
          %rem3A_277 = arith.remsi %select_n3A_275, %rem3A_276 : i32
          %mul3A_278 = arith.constant 16 : i32
          %mul3A_279 = arith.muli %rem3A_277, %mul3A_278 : i32
          %multiple_of3A_280 = tpu.assume_multiple %mul3A_279, 8 : i32
          %dma_wait3A_281 = arith.constant 0 : i32
          %dma_wait3A_282 = tpu.memref_slice %arg7[%multiple_of3A_280, %dma_wait3A_281] : memref<32x64xi32, #tpu.memory_space<vmem>> -> memref<16x64xi32, #tpu.memory_space<vmem>>
          %dma_wait3A_283 = arith.constant 0 : i32
          %dma_wait3A_284 = tpu.memref_slice %arg3[%multiple_of3A_251, %dma_wait3A_283] : memref<5120x64xi32, #tpu.memory_space<hbm>> -> memref<16x64xi32, #tpu.memory_space<hbm>>
          %dma_wait3A_285 = arith.constant 0 : i32
          %dma_wait3A_286 = tpu.memref_slice %arg7[%multiple_of3A_280, %dma_wait3A_285] : memref<32x64xi32, #tpu.memory_space<vmem>> -> memref<16x64xi32, #tpu.memory_space<vmem>>
          %dma_wait3A_287 = arith.constant 0 : i32
          %dma_wait3A_288 = tpu.memref_slice %arg3[%multiple_of3A_251, %dma_wait3A_287] : memref<5120x64xi32, #tpu.memory_space<hbm>> -> memref<16x64xi32, #tpu.memory_space<hbm>>
          tpu.wait_dma2 semaphore(%arg18 : memref<!tpu.dma_semaphore, #tpu.memory_space<semaphore_mem>>) src(%dma_wait3A_288 : memref<16x64xi32, #tpu.memory_space<hbm>>) dst(%dma_wait3A_286 : memref<16x64xi32, #tpu.memory_space<vmem>>)
        } else {
        }
        %rem3A_243 = arith.constant 32 : i32
        %rem3A_244 = arith.remsi %add3A_129, %rem3A_243 : i32
        %dma_start3A = arith.constant 0 : i32
        %dma_start3A_245 = tpu.memref_slice %arg7[%rem3A_244, %dma_start3A] : memref<32x64xi32, #tpu.memory_space<vmem>> -> memref<1x64xi32, #tpu.memory_space<vmem>>
        %dma_start3A_246 = tpu.memref_squeeze %dma_start3A_245 : memref<1x64xi32, #tpu.memory_space<vmem>> -> memref<64xi32, #tpu.memory_space<vmem>>
        %dma_start3A_247 = arith.constant 0 : i32
        %dma_start3A_248 = arith.constant 0 : i32
        %dma_start3A_249 = tpu.memref_slice %arg2[%dma_start3A_247, %dma_start3A_248] : memref<10240x128xf32, #tpu.memory_space<hbm>> -> memref<10240x128xf32, #tpu.memory_space<hbm>>
        tpu.enqueue_indirect_dma source(%dma_start3A_249 : memref<10240x128xf32, #tpu.memory_space<hbm>>) target(%arg10 : memref<64x128xf32, #tpu.memory_space<vmem>>) offsets(%dma_start3A_246 : memref<64xi32, #tpu.memory_space<vmem>>) semaphore(%arg15 : memref<!tpu.dma_semaphore, #tpu.memory_space<semaphore_mem>>)
      } else {
      }
      %add3A_134 = arith.constant 2 : i32
      %add3A_135 = arith.addi %add3A_37, %add3A_134 : i32
      %jit3A_136 = arith.constant 16 : i32
      %div3A_137 = arith.divsi %add3A_135, %jit3A_136 : i32
      %sign3A_138 = arith.constant 0 : i32
      %sign3A_139 = arith.cmpi sgt, %add3A_135, %sign3A_138 : i32
      %sign3A_140 = arith.extui %sign3A_139 : i1 to i32
      %sign3A_141 = arith.constant 0 : i32
      %sign3A_142 = arith.cmpi slt, %add3A_135, %sign3A_141 : i32
      %sign3A_143 = arith.extui %sign3A_142 : i1 to i32
      %sign3A_144 = arith.subi %sign3A_140, %sign3A_143 : i32
      %sign3A_145 = arith.constant 0 : i32
      %sign3A_146 = arith.cmpi sgt, %jit3A_136, %sign3A_145 : i32
      %sign3A_147 = arith.extui %sign3A_146 : i1 to i32
      %sign3A_148 = arith.constant 0 : i32
      %sign3A_149 = arith.cmpi slt, %jit3A_136, %sign3A_148 : i32
      %sign3A_150 = arith.extui %sign3A_149 : i1 to i32
      %sign3A_151 = arith.subi %sign3A_147, %sign3A_150 : i32
      %ne3A_152 = arith.cmpi ne, %sign3A_144, %sign3A_151 : i32
      %rem3A_153 = arith.remsi %add3A_135, %jit3A_136 : i32
      %ne3A_154 = arith.constant 0 : i32
      %ne3A_155 = arith.cmpi ne, %rem3A_153, %ne3A_154 : i32
      %and3A_156 = arith.andi %ne3A_152, %ne3A_155 : i1
      %sub3A_157 = arith.constant 1 : i32
      %sub3A_158 = arith.subi %div3A_137, %sub3A_157 : i32
      %select_n3A_159 = arith.select %and3A_156, %sub3A_158, %div3A_137 : i32
      %rem3A_160 = arith.constant 16 : i32
      %rem3A_161 = arith.remsi %add3A_135, %rem3A_160 : i32
      %eq3A_162 = arith.constant 0 : i32
      %eq3A_163 = arith.cmpi eq, %rem3A_161, %eq3A_162 : i32
      %gt3A_164 = arith.constant 0 : i32
      %gt3A_165 = arith.cmpi sgt, %add3A_135, %gt3A_164 : i32
      %and3A_166 = arith.andi %eq3A_163, %gt3A_165 : i1
      %convert_element_type3A_167 = arith.extui %and3A_166 : i1 to i32
      %cond3A_168 = arith.constant 0 : i32
      %cond3A_169 = arith.cmpi ne, %convert_element_type3A_167, %cond3A_168 : i32
      scf.if %cond3A_169 {
        %add3A_236 = arith.addi %multiple_of3A, %add3A_135 : i32
        %multiple_of3A_237 = tpu.assume_multiple %add3A_236, 8 : i32
        %rem3A_238 = arith.constant 2 : i32
        %rem3A_239 = arith.remsi %select_n3A_159, %rem3A_238 : i32
        %mul3A_240 = arith.constant 16 : i32
        %mul3A_241 = arith.muli %rem3A_239, %mul3A_240 : i32
        %multiple_of3A_242 = tpu.assume_multiple %mul3A_241, 8 : i32
        %dma_wait3A_243 = arith.constant 0 : i32
        %dma_wait3A_244 = tpu.memref_slice %arg8[%multiple_of3A_242, %dma_wait3A_243] : memref<32x64xi32, #tpu.memory_space<vmem>> -> memref<16x64xi32, #tpu.memory_space<vmem>>
        %dma_wait3A_245 = arith.constant 0 : i32
        %dma_wait3A_246 = tpu.memref_slice %arg4[%multiple_of3A_237, %dma_wait3A_245] : memref<5120x64xi32, #tpu.memory_space<hbm>> -> memref<16x64xi32, #tpu.memory_space<hbm>>
        %dma_wait3A_247 = arith.constant 0 : i32
        %dma_wait3A_248 = tpu.memref_slice %arg8[%multiple_of3A_242, %dma_wait3A_247] : memref<32x64xi32, #tpu.memory_space<vmem>> -> memref<16x64xi32, #tpu.memory_space<vmem>>
        %dma_wait3A_249 = arith.constant 0 : i32
        %dma_wait3A_250 = tpu.memref_slice %arg4[%multiple_of3A_237, %dma_wait3A_249] : memref<5120x64xi32, #tpu.memory_space<hbm>> -> memref<16x64xi32, #tpu.memory_space<hbm>>
        tpu.wait_dma2 semaphore(%arg19 : memref<!tpu.dma_semaphore, #tpu.memory_space<semaphore_mem>>) src(%dma_wait3A_250 : memref<16x64xi32, #tpu.memory_space<hbm>>) dst(%dma_wait3A_248 : memref<16x64xi32, #tpu.memory_space<vmem>>)
        %add3A_251 = arith.constant 16 : i32
        %add3A_252 = arith.addi %add3A_135, %add3A_251 : i32
        %lt3A_253 = arith.cmpi slt, %add3A_252, %select_n3A : i32
        %convert_element_type3A_254 = arith.extui %lt3A_253 : i1 to i32
        %cond3A_255 = arith.constant 0 : i32
        %cond3A_256 = arith.cmpi ne, %convert_element_type3A_254, %cond3A_255 : i32
        scf.if %cond3A_256 {
          %add3A_257 = arith.constant 16 : i32
          %add3A_258 = arith.addi %add3A_135, %add3A_257 : i32
          %add3A_259 = arith.addi %multiple_of3A, %add3A_258 : i32
          %multiple_of3A_260 = tpu.assume_multiple %add3A_259, 8 : i32
          %add3A_261 = arith.constant 1 : i32
          %add3A_262 = arith.addi %select_n3A_159, %add3A_261 : i32
          %rem3A_263 = arith.constant 2 : i32
          %rem3A_264 = arith.remsi %add3A_262, %rem3A_263 : i32
          %mul3A_265 = arith.constant 16 : i32
          %mul3A_266 = arith.muli %rem3A_264, %mul3A_265 : i32
          %multiple_of3A_267 = tpu.assume_multiple %mul3A_266, 8 : i32
          %dma_start3A = arith.constant 0 : i32
          %dma_start3A_268 = tpu.memref_slice %arg7[%multiple_of3A_267, %dma_start3A] : memref<32x64xi32, #tpu.memory_space<vmem>> -> memref<16x64xi32, #tpu.memory_space<vmem>>
          %dma_start3A_269 = arith.constant 0 : i32
          %dma_start3A_270 = tpu.memref_slice %arg3[%multiple_of3A_260, %dma_start3A_269] : memref<5120x64xi32, #tpu.memory_space<hbm>> -> memref<16x64xi32, #tpu.memory_space<hbm>>
          %dma_start3A_271 = arith.constant 0 : i32
          %dma_start3A_272 = tpu.memref_slice %arg7[%multiple_of3A_267, %dma_start3A_271] : memref<32x64xi32, #tpu.memory_space<vmem>> -> memref<16x64xi32, #tpu.memory_space<vmem>>
          %dma_start3A_273 = arith.constant 0 : i32
          %dma_start3A_274 = tpu.memref_slice %arg3[%multiple_of3A_260, %dma_start3A_273] : memref<5120x64xi32, #tpu.memory_space<hbm>> -> memref<16x64xi32, #tpu.memory_space<hbm>>
          tpu.enqueue_dma source(%dma_start3A_274 : memref<16x64xi32, #tpu.memory_space<hbm>>) target(%dma_start3A_272 : memref<16x64xi32, #tpu.memory_space<vmem>>) target_semaphore(%arg18 : memref<!tpu.dma_semaphore, #tpu.memory_space<semaphore_mem>>)
          %add3A_275 = arith.constant 16 : i32
          %add3A_276 = arith.addi %add3A_135, %add3A_275 : i32
          %add3A_277 = arith.addi %multiple_of3A, %add3A_276 : i32
          %multiple_of3A_278 = tpu.assume_multiple %add3A_277, 8 : i32
          %add3A_279 = arith.constant 1 : i32
          %add3A_280 = arith.addi %select_n3A_159, %add3A_279 : i32
          %rem3A_281 = arith.constant 2 : i32
          %rem3A_282 = arith.remsi %add3A_280, %rem3A_281 : i32
          %mul3A_283 = arith.constant 16 : i32
          %mul3A_284 = arith.muli %rem3A_282, %mul3A_283 : i32
          %multiple_of3A_285 = tpu.assume_multiple %mul3A_284, 8 : i32
          %dma_start3A_286 = arith.constant 0 : i32
          %dma_start3A_287 = tpu.memref_slice %arg8[%multiple_of3A_285, %dma_start3A_286] : memref<32x64xi32, #tpu.memory_space<vmem>> -> memref<16x64xi32, #tpu.memory_space<vmem>>
          %dma_start3A_288 = arith.constant 0 : i32
          %dma_start3A_289 = tpu.memref_slice %arg4[%multiple_of3A_278, %dma_start3A_288] : memref<5120x64xi32, #tpu.memory_space<hbm>> -> memref<16x64xi32, #tpu.memory_space<hbm>>
          %dma_start3A_290 = arith.constant 0 : i32
          %dma_start3A_291 = tpu.memref_slice %arg8[%multiple_of3A_285, %dma_start3A_290] : memref<32x64xi32, #tpu.memory_space<vmem>> -> memref<16x64xi32, #tpu.memory_space<vmem>>
          %dma_start3A_292 = arith.constant 0 : i32
          %dma_start3A_293 = tpu.memref_slice %arg4[%multiple_of3A_278, %dma_start3A_292] : memref<5120x64xi32, #tpu.memory_space<hbm>> -> memref<16x64xi32, #tpu.memory_space<hbm>>
          tpu.enqueue_dma source(%dma_start3A_293 : memref<16x64xi32, #tpu.memory_space<hbm>>) target(%dma_start3A_291 : memref<16x64xi32, #tpu.memory_space<vmem>>) target_semaphore(%arg19 : memref<!tpu.dma_semaphore, #tpu.memory_space<semaphore_mem>>)
        } else {
        }
      } else {
      }
      %dma_wait3A_170 = arith.constant 0 : i32
      %dma_wait3A_171 = arith.constant 0 : i32
      %dma_wait3A_172 = tpu.memref_slice %arg7[%dma_wait3A_170, %dma_wait3A_171] : memref<32x64xi32, #tpu.memory_space<vmem>> -> memref<1x64xi32, #tpu.memory_space<vmem>>
      %dma_wait3A_173 = tpu.memref_squeeze %dma_wait3A_172 : memref<1x64xi32, #tpu.memory_space<vmem>> -> memref<64xi32, #tpu.memory_space<vmem>>
      %dma_wait3A_174 = arith.constant 0 : i32
      %dma_wait3A_175 = arith.constant 0 : i32
      %dma_wait3A_176 = tpu.memref_slice %arg2[%dma_wait3A_174, %dma_wait3A_175] : memref<10240x128xf32, #tpu.memory_space<hbm>> -> memref<10240x128xf32, #tpu.memory_space<hbm>>
      tpu.wait_indirect_dma semaphore(%arg16 : memref<!tpu.dma_semaphore, #tpu.memory_space<semaphore_mem>>) src(%dma_wait3A_176 : memref<10240x128xf32, #tpu.memory_space<hbm>>) dst(%arg11 : memref<64x128xf32, #tpu.memory_space<vmem>>)
      %rem3A_177 = arith.constant 32 : i32
      %rem3A_178 = arith.remsi %add3A_135, %rem3A_177 : i32
      "tpu.region"() ({
        %run_scoped3A = tpu.sem_alloc : memref<!tpu.dma_semaphore, #tpu.memory_space<semaphore_mem>>
        %dma_start3A = arith.constant 0 : i32
        %dma_start3A_236 = tpu.memref_slice %arg8[%rem3A_178, %dma_start3A] : memref<32x64xi32, #tpu.memory_space<vmem>> -> memref<1x64xi32, #tpu.memory_space<vmem>>
        %dma_start3A_237 = tpu.memref_squeeze %dma_start3A_236 : memref<1x64xi32, #tpu.memory_space<vmem>> -> memref<64xi32, #tpu.memory_space<vmem>>
        %dma_start3A_238 = arith.constant 0 : i32
        %dma_start3A_239 = arith.constant 0 : i32
        %dma_start3A_240 = tpu.memref_slice %arg13[%dma_start3A_238, %dma_start3A_239] : memref<10240x128xf32, #tpu.memory_space<vmem_shared>> -> memref<10240x128xf32, #tpu.memory_space<vmem_shared>>
        tpu.enqueue_indirect_dma source(%arg11 : memref<64x128xf32, #tpu.memory_space<vmem>>) target(%dma_start3A_240 : memref<10240x128xf32, #tpu.memory_space<vmem_shared>>) offsets(%dma_start3A_237 : memref<64xi32, #tpu.memory_space<vmem>>) semaphore(%run_scoped3A : memref<!tpu.dma_semaphore, #tpu.memory_space<semaphore_mem>>) {add = true}
        %dma_wait3A_241 = arith.constant 0 : i32
        %dma_wait3A_242 = tpu.memref_slice %arg8[%rem3A_178, %dma_wait3A_241] : memref<32x64xi32, #tpu.memory_space<vmem>> -> memref<1x64xi32, #tpu.memory_space<vmem>>
        %dma_wait3A_243 = tpu.memref_squeeze %dma_wait3A_242 : memref<1x64xi32, #tpu.memory_space<vmem>> -> memref<64xi32, #tpu.memory_space<vmem>>
        %dma_wait3A_244 = arith.constant 0 : i32
        %dma_wait3A_245 = arith.constant 0 : i32
        %dma_wait3A_246 = tpu.memref_slice %arg13[%dma_wait3A_244, %dma_wait3A_245] : memref<10240x128xf32, #tpu.memory_space<vmem_shared>> -> memref<10240x128xf32, #tpu.memory_space<vmem_shared>>
        tpu.wait_indirect_dma semaphore(%run_scoped3A : memref<!tpu.dma_semaphore, #tpu.memory_space<semaphore_mem>>) src(%arg11 : memref<64x128xf32, #tpu.memory_space<vmem>>) dst(%dma_wait3A_246 : memref<10240x128xf32, #tpu.memory_space<vmem_shared>>)
        tpu.yield
      }) : () -> ()
      %add3A_179 = arith.constant 4 : i32
      %add3A_180 = arith.addi %add3A_135, %add3A_179 : i32
      %lt3A_181 = arith.cmpi slt, %add3A_180, %select_n3A : i32
      %convert_element_type3A_182 = arith.extui %lt3A_181 : i1 to i32
      %cond3A_183 = arith.constant 0 : i32
      %cond3A_184 = arith.cmpi ne, %convert_element_type3A_182, %cond3A_183 : i32
      scf.if %cond3A_184 {
        %rem3A_236 = arith.constant 16 : i32
        %rem3A_237 = arith.remsi %add3A_180, %rem3A_236 : i32
        %eq3A_238 = arith.constant 0 : i32
        %eq3A_239 = arith.cmpi eq, %rem3A_237, %eq3A_238 : i32
        %convert_element_type3A_240 = arith.extui %eq3A_239 : i1 to i32
        %cond3A_241 = arith.constant 0 : i32
        %cond3A_242 = arith.cmpi ne, %convert_element_type3A_240, %cond3A_241 : i32
        scf.if %cond3A_242 {
          %add3A_250 = arith.addi %multiple_of3A, %add3A_180 : i32
          %multiple_of3A_251 = tpu.assume_multiple %add3A_250, 8 : i32
          %jit3A_252 = arith.constant 16 : i32
          %div3A_253 = arith.divsi %add3A_180, %jit3A_252 : i32
          %sign3A_254 = arith.constant 0 : i32
          %sign3A_255 = arith.cmpi sgt, %add3A_180, %sign3A_254 : i32
          %sign3A_256 = arith.extui %sign3A_255 : i1 to i32
          %sign3A_257 = arith.constant 0 : i32
          %sign3A_258 = arith.cmpi slt, %add3A_180, %sign3A_257 : i32
          %sign3A_259 = arith.extui %sign3A_258 : i1 to i32
          %sign3A_260 = arith.subi %sign3A_256, %sign3A_259 : i32
          %sign3A_261 = arith.constant 0 : i32
          %sign3A_262 = arith.cmpi sgt, %jit3A_252, %sign3A_261 : i32
          %sign3A_263 = arith.extui %sign3A_262 : i1 to i32
          %sign3A_264 = arith.constant 0 : i32
          %sign3A_265 = arith.cmpi slt, %jit3A_252, %sign3A_264 : i32
          %sign3A_266 = arith.extui %sign3A_265 : i1 to i32
          %sign3A_267 = arith.subi %sign3A_263, %sign3A_266 : i32
          %ne3A_268 = arith.cmpi ne, %sign3A_260, %sign3A_267 : i32
          %rem3A_269 = arith.remsi %add3A_180, %jit3A_252 : i32
          %ne3A_270 = arith.constant 0 : i32
          %ne3A_271 = arith.cmpi ne, %rem3A_269, %ne3A_270 : i32
          %and3A_272 = arith.andi %ne3A_268, %ne3A_271 : i1
          %sub3A_273 = arith.constant 1 : i32
          %sub3A_274 = arith.subi %div3A_253, %sub3A_273 : i32
          %select_n3A_275 = arith.select %and3A_272, %sub3A_274, %div3A_253 : i32
          %rem3A_276 = arith.constant 2 : i32
          %rem3A_277 = arith.remsi %select_n3A_275, %rem3A_276 : i32
          %mul3A_278 = arith.constant 16 : i32
          %mul3A_279 = arith.muli %rem3A_277, %mul3A_278 : i32
          %multiple_of3A_280 = tpu.assume_multiple %mul3A_279, 8 : i32
          %dma_wait3A_281 = arith.constant 0 : i32
          %dma_wait3A_282 = tpu.memref_slice %arg7[%multiple_of3A_280, %dma_wait3A_281] : memref<32x64xi32, #tpu.memory_space<vmem>> -> memref<16x64xi32, #tpu.memory_space<vmem>>
          %dma_wait3A_283 = arith.constant 0 : i32
          %dma_wait3A_284 = tpu.memref_slice %arg3[%multiple_of3A_251, %dma_wait3A_283] : memref<5120x64xi32, #tpu.memory_space<hbm>> -> memref<16x64xi32, #tpu.memory_space<hbm>>
          %dma_wait3A_285 = arith.constant 0 : i32
          %dma_wait3A_286 = tpu.memref_slice %arg7[%multiple_of3A_280, %dma_wait3A_285] : memref<32x64xi32, #tpu.memory_space<vmem>> -> memref<16x64xi32, #tpu.memory_space<vmem>>
          %dma_wait3A_287 = arith.constant 0 : i32
          %dma_wait3A_288 = tpu.memref_slice %arg3[%multiple_of3A_251, %dma_wait3A_287] : memref<5120x64xi32, #tpu.memory_space<hbm>> -> memref<16x64xi32, #tpu.memory_space<hbm>>
          tpu.wait_dma2 semaphore(%arg18 : memref<!tpu.dma_semaphore, #tpu.memory_space<semaphore_mem>>) src(%dma_wait3A_288 : memref<16x64xi32, #tpu.memory_space<hbm>>) dst(%dma_wait3A_286 : memref<16x64xi32, #tpu.memory_space<vmem>>)
        } else {
        }
        %rem3A_243 = arith.constant 32 : i32
        %rem3A_244 = arith.remsi %add3A_180, %rem3A_243 : i32
        %dma_start3A = arith.constant 0 : i32
        %dma_start3A_245 = tpu.memref_slice %arg7[%rem3A_244, %dma_start3A] : memref<32x64xi32, #tpu.memory_space<vmem>> -> memref<1x64xi32, #tpu.memory_space<vmem>>
        %dma_start3A_246 = tpu.memref_squeeze %dma_start3A_245 : memref<1x64xi32, #tpu.memory_space<vmem>> -> memref<64xi32, #tpu.memory_space<vmem>>
        %dma_start3A_247 = arith.constant 0 : i32
        %dma_start3A_248 = arith.constant 0 : i32
        %dma_start3A_249 = tpu.memref_slice %arg2[%dma_start3A_247, %dma_start3A_248] : memref<10240x128xf32, #tpu.memory_space<hbm>> -> memref<10240x128xf32, #tpu.memory_space<hbm>>
        tpu.enqueue_indirect_dma source(%dma_start3A_249 : memref<10240x128xf32, #tpu.memory_space<hbm>>) target(%arg11 : memref<64x128xf32, #tpu.memory_space<vmem>>) offsets(%dma_start3A_246 : memref<64xi32, #tpu.memory_space<vmem>>) semaphore(%arg16 : memref<!tpu.dma_semaphore, #tpu.memory_space<semaphore_mem>>)
      } else {
      }
      %add3A_185 = arith.constant 3 : i32
      %add3A_186 = arith.addi %add3A_37, %add3A_185 : i32
      %jit3A_187 = arith.constant 16 : i32
      %div3A_188 = arith.divsi %add3A_186, %jit3A_187 : i32
      %sign3A_189 = arith.constant 0 : i32
      %sign3A_190 = arith.cmpi sgt, %add3A_186, %sign3A_189 : i32
      %sign3A_191 = arith.extui %sign3A_190 : i1 to i32
      %sign3A_192 = arith.constant 0 : i32
      %sign3A_193 = arith.cmpi slt, %add3A_186, %sign3A_192 : i32
      %sign3A_194 = arith.extui %sign3A_193 : i1 to i32
      %sign3A_195 = arith.subi %sign3A_191, %sign3A_194 : i32
      %sign3A_196 = arith.constant 0 : i32
      %sign3A_197 = arith.cmpi sgt, %jit3A_187, %sign3A_196 : i32
      %sign3A_198 = arith.extui %sign3A_197 : i1 to i32
      %sign3A_199 = arith.constant 0 : i32
      %sign3A_200 = arith.cmpi slt, %jit3A_187, %sign3A_199 : i32
      %sign3A_201 = arith.extui %sign3A_200 : i1 to i32
      %sign3A_202 = arith.subi %sign3A_198, %sign3A_201 : i32
      %ne3A_203 = arith.cmpi ne, %sign3A_195, %sign3A_202 : i32
      %rem3A_204 = arith.remsi %add3A_186, %jit3A_187 : i32
      %ne3A_205 = arith.constant 0 : i32
      %ne3A_206 = arith.cmpi ne, %rem3A_204, %ne3A_205 : i32
      %and3A_207 = arith.andi %ne3A_203, %ne3A_206 : i1
      %sub3A_208 = arith.constant 1 : i32
      %sub3A_209 = arith.subi %div3A_188, %sub3A_208 : i32
      %select_n3A_210 = arith.select %and3A_207, %sub3A_209, %div3A_188 : i32
      %rem3A_211 = arith.constant 16 : i32
      %rem3A_212 = arith.remsi %add3A_186, %rem3A_211 : i32
      %eq3A_213 = arith.constant 0 : i32
      %eq3A_214 = arith.cmpi eq, %rem3A_212, %eq3A_213 : i32
      %gt3A_215 = arith.constant 0 : i32
      %gt3A_216 = arith.cmpi sgt, %add3A_186, %gt3A_215 : i32
      %and3A_217 = arith.andi %eq3A_214, %gt3A_216 : i1
      %convert_element_type3A_218 = arith.extui %and3A_217 : i1 to i32
      %cond3A_219 = arith.constant 0 : i32
      %cond3A_220 = arith.cmpi ne, %convert_element_type3A_218, %cond3A_219 : i32
      scf.if %cond3A_220 {
        %add3A_236 = arith.addi %multiple_of3A, %add3A_186 : i32
        %multiple_of3A_237 = tpu.assume_multiple %add3A_236, 8 : i32
        %rem3A_238 = arith.constant 2 : i32
        %rem3A_239 = arith.remsi %select_n3A_210, %rem3A_238 : i32
        %mul3A_240 = arith.constant 16 : i32
        %mul3A_241 = arith.muli %rem3A_239, %mul3A_240 : i32
        %multiple_of3A_242 = tpu.assume_multiple %mul3A_241, 8 : i32
        %dma_wait3A_243 = arith.constant 0 : i32
        %dma_wait3A_244 = tpu.memref_slice %arg8[%multiple_of3A_242, %dma_wait3A_243] : memref<32x64xi32, #tpu.memory_space<vmem>> -> memref<16x64xi32, #tpu.memory_space<vmem>>
        %dma_wait3A_245 = arith.constant 0 : i32
        %dma_wait3A_246 = tpu.memref_slice %arg4[%multiple_of3A_237, %dma_wait3A_245] : memref<5120x64xi32, #tpu.memory_space<hbm>> -> memref<16x64xi32, #tpu.memory_space<hbm>>
        %dma_wait3A_247 = arith.constant 0 : i32
        %dma_wait3A_248 = tpu.memref_slice %arg8[%multiple_of3A_242, %dma_wait3A_247] : memref<32x64xi32, #tpu.memory_space<vmem>> -> memref<16x64xi32, #tpu.memory_space<vmem>>
        %dma_wait3A_249 = arith.constant 0 : i32
        %dma_wait3A_250 = tpu.memref_slice %arg4[%multiple_of3A_237, %dma_wait3A_249] : memref<5120x64xi32, #tpu.memory_space<hbm>> -> memref<16x64xi32, #tpu.memory_space<hbm>>
        tpu.wait_dma2 semaphore(%arg19 : memref<!tpu.dma_semaphore, #tpu.memory_space<semaphore_mem>>) src(%dma_wait3A_250 : memref<16x64xi32, #tpu.memory_space<hbm>>) dst(%dma_wait3A_248 : memref<16x64xi32, #tpu.memory_space<vmem>>)
        %add3A_251 = arith.constant 16 : i32
        %add3A_252 = arith.addi %add3A_186, %add3A_251 : i32
        %lt3A_253 = arith.cmpi slt, %add3A_252, %select_n3A : i32
        %convert_element_type3A_254 = arith.extui %lt3A_253 : i1 to i32
        %cond3A_255 = arith.constant 0 : i32
        %cond3A_256 = arith.cmpi ne, %convert_element_type3A_254, %cond3A_255 : i32
        scf.if %cond3A_256 {
          %add3A_257 = arith.constant 16 : i32
          %add3A_258 = arith.addi %add3A_186, %add3A_257 : i32
          %add3A_259 = arith.addi %multiple_of3A, %add3A_258 : i32
          %multiple_of3A_260 = tpu.assume_multiple %add3A_259, 8 : i32
          %add3A_261 = arith.constant 1 : i32
          %add3A_262 = arith.addi %select_n3A_210, %add3A_261 : i32
          %rem3A_263 = arith.constant 2 : i32
          %rem3A_264 = arith.remsi %add3A_262, %rem3A_263 : i32
          %mul3A_265 = arith.constant 16 : i32
          %mul3A_266 = arith.muli %rem3A_264, %mul3A_265 : i32
          %multiple_of3A_267 = tpu.assume_multiple %mul3A_266, 8 : i32
          %dma_start3A = arith.constant 0 : i32
          %dma_start3A_268 = tpu.memref_slice %arg7[%multiple_of3A_267, %dma_start3A] : memref<32x64xi32, #tpu.memory_space<vmem>> -> memref<16x64xi32, #tpu.memory_space<vmem>>
          %dma_start3A_269 = arith.constant 0 : i32
          %dma_start3A_270 = tpu.memref_slice %arg3[%multiple_of3A_260, %dma_start3A_269] : memref<5120x64xi32, #tpu.memory_space<hbm>> -> memref<16x64xi32, #tpu.memory_space<hbm>>
          %dma_start3A_271 = arith.constant 0 : i32
          %dma_start3A_272 = tpu.memref_slice %arg7[%multiple_of3A_267, %dma_start3A_271] : memref<32x64xi32, #tpu.memory_space<vmem>> -> memref<16x64xi32, #tpu.memory_space<vmem>>
          %dma_start3A_273 = arith.constant 0 : i32
          %dma_start3A_274 = tpu.memref_slice %arg3[%multiple_of3A_260, %dma_start3A_273] : memref<5120x64xi32, #tpu.memory_space<hbm>> -> memref<16x64xi32, #tpu.memory_space<hbm>>
          tpu.enqueue_dma source(%dma_start3A_274 : memref<16x64xi32, #tpu.memory_space<hbm>>) target(%dma_start3A_272 : memref<16x64xi32, #tpu.memory_space<vmem>>) target_semaphore(%arg18 : memref<!tpu.dma_semaphore, #tpu.memory_space<semaphore_mem>>)
          %add3A_275 = arith.constant 16 : i32
          %add3A_276 = arith.addi %add3A_186, %add3A_275 : i32
          %add3A_277 = arith.addi %multiple_of3A, %add3A_276 : i32
          %multiple_of3A_278 = tpu.assume_multiple %add3A_277, 8 : i32
          %add3A_279 = arith.constant 1 : i32
          %add3A_280 = arith.addi %select_n3A_210, %add3A_279 : i32
          %rem3A_281 = arith.constant 2 : i32
          %rem3A_282 = arith.remsi %add3A_280, %rem3A_281 : i32
          %mul3A_283 = arith.constant 16 : i32
          %mul3A_284 = arith.muli %rem3A_282, %mul3A_283 : i32
          %multiple_of3A_285 = tpu.assume_multiple %mul3A_284, 8 : i32
          %dma_start3A_286 = arith.constant 0 : i32
          %dma_start3A_287 = tpu.memref_slice %arg8[%multiple_of3A_285, %dma_start3A_286] : memref<32x64xi32, #tpu.memory_space<vmem>> -> memref<16x64xi32, #tpu.memory_space<vmem>>
          %dma_start3A_288 = arith.constant 0 : i32
          %dma_start3A_289 = tpu.memref_slice %arg4[%multiple_of3A_278, %dma_start3A_288] : memref<5120x64xi32, #tpu.memory_space<hbm>> -> memref<16x64xi32, #tpu.memory_space<hbm>>
          %dma_start3A_290 = arith.constant 0 : i32
          %dma_start3A_291 = tpu.memref_slice %arg8[%multiple_of3A_285, %dma_start3A_290] : memref<32x64xi32, #tpu.memory_space<vmem>> -> memref<16x64xi32, #tpu.memory_space<vmem>>
          %dma_start3A_292 = arith.constant 0 : i32
          %dma_start3A_293 = tpu.memref_slice %arg4[%multiple_of3A_278, %dma_start3A_292] : memref<5120x64xi32, #tpu.memory_space<hbm>> -> memref<16x64xi32, #tpu.memory_space<hbm>>
          tpu.enqueue_dma source(%dma_start3A_293 : memref<16x64xi32, #tpu.memory_space<hbm>>) target(%dma_start3A_291 : memref<16x64xi32, #tpu.memory_space<vmem>>) target_semaphore(%arg19 : memref<!tpu.dma_semaphore, #tpu.memory_space<semaphore_mem>>)
        } else {
        }
      } else {
      }
      %dma_wait3A_221 = arith.constant 0 : i32
      %dma_wait3A_222 = arith.constant 0 : i32
      %dma_wait3A_223 = tpu.memref_slice %arg7[%dma_wait3A_221, %dma_wait3A_222] : memref<32x64xi32, #tpu.memory_space<vmem>> -> memref<1x64xi32, #tpu.memory_space<vmem>>
      %dma_wait3A_224 = tpu.memref_squeeze %dma_wait3A_223 : memref<1x64xi32, #tpu.memory_space<vmem>> -> memref<64xi32, #tpu.memory_space<vmem>>
      %dma_wait3A_225 = arith.constant 0 : i32
      %dma_wait3A_226 = arith.constant 0 : i32
      %dma_wait3A_227 = tpu.memref_slice %arg2[%dma_wait3A_225, %dma_wait3A_226] : memref<10240x128xf32, #tpu.memory_space<hbm>> -> memref<10240x128xf32, #tpu.memory_space<hbm>>
      tpu.wait_indirect_dma semaphore(%arg17 : memref<!tpu.dma_semaphore, #tpu.memory_space<semaphore_mem>>) src(%dma_wait3A_227 : memref<10240x128xf32, #tpu.memory_space<hbm>>) dst(%arg12 : memref<64x128xf32, #tpu.memory_space<vmem>>)
      %rem3A_228 = arith.constant 32 : i32
      %rem3A_229 = arith.remsi %add3A_186, %rem3A_228 : i32
      "tpu.region"() ({
        %run_scoped3A = tpu.sem_alloc : memref<!tpu.dma_semaphore, #tpu.memory_space<semaphore_mem>>
        %dma_start3A = arith.constant 0 : i32
        %dma_start3A_236 = tpu.memref_slice %arg8[%rem3A_229, %dma_start3A] : memref<32x64xi32, #tpu.memory_space<vmem>> -> memref<1x64xi32, #tpu.memory_space<vmem>>
        %dma_start3A_237 = tpu.memref_squeeze %dma_start3A_236 : memref<1x64xi32, #tpu.memory_space<vmem>> -> memref<64xi32, #tpu.memory_space<vmem>>
        %dma_start3A_238 = arith.constant 0 : i32
        %dma_start3A_239 = arith.constant 0 : i32
        %dma_start3A_240 = tpu.memref_slice %arg13[%dma_start3A_238, %dma_start3A_239] : memref<10240x128xf32, #tpu.memory_space<vmem_shared>> -> memref<10240x128xf32, #tpu.memory_space<vmem_shared>>
        tpu.enqueue_indirect_dma source(%arg12 : memref<64x128xf32, #tpu.memory_space<vmem>>) target(%dma_start3A_240 : memref<10240x128xf32, #tpu.memory_space<vmem_shared>>) offsets(%dma_start3A_237 : memref<64xi32, #tpu.memory_space<vmem>>) semaphore(%run_scoped3A : memref<!tpu.dma_semaphore, #tpu.memory_space<semaphore_mem>>) {add = true}
        %dma_wait3A_241 = arith.constant 0 : i32
        %dma_wait3A_242 = tpu.memref_slice %arg8[%rem3A_229, %dma_wait3A_241] : memref<32x64xi32, #tpu.memory_space<vmem>> -> memref<1x64xi32, #tpu.memory_space<vmem>>
        %dma_wait3A_243 = tpu.memref_squeeze %dma_wait3A_242 : memref<1x64xi32, #tpu.memory_space<vmem>> -> memref<64xi32, #tpu.memory_space<vmem>>
        %dma_wait3A_244 = arith.constant 0 : i32
        %dma_wait3A_245 = arith.constant 0 : i32
        %dma_wait3A_246 = tpu.memref_slice %arg13[%dma_wait3A_244, %dma_wait3A_245] : memref<10240x128xf32, #tpu.memory_space<vmem_shared>> -> memref<10240x128xf32, #tpu.memory_space<vmem_shared>>
        tpu.wait_indirect_dma semaphore(%run_scoped3A : memref<!tpu.dma_semaphore, #tpu.memory_space<semaphore_mem>>) src(%arg12 : memref<64x128xf32, #tpu.memory_space<vmem>>) dst(%dma_wait3A_246 : memref<10240x128xf32, #tpu.memory_space<vmem_shared>>)
        tpu.yield
      }) : () -> ()
      %add3A_230 = arith.constant 4 : i32
      %add3A_231 = arith.addi %add3A_186, %add3A_230 : i32
      %lt3A_232 = arith.cmpi slt, %add3A_231, %select_n3A : i32
      %convert_element_type3A_233 = arith.extui %lt3A_232 : i1 to i32
      %cond3A_234 = arith.constant 0 : i32
      %cond3A_235 = arith.cmpi ne, %convert_element_type3A_233, %cond3A_234 : i32
      scf.if %cond3A_235 {
        %rem3A_236 = arith.constant 16 : i32
        %rem3A_237 = arith.remsi %add3A_231, %rem3A_236 : i32
        %eq3A_238 = arith.constant 0 : i32
        %eq3A_239 = arith.cmpi eq, %rem3A_237, %eq3A_238 : i32
        %convert_element_type3A_240 = arith.extui %eq3A_239 : i1 to i32
        %cond3A_241 = arith.constant 0 : i32
        %cond3A_242 = arith.cmpi ne, %convert_element_type3A_240, %cond3A_241 : i32
        scf.if %cond3A_242 {
          %add3A_250 = arith.addi %multiple_of3A, %add3A_231 : i32
          %multiple_of3A_251 = tpu.assume_multiple %add3A_250, 8 : i32
          %jit3A_252 = arith.constant 16 : i32
          %div3A_253 = arith.divsi %add3A_231, %jit3A_252 : i32
          %sign3A_254 = arith.constant 0 : i32
          %sign3A_255 = arith.cmpi sgt, %add3A_231, %sign3A_254 : i32
          %sign3A_256 = arith.extui %sign3A_255 : i1 to i32
          %sign3A_257 = arith.constant 0 : i32
          %sign3A_258 = arith.cmpi slt, %add3A_231, %sign3A_257 : i32
          %sign3A_259 = arith.extui %sign3A_258 : i1 to i32
          %sign3A_260 = arith.subi %sign3A_256, %sign3A_259 : i32
          %sign3A_261 = arith.constant 0 : i32
          %sign3A_262 = arith.cmpi sgt, %jit3A_252, %sign3A_261 : i32
          %sign3A_263 = arith.extui %sign3A_262 : i1 to i32
          %sign3A_264 = arith.constant 0 : i32
          %sign3A_265 = arith.cmpi slt, %jit3A_252, %sign3A_264 : i32
          %sign3A_266 = arith.extui %sign3A_265 : i1 to i32
          %sign3A_267 = arith.subi %sign3A_263, %sign3A_266 : i32
          %ne3A_268 = arith.cmpi ne, %sign3A_260, %sign3A_267 : i32
          %rem3A_269 = arith.remsi %add3A_231, %jit3A_252 : i32
          %ne3A_270 = arith.constant 0 : i32
          %ne3A_271 = arith.cmpi ne, %rem3A_269, %ne3A_270 : i32
          %and3A_272 = arith.andi %ne3A_268, %ne3A_271 : i1
          %sub3A_273 = arith.constant 1 : i32
          %sub3A_274 = arith.subi %div3A_253, %sub3A_273 : i32
          %select_n3A_275 = arith.select %and3A_272, %sub3A_274, %div3A_253 : i32
          %rem3A_276 = arith.constant 2 : i32
          %rem3A_277 = arith.remsi %select_n3A_275, %rem3A_276 : i32
          %mul3A_278 = arith.constant 16 : i32
          %mul3A_279 = arith.muli %rem3A_277, %mul3A_278 : i32
          %multiple_of3A_280 = tpu.assume_multiple %mul3A_279, 8 : i32
          %dma_wait3A_281 = arith.constant 0 : i32
          %dma_wait3A_282 = tpu.memref_slice %arg7[%multiple_of3A_280, %dma_wait3A_281] : memref<32x64xi32, #tpu.memory_space<vmem>> -> memref<16x64xi32, #tpu.memory_space<vmem>>
          %dma_wait3A_283 = arith.constant 0 : i32
          %dma_wait3A_284 = tpu.memref_slice %arg3[%multiple_of3A_251, %dma_wait3A_283] : memref<5120x64xi32, #tpu.memory_space<hbm>> -> memref<16x64xi32, #tpu.memory_space<hbm>>
          %dma_wait3A_285 = arith.constant 0 : i32
          %dma_wait3A_286 = tpu.memref_slice %arg7[%multiple_of3A_280, %dma_wait3A_285] : memref<32x64xi32, #tpu.memory_space<vmem>> -> memref<16x64xi32, #tpu.memory_space<vmem>>
          %dma_wait3A_287 = arith.constant 0 : i32
          %dma_wait3A_288 = tpu.memref_slice %arg3[%multiple_of3A_251, %dma_wait3A_287] : memref<5120x64xi32, #tpu.memory_space<hbm>> -> memref<16x64xi32, #tpu.memory_space<hbm>>
          tpu.wait_dma2 semaphore(%arg18 : memref<!tpu.dma_semaphore, #tpu.memory_space<semaphore_mem>>) src(%dma_wait3A_288 : memref<16x64xi32, #tpu.memory_space<hbm>>) dst(%dma_wait3A_286 : memref<16x64xi32, #tpu.memory_space<vmem>>)
        } else {
        }
        %rem3A_243 = arith.constant 32 : i32
        %rem3A_244 = arith.remsi %add3A_231, %rem3A_243 : i32
        %dma_start3A = arith.constant 0 : i32
        %dma_start3A_245 = tpu.memref_slice %arg7[%rem3A_244, %dma_start3A] : memref<32x64xi32, #tpu.memory_space<vmem>> -> memref<1x64xi32, #tpu.memory_space<vmem>>
        %dma_start3A_246 = tpu.memref_squeeze %dma_start3A_245 : memref<1x64xi32, #tpu.memory_space<vmem>> -> memref<64xi32, #tpu.memory_space<vmem>>
        %dma_start3A_247 = arith.constant 0 : i32
        %dma_start3A_248 = arith.constant 0 : i32
        %dma_start3A_249 = tpu.memref_slice %arg2[%dma_start3A_247, %dma_start3A_248] : memref<10240x128xf32, #tpu.memory_space<hbm>> -> memref<10240x128xf32, #tpu.memory_space<hbm>>
        tpu.enqueue_indirect_dma source(%dma_start3A_249 : memref<10240x128xf32, #tpu.memory_space<hbm>>) target(%arg12 : memref<64x128xf32, #tpu.memory_space<vmem>>) offsets(%dma_start3A_246 : memref<64xi32, #tpu.memory_space<vmem>>) semaphore(%arg17 : memref<!tpu.dma_semaphore, #tpu.memory_space<semaphore_mem>>)
      } else {
      }
    }
    %while3A_29 = arith.constant 1 : i32
    scf.for %while3A_35 = %while3A_27 to %while3A_23 step %while3A_29  : i32 {
      %mul3A_36 = arith.muli %while3A_35, %while3A : i32
      %add3A_37 = arith.addi %while3A_20, %mul3A_36 : i32
      %add3A_38 = arith.constant 0 : i32
      %add3A_39 = arith.addi %add3A_37, %add3A_38 : i32
      %jit3A_40 = arith.constant 16 : i32
      %div3A_41 = arith.divsi %add3A_39, %jit3A_40 : i32
      %sign3A = arith.constant 0 : i32
      %sign3A_42 = arith.cmpi sgt, %add3A_39, %sign3A : i32
      %sign3A_43 = arith.extui %sign3A_42 : i1 to i32
      %sign3A_44 = arith.constant 0 : i32
      %sign3A_45 = arith.cmpi slt, %add3A_39, %sign3A_44 : i32
      %sign3A_46 = arith.extui %sign3A_45 : i1 to i32
      %sign3A_47 = arith.subi %sign3A_43, %sign3A_46 : i32
      %sign3A_48 = arith.constant 0 : i32
      %sign3A_49 = arith.cmpi sgt, %jit3A_40, %sign3A_48 : i32
      %sign3A_50 = arith.extui %sign3A_49 : i1 to i32
      %sign3A_51 = arith.constant 0 : i32
      %sign3A_52 = arith.cmpi slt, %jit3A_40, %sign3A_51 : i32
      %sign3A_53 = arith.extui %sign3A_52 : i1 to i32
      %sign3A_54 = arith.subi %sign3A_50, %sign3A_53 : i32
      %ne3A = arith.cmpi ne, %sign3A_47, %sign3A_54 : i32
      %rem3A = arith.remsi %add3A_39, %jit3A_40 : i32
      %ne3A_55 = arith.constant 0 : i32
      %ne3A_56 = arith.cmpi ne, %rem3A, %ne3A_55 : i32
      %and3A = arith.andi %ne3A, %ne3A_56 : i1
      %sub3A_57 = arith.constant 1 : i32
      %sub3A_58 = arith.subi %div3A_41, %sub3A_57 : i32
      %select_n3A_59 = arith.select %and3A, %sub3A_58, %div3A_41 : i32
      %rem3A_60 = arith.constant 16 : i32
      %rem3A_61 = arith.remsi %add3A_39, %rem3A_60 : i32
      %eq3A_62 = arith.constant 0 : i32
      %eq3A_63 = arith.cmpi eq, %rem3A_61, %eq3A_62 : i32
      %gt3A_64 = arith.constant 0 : i32
      %gt3A_65 = arith.cmpi sgt, %add3A_39, %gt3A_64 : i32
      %and3A_66 = arith.andi %eq3A_63, %gt3A_65 : i1
      %convert_element_type3A_67 = arith.extui %and3A_66 : i1 to i32
      %cond3A_68 = arith.constant 0 : i32
      %cond3A_69 = arith.cmpi ne, %convert_element_type3A_67, %cond3A_68 : i32
      scf.if %cond3A_69 {
        %add3A_236 = arith.addi %multiple_of3A, %add3A_39 : i32
        %multiple_of3A_237 = tpu.assume_multiple %add3A_236, 8 : i32
        %rem3A_238 = arith.constant 2 : i32
        %rem3A_239 = arith.remsi %select_n3A_59, %rem3A_238 : i32
        %mul3A_240 = arith.constant 16 : i32
        %mul3A_241 = arith.muli %rem3A_239, %mul3A_240 : i32
        %multiple_of3A_242 = tpu.assume_multiple %mul3A_241, 8 : i32
        %dma_wait3A_243 = arith.constant 0 : i32
        %dma_wait3A_244 = tpu.memref_slice %arg8[%multiple_of3A_242, %dma_wait3A_243] : memref<32x64xi32, #tpu.memory_space<vmem>> -> memref<16x64xi32, #tpu.memory_space<vmem>>
        %dma_wait3A_245 = arith.constant 0 : i32
        %dma_wait3A_246 = tpu.memref_slice %arg4[%multiple_of3A_237, %dma_wait3A_245] : memref<5120x64xi32, #tpu.memory_space<hbm>> -> memref<16x64xi32, #tpu.memory_space<hbm>>
        %dma_wait3A_247 = arith.constant 0 : i32
        %dma_wait3A_248 = tpu.memref_slice %arg8[%multiple_of3A_242, %dma_wait3A_247] : memref<32x64xi32, #tpu.memory_space<vmem>> -> memref<16x64xi32, #tpu.memory_space<vmem>>
        %dma_wait3A_249 = arith.constant 0 : i32
        %dma_wait3A_250 = tpu.memref_slice %arg4[%multiple_of3A_237, %dma_wait3A_249] : memref<5120x64xi32, #tpu.memory_space<hbm>> -> memref<16x64xi32, #tpu.memory_space<hbm>>
        tpu.wait_dma2 semaphore(%arg19 : memref<!tpu.dma_semaphore, #tpu.memory_space<semaphore_mem>>) src(%dma_wait3A_250 : memref<16x64xi32, #tpu.memory_space<hbm>>) dst(%dma_wait3A_248 : memref<16x64xi32, #tpu.memory_space<vmem>>)
        %add3A_251 = arith.constant 16 : i32
        %add3A_252 = arith.addi %add3A_39, %add3A_251 : i32
        %lt3A_253 = arith.cmpi slt, %add3A_252, %select_n3A : i32
        %convert_element_type3A_254 = arith.extui %lt3A_253 : i1 to i32
        %cond3A_255 = arith.constant 0 : i32
        %cond3A_256 = arith.cmpi ne, %convert_element_type3A_254, %cond3A_255 : i32
        scf.if %cond3A_256 {
          %add3A_257 = arith.constant 16 : i32
          %add3A_258 = arith.addi %add3A_39, %add3A_257 : i32
          %add3A_259 = arith.addi %multiple_of3A, %add3A_258 : i32
          %multiple_of3A_260 = tpu.assume_multiple %add3A_259, 8 : i32
          %add3A_261 = arith.constant 1 : i32
          %add3A_262 = arith.addi %select_n3A_59, %add3A_261 : i32
          %rem3A_263 = arith.constant 2 : i32
          %rem3A_264 = arith.remsi %add3A_262, %rem3A_263 : i32
          %mul3A_265 = arith.constant 16 : i32
          %mul3A_266 = arith.muli %rem3A_264, %mul3A_265 : i32
          %multiple_of3A_267 = tpu.assume_multiple %mul3A_266, 8 : i32
          %dma_start3A = arith.constant 0 : i32
          %dma_start3A_268 = tpu.memref_slice %arg7[%multiple_of3A_267, %dma_start3A] : memref<32x64xi32, #tpu.memory_space<vmem>> -> memref<16x64xi32, #tpu.memory_space<vmem>>
          %dma_start3A_269 = arith.constant 0 : i32
          %dma_start3A_270 = tpu.memref_slice %arg3[%multiple_of3A_260, %dma_start3A_269] : memref<5120x64xi32, #tpu.memory_space<hbm>> -> memref<16x64xi32, #tpu.memory_space<hbm>>
          %dma_start3A_271 = arith.constant 0 : i32
          %dma_start3A_272 = tpu.memref_slice %arg7[%multiple_of3A_267, %dma_start3A_271] : memref<32x64xi32, #tpu.memory_space<vmem>> -> memref<16x64xi32, #tpu.memory_space<vmem>>
          %dma_start3A_273 = arith.constant 0 : i32
          %dma_start3A_274 = tpu.memref_slice %arg3[%multiple_of3A_260, %dma_start3A_273] : memref<5120x64xi32, #tpu.memory_space<hbm>> -> memref<16x64xi32, #tpu.memory_space<hbm>>
          tpu.enqueue_dma source(%dma_start3A_274 : memref<16x64xi32, #tpu.memory_space<hbm>>) target(%dma_start3A_272 : memref<16x64xi32, #tpu.memory_space<vmem>>) target_semaphore(%arg18 : memref<!tpu.dma_semaphore, #tpu.memory_space<semaphore_mem>>)
          %add3A_275 = arith.constant 16 : i32
          %add3A_276 = arith.addi %add3A_39, %add3A_275 : i32
          %add3A_277 = arith.addi %multiple_of3A, %add3A_276 : i32
          %multiple_of3A_278 = tpu.assume_multiple %add3A_277, 8 : i32
          %add3A_279 = arith.constant 1 : i32
          %add3A_280 = arith.addi %select_n3A_59, %add3A_279 : i32
          %rem3A_281 = arith.constant 2 : i32
          %rem3A_282 = arith.remsi %add3A_280, %rem3A_281 : i32
          %mul3A_283 = arith.constant 16 : i32
          %mul3A_284 = arith.muli %rem3A_282, %mul3A_283 : i32
          %multiple_of3A_285 = tpu.assume_multiple %mul3A_284, 8 : i32
          %dma_start3A_286 = arith.constant 0 : i32
          %dma_start3A_287 = tpu.memref_slice %arg8[%multiple_of3A_285, %dma_start3A_286] : memref<32x64xi32, #tpu.memory_space<vmem>> -> memref<16x64xi32, #tpu.memory_space<vmem>>
          %dma_start3A_288 = arith.constant 0 : i32
          %dma_start3A_289 = tpu.memref_slice %arg4[%multiple_of3A_278, %dma_start3A_288] : memref<5120x64xi32, #tpu.memory_space<hbm>> -> memref<16x64xi32, #tpu.memory_space<hbm>>
          %dma_start3A_290 = arith.constant 0 : i32
          %dma_start3A_291 = tpu.memref_slice %arg8[%multiple_of3A_285, %dma_start3A_290] : memref<32x64xi32, #tpu.memory_space<vmem>> -> memref<16x64xi32, #tpu.memory_space<vmem>>
          %dma_start3A_292 = arith.constant 0 : i32
          %dma_start3A_293 = tpu.memref_slice %arg4[%multiple_of3A_278, %dma_start3A_292] : memref<5120x64xi32, #tpu.memory_space<hbm>> -> memref<16x64xi32, #tpu.memory_space<hbm>>
          tpu.enqueue_dma source(%dma_start3A_293 : memref<16x64xi32, #tpu.memory_space<hbm>>) target(%dma_start3A_291 : memref<16x64xi32, #tpu.memory_space<vmem>>) target_semaphore(%arg19 : memref<!tpu.dma_semaphore, #tpu.memory_space<semaphore_mem>>)
        } else {
        }
      } else {
      }
      %dma_wait3A = arith.constant 0 : i32
      %dma_wait3A_70 = arith.constant 0 : i32
      %dma_wait3A_71 = tpu.memref_slice %arg7[%dma_wait3A, %dma_wait3A_70] : memref<32x64xi32, #tpu.memory_space<vmem>> -> memref<1x64xi32, #tpu.memory_space<vmem>>
      %dma_wait3A_72 = tpu.memref_squeeze %dma_wait3A_71 : memref<1x64xi32, #tpu.memory_space<vmem>> -> memref<64xi32, #tpu.memory_space<vmem>>
      %dma_wait3A_73 = arith.constant 0 : i32
      %dma_wait3A_74 = arith.constant 0 : i32
      %dma_wait3A_75 = tpu.memref_slice %arg2[%dma_wait3A_73, %dma_wait3A_74] : memref<10240x128xf32, #tpu.memory_space<hbm>> -> memref<10240x128xf32, #tpu.memory_space<hbm>>
      tpu.wait_indirect_dma semaphore(%arg14 : memref<!tpu.dma_semaphore, #tpu.memory_space<semaphore_mem>>) src(%dma_wait3A_75 : memref<10240x128xf32, #tpu.memory_space<hbm>>) dst(%arg9 : memref<64x128xf32, #tpu.memory_space<vmem>>)
      %rem3A_76 = arith.constant 32 : i32
      %rem3A_77 = arith.remsi %add3A_39, %rem3A_76 : i32
      "tpu.region"() ({
        %run_scoped3A = tpu.sem_alloc : memref<!tpu.dma_semaphore, #tpu.memory_space<semaphore_mem>>
        %dma_start3A = arith.constant 0 : i32
        %dma_start3A_236 = tpu.memref_slice %arg8[%rem3A_77, %dma_start3A] : memref<32x64xi32, #tpu.memory_space<vmem>> -> memref<1x64xi32, #tpu.memory_space<vmem>>
        %dma_start3A_237 = tpu.memref_squeeze %dma_start3A_236 : memref<1x64xi32, #tpu.memory_space<vmem>> -> memref<64xi32, #tpu.memory_space<vmem>>
        %dma_start3A_238 = arith.constant 0 : i32
        %dma_start3A_239 = arith.constant 0 : i32
        %dma_start3A_240 = tpu.memref_slice %arg13[%dma_start3A_238, %dma_start3A_239] : memref<10240x128xf32, #tpu.memory_space<vmem_shared>> -> memref<10240x128xf32, #tpu.memory_space<vmem_shared>>
        tpu.enqueue_indirect_dma source(%arg9 : memref<64x128xf32, #tpu.memory_space<vmem>>) target(%dma_start3A_240 : memref<10240x128xf32, #tpu.memory_space<vmem_shared>>) offsets(%dma_start3A_237 : memref<64xi32, #tpu.memory_space<vmem>>) semaphore(%run_scoped3A : memref<!tpu.dma_semaphore, #tpu.memory_space<semaphore_mem>>) {add = true}
        %dma_wait3A_241 = arith.constant 0 : i32
        %dma_wait3A_242 = tpu.memref_slice %arg8[%rem3A_77, %dma_wait3A_241] : memref<32x64xi32, #tpu.memory_space<vmem>> -> memref<1x64xi32, #tpu.memory_space<vmem>>
        %dma_wait3A_243 = tpu.memref_squeeze %dma_wait3A_242 : memref<1x64xi32, #tpu.memory_space<vmem>> -> memref<64xi32, #tpu.memory_space<vmem>>
        %dma_wait3A_244 = arith.constant 0 : i32
        %dma_wait3A_245 = arith.constant 0 : i32
        %dma_wait3A_246 = tpu.memref_slice %arg13[%dma_wait3A_244, %dma_wait3A_245] : memref<10240x128xf32, #tpu.memory_space<vmem_shared>> -> memref<10240x128xf32, #tpu.memory_space<vmem_shared>>
        tpu.wait_indirect_dma semaphore(%run_scoped3A : memref<!tpu.dma_semaphore, #tpu.memory_space<semaphore_mem>>) src(%arg9 : memref<64x128xf32, #tpu.memory_space<vmem>>) dst(%dma_wait3A_246 : memref<10240x128xf32, #tpu.memory_space<vmem_shared>>)
        tpu.yield
      }) : () -> ()
      %add3A_78 = arith.constant 4 : i32
      %add3A_79 = arith.addi %add3A_39, %add3A_78 : i32
      %lt3A = arith.cmpi slt, %add3A_79, %select_n3A : i32
      %convert_element_type3A_80 = arith.extui %lt3A : i1 to i32
      %cond3A_81 = arith.constant 0 : i32
      %cond3A_82 = arith.cmpi ne, %convert_element_type3A_80, %cond3A_81 : i32
      scf.if %cond3A_82 {
        %rem3A_236 = arith.constant 16 : i32
        %rem3A_237 = arith.remsi %add3A_79, %rem3A_236 : i32
        %eq3A_238 = arith.constant 0 : i32
        %eq3A_239 = arith.cmpi eq, %rem3A_237, %eq3A_238 : i32
        %convert_element_type3A_240 = arith.extui %eq3A_239 : i1 to i32
        %cond3A_241 = arith.constant 0 : i32
        %cond3A_242 = arith.cmpi ne, %convert_element_type3A_240, %cond3A_241 : i32
        scf.if %cond3A_242 {
          %add3A_250 = arith.addi %multiple_of3A, %add3A_79 : i32
          %multiple_of3A_251 = tpu.assume_multiple %add3A_250, 8 : i32
          %jit3A_252 = arith.constant 16 : i32
          %div3A_253 = arith.divsi %add3A_79, %jit3A_252 : i32
          %sign3A_254 = arith.constant 0 : i32
          %sign3A_255 = arith.cmpi sgt, %add3A_79, %sign3A_254 : i32
          %sign3A_256 = arith.extui %sign3A_255 : i1 to i32
          %sign3A_257 = arith.constant 0 : i32
          %sign3A_258 = arith.cmpi slt, %add3A_79, %sign3A_257 : i32
          %sign3A_259 = arith.extui %sign3A_258 : i1 to i32
          %sign3A_260 = arith.subi %sign3A_256, %sign3A_259 : i32
          %sign3A_261 = arith.constant 0 : i32
          %sign3A_262 = arith.cmpi sgt, %jit3A_252, %sign3A_261 : i32
          %sign3A_263 = arith.extui %sign3A_262 : i1 to i32
          %sign3A_264 = arith.constant 0 : i32
          %sign3A_265 = arith.cmpi slt, %jit3A_252, %sign3A_264 : i32
          %sign3A_266 = arith.extui %sign3A_265 : i1 to i32
          %sign3A_267 = arith.subi %sign3A_263, %sign3A_266 : i32
          %ne3A_268 = arith.cmpi ne, %sign3A_260, %sign3A_267 : i32
          %rem3A_269 = arith.remsi %add3A_79, %jit3A_252 : i32
          %ne3A_270 = arith.constant 0 : i32
          %ne3A_271 = arith.cmpi ne, %rem3A_269, %ne3A_270 : i32
          %and3A_272 = arith.andi %ne3A_268, %ne3A_271 : i1
          %sub3A_273 = arith.constant 1 : i32
          %sub3A_274 = arith.subi %div3A_253, %sub3A_273 : i32
          %select_n3A_275 = arith.select %and3A_272, %sub3A_274, %div3A_253 : i32
          %rem3A_276 = arith.constant 2 : i32
          %rem3A_277 = arith.remsi %select_n3A_275, %rem3A_276 : i32
          %mul3A_278 = arith.constant 16 : i32
          %mul3A_279 = arith.muli %rem3A_277, %mul3A_278 : i32
          %multiple_of3A_280 = tpu.assume_multiple %mul3A_279, 8 : i32
          %dma_wait3A_281 = arith.constant 0 : i32
          %dma_wait3A_282 = tpu.memref_slice %arg7[%multiple_of3A_280, %dma_wait3A_281] : memref<32x64xi32, #tpu.memory_space<vmem>> -> memref<16x64xi32, #tpu.memory_space<vmem>>
          %dma_wait3A_283 = arith.constant 0 : i32
          %dma_wait3A_284 = tpu.memref_slice %arg3[%multiple_of3A_251, %dma_wait3A_283] : memref<5120x64xi32, #tpu.memory_space<hbm>> -> memref<16x64xi32, #tpu.memory_space<hbm>>
          %dma_wait3A_285 = arith.constant 0 : i32
          %dma_wait3A_286 = tpu.memref_slice %arg7[%multiple_of3A_280, %dma_wait3A_285] : memref<32x64xi32, #tpu.memory_space<vmem>> -> memref<16x64xi32, #tpu.memory_space<vmem>>
          %dma_wait3A_287 = arith.constant 0 : i32
          %dma_wait3A_288 = tpu.memref_slice %arg3[%multiple_of3A_251, %dma_wait3A_287] : memref<5120x64xi32, #tpu.memory_space<hbm>> -> memref<16x64xi32, #tpu.memory_space<hbm>>
          tpu.wait_dma2 semaphore(%arg18 : memref<!tpu.dma_semaphore, #tpu.memory_space<semaphore_mem>>) src(%dma_wait3A_288 : memref<16x64xi32, #tpu.memory_space<hbm>>) dst(%dma_wait3A_286 : memref<16x64xi32, #tpu.memory_space<vmem>>)
        } else {
        }
        %rem3A_243 = arith.constant 32 : i32
        %rem3A_244 = arith.remsi %add3A_79, %rem3A_243 : i32
        %dma_start3A = arith.constant 0 : i32
        %dma_start3A_245 = tpu.memref_slice %arg7[%rem3A_244, %dma_start3A] : memref<32x64xi32, #tpu.memory_space<vmem>> -> memref<1x64xi32, #tpu.memory_space<vmem>>
        %dma_start3A_246 = tpu.memref_squeeze %dma_start3A_245 : memref<1x64xi32, #tpu.memory_space<vmem>> -> memref<64xi32, #tpu.memory_space<vmem>>
        %dma_start3A_247 = arith.constant 0 : i32
        %dma_start3A_248 = arith.constant 0 : i32
        %dma_start3A_249 = tpu.memref_slice %arg2[%dma_start3A_247, %dma_start3A_248] : memref<10240x128xf32, #tpu.memory_space<hbm>> -> memref<10240x128xf32, #tpu.memory_space<hbm>>
        tpu.enqueue_indirect_dma source(%dma_start3A_249 : memref<10240x128xf32, #tpu.memory_space<hbm>>) target(%arg9 : memref<64x128xf32, #tpu.memory_space<vmem>>) offsets(%dma_start3A_246 : memref<64xi32, #tpu.memory_space<vmem>>) semaphore(%arg14 : memref<!tpu.dma_semaphore, #tpu.memory_space<semaphore_mem>>)
      } else {
      }
      %add3A_83 = arith.constant 1 : i32
      %add3A_84 = arith.addi %add3A_37, %add3A_83 : i32
      %jit3A_85 = arith.constant 16 : i32
      %div3A_86 = arith.divsi %add3A_84, %jit3A_85 : i32
      %sign3A_87 = arith.constant 0 : i32
      %sign3A_88 = arith.cmpi sgt, %add3A_84, %sign3A_87 : i32
      %sign3A_89 = arith.extui %sign3A_88 : i1 to i32
      %sign3A_90 = arith.constant 0 : i32
      %sign3A_91 = arith.cmpi slt, %add3A_84, %sign3A_90 : i32
      %sign3A_92 = arith.extui %sign3A_91 : i1 to i32
      %sign3A_93 = arith.subi %sign3A_89, %sign3A_92 : i32
      %sign3A_94 = arith.constant 0 : i32
      %sign3A_95 = arith.cmpi sgt, %jit3A_85, %sign3A_94 : i32
      %sign3A_96 = arith.extui %sign3A_95 : i1 to i32
      %sign3A_97 = arith.constant 0 : i32
      %sign3A_98 = arith.cmpi slt, %jit3A_85, %sign3A_97 : i32
      %sign3A_99 = arith.extui %sign3A_98 : i1 to i32
      %sign3A_100 = arith.subi %sign3A_96, %sign3A_99 : i32
      %ne3A_101 = arith.cmpi ne, %sign3A_93, %sign3A_100 : i32
      %rem3A_102 = arith.remsi %add3A_84, %jit3A_85 : i32
      %ne3A_103 = arith.constant 0 : i32
      %ne3A_104 = arith.cmpi ne, %rem3A_102, %ne3A_103 : i32
      %and3A_105 = arith.andi %ne3A_101, %ne3A_104 : i1
      %sub3A_106 = arith.constant 1 : i32
      %sub3A_107 = arith.subi %div3A_86, %sub3A_106 : i32
      %select_n3A_108 = arith.select %and3A_105, %sub3A_107, %div3A_86 : i32
      %rem3A_109 = arith.constant 16 : i32
      %rem3A_110 = arith.remsi %add3A_84, %rem3A_109 : i32
      %eq3A_111 = arith.constant 0 : i32
      %eq3A_112 = arith.cmpi eq, %rem3A_110, %eq3A_111 : i32
      %gt3A_113 = arith.constant 0 : i32
      %gt3A_114 = arith.cmpi sgt, %add3A_84, %gt3A_113 : i32
      %and3A_115 = arith.andi %eq3A_112, %gt3A_114 : i1
      %convert_element_type3A_116 = arith.extui %and3A_115 : i1 to i32
      %cond3A_117 = arith.constant 0 : i32
      %cond3A_118 = arith.cmpi ne, %convert_element_type3A_116, %cond3A_117 : i32
      scf.if %cond3A_118 {
        %add3A_236 = arith.addi %multiple_of3A, %add3A_84 : i32
        %multiple_of3A_237 = tpu.assume_multiple %add3A_236, 8 : i32
        %rem3A_238 = arith.constant 2 : i32
        %rem3A_239 = arith.remsi %select_n3A_108, %rem3A_238 : i32
        %mul3A_240 = arith.constant 16 : i32
        %mul3A_241 = arith.muli %rem3A_239, %mul3A_240 : i32
        %multiple_of3A_242 = tpu.assume_multiple %mul3A_241, 8 : i32
        %dma_wait3A_243 = arith.constant 0 : i32
        %dma_wait3A_244 = tpu.memref_slice %arg8[%multiple_of3A_242, %dma_wait3A_243] : memref<32x64xi32, #tpu.memory_space<vmem>> -> memref<16x64xi32, #tpu.memory_space<vmem>>
        %dma_wait3A_245 = arith.constant 0 : i32
        %dma_wait3A_246 = tpu.memref_slice %arg4[%multiple_of3A_237, %dma_wait3A_245] : memref<5120x64xi32, #tpu.memory_space<hbm>> -> memref<16x64xi32, #tpu.memory_space<hbm>>
        %dma_wait3A_247 = arith.constant 0 : i32
        %dma_wait3A_248 = tpu.memref_slice %arg8[%multiple_of3A_242, %dma_wait3A_247] : memref<32x64xi32, #tpu.memory_space<vmem>> -> memref<16x64xi32, #tpu.memory_space<vmem>>
        %dma_wait3A_249 = arith.constant 0 : i32
        %dma_wait3A_250 = tpu.memref_slice %arg4[%multiple_of3A_237, %dma_wait3A_249] : memref<5120x64xi32, #tpu.memory_space<hbm>> -> memref<16x64xi32, #tpu.memory_space<hbm>>
        tpu.wait_dma2 semaphore(%arg19 : memref<!tpu.dma_semaphore, #tpu.memory_space<semaphore_mem>>) src(%dma_wait3A_250 : memref<16x64xi32, #tpu.memory_space<hbm>>) dst(%dma_wait3A_248 : memref<16x64xi32, #tpu.memory_space<vmem>>)
        %add3A_251 = arith.constant 16 : i32
        %add3A_252 = arith.addi %add3A_84, %add3A_251 : i32
        %lt3A_253 = arith.cmpi slt, %add3A_252, %select_n3A : i32
        %convert_element_type3A_254 = arith.extui %lt3A_253 : i1 to i32
        %cond3A_255 = arith.constant 0 : i32
        %cond3A_256 = arith.cmpi ne, %convert_element_type3A_254, %cond3A_255 : i32
        scf.if %cond3A_256 {
          %add3A_257 = arith.constant 16 : i32
          %add3A_258 = arith.addi %add3A_84, %add3A_257 : i32
          %add3A_259 = arith.addi %multiple_of3A, %add3A_258 : i32
          %multiple_of3A_260 = tpu.assume_multiple %add3A_259, 8 : i32
          %add3A_261 = arith.constant 1 : i32
          %add3A_262 = arith.addi %select_n3A_108, %add3A_261 : i32
          %rem3A_263 = arith.constant 2 : i32
          %rem3A_264 = arith.remsi %add3A_262, %rem3A_263 : i32
          %mul3A_265 = arith.constant 16 : i32
          %mul3A_266 = arith.muli %rem3A_264, %mul3A_265 : i32
          %multiple_of3A_267 = tpu.assume_multiple %mul3A_266, 8 : i32
          %dma_start3A = arith.constant 0 : i32
          %dma_start3A_268 = tpu.memref_slice %arg7[%multiple_of3A_267, %dma_start3A] : memref<32x64xi32, #tpu.memory_space<vmem>> -> memref<16x64xi32, #tpu.memory_space<vmem>>
          %dma_start3A_269 = arith.constant 0 : i32
          %dma_start3A_270 = tpu.memref_slice %arg3[%multiple_of3A_260, %dma_start3A_269] : memref<5120x64xi32, #tpu.memory_space<hbm>> -> memref<16x64xi32, #tpu.memory_space<hbm>>
          %dma_start3A_271 = arith.constant 0 : i32
          %dma_start3A_272 = tpu.memref_slice %arg7[%multiple_of3A_267, %dma_start3A_271] : memref<32x64xi32, #tpu.memory_space<vmem>> -> memref<16x64xi32, #tpu.memory_space<vmem>>
          %dma_start3A_273 = arith.constant 0 : i32
          %dma_start3A_274 = tpu.memref_slice %arg3[%multiple_of3A_260, %dma_start3A_273] : memref<5120x64xi32, #tpu.memory_space<hbm>> -> memref<16x64xi32, #tpu.memory_space<hbm>>
          tpu.enqueue_dma source(%dma_start3A_274 : memref<16x64xi32, #tpu.memory_space<hbm>>) target(%dma_start3A_272 : memref<16x64xi32, #tpu.memory_space<vmem>>) target_semaphore(%arg18 : memref<!tpu.dma_semaphore, #tpu.memory_space<semaphore_mem>>)
          %add3A_275 = arith.constant 16 : i32
          %add3A_276 = arith.addi %add3A_84, %add3A_275 : i32
          %add3A_277 = arith.addi %multiple_of3A, %add3A_276 : i32
          %multiple_of3A_278 = tpu.assume_multiple %add3A_277, 8 : i32
          %add3A_279 = arith.constant 1 : i32
          %add3A_280 = arith.addi %select_n3A_108, %add3A_279 : i32
          %rem3A_281 = arith.constant 2 : i32
          %rem3A_282 = arith.remsi %add3A_280, %rem3A_281 : i32
          %mul3A_283 = arith.constant 16 : i32
          %mul3A_284 = arith.muli %rem3A_282, %mul3A_283 : i32
          %multiple_of3A_285 = tpu.assume_multiple %mul3A_284, 8 : i32
          %dma_start3A_286 = arith.constant 0 : i32
          %dma_start3A_287 = tpu.memref_slice %arg8[%multiple_of3A_285, %dma_start3A_286] : memref<32x64xi32, #tpu.memory_space<vmem>> -> memref<16x64xi32, #tpu.memory_space<vmem>>
          %dma_start3A_288 = arith.constant 0 : i32
          %dma_start3A_289 = tpu.memref_slice %arg4[%multiple_of3A_278, %dma_start3A_288] : memref<5120x64xi32, #tpu.memory_space<hbm>> -> memref<16x64xi32, #tpu.memory_space<hbm>>
          %dma_start3A_290 = arith.constant 0 : i32
          %dma_start3A_291 = tpu.memref_slice %arg8[%multiple_of3A_285, %dma_start3A_290] : memref<32x64xi32, #tpu.memory_space<vmem>> -> memref<16x64xi32, #tpu.memory_space<vmem>>
          %dma_start3A_292 = arith.constant 0 : i32
          %dma_start3A_293 = tpu.memref_slice %arg4[%multiple_of3A_278, %dma_start3A_292] : memref<5120x64xi32, #tpu.memory_space<hbm>> -> memref<16x64xi32, #tpu.memory_space<hbm>>
          tpu.enqueue_dma source(%dma_start3A_293 : memref<16x64xi32, #tpu.memory_space<hbm>>) target(%dma_start3A_291 : memref<16x64xi32, #tpu.memory_space<vmem>>) target_semaphore(%arg19 : memref<!tpu.dma_semaphore, #tpu.memory_space<semaphore_mem>>)
        } else {
        }
      } else {
      }
      %dma_wait3A_119 = arith.constant 0 : i32
      %dma_wait3A_120 = arith.constant 0 : i32
      %dma_wait3A_121 = tpu.memref_slice %arg7[%dma_wait3A_119, %dma_wait3A_120] : memref<32x64xi32, #tpu.memory_space<vmem>> -> memref<1x64xi32, #tpu.memory_space<vmem>>
      %dma_wait3A_122 = tpu.memref_squeeze %dma_wait3A_121 : memref<1x64xi32, #tpu.memory_space<vmem>> -> memref<64xi32, #tpu.memory_space<vmem>>
      %dma_wait3A_123 = arith.constant 0 : i32
      %dma_wait3A_124 = arith.constant 0 : i32
      %dma_wait3A_125 = tpu.memref_slice %arg2[%dma_wait3A_123, %dma_wait3A_124] : memref<10240x128xf32, #tpu.memory_space<hbm>> -> memref<10240x128xf32, #tpu.memory_space<hbm>>
      tpu.wait_indirect_dma semaphore(%arg15 : memref<!tpu.dma_semaphore, #tpu.memory_space<semaphore_mem>>) src(%dma_wait3A_125 : memref<10240x128xf32, #tpu.memory_space<hbm>>) dst(%arg10 : memref<64x128xf32, #tpu.memory_space<vmem>>)
      %rem3A_126 = arith.constant 32 : i32
      %rem3A_127 = arith.remsi %add3A_84, %rem3A_126 : i32
      "tpu.region"() ({
        %run_scoped3A = tpu.sem_alloc : memref<!tpu.dma_semaphore, #tpu.memory_space<semaphore_mem>>
        %dma_start3A = arith.constant 0 : i32
        %dma_start3A_236 = tpu.memref_slice %arg8[%rem3A_127, %dma_start3A] : memref<32x64xi32, #tpu.memory_space<vmem>> -> memref<1x64xi32, #tpu.memory_space<vmem>>
        %dma_start3A_237 = tpu.memref_squeeze %dma_start3A_236 : memref<1x64xi32, #tpu.memory_space<vmem>> -> memref<64xi32, #tpu.memory_space<vmem>>
        %dma_start3A_238 = arith.constant 0 : i32
        %dma_start3A_239 = arith.constant 0 : i32
        %dma_start3A_240 = tpu.memref_slice %arg13[%dma_start3A_238, %dma_start3A_239] : memref<10240x128xf32, #tpu.memory_space<vmem_shared>> -> memref<10240x128xf32, #tpu.memory_space<vmem_shared>>
        tpu.enqueue_indirect_dma source(%arg10 : memref<64x128xf32, #tpu.memory_space<vmem>>) target(%dma_start3A_240 : memref<10240x128xf32, #tpu.memory_space<vmem_shared>>) offsets(%dma_start3A_237 : memref<64xi32, #tpu.memory_space<vmem>>) semaphore(%run_scoped3A : memref<!tpu.dma_semaphore, #tpu.memory_space<semaphore_mem>>) {add = true}
        %dma_wait3A_241 = arith.constant 0 : i32
        %dma_wait3A_242 = tpu.memref_slice %arg8[%rem3A_127, %dma_wait3A_241] : memref<32x64xi32, #tpu.memory_space<vmem>> -> memref<1x64xi32, #tpu.memory_space<vmem>>
        %dma_wait3A_243 = tpu.memref_squeeze %dma_wait3A_242 : memref<1x64xi32, #tpu.memory_space<vmem>> -> memref<64xi32, #tpu.memory_space<vmem>>
        %dma_wait3A_244 = arith.constant 0 : i32
        %dma_wait3A_245 = arith.constant 0 : i32
        %dma_wait3A_246 = tpu.memref_slice %arg13[%dma_wait3A_244, %dma_wait3A_245] : memref<10240x128xf32, #tpu.memory_space<vmem_shared>> -> memref<10240x128xf32, #tpu.memory_space<vmem_shared>>
        tpu.wait_indirect_dma semaphore(%run_scoped3A : memref<!tpu.dma_semaphore, #tpu.memory_space<semaphore_mem>>) src(%arg10 : memref<64x128xf32, #tpu.memory_space<vmem>>) dst(%dma_wait3A_246 : memref<10240x128xf32, #tpu.memory_space<vmem_shared>>)
        tpu.yield
      }) : () -> ()
      %add3A_128 = arith.constant 4 : i32
      %add3A_129 = arith.addi %add3A_84, %add3A_128 : i32
      %lt3A_130 = arith.cmpi slt, %add3A_129, %select_n3A : i32
      %convert_element_type3A_131 = arith.extui %lt3A_130 : i1 to i32
      %cond3A_132 = arith.constant 0 : i32
      %cond3A_133 = arith.cmpi ne, %convert_element_type3A_131, %cond3A_132 : i32
      scf.if %cond3A_133 {
        %rem3A_236 = arith.constant 16 : i32
        %rem3A_237 = arith.remsi %add3A_129, %rem3A_236 : i32
        %eq3A_238 = arith.constant 0 : i32
        %eq3A_239 = arith.cmpi eq, %rem3A_237, %eq3A_238 : i32
        %convert_element_type3A_240 = arith.extui %eq3A_239 : i1 to i32
        %cond3A_241 = arith.constant 0 : i32
        %cond3A_242 = arith.cmpi ne, %convert_element_type3A_240, %cond3A_241 : i32
        scf.if %cond3A_242 {
          %add3A_250 = arith.addi %multiple_of3A, %add3A_129 : i32
          %multiple_of3A_251 = tpu.assume_multiple %add3A_250, 8 : i32
          %jit3A_252 = arith.constant 16 : i32
          %div3A_253 = arith.divsi %add3A_129, %jit3A_252 : i32
          %sign3A_254 = arith.constant 0 : i32
          %sign3A_255 = arith.cmpi sgt, %add3A_129, %sign3A_254 : i32
          %sign3A_256 = arith.extui %sign3A_255 : i1 to i32
          %sign3A_257 = arith.constant 0 : i32
          %sign3A_258 = arith.cmpi slt, %add3A_129, %sign3A_257 : i32
          %sign3A_259 = arith.extui %sign3A_258 : i1 to i32
          %sign3A_260 = arith.subi %sign3A_256, %sign3A_259 : i32
          %sign3A_261 = arith.constant 0 : i32
          %sign3A_262 = arith.cmpi sgt, %jit3A_252, %sign3A_261 : i32
          %sign3A_263 = arith.extui %sign3A_262 : i1 to i32
          %sign3A_264 = arith.constant 0 : i32
          %sign3A_265 = arith.cmpi slt, %jit3A_252, %sign3A_264 : i32
          %sign3A_266 = arith.extui %sign3A_265 : i1 to i32
          %sign3A_267 = arith.subi %sign3A_263, %sign3A_266 : i32
          %ne3A_268 = arith.cmpi ne, %sign3A_260, %sign3A_267 : i32
          %rem3A_269 = arith.remsi %add3A_129, %jit3A_252 : i32
          %ne3A_270 = arith.constant 0 : i32
          %ne3A_271 = arith.cmpi ne, %rem3A_269, %ne3A_270 : i32
          %and3A_272 = arith.andi %ne3A_268, %ne3A_271 : i1
          %sub3A_273 = arith.constant 1 : i32
          %sub3A_274 = arith.subi %div3A_253, %sub3A_273 : i32
          %select_n3A_275 = arith.select %and3A_272, %sub3A_274, %div3A_253 : i32
          %rem3A_276 = arith.constant 2 : i32
          %rem3A_277 = arith.remsi %select_n3A_275, %rem3A_276 : i32
          %mul3A_278 = arith.constant 16 : i32
          %mul3A_279 = arith.muli %rem3A_277, %mul3A_278 : i32
          %multiple_of3A_280 = tpu.assume_multiple %mul3A_279, 8 : i32
          %dma_wait3A_281 = arith.constant 0 : i32
          %dma_wait3A_282 = tpu.memref_slice %arg7[%multiple_of3A_280, %dma_wait3A_281] : memref<32x64xi32, #tpu.memory_space<vmem>> -> memref<16x64xi32, #tpu.memory_space<vmem>>
          %dma_wait3A_283 = arith.constant 0 : i32
          %dma_wait3A_284 = tpu.memref_slice %arg3[%multiple_of3A_251, %dma_wait3A_283] : memref<5120x64xi32, #tpu.memory_space<hbm>> -> memref<16x64xi32, #tpu.memory_space<hbm>>
          %dma_wait3A_285 = arith.constant 0 : i32
          %dma_wait3A_286 = tpu.memref_slice %arg7[%multiple_of3A_280, %dma_wait3A_285] : memref<32x64xi32, #tpu.memory_space<vmem>> -> memref<16x64xi32, #tpu.memory_space<vmem>>
          %dma_wait3A_287 = arith.constant 0 : i32
          %dma_wait3A_288 = tpu.memref_slice %arg3[%multiple_of3A_251, %dma_wait3A_287] : memref<5120x64xi32, #tpu.memory_space<hbm>> -> memref<16x64xi32, #tpu.memory_space<hbm>>
          tpu.wait_dma2 semaphore(%arg18 : memref<!tpu.dma_semaphore, #tpu.memory_space<semaphore_mem>>) src(%dma_wait3A_288 : memref<16x64xi32, #tpu.memory_space<hbm>>) dst(%dma_wait3A_286 : memref<16x64xi32, #tpu.memory_space<vmem>>)
        } else {
        }
        %rem3A_243 = arith.constant 32 : i32
        %rem3A_244 = arith.remsi %add3A_129, %rem3A_243 : i32
        %dma_start3A = arith.constant 0 : i32
        %dma_start3A_245 = tpu.memref_slice %arg7[%rem3A_244, %dma_start3A] : memref<32x64xi32, #tpu.memory_space<vmem>> -> memref<1x64xi32, #tpu.memory_space<vmem>>
        %dma_start3A_246 = tpu.memref_squeeze %dma_start3A_245 : memref<1x64xi32, #tpu.memory_space<vmem>> -> memref<64xi32, #tpu.memory_space<vmem>>
        %dma_start3A_247 = arith.constant 0 : i32
        %dma_start3A_248 = arith.constant 0 : i32
        %dma_start3A_249 = tpu.memref_slice %arg2[%dma_start3A_247, %dma_start3A_248] : memref<10240x128xf32, #tpu.memory_space<hbm>> -> memref<10240x128xf32, #tpu.memory_space<hbm>>
        tpu.enqueue_indirect_dma source(%dma_start3A_249 : memref<10240x128xf32, #tpu.memory_space<hbm>>) target(%arg10 : memref<64x128xf32, #tpu.memory_space<vmem>>) offsets(%dma_start3A_246 : memref<64xi32, #tpu.memory_space<vmem>>) semaphore(%arg15 : memref<!tpu.dma_semaphore, #tpu.memory_space<semaphore_mem>>)
      } else {
      }
      %add3A_134 = arith.constant 2 : i32
      %add3A_135 = arith.addi %add3A_37, %add3A_134 : i32
      %jit3A_136 = arith.constant 16 : i32
      %div3A_137 = arith.divsi %add3A_135, %jit3A_136 : i32
      %sign3A_138 = arith.constant 0 : i32
      %sign3A_139 = arith.cmpi sgt, %add3A_135, %sign3A_138 : i32
      %sign3A_140 = arith.extui %sign3A_139 : i1 to i32
      %sign3A_141 = arith.constant 0 : i32
      %sign3A_142 = arith.cmpi slt, %add3A_135, %sign3A_141 : i32
      %sign3A_143 = arith.extui %sign3A_142 : i1 to i32
      %sign3A_144 = arith.subi %sign3A_140, %sign3A_143 : i32
      %sign3A_145 = arith.constant 0 : i32
      %sign3A_146 = arith.cmpi sgt, %jit3A_136, %sign3A_145 : i32
      %sign3A_147 = arith.extui %sign3A_146 : i1 to i32
      %sign3A_148 = arith.constant 0 : i32
      %sign3A_149 = arith.cmpi slt, %jit3A_136, %sign3A_148 : i32
      %sign3A_150 = arith.extui %sign3A_149 : i1 to i32
      %sign3A_151 = arith.subi %sign3A_147, %sign3A_150 : i32
      %ne3A_152 = arith.cmpi ne, %sign3A_144, %sign3A_151 : i32
      %rem3A_153 = arith.remsi %add3A_135, %jit3A_136 : i32
      %ne3A_154 = arith.constant 0 : i32
      %ne3A_155 = arith.cmpi ne, %rem3A_153, %ne3A_154 : i32
      %and3A_156 = arith.andi %ne3A_152, %ne3A_155 : i1
      %sub3A_157 = arith.constant 1 : i32
      %sub3A_158 = arith.subi %div3A_137, %sub3A_157 : i32
      %select_n3A_159 = arith.select %and3A_156, %sub3A_158, %div3A_137 : i32
      %rem3A_160 = arith.constant 16 : i32
      %rem3A_161 = arith.remsi %add3A_135, %rem3A_160 : i32
      %eq3A_162 = arith.constant 0 : i32
      %eq3A_163 = arith.cmpi eq, %rem3A_161, %eq3A_162 : i32
      %gt3A_164 = arith.constant 0 : i32
      %gt3A_165 = arith.cmpi sgt, %add3A_135, %gt3A_164 : i32
      %and3A_166 = arith.andi %eq3A_163, %gt3A_165 : i1
      %convert_element_type3A_167 = arith.extui %and3A_166 : i1 to i32
      %cond3A_168 = arith.constant 0 : i32
      %cond3A_169 = arith.cmpi ne, %convert_element_type3A_167, %cond3A_168 : i32
      scf.if %cond3A_169 {
        %add3A_236 = arith.addi %multiple_of3A, %add3A_135 : i32
        %multiple_of3A_237 = tpu.assume_multiple %add3A_236, 8 : i32
        %rem3A_238 = arith.constant 2 : i32
        %rem3A_239 = arith.remsi %select_n3A_159, %rem3A_238 : i32
        %mul3A_240 = arith.constant 16 : i32
        %mul3A_241 = arith.muli %rem3A_239, %mul3A_240 : i32
        %multiple_of3A_242 = tpu.assume_multiple %mul3A_241, 8 : i32
        %dma_wait3A_243 = arith.constant 0 : i32
        %dma_wait3A_244 = tpu.memref_slice %arg8[%multiple_of3A_242, %dma_wait3A_243] : memref<32x64xi32, #tpu.memory_space<vmem>> -> memref<16x64xi32, #tpu.memory_space<vmem>>
        %dma_wait3A_245 = arith.constant 0 : i32
        %dma_wait3A_246 = tpu.memref_slice %arg4[%multiple_of3A_237, %dma_wait3A_245] : memref<5120x64xi32, #tpu.memory_space<hbm>> -> memref<16x64xi32, #tpu.memory_space<hbm>>
        %dma_wait3A_247 = arith.constant 0 : i32
        %dma_wait3A_248 = tpu.memref_slice %arg8[%multiple_of3A_242, %dma_wait3A_247] : memref<32x64xi32, #tpu.memory_space<vmem>> -> memref<16x64xi32, #tpu.memory_space<vmem>>
        %dma_wait3A_249 = arith.constant 0 : i32
        %dma_wait3A_250 = tpu.memref_slice %arg4[%multiple_of3A_237, %dma_wait3A_249] : memref<5120x64xi32, #tpu.memory_space<hbm>> -> memref<16x64xi32, #tpu.memory_space<hbm>>
        tpu.wait_dma2 semaphore(%arg19 : memref<!tpu.dma_semaphore, #tpu.memory_space<semaphore_mem>>) src(%dma_wait3A_250 : memref<16x64xi32, #tpu.memory_space<hbm>>) dst(%dma_wait3A_248 : memref<16x64xi32, #tpu.memory_space<vmem>>)
        %add3A_251 = arith.constant 16 : i32
        %add3A_252 = arith.addi %add3A_135, %add3A_251 : i32
        %lt3A_253 = arith.cmpi slt, %add3A_252, %select_n3A : i32
        %convert_element_type3A_254 = arith.extui %lt3A_253 : i1 to i32
        %cond3A_255 = arith.constant 0 : i32
        %cond3A_256 = arith.cmpi ne, %convert_element_type3A_254, %cond3A_255 : i32
        scf.if %cond3A_256 {
          %add3A_257 = arith.constant 16 : i32
          %add3A_258 = arith.addi %add3A_135, %add3A_257 : i32
          %add3A_259 = arith.addi %multiple_of3A, %add3A_258 : i32
          %multiple_of3A_260 = tpu.assume_multiple %add3A_259, 8 : i32
          %add3A_261 = arith.constant 1 : i32
          %add3A_262 = arith.addi %select_n3A_159, %add3A_261 : i32
          %rem3A_263 = arith.constant 2 : i32
          %rem3A_264 = arith.remsi %add3A_262, %rem3A_263 : i32
          %mul3A_265 = arith.constant 16 : i32
          %mul3A_266 = arith.muli %rem3A_264, %mul3A_265 : i32
          %multiple_of3A_267 = tpu.assume_multiple %mul3A_266, 8 : i32
          %dma_start3A = arith.constant 0 : i32
          %dma_start3A_268 = tpu.memref_slice %arg7[%multiple_of3A_267, %dma_start3A] : memref<32x64xi32, #tpu.memory_space<vmem>> -> memref<16x64xi32, #tpu.memory_space<vmem>>
          %dma_start3A_269 = arith.constant 0 : i32
          %dma_start3A_270 = tpu.memref_slice %arg3[%multiple_of3A_260, %dma_start3A_269] : memref<5120x64xi32, #tpu.memory_space<hbm>> -> memref<16x64xi32, #tpu.memory_space<hbm>>
          %dma_start3A_271 = arith.constant 0 : i32
          %dma_start3A_272 = tpu.memref_slice %arg7[%multiple_of3A_267, %dma_start3A_271] : memref<32x64xi32, #tpu.memory_space<vmem>> -> memref<16x64xi32, #tpu.memory_space<vmem>>
          %dma_start3A_273 = arith.constant 0 : i32
          %dma_start3A_274 = tpu.memref_slice %arg3[%multiple_of3A_260, %dma_start3A_273] : memref<5120x64xi32, #tpu.memory_space<hbm>> -> memref<16x64xi32, #tpu.memory_space<hbm>>
          tpu.enqueue_dma source(%dma_start3A_274 : memref<16x64xi32, #tpu.memory_space<hbm>>) target(%dma_start3A_272 : memref<16x64xi32, #tpu.memory_space<vmem>>) target_semaphore(%arg18 : memref<!tpu.dma_semaphore, #tpu.memory_space<semaphore_mem>>)
          %add3A_275 = arith.constant 16 : i32
          %add3A_276 = arith.addi %add3A_135, %add3A_275 : i32
          %add3A_277 = arith.addi %multiple_of3A, %add3A_276 : i32
          %multiple_of3A_278 = tpu.assume_multiple %add3A_277, 8 : i32
          %add3A_279 = arith.constant 1 : i32
          %add3A_280 = arith.addi %select_n3A_159, %add3A_279 : i32
          %rem3A_281 = arith.constant 2 : i32
          %rem3A_282 = arith.remsi %add3A_280, %rem3A_281 : i32
          %mul3A_283 = arith.constant 16 : i32
          %mul3A_284 = arith.muli %rem3A_282, %mul3A_283 : i32
          %multiple_of3A_285 = tpu.assume_multiple %mul3A_284, 8 : i32
          %dma_start3A_286 = arith.constant 0 : i32
          %dma_start3A_287 = tpu.memref_slice %arg8[%multiple_of3A_285, %dma_start3A_286] : memref<32x64xi32, #tpu.memory_space<vmem>> -> memref<16x64xi32, #tpu.memory_space<vmem>>
          %dma_start3A_288 = arith.constant 0 : i32
          %dma_start3A_289 = tpu.memref_slice %arg4[%multiple_of3A_278, %dma_start3A_288] : memref<5120x64xi32, #tpu.memory_space<hbm>> -> memref<16x64xi32, #tpu.memory_space<hbm>>
          %dma_start3A_290 = arith.constant 0 : i32
          %dma_start3A_291 = tpu.memref_slice %arg8[%multiple_of3A_285, %dma_start3A_290] : memref<32x64xi32, #tpu.memory_space<vmem>> -> memref<16x64xi32, #tpu.memory_space<vmem>>
          %dma_start3A_292 = arith.constant 0 : i32
          %dma_start3A_293 = tpu.memref_slice %arg4[%multiple_of3A_278, %dma_start3A_292] : memref<5120x64xi32, #tpu.memory_space<hbm>> -> memref<16x64xi32, #tpu.memory_space<hbm>>
          tpu.enqueue_dma source(%dma_start3A_293 : memref<16x64xi32, #tpu.memory_space<hbm>>) target(%dma_start3A_291 : memref<16x64xi32, #tpu.memory_space<vmem>>) target_semaphore(%arg19 : memref<!tpu.dma_semaphore, #tpu.memory_space<semaphore_mem>>)
        } else {
        }
      } else {
      }
      %dma_wait3A_170 = arith.constant 0 : i32
      %dma_wait3A_171 = arith.constant 0 : i32
      %dma_wait3A_172 = tpu.memref_slice %arg7[%dma_wait3A_170, %dma_wait3A_171] : memref<32x64xi32, #tpu.memory_space<vmem>> -> memref<1x64xi32, #tpu.memory_space<vmem>>
      %dma_wait3A_173 = tpu.memref_squeeze %dma_wait3A_172 : memref<1x64xi32, #tpu.memory_space<vmem>> -> memref<64xi32, #tpu.memory_space<vmem>>
      %dma_wait3A_174 = arith.constant 0 : i32
      %dma_wait3A_175 = arith.constant 0 : i32
      %dma_wait3A_176 = tpu.memref_slice %arg2[%dma_wait3A_174, %dma_wait3A_175] : memref<10240x128xf32, #tpu.memory_space<hbm>> -> memref<10240x128xf32, #tpu.memory_space<hbm>>
      tpu.wait_indirect_dma semaphore(%arg16 : memref<!tpu.dma_semaphore, #tpu.memory_space<semaphore_mem>>) src(%dma_wait3A_176 : memref<10240x128xf32, #tpu.memory_space<hbm>>) dst(%arg11 : memref<64x128xf32, #tpu.memory_space<vmem>>)
      %rem3A_177 = arith.constant 32 : i32
      %rem3A_178 = arith.remsi %add3A_135, %rem3A_177 : i32
      "tpu.region"() ({
        %run_scoped3A = tpu.sem_alloc : memref<!tpu.dma_semaphore, #tpu.memory_space<semaphore_mem>>
        %dma_start3A = arith.constant 0 : i32
        %dma_start3A_236 = tpu.memref_slice %arg8[%rem3A_178, %dma_start3A] : memref<32x64xi32, #tpu.memory_space<vmem>> -> memref<1x64xi32, #tpu.memory_space<vmem>>
        %dma_start3A_237 = tpu.memref_squeeze %dma_start3A_236 : memref<1x64xi32, #tpu.memory_space<vmem>> -> memref<64xi32, #tpu.memory_space<vmem>>
        %dma_start3A_238 = arith.constant 0 : i32
        %dma_start3A_239 = arith.constant 0 : i32
        %dma_start3A_240 = tpu.memref_slice %arg13[%dma_start3A_238, %dma_start3A_239] : memref<10240x128xf32, #tpu.memory_space<vmem_shared>> -> memref<10240x128xf32, #tpu.memory_space<vmem_shared>>
        tpu.enqueue_indirect_dma source(%arg11 : memref<64x128xf32, #tpu.memory_space<vmem>>) target(%dma_start3A_240 : memref<10240x128xf32, #tpu.memory_space<vmem_shared>>) offsets(%dma_start3A_237 : memref<64xi32, #tpu.memory_space<vmem>>) semaphore(%run_scoped3A : memref<!tpu.dma_semaphore, #tpu.memory_space<semaphore_mem>>) {add = true}
        %dma_wait3A_241 = arith.constant 0 : i32
        %dma_wait3A_242 = tpu.memref_slice %arg8[%rem3A_178, %dma_wait3A_241] : memref<32x64xi32, #tpu.memory_space<vmem>> -> memref<1x64xi32, #tpu.memory_space<vmem>>
        %dma_wait3A_243 = tpu.memref_squeeze %dma_wait3A_242 : memref<1x64xi32, #tpu.memory_space<vmem>> -> memref<64xi32, #tpu.memory_space<vmem>>
        %dma_wait3A_244 = arith.constant 0 : i32
        %dma_wait3A_245 = arith.constant 0 : i32
        %dma_wait3A_246 = tpu.memref_slice %arg13[%dma_wait3A_244, %dma_wait3A_245] : memref<10240x128xf32, #tpu.memory_space<vmem_shared>> -> memref<10240x128xf32, #tpu.memory_space<vmem_shared>>
        tpu.wait_indirect_dma semaphore(%run_scoped3A : memref<!tpu.dma_semaphore, #tpu.memory_space<semaphore_mem>>) src(%arg11 : memref<64x128xf32, #tpu.memory_space<vmem>>) dst(%dma_wait3A_246 : memref<10240x128xf32, #tpu.memory_space<vmem_shared>>)
        tpu.yield
      }) : () -> ()
      %add3A_179 = arith.constant 4 : i32
      %add3A_180 = arith.addi %add3A_135, %add3A_179 : i32
      %lt3A_181 = arith.cmpi slt, %add3A_180, %select_n3A : i32
      %convert_element_type3A_182 = arith.extui %lt3A_181 : i1 to i32
      %cond3A_183 = arith.constant 0 : i32
      %cond3A_184 = arith.cmpi ne, %convert_element_type3A_182, %cond3A_183 : i32
      scf.if %cond3A_184 {
        %rem3A_236 = arith.constant 16 : i32
        %rem3A_237 = arith.remsi %add3A_180, %rem3A_236 : i32
        %eq3A_238 = arith.constant 0 : i32
        %eq3A_239 = arith.cmpi eq, %rem3A_237, %eq3A_238 : i32
        %convert_element_type3A_240 = arith.extui %eq3A_239 : i1 to i32
        %cond3A_241 = arith.constant 0 : i32
        %cond3A_242 = arith.cmpi ne, %convert_element_type3A_240, %cond3A_241 : i32
        scf.if %cond3A_242 {
          %add3A_250 = arith.addi %multiple_of3A, %add3A_180 : i32
          %multiple_of3A_251 = tpu.assume_multiple %add3A_250, 8 : i32
          %jit3A_252 = arith.constant 16 : i32
          %div3A_253 = arith.divsi %add3A_180, %jit3A_252 : i32
          %sign3A_254 = arith.constant 0 : i32
          %sign3A_255 = arith.cmpi sgt, %add3A_180, %sign3A_254 : i32
          %sign3A_256 = arith.extui %sign3A_255 : i1 to i32
          %sign3A_257 = arith.constant 0 : i32
          %sign3A_258 = arith.cmpi slt, %add3A_180, %sign3A_257 : i32
          %sign3A_259 = arith.extui %sign3A_258 : i1 to i32
          %sign3A_260 = arith.subi %sign3A_256, %sign3A_259 : i32
          %sign3A_261 = arith.constant 0 : i32
          %sign3A_262 = arith.cmpi sgt, %jit3A_252, %sign3A_261 : i32
          %sign3A_263 = arith.extui %sign3A_262 : i1 to i32
          %sign3A_264 = arith.constant 0 : i32
          %sign3A_265 = arith.cmpi slt, %jit3A_252, %sign3A_264 : i32
          %sign3A_266 = arith.extui %sign3A_265 : i1 to i32
          %sign3A_267 = arith.subi %sign3A_263, %sign3A_266 : i32
          %ne3A_268 = arith.cmpi ne, %sign3A_260, %sign3A_267 : i32
          %rem3A_269 = arith.remsi %add3A_180, %jit3A_252 : i32
          %ne3A_270 = arith.constant 0 : i32
          %ne3A_271 = arith.cmpi ne, %rem3A_269, %ne3A_270 : i32
          %and3A_272 = arith.andi %ne3A_268, %ne3A_271 : i1
          %sub3A_273 = arith.constant 1 : i32
          %sub3A_274 = arith.subi %div3A_253, %sub3A_273 : i32
          %select_n3A_275 = arith.select %and3A_272, %sub3A_274, %div3A_253 : i32
          %rem3A_276 = arith.constant 2 : i32
          %rem3A_277 = arith.remsi %select_n3A_275, %rem3A_276 : i32
          %mul3A_278 = arith.constant 16 : i32
          %mul3A_279 = arith.muli %rem3A_277, %mul3A_278 : i32
          %multiple_of3A_280 = tpu.assume_multiple %mul3A_279, 8 : i32
          %dma_wait3A_281 = arith.constant 0 : i32
          %dma_wait3A_282 = tpu.memref_slice %arg7[%multiple_of3A_280, %dma_wait3A_281] : memref<32x64xi32, #tpu.memory_space<vmem>> -> memref<16x64xi32, #tpu.memory_space<vmem>>
          %dma_wait3A_283 = arith.constant 0 : i32
          %dma_wait3A_284 = tpu.memref_slice %arg3[%multiple_of3A_251, %dma_wait3A_283] : memref<5120x64xi32, #tpu.memory_space<hbm>> -> memref<16x64xi32, #tpu.memory_space<hbm>>
          %dma_wait3A_285 = arith.constant 0 : i32
          %dma_wait3A_286 = tpu.memref_slice %arg7[%multiple_of3A_280, %dma_wait3A_285] : memref<32x64xi32, #tpu.memory_space<vmem>> -> memref<16x64xi32, #tpu.memory_space<vmem>>
          %dma_wait3A_287 = arith.constant 0 : i32
          %dma_wait3A_288 = tpu.memref_slice %arg3[%multiple_of3A_251, %dma_wait3A_287] : memref<5120x64xi32, #tpu.memory_space<hbm>> -> memref<16x64xi32, #tpu.memory_space<hbm>>
          tpu.wait_dma2 semaphore(%arg18 : memref<!tpu.dma_semaphore, #tpu.memory_space<semaphore_mem>>) src(%dma_wait3A_288 : memref<16x64xi32, #tpu.memory_space<hbm>>) dst(%dma_wait3A_286 : memref<16x64xi32, #tpu.memory_space<vmem>>)
        } else {
        }
        %rem3A_243 = arith.constant 32 : i32
        %rem3A_244 = arith.remsi %add3A_180, %rem3A_243 : i32
        %dma_start3A = arith.constant 0 : i32
        %dma_start3A_245 = tpu.memref_slice %arg7[%rem3A_244, %dma_start3A] : memref<32x64xi32, #tpu.memory_space<vmem>> -> memref<1x64xi32, #tpu.memory_space<vmem>>
        %dma_start3A_246 = tpu.memref_squeeze %dma_start3A_245 : memref<1x64xi32, #tpu.memory_space<vmem>> -> memref<64xi32, #tpu.memory_space<vmem>>
        %dma_start3A_247 = arith.constant 0 : i32
        %dma_start3A_248 = arith.constant 0 : i32
        %dma_start3A_249 = tpu.memref_slice %arg2[%dma_start3A_247, %dma_start3A_248] : memref<10240x128xf32, #tpu.memory_space<hbm>> -> memref<10240x128xf32, #tpu.memory_space<hbm>>
        tpu.enqueue_indirect_dma source(%dma_start3A_249 : memref<10240x128xf32, #tpu.memory_space<hbm>>) target(%arg11 : memref<64x128xf32, #tpu.memory_space<vmem>>) offsets(%dma_start3A_246 : memref<64xi32, #tpu.memory_space<vmem>>) semaphore(%arg16 : memref<!tpu.dma_semaphore, #tpu.memory_space<semaphore_mem>>)
      } else {
      }
      %add3A_185 = arith.constant 3 : i32
      %add3A_186 = arith.addi %add3A_37, %add3A_185 : i32
      %jit3A_187 = arith.constant 16 : i32
      %div3A_188 = arith.divsi %add3A_186, %jit3A_187 : i32
      %sign3A_189 = arith.constant 0 : i32
      %sign3A_190 = arith.cmpi sgt, %add3A_186, %sign3A_189 : i32
      %sign3A_191 = arith.extui %sign3A_190 : i1 to i32
      %sign3A_192 = arith.constant 0 : i32
      %sign3A_193 = arith.cmpi slt, %add3A_186, %sign3A_192 : i32
      %sign3A_194 = arith.extui %sign3A_193 : i1 to i32
      %sign3A_195 = arith.subi %sign3A_191, %sign3A_194 : i32
      %sign3A_196 = arith.constant 0 : i32
      %sign3A_197 = arith.cmpi sgt, %jit3A_187, %sign3A_196 : i32
      %sign3A_198 = arith.extui %sign3A_197 : i1 to i32
      %sign3A_199 = arith.constant 0 : i32
      %sign3A_200 = arith.cmpi slt, %jit3A_187, %sign3A_199 : i32
      %sign3A_201 = arith.extui %sign3A_200 : i1 to i32
      %sign3A_202 = arith.subi %sign3A_198, %sign3A_201 : i32
      %ne3A_203 = arith.cmpi ne, %sign3A_195, %sign3A_202 : i32
      %rem3A_204 = arith.remsi %add3A_186, %jit3A_187 : i32
      %ne3A_205 = arith.constant 0 : i32
      %ne3A_206 = arith.cmpi ne, %rem3A_204, %ne3A_205 : i32
      %and3A_207 = arith.andi %ne3A_203, %ne3A_206 : i1
      %sub3A_208 = arith.constant 1 : i32
      %sub3A_209 = arith.subi %div3A_188, %sub3A_208 : i32
      %select_n3A_210 = arith.select %and3A_207, %sub3A_209, %div3A_188 : i32
      %rem3A_211 = arith.constant 16 : i32
      %rem3A_212 = arith.remsi %add3A_186, %rem3A_211 : i32
      %eq3A_213 = arith.constant 0 : i32
      %eq3A_214 = arith.cmpi eq, %rem3A_212, %eq3A_213 : i32
      %gt3A_215 = arith.constant 0 : i32
      %gt3A_216 = arith.cmpi sgt, %add3A_186, %gt3A_215 : i32
      %and3A_217 = arith.andi %eq3A_214, %gt3A_216 : i1
      %convert_element_type3A_218 = arith.extui %and3A_217 : i1 to i32
      %cond3A_219 = arith.constant 0 : i32
      %cond3A_220 = arith.cmpi ne, %convert_element_type3A_218, %cond3A_219 : i32
      scf.if %cond3A_220 {
        %add3A_236 = arith.addi %multiple_of3A, %add3A_186 : i32
        %multiple_of3A_237 = tpu.assume_multiple %add3A_236, 8 : i32
        %rem3A_238 = arith.constant 2 : i32
        %rem3A_239 = arith.remsi %select_n3A_210, %rem3A_238 : i32
        %mul3A_240 = arith.constant 16 : i32
        %mul3A_241 = arith.muli %rem3A_239, %mul3A_240 : i32
        %multiple_of3A_242 = tpu.assume_multiple %mul3A_241, 8 : i32
        %dma_wait3A_243 = arith.constant 0 : i32
        %dma_wait3A_244 = tpu.memref_slice %arg8[%multiple_of3A_242, %dma_wait3A_243] : memref<32x64xi32, #tpu.memory_space<vmem>> -> memref<16x64xi32, #tpu.memory_space<vmem>>
        %dma_wait3A_245 = arith.constant 0 : i32
        %dma_wait3A_246 = tpu.memref_slice %arg4[%multiple_of3A_237, %dma_wait3A_245] : memref<5120x64xi32, #tpu.memory_space<hbm>> -> memref<16x64xi32, #tpu.memory_space<hbm>>
        %dma_wait3A_247 = arith.constant 0 : i32
        %dma_wait3A_248 = tpu.memref_slice %arg8[%multiple_of3A_242, %dma_wait3A_247] : memref<32x64xi32, #tpu.memory_space<vmem>> -> memref<16x64xi32, #tpu.memory_space<vmem>>
        %dma_wait3A_249 = arith.constant 0 : i32
        %dma_wait3A_250 = tpu.memref_slice %arg4[%multiple_of3A_237, %dma_wait3A_249] : memref<5120x64xi32, #tpu.memory_space<hbm>> -> memref<16x64xi32, #tpu.memory_space<hbm>>
        tpu.wait_dma2 semaphore(%arg19 : memref<!tpu.dma_semaphore, #tpu.memory_space<semaphore_mem>>) src(%dma_wait3A_250 : memref<16x64xi32, #tpu.memory_space<hbm>>) dst(%dma_wait3A_248 : memref<16x64xi32, #tpu.memory_space<vmem>>)
        %add3A_251 = arith.constant 16 : i32
        %add3A_252 = arith.addi %add3A_186, %add3A_251 : i32
        %lt3A_253 = arith.cmpi slt, %add3A_252, %select_n3A : i32
        %convert_element_type3A_254 = arith.extui %lt3A_253 : i1 to i32
        %cond3A_255 = arith.constant 0 : i32
        %cond3A_256 = arith.cmpi ne, %convert_element_type3A_254, %cond3A_255 : i32
        scf.if %cond3A_256 {
          %add3A_257 = arith.constant 16 : i32
          %add3A_258 = arith.addi %add3A_186, %add3A_257 : i32
          %add3A_259 = arith.addi %multiple_of3A, %add3A_258 : i32
          %multiple_of3A_260 = tpu.assume_multiple %add3A_259, 8 : i32
          %add3A_261 = arith.constant 1 : i32
          %add3A_262 = arith.addi %select_n3A_210, %add3A_261 : i32
          %rem3A_263 = arith.constant 2 : i32
          %rem3A_264 = arith.remsi %add3A_262, %rem3A_263 : i32
          %mul3A_265 = arith.constant 16 : i32
          %mul3A_266 = arith.muli %rem3A_264, %mul3A_265 : i32
          %multiple_of3A_267 = tpu.assume_multiple %mul3A_266, 8 : i32
          %dma_start3A = arith.constant 0 : i32
          %dma_start3A_268 = tpu.memref_slice %arg7[%multiple_of3A_267, %dma_start3A] : memref<32x64xi32, #tpu.memory_space<vmem>> -> memref<16x64xi32, #tpu.memory_space<vmem>>
          %dma_start3A_269 = arith.constant 0 : i32
          %dma_start3A_270 = tpu.memref_slice %arg3[%multiple_of3A_260, %dma_start3A_269] : memref<5120x64xi32, #tpu.memory_space<hbm>> -> memref<16x64xi32, #tpu.memory_space<hbm>>
          %dma_start3A_271 = arith.constant 0 : i32
          %dma_start3A_272 = tpu.memref_slice %arg7[%multiple_of3A_267, %dma_start3A_271] : memref<32x64xi32, #tpu.memory_space<vmem>> -> memref<16x64xi32, #tpu.memory_space<vmem>>
          %dma_start3A_273 = arith.constant 0 : i32
          %dma_start3A_274 = tpu.memref_slice %arg3[%multiple_of3A_260, %dma_start3A_273] : memref<5120x64xi32, #tpu.memory_space<hbm>> -> memref<16x64xi32, #tpu.memory_space<hbm>>
          tpu.enqueue_dma source(%dma_start3A_274 : memref<16x64xi32, #tpu.memory_space<hbm>>) target(%dma_start3A_272 : memref<16x64xi32, #tpu.memory_space<vmem>>) target_semaphore(%arg18 : memref<!tpu.dma_semaphore, #tpu.memory_space<semaphore_mem>>)
          %add3A_275 = arith.constant 16 : i32
          %add3A_276 = arith.addi %add3A_186, %add3A_275 : i32
          %add3A_277 = arith.addi %multiple_of3A, %add3A_276 : i32
          %multiple_of3A_278 = tpu.assume_multiple %add3A_277, 8 : i32
          %add3A_279 = arith.constant 1 : i32
          %add3A_280 = arith.addi %select_n3A_210, %add3A_279 : i32
          %rem3A_281 = arith.constant 2 : i32
          %rem3A_282 = arith.remsi %add3A_280, %rem3A_281 : i32
          %mul3A_283 = arith.constant 16 : i32
          %mul3A_284 = arith.muli %rem3A_282, %mul3A_283 : i32
          %multiple_of3A_285 = tpu.assume_multiple %mul3A_284, 8 : i32
          %dma_start3A_286 = arith.constant 0 : i32
          %dma_start3A_287 = tpu.memref_slice %arg8[%multiple_of3A_285, %dma_start3A_286] : memref<32x64xi32, #tpu.memory_space<vmem>> -> memref<16x64xi32, #tpu.memory_space<vmem>>
          %dma_start3A_288 = arith.constant 0 : i32
          %dma_start3A_289 = tpu.memref_slice %arg4[%multiple_of3A_278, %dma_start3A_288] : memref<5120x64xi32, #tpu.memory_space<hbm>> -> memref<16x64xi32, #tpu.memory_space<hbm>>
          %dma_start3A_290 = arith.constant 0 : i32
          %dma_start3A_291 = tpu.memref_slice %arg8[%multiple_of3A_285, %dma_start3A_290] : memref<32x64xi32, #tpu.memory_space<vmem>> -> memref<16x64xi32, #tpu.memory_space<vmem>>
          %dma_start3A_292 = arith.constant 0 : i32
          %dma_start3A_293 = tpu.memref_slice %arg4[%multiple_of3A_278, %dma_start3A_292] : memref<5120x64xi32, #tpu.memory_space<hbm>> -> memref<16x64xi32, #tpu.memory_space<hbm>>
          tpu.enqueue_dma source(%dma_start3A_293 : memref<16x64xi32, #tpu.memory_space<hbm>>) target(%dma_start3A_291 : memref<16x64xi32, #tpu.memory_space<vmem>>) target_semaphore(%arg19 : memref<!tpu.dma_semaphore, #tpu.memory_space<semaphore_mem>>)
        } else {
        }
      } else {
      }
      %dma_wait3A_221 = arith.constant 0 : i32
      %dma_wait3A_222 = arith.constant 0 : i32
      %dma_wait3A_223 = tpu.memref_slice %arg7[%dma_wait3A_221, %dma_wait3A_222] : memref<32x64xi32, #tpu.memory_space<vmem>> -> memref<1x64xi32, #tpu.memory_space<vmem>>
      %dma_wait3A_224 = tpu.memref_squeeze %dma_wait3A_223 : memref<1x64xi32, #tpu.memory_space<vmem>> -> memref<64xi32, #tpu.memory_space<vmem>>
      %dma_wait3A_225 = arith.constant 0 : i32
      %dma_wait3A_226 = arith.constant 0 : i32
      %dma_wait3A_227 = tpu.memref_slice %arg2[%dma_wait3A_225, %dma_wait3A_226] : memref<10240x128xf32, #tpu.memory_space<hbm>> -> memref<10240x128xf32, #tpu.memory_space<hbm>>
      tpu.wait_indirect_dma semaphore(%arg17 : memref<!tpu.dma_semaphore, #tpu.memory_space<semaphore_mem>>) src(%dma_wait3A_227 : memref<10240x128xf32, #tpu.memory_space<hbm>>) dst(%arg12 : memref<64x128xf32, #tpu.memory_space<vmem>>)
      %rem3A_228 = arith.constant 32 : i32
      %rem3A_229 = arith.remsi %add3A_186, %rem3A_228 : i32
      "tpu.region"() ({
        %run_scoped3A = tpu.sem_alloc : memref<!tpu.dma_semaphore, #tpu.memory_space<semaphore_mem>>
        %dma_start3A = arith.constant 0 : i32
        %dma_start3A_236 = tpu.memref_slice %arg8[%rem3A_229, %dma_start3A] : memref<32x64xi32, #tpu.memory_space<vmem>> -> memref<1x64xi32, #tpu.memory_space<vmem>>
        %dma_start3A_237 = tpu.memref_squeeze %dma_start3A_236 : memref<1x64xi32, #tpu.memory_space<vmem>> -> memref<64xi32, #tpu.memory_space<vmem>>
        %dma_start3A_238 = arith.constant 0 : i32
        %dma_start3A_239 = arith.constant 0 : i32
        %dma_start3A_240 = tpu.memref_slice %arg13[%dma_start3A_238, %dma_start3A_239] : memref<10240x128xf32, #tpu.memory_space<vmem_shared>> -> memref<10240x128xf32, #tpu.memory_space<vmem_shared>>
        tpu.enqueue_indirect_dma source(%arg12 : memref<64x128xf32, #tpu.memory_space<vmem>>) target(%dma_start3A_240 : memref<10240x128xf32, #tpu.memory_space<vmem_shared>>) offsets(%dma_start3A_237 : memref<64xi32, #tpu.memory_space<vmem>>) semaphore(%run_scoped3A : memref<!tpu.dma_semaphore, #tpu.memory_space<semaphore_mem>>) {add = true}
        %dma_wait3A_241 = arith.constant 0 : i32
        %dma_wait3A_242 = tpu.memref_slice %arg8[%rem3A_229, %dma_wait3A_241] : memref<32x64xi32, #tpu.memory_space<vmem>> -> memref<1x64xi32, #tpu.memory_space<vmem>>
        %dma_wait3A_243 = tpu.memref_squeeze %dma_wait3A_242 : memref<1x64xi32, #tpu.memory_space<vmem>> -> memref<64xi32, #tpu.memory_space<vmem>>
        %dma_wait3A_244 = arith.constant 0 : i32
        %dma_wait3A_245 = arith.constant 0 : i32
        %dma_wait3A_246 = tpu.memref_slice %arg13[%dma_wait3A_244, %dma_wait3A_245] : memref<10240x128xf32, #tpu.memory_space<vmem_shared>> -> memref<10240x128xf32, #tpu.memory_space<vmem_shared>>
        tpu.wait_indirect_dma semaphore(%run_scoped3A : memref<!tpu.dma_semaphore, #tpu.memory_space<semaphore_mem>>) src(%arg12 : memref<64x128xf32, #tpu.memory_space<vmem>>) dst(%dma_wait3A_246 : memref<10240x128xf32, #tpu.memory_space<vmem_shared>>)
        tpu.yield
      }) : () -> ()
      %add3A_230 = arith.constant 4 : i32
      %add3A_231 = arith.addi %add3A_186, %add3A_230 : i32
      %lt3A_232 = arith.cmpi slt, %add3A_231, %select_n3A : i32
      %convert_element_type3A_233 = arith.extui %lt3A_232 : i1 to i32
      %cond3A_234 = arith.constant 0 : i32
      %cond3A_235 = arith.cmpi ne, %convert_element_type3A_233, %cond3A_234 : i32
      scf.if %cond3A_235 {
        %rem3A_236 = arith.constant 16 : i32
        %rem3A_237 = arith.remsi %add3A_231, %rem3A_236 : i32
        %eq3A_238 = arith.constant 0 : i32
        %eq3A_239 = arith.cmpi eq, %rem3A_237, %eq3A_238 : i32
        %convert_element_type3A_240 = arith.extui %eq3A_239 : i1 to i32
        %cond3A_241 = arith.constant 0 : i32
        %cond3A_242 = arith.cmpi ne, %convert_element_type3A_240, %cond3A_241 : i32
        scf.if %cond3A_242 {
          %add3A_250 = arith.addi %multiple_of3A, %add3A_231 : i32
          %multiple_of3A_251 = tpu.assume_multiple %add3A_250, 8 : i32
          %jit3A_252 = arith.constant 16 : i32
          %div3A_253 = arith.divsi %add3A_231, %jit3A_252 : i32
          %sign3A_254 = arith.constant 0 : i32
          %sign3A_255 = arith.cmpi sgt, %add3A_231, %sign3A_254 : i32
          %sign3A_256 = arith.extui %sign3A_255 : i1 to i32
          %sign3A_257 = arith.constant 0 : i32
          %sign3A_258 = arith.cmpi slt, %add3A_231, %sign3A_257 : i32
          %sign3A_259 = arith.extui %sign3A_258 : i1 to i32
          %sign3A_260 = arith.subi %sign3A_256, %sign3A_259 : i32
          %sign3A_261 = arith.constant 0 : i32
          %sign3A_262 = arith.cmpi sgt, %jit3A_252, %sign3A_261 : i32
          %sign3A_263 = arith.extui %sign3A_262 : i1 to i32
          %sign3A_264 = arith.constant 0 : i32
          %sign3A_265 = arith.cmpi slt, %jit3A_252, %sign3A_264 : i32
          %sign3A_266 = arith.extui %sign3A_265 : i1 to i32
          %sign3A_267 = arith.subi %sign3A_263, %sign3A_266 : i32
          %ne3A_268 = arith.cmpi ne, %sign3A_260, %sign3A_267 : i32
          %rem3A_269 = arith.remsi %add3A_231, %jit3A_252 : i32
          %ne3A_270 = arith.constant 0 : i32
          %ne3A_271 = arith.cmpi ne, %rem3A_269, %ne3A_270 : i32
          %and3A_272 = arith.andi %ne3A_268, %ne3A_271 : i1
          %sub3A_273 = arith.constant 1 : i32
          %sub3A_274 = arith.subi %div3A_253, %sub3A_273 : i32
          %select_n3A_275 = arith.select %and3A_272, %sub3A_274, %div3A_253 : i32
          %rem3A_276 = arith.constant 2 : i32
          %rem3A_277 = arith.remsi %select_n3A_275, %rem3A_276 : i32
          %mul3A_278 = arith.constant 16 : i32
          %mul3A_279 = arith.muli %rem3A_277, %mul3A_278 : i32
          %multiple_of3A_280 = tpu.assume_multiple %mul3A_279, 8 : i32
          %dma_wait3A_281 = arith.constant 0 : i32
          %dma_wait3A_282 = tpu.memref_slice %arg7[%multiple_of3A_280, %dma_wait3A_281] : memref<32x64xi32, #tpu.memory_space<vmem>> -> memref<16x64xi32, #tpu.memory_space<vmem>>
          %dma_wait3A_283 = arith.constant 0 : i32
          %dma_wait3A_284 = tpu.memref_slice %arg3[%multiple_of3A_251, %dma_wait3A_283] : memref<5120x64xi32, #tpu.memory_space<hbm>> -> memref<16x64xi32, #tpu.memory_space<hbm>>
          %dma_wait3A_285 = arith.constant 0 : i32
          %dma_wait3A_286 = tpu.memref_slice %arg7[%multiple_of3A_280, %dma_wait3A_285] : memref<32x64xi32, #tpu.memory_space<vmem>> -> memref<16x64xi32, #tpu.memory_space<vmem>>
          %dma_wait3A_287 = arith.constant 0 : i32
          %dma_wait3A_288 = tpu.memref_slice %arg3[%multiple_of3A_251, %dma_wait3A_287] : memref<5120x64xi32, #tpu.memory_space<hbm>> -> memref<16x64xi32, #tpu.memory_space<hbm>>
          tpu.wait_dma2 semaphore(%arg18 : memref<!tpu.dma_semaphore, #tpu.memory_space<semaphore_mem>>) src(%dma_wait3A_288 : memref<16x64xi32, #tpu.memory_space<hbm>>) dst(%dma_wait3A_286 : memref<16x64xi32, #tpu.memory_space<vmem>>)
        } else {
        }
        %rem3A_243 = arith.constant 32 : i32
        %rem3A_244 = arith.remsi %add3A_231, %rem3A_243 : i32
        %dma_start3A = arith.constant 0 : i32
        %dma_start3A_245 = tpu.memref_slice %arg7[%rem3A_244, %dma_start3A] : memref<32x64xi32, #tpu.memory_space<vmem>> -> memref<1x64xi32, #tpu.memory_space<vmem>>
        %dma_start3A_246 = tpu.memref_squeeze %dma_start3A_245 : memref<1x64xi32, #tpu.memory_space<vmem>> -> memref<64xi32, #tpu.memory_space<vmem>>
        %dma_start3A_247 = arith.constant 0 : i32
        %dma_start3A_248 = arith.constant 0 : i32
        %dma_start3A_249 = tpu.memref_slice %arg2[%dma_start3A_247, %dma_start3A_248] : memref<10240x128xf32, #tpu.memory_space<hbm>> -> memref<10240x128xf32, #tpu.memory_space<hbm>>
        tpu.enqueue_indirect_dma source(%dma_start3A_249 : memref<10240x128xf32, #tpu.memory_space<hbm>>) target(%arg12 : memref<64x128xf32, #tpu.memory_space<vmem>>) offsets(%dma_start3A_246 : memref<64xi32, #tpu.memory_space<vmem>>) semaphore(%arg17 : memref<!tpu.dma_semaphore, #tpu.memory_space<semaphore_mem>>)
      } else {
      }
    }
    %barrier3A_30 = arith.constant 0 : index
    tpu.barrier barrier_id(%barrier3A_30)
    %mul3A_31 = arith.constant 640 : i32
    %mul3A_32 = arith.muli %arg1, %mul3A_31 : i32
    %mul3A_33 = arith.constant 640 : i32
    %mul3A_34 = arith.muli %arg1, %mul3A_33 : i32
    "tpu.region"() ({
      %run_scoped3A = tpu.sem_alloc : memref<!tpu.dma_semaphore, #tpu.memory_space<semaphore_mem>>
      %dma_start3A = arith.constant 0 : i32
      %dma_start3A_35 = tpu.memref_slice %arg6[%arg0, %mul3A_34, %dma_start3A] : memref<2x10240x128xf32, #tpu.memory_space<hbm>> -> memref<1x640x128xf32, #tpu.memory_space<hbm>>
      %dma_start3A_36 = tpu.memref_squeeze %dma_start3A_35 : memref<1x640x128xf32, #tpu.memory_space<hbm>> -> memref<640x128xf32, #tpu.memory_space<hbm>>
      %dma_start3A_37 = arith.constant 0 : i32
      %dma_start3A_38 = tpu.memref_slice %arg13[%mul3A_32, %dma_start3A_37] : memref<10240x128xf32, #tpu.memory_space<vmem_shared>> -> memref<640x128xf32, #tpu.memory_space<vmem_shared>>
      tpu.enqueue_dma source(%dma_start3A_38 : memref<640x128xf32, #tpu.memory_space<vmem_shared>>) target(%dma_start3A_36 : memref<640x128xf32, #tpu.memory_space<hbm>>) target_semaphore(%run_scoped3A : memref<!tpu.dma_semaphore, #tpu.memory_space<semaphore_mem>>)
      %dma_wait3A = arith.constant 0 : i32
      %dma_wait3A_39 = tpu.memref_slice %arg6[%arg0, %mul3A_34, %dma_wait3A] : memref<2x10240x128xf32, #tpu.memory_space<hbm>> -> memref<1x640x128xf32, #tpu.memory_space<hbm>>
      %dma_wait3A_40 = tpu.memref_squeeze %dma_wait3A_39 : memref<1x640x128xf32, #tpu.memory_space<hbm>> -> memref<640x128xf32, #tpu.memory_space<hbm>>
      %dma_wait3A_41 = arith.constant 0 : i32
      %dma_wait3A_42 = tpu.memref_slice %arg13[%mul3A_32, %dma_wait3A_41] : memref<10240x128xf32, #tpu.memory_space<vmem_shared>> -> memref<640x128xf32, #tpu.memory_space<vmem_shared>>
      tpu.wait_dma2 semaphore(%run_scoped3A : memref<!tpu.dma_semaphore, #tpu.memory_space<semaphore_mem>>) src(%dma_wait3A_42 : memref<640x128xf32, #tpu.memory_space<vmem_shared>>) dst(%dma_wait3A_40 : memref<640x128xf32, #tpu.memory_space<hbm>>)
      tpu.yield
    }) : () -> ()
    return
  }
}

module attributes {stable_mosaic.version = 14 : i64} {
  func.func @body(%arg0: i32, %arg1: memref<2x1280x128xf32, #tpu.memory_space<vmem>>, %arg2: memref<2x1280xf32, #tpu.memory_space<vmem>>, %arg3: memref<1280x128xf32, #tpu.memory_space<vmem>>, %arg4: memref<128x128xf32, #tpu.memory_space<vmem>>, %arg5: memref<128x128xf32, #tpu.memory_space<vmem>>, %arg6: memref<1x128xf32, #tpu.memory_space<vmem>>, %arg7: memref<1280x128xf32, #tpu.memory_space<vmem>>) attributes {dimension_semantics = [#tpu.dimension_semantics<arbitrary>], iteration_bounds = array<i64: 8>, scalar_prefetch = 0 : i64, scratch_operands = 0 : i64, tpu.core_type = #tpu.core_type<tc>, window_params = [{transform_indices = @transform_0, window_bounds = array<i64: 2, 1280, 128>}, {transform_indices = @transform_1, window_bounds = array<i64: 2, 1280>}, {transform_indices = @transform_2, window_bounds = array<i64: 1280, 128>}, {pipeline_mode = #tpu.pipeline_mode<synchronous>, transform_indices = @transform_3, window_bounds = array<i64: 128, 128>}, {pipeline_mode = #tpu.pipeline_mode<synchronous>, transform_indices = @transform_4, window_bounds = array<i64: 128, 128>}, {pipeline_mode = #tpu.pipeline_mode<synchronous>, transform_indices = @transform_5, window_bounds = array<i64: 1, 128>}, {transform_indices = @transform_6, window_bounds = array<i64: 1280, 128>}]} {
    %get3A = arith.constant 0 : index
    %get3A_0 = arith.constant 0 : index
    %get3A_1 = arith.constant 0 : index
    %get3A_2 = vector.load %arg1[%get3A, %get3A_0, %get3A_1] : memref<2x1280x128xf32, #tpu.memory_space<vmem>>, vector<1x1280x128xf32>
    %get3A_3 = vector.shape_cast %get3A_2 : vector<1x1280x128xf32> to vector<1280x128xf32>
    %get3A_4 = arith.constant 1 : index
    %get3A_5 = arith.constant 0 : index
    %get3A_6 = arith.constant 0 : index
    %get3A_7 = vector.load %arg1[%get3A_4, %get3A_5, %get3A_6] : memref<2x1280x128xf32, #tpu.memory_space<vmem>>, vector<1x1280x128xf32>
    %get3A_8 = vector.shape_cast %get3A_7 : vector<1x1280x128xf32> to vector<1280x128xf32>
    %add3A = arith.addf %get3A_3, %get3A_8 : vector<1280x128xf32>
    %get3A_9 = arith.constant 0 : index
    %get3A_10 = arith.constant 0 : index
    %get3A_11 = vector.load %arg2[%get3A_9, %get3A_10] : memref<2x1280xf32, #tpu.memory_space<vmem>>, vector<1x1280xf32>
    %get3A_12 = vector.shape_cast %get3A_11 : vector<1x1280xf32> to vector<1280xf32>
    %get3A_13 = arith.constant 1 : index
    %get3A_14 = arith.constant 0 : index
    %get3A_15 = vector.load %arg2[%get3A_13, %get3A_14] : memref<2x1280xf32, #tpu.memory_space<vmem>>, vector<1x1280xf32>
    %get3A_16 = vector.shape_cast %get3A_15 : vector<1x1280xf32> to vector<1280xf32>
    %add3A_17 = arith.addf %get3A_12, %get3A_16 : vector<1280xf32>
    %max3A = arith.constant 1.000000e+00 : f32
    %max3A_18 = vector.broadcast %max3A : f32 to vector<1280xf32>
    %max3A_19 = arith.maximumf %add3A_17, %max3A_18 : vector<1280xf32>
    %div3A = arith.constant 1.000000e+00 : f32
    %div3A_20 = vector.broadcast %div3A : f32 to vector<1280xf32>
    %div3A_21 = arith.divf %div3A_20, %max3A_19 : vector<1280xf32>
    %broadcast_in_dim3A = vector.shape_cast %div3A_21 : vector<1280xf32> to vector<1280x1xf32>
    %mul3A = vector.broadcast %broadcast_in_dim3A : vector<1280x1xf32> to vector<1280x128xf32>
    %mul3A_22 = arith.mulf %add3A, %mul3A : vector<1280x128xf32>
    %get3A_23 = arith.constant 0 : index
    %get3A_24 = arith.constant 0 : index
    %get3A_25 = vector.load %arg4[%get3A_23, %get3A_24] : memref<128x128xf32, #tpu.memory_space<vmem>>, vector<128x128xf32>
    %dot_general3A = arith.constant dense<0.000000e+00> : vector<1280x128xf32>
    %dot_general3A_26 = tpu.matmul %mul3A_22, %get3A_25, %dot_general3A {dimension_numbers = #tpu.dot_dimension_numbers<[1], [0], [0], [1], [0, 0, 1, 1], [], []>, transpose_lhs_hint = false} : vector<1280x128xf32>, vector<128x128xf32>, vector<1280x128xf32> -> vector<1280x128xf32>
    %get3A_27 = arith.constant 0 : index
    %get3A_28 = arith.constant 0 : index
    %get3A_29 = vector.load %arg3[%get3A_27, %get3A_28] : memref<1280x128xf32, #tpu.memory_space<vmem>>, vector<1280x128xf32>
    %get3A_30 = arith.constant 0 : index
    %get3A_31 = arith.constant 0 : index
    %get3A_32 = vector.load %arg5[%get3A_30, %get3A_31] : memref<128x128xf32, #tpu.memory_space<vmem>>, vector<128x128xf32>
    %dot_general3A_33 = arith.constant dense<0.000000e+00> : vector<1280x128xf32>
    %dot_general3A_34 = tpu.matmul %get3A_29, %get3A_32, %dot_general3A_33 {dimension_numbers = #tpu.dot_dimension_numbers<[1], [0], [0], [1], [0, 0, 1, 1], [], []>, transpose_lhs_hint = false} : vector<1280x128xf32>, vector<128x128xf32>, vector<1280x128xf32> -> vector<1280x128xf32>
    %add3A_35 = arith.addf %dot_general3A_26, %dot_general3A_34 : vector<1280x128xf32>
    %get3A_36 = arith.constant 0 : index
    %get3A_37 = arith.constant 0 : index
    %get3A_38 = vector.load %arg6[%get3A_36, %get3A_37] : memref<1x128xf32, #tpu.memory_space<vmem>>, vector<1x128xf32>
    %add3A_39 = vector.broadcast %get3A_38 : vector<1x128xf32> to vector<1280x128xf32>
    %add3A_40 = arith.addf %add3A_35, %add3A_39 : vector<1280x128xf32>
    %max3A_41 = arith.constant 0.000000e+00 : f32
    %max3A_42 = vector.broadcast %max3A_41 : f32 to vector<1280x128xf32>
    %max3A_43 = arith.maximumf %add3A_40, %max3A_42 : vector<1280x128xf32>
    %swap3A = arith.constant 0 : index
    %swap3A_44 = arith.constant 0 : index
    %swap3A_45 = vector.load %arg7[%swap3A, %swap3A_44] : memref<1280x128xf32, #tpu.memory_space<vmem>>, vector<1280x128xf32>
    tpu.vector_store %arg7[%swap3A, %swap3A_44], %max3A_43 {strides = array<i32>} : memref<1280x128xf32, #tpu.memory_space<vmem>>, vector<1280x128xf32>,
    return
  }
  func.func @transform_0(%arg0: i32) -> (i32, i32, i32) {
    %c0_i32 = arith.constant 0 : i32
    %c0_i32_0 = arith.constant 0 : i32
    %c0_i32_1 = arith.constant 0 : i32
    return %c0_i32, %arg0, %c0_i32_0 : i32, i32, i32
  }
  func.func @transform_1(%arg0: i32) -> (i32, i32) {
    %c0_i32 = arith.constant 0 : i32
    %c0_i32_0 = arith.constant 0 : i32
    return %c0_i32, %arg0 : i32, i32
  }
  func.func @transform_2(%arg0: i32) -> (i32, i32) {
    %c0_i32 = arith.constant 0 : i32
    %c0_i32_0 = arith.constant 0 : i32
    return %arg0, %c0_i32 : i32, i32
  }
  func.func @transform_3(%arg0: i32) -> (i32, i32) {
    %c0_i32 = arith.constant 0 : i32
    %c0_i32_0 = arith.constant 0 : i32
    %c0_i32_1 = arith.constant 0 : i32
    return %c0_i32, %c0_i32_0 : i32, i32
  }
  func.func @transform_4(%arg0: i32) -> (i32, i32) {
    %c0_i32 = arith.constant 0 : i32
    %c0_i32_0 = arith.constant 0 : i32
    %c0_i32_1 = arith.constant 0 : i32
    return %c0_i32, %c0_i32_0 : i32, i32
  }
  func.func @transform_5(%arg0: i32) -> (i32, i32) {
    %c0_i32 = arith.constant 0 : i32
    %c0_i32_0 = arith.constant 0 : i32
    %c0_i32_1 = arith.constant 0 : i32
    return %c0_i32, %c0_i32_0 : i32, i32
  }
  func.func @transform_6(%arg0: i32) -> (i32, i32) {
    %c0_i32 = arith.constant 0 : i32
    %c0_i32_0 = arith.constant 0 : i32
    return %arg0, %c0_i32 : i32, i32
  }
}

module attributes {stable_mosaic.version = 14 : i64} {
  func.func @body(%arg0: i32, %arg1: memref<2x1280x128xf32, #tpu.memory_space<vmem>>, %arg2: memref<2x1280xf32, #tpu.memory_space<vmem>>, %arg3: memref<1280x128xf32, #tpu.memory_space<vmem>>, %arg4: memref<128x64xf32, #tpu.memory_space<vmem>>, %arg5: memref<128x64xf32, #tpu.memory_space<vmem>>, %arg6: memref<1x64xf32, #tpu.memory_space<vmem>>, %arg7: memref<1280x64xf32, #tpu.memory_space<vmem>>) attributes {dimension_semantics = [#tpu.dimension_semantics<arbitrary>], iteration_bounds = array<i64: 8>, scalar_prefetch = 0 : i64, scratch_operands = 0 : i64, tpu.core_type = #tpu.core_type<tc>, window_params = [{transform_indices = @transform_0, window_bounds = array<i64: 2, 1280, 128>}, {transform_indices = @transform_1, window_bounds = array<i64: 2, 1280>}, {transform_indices = @transform_2, window_bounds = array<i64: 1280, 128>}, {pipeline_mode = #tpu.pipeline_mode<synchronous>, transform_indices = @transform_3, window_bounds = array<i64: 128, 64>}, {pipeline_mode = #tpu.pipeline_mode<synchronous>, transform_indices = @transform_4, window_bounds = array<i64: 128, 64>}, {pipeline_mode = #tpu.pipeline_mode<synchronous>, transform_indices = @transform_5, window_bounds = array<i64: 1, 64>}, {transform_indices = @transform_6, window_bounds = array<i64: 1280, 64>}]} {
    %get3A = arith.constant 0 : index
    %get3A_0 = arith.constant 0 : index
    %get3A_1 = arith.constant 0 : index
    %get3A_2 = vector.load %arg1[%get3A, %get3A_0, %get3A_1] : memref<2x1280x128xf32, #tpu.memory_space<vmem>>, vector<1x1280x128xf32>
    %get3A_3 = vector.shape_cast %get3A_2 : vector<1x1280x128xf32> to vector<1280x128xf32>
    %get3A_4 = arith.constant 1 : index
    %get3A_5 = arith.constant 0 : index
    %get3A_6 = arith.constant 0 : index
    %get3A_7 = vector.load %arg1[%get3A_4, %get3A_5, %get3A_6] : memref<2x1280x128xf32, #tpu.memory_space<vmem>>, vector<1x1280x128xf32>
    %get3A_8 = vector.shape_cast %get3A_7 : vector<1x1280x128xf32> to vector<1280x128xf32>
    %add3A = arith.addf %get3A_3, %get3A_8 : vector<1280x128xf32>
    %get3A_9 = arith.constant 0 : index
    %get3A_10 = arith.constant 0 : index
    %get3A_11 = vector.load %arg2[%get3A_9, %get3A_10] : memref<2x1280xf32, #tpu.memory_space<vmem>>, vector<1x1280xf32>
    %get3A_12 = vector.shape_cast %get3A_11 : vector<1x1280xf32> to vector<1280xf32>
    %get3A_13 = arith.constant 1 : index
    %get3A_14 = arith.constant 0 : index
    %get3A_15 = vector.load %arg2[%get3A_13, %get3A_14] : memref<2x1280xf32, #tpu.memory_space<vmem>>, vector<1x1280xf32>
    %get3A_16 = vector.shape_cast %get3A_15 : vector<1x1280xf32> to vector<1280xf32>
    %add3A_17 = arith.addf %get3A_12, %get3A_16 : vector<1280xf32>
    %max3A = arith.constant 1.000000e+00 : f32
    %max3A_18 = vector.broadcast %max3A : f32 to vector<1280xf32>
    %max3A_19 = arith.maximumf %add3A_17, %max3A_18 : vector<1280xf32>
    %div3A = arith.constant 1.000000e+00 : f32
    %div3A_20 = vector.broadcast %div3A : f32 to vector<1280xf32>
    %div3A_21 = arith.divf %div3A_20, %max3A_19 : vector<1280xf32>
    %broadcast_in_dim3A = vector.shape_cast %div3A_21 : vector<1280xf32> to vector<1280x1xf32>
    %mul3A = vector.broadcast %broadcast_in_dim3A : vector<1280x1xf32> to vector<1280x128xf32>
    %mul3A_22 = arith.mulf %add3A, %mul3A : vector<1280x128xf32>
    %get3A_23 = arith.constant 0 : index
    %get3A_24 = arith.constant 0 : index
    %get3A_25 = vector.load %arg4[%get3A_23, %get3A_24] : memref<128x64xf32, #tpu.memory_space<vmem>>, vector<128x64xf32>
    %dot_general3A = arith.constant dense<0.000000e+00> : vector<1280x64xf32>
    %dot_general3A_26 = tpu.matmul %mul3A_22, %get3A_25, %dot_general3A {dimension_numbers = #tpu.dot_dimension_numbers<[1], [0], [0], [1], [0, 0, 1, 1], [], []>, transpose_lhs_hint = false} : vector<1280x128xf32>, vector<128x64xf32>, vector<1280x64xf32> -> vector<1280x64xf32>
    %get3A_27 = arith.constant 0 : index
    %get3A_28 = arith.constant 0 : index
    %get3A_29 = vector.load %arg3[%get3A_27, %get3A_28] : memref<1280x128xf32, #tpu.memory_space<vmem>>, vector<1280x128xf32>
    %get3A_30 = arith.constant 0 : index
    %get3A_31 = arith.constant 0 : index
    %get3A_32 = vector.load %arg5[%get3A_30, %get3A_31] : memref<128x64xf32, #tpu.memory_space<vmem>>, vector<128x64xf32>
    %dot_general3A_33 = arith.constant dense<0.000000e+00> : vector<1280x64xf32>
    %dot_general3A_34 = tpu.matmul %get3A_29, %get3A_32, %dot_general3A_33 {dimension_numbers = #tpu.dot_dimension_numbers<[1], [0], [0], [1], [0, 0, 1, 1], [], []>, transpose_lhs_hint = false} : vector<1280x128xf32>, vector<128x64xf32>, vector<1280x64xf32> -> vector<1280x64xf32>
    %add3A_35 = arith.addf %dot_general3A_26, %dot_general3A_34 : vector<1280x64xf32>
    %get3A_36 = arith.constant 0 : index
    %get3A_37 = arith.constant 0 : index
    %get3A_38 = vector.load %arg6[%get3A_36, %get3A_37] : memref<1x64xf32, #tpu.memory_space<vmem>>, vector<1x64xf32>
    %add3A_39 = vector.broadcast %get3A_38 : vector<1x64xf32> to vector<1280x64xf32>
    %add3A_40 = arith.addf %add3A_35, %add3A_39 : vector<1280x64xf32>
    %swap3A = arith.constant 0 : index
    %swap3A_41 = arith.constant 0 : index
    %swap3A_42 = vector.load %arg7[%swap3A, %swap3A_41] : memref<1280x64xf32, #tpu.memory_space<vmem>>, vector<1280x64xf32>
    tpu.vector_store %arg7[%swap3A, %swap3A_41], %add3A_40 {strides = array<i32>} : memref<1280x64xf32, #tpu.memory_space<vmem>>, vector<1280x64xf32>,
    return
  }
  func.func @transform_0(%arg0: i32) -> (i32, i32, i32) {
    %c0_i32 = arith.constant 0 : i32
    %c0_i32_0 = arith.constant 0 : i32
    %c0_i32_1 = arith.constant 0 : i32
    return %c0_i32, %arg0, %c0_i32_0 : i32, i32, i32
  }
  func.func @transform_1(%arg0: i32) -> (i32, i32) {
    %c0_i32 = arith.constant 0 : i32
    %c0_i32_0 = arith.constant 0 : i32
    return %c0_i32, %arg0 : i32, i32
  }
  func.func @transform_2(%arg0: i32) -> (i32, i32) {
    %c0_i32 = arith.constant 0 : i32
    %c0_i32_0 = arith.constant 0 : i32
    return %arg0, %c0_i32 : i32, i32
  }
  func.func @transform_3(%arg0: i32) -> (i32, i32) {
    %c0_i32 = arith.constant 0 : i32
    %c0_i32_0 = arith.constant 0 : i32
    %c0_i32_1 = arith.constant 0 : i32
    return %c0_i32, %c0_i32_0 : i32, i32
  }
  func.func @transform_4(%arg0: i32) -> (i32, i32) {
    %c0_i32 = arith.constant 0 : i32
    %c0_i32_0 = arith.constant 0 : i32
    %c0_i32_1 = arith.constant 0 : i32
    return %c0_i32, %c0_i32_0 : i32, i32
  }
  func.func @transform_5(%arg0: i32) -> (i32, i32) {
    %c0_i32 = arith.constant 0 : i32
    %c0_i32_0 = arith.constant 0 : i32
    %c0_i32_1 = arith.constant 0 : i32
    return %c0_i32, %c0_i32_0 : i32, i32
  }
  func.func @transform_6(%arg0: i32) -> (i32, i32) {
    %c0_i32 = arith.constant 0 : i32
    %c0_i32_0 = arith.constant 0 : i32
    return %arg0, %c0_i32 : i32, i32
  }
}

</mosaic_0001>

<sc_bundles>
// kernel: kernel.11.cloned.1.call-start
scs
__scs_entry_jumppad:
0x0: {  	(pc) =	sbr.rel $0x88, $3  }
0x1: {  	(tag) =	ssettag $0x0;
	lr =	simm.s32 $0x1  }
0x2: {  	[smem:$0x3F96] =	sst lr;
	_ =	strace $0xD0000000  }
0x3: {  	_ = 	snop  }
0x4: {  	_ = 	snop  }
0x5: {  	_ = 	snop  }
0x6: {  	_ = 	snop  }
0x7: {  	_ = 	snop  }
__scs_overlays_trampoline_lowered:
0x8: {  	[smem:$0x3FA5] =	sst s0  }
0x9: {  	[smem:$0x3FA6] =	sst s1  }
0xa: {  	[smem:$0x3FA7] =	sst s2  }
0xb: {  	[smem:$0x3FA8] =	sst s3  }
0xc: {  	[smem:$0x3FA9] =	sst s4  }
0xd: {  	[smem:$0x3FAA] =	sst s5  }
0xe: {  	[smem:$0x3FAB] =	sst s6  }
0xf: {  	[smem:$0x3FAC] =	sst s7  }
0x10: {  	[smem:$0x3FAD] =	sst s8  }
0x11: {  	[smem:$0x3FAE] =	sst s9;
	s0 =	simm.s32 @!p0 $0x0  }
0x12: {  	s1 =	sld [smem:$0x3F94];
	s0 =	simm.s32 @p0 $0x1  }
0x13: {  	[smem:$0x3FAF] =	sst s0;
	s0 =	simm.s32 @!p1 $0x0  }
0x14: {  	s2 =	sld [smem:$0x3F93];
	s0 =	simm.s32 @p1 $0x1  }
0x15: {  	[smem:$0x3FB0] =	sst s0;
	s0 =	simm.s32 @!p2 $0x0  }
0x16: {  	s3 =	sld [smem:$0x3FDB];
	s0 =	simm.s32 @p2 $0x1  }
0x17: {  	s4 =	simm.s32 $0x1BF5;
	[smem:$0x3FB2] =	sst s0  }
0x18: {  	s0 =	sld [smem:$0x3F95];
	_ =	swait.ge [sflag:s4], $0x0  }
0x19: {  	s7 =	sld [smem:$0x3F96]  }
0x1a: {  	s8 =	sadd.s32 $0xFFFFE003, lr  }
0x1b: {  	s9 =	sadd.s32 $0xFFFFFEF7, lr;
	s5 =	simm.s32 $0xFFFFFFFF;
	p2 =	slt.u32 s8, $0xFFFFF086  }
0x1c: {  	p1 =	slt.u32 s9, $0xF7A;
	s5 =	simm.s32 @!p2 $0x0  }
0x1d: {  	s5 =	simm.s32 @p1 $0x1;
	p0 =	seq.s32 s7, s2  }
0x1e: {  	s7 =	smul.u32 @!p0 $0xF7A, s2;
	p2 =	seq.s32 @!p0 s5, $0x0  }
0x1f: {  	s9 =	smul.u32 $0xF7A, s1;
	s8 =	simm.s32 @!p0 $0x1BF5;
	p2 =	por !p2, p0  }
0x20: {  	[sflag:s8] =	ssyncset.s32 @!p0 $0xFFFFF086;
	s6 =	sadd.s32 @!p0 s3, s7;
	s7 =	simm.s32 @!p0 $0x108  }
0x21: {  	s3 =	sadd.s32 s3, s9;
	s6 =	sadd.s32 @!p0 $0x88, s6;
	s7 =	simm.s32 @p2 $0x1082  }
0x22: {  	[simem:s7], [sflag:s8] =	dma.local @!p0 [hbm:s6], $0xF7A  }
0x23: {  	s9 =	sor.u32 $0xD0000000, s2;
	s6 =	simm.s32 $0x108;
	_ =	swait.ge @!p0 [sflag:s8], $0x0  }
0x24: {  	s3 =	sadd.s32 $0x88, s3;
	s6 =	simm.s32 @!p1 $0x1082;
	[sflag:s4] =	ssyncset.s32 $0xFFFFF086  }
0x25: {  	[simem:s6], [sflag:s4] =	dma.local [hbm:s3], $0xF7A  }
0x26: {  	[smem:$0x3F96] =	sst s1;
	(tag) =	ssettag s2;
	_ =	strace s9  }
0x27: {  	s1 =	sld [smem:$0x3FA6]  }
0x28: {  	s2 =	sld [smem:$0x3FA7]  }
0x29: {  	s4 =	sld [smem:$0x3FA9]  }
0x2a: {  	p0 =	seq.s32 s5, $0x0;
	s5 =	sld [smem:$0x3FAA]  }
0x2b: {  	s6 =	sld [smem:$0x3FAB]  }
0x2c: {  	s7 =	sld [smem:$0x3FAC]  }
0x2d: {  	s3 =	simm.s32 $0x108;
	s8 =	sld [smem:$0x3FAD]  }
0x2e: {  	s3 =	simm.s32 @!p0 $0x1082;
	s9 =	sld [smem:$0x3FAE]  }
0x2f: {  	lr =	sadd.s32 s0, s3;
	s0 =	sld [smem:$0x3FA5]  }
0x30: {  	s3 =	sld [smem:$0x3FA8]  }
0x31: {  	[smem:$0x3FB1] =	sst s10  }
0x32: {  	s10 =	sld [smem:$0x3FAF];
	_ =	sdelay $0x3  }
0x33: {  	p0 =	seq.s32 s10, $0x1;
	s10 =	sld [smem:$0x3FB1];
	_ =	sdelay $0x3  }
0x34: {  	[smem:$0x3FB1] =	sst s10  }
0x35: {  	s10 =	sld [smem:$0x3FB0];
	_ =	sdelay $0x3  }
0x36: {  	p1 =	seq.s32 s10, $0x1;
	s10 =	sld [smem:$0x3FB1];
	_ =	sdelay $0x3  }
0x37: {  	[smem:$0x3FB1] =	sst s10  }
0x38: {  	s10 =	sld [smem:$0x3FB2]  }
0x39: {  	_ = 	snop;
	(pc) =	sbr.ind lr, $3  }
0x3a: {  	_ = 	snop  }
0x3b: {  	_ = 	snop  }
0x3c: {  	p2 =	seq.s32 s10, $0x1;
	s10 =	sld [smem:$0x3FB1]  }
0x3d: {  	_ =	shalt  }
0x3e: {  	_ =	shalt  }
0x3f: {  	_ =	shalt  }
0x40: {  	_ =	shalt  }
0x41: {  	_ =	shalt  }
0x42: {  	_ =	shalt  }
0x43: {  	_ =	shalt  }
0x44: {  	_ =	shalt  }
0x45: {  	_ =	shalt  }
0x46: {  	_ =	shalt  }
0x47: {  	_ =	shalt  }
0x48: {  	_ =	shalt  }
0x49: {  	_ =	shalt  }
0x4a: {  	_ =	shalt  }
0x4b: {  	_ =	shalt  }
0x4c: {  	_ =	shalt  }
0x4d: {  	_ =	shalt  }
0x4e: {  	_ =	shalt  }
0x4f: {  	_ =	shalt  }
0x50: {  	_ =	shalt  }
0x51: {  	_ =	shalt  }
0x52: {  	_ =	shalt  }
0x53: {  	_ =	shalt  }
0x54: {  	_ =	shalt  }
0x55: {  	_ =	shalt  }
0x56: {  	_ =	shalt  }
0x57: {  	_ =	shalt  }
0x58: {  	_ =	shalt  }
0x59: {  	_ =	shalt  }
0x5a: {  	_ =	shalt  }
0x5b: {  	_ =	shalt  }
0x5c: {  	_ =	shalt  }
0x5d: {  	_ =	shalt  }
0x5e: {  	_ =	shalt  }
0x5f: {  	_ =	shalt  }
0x60: {  	_ =	shalt  }
0x61: {  	_ =	shalt  }
0x62: {  	_ =	shalt  }
0x63: {  	_ =	shalt  }
0x64: {  	_ =	shalt  }
0x65: {  	_ =	shalt  }
0x66: {  	_ =	shalt  }
0x67: {  	_ =	shalt  }
0x68: {  	_ =	shalt  }
0x69: {  	_ =	shalt  }
0x6a: {  	_ =	shalt  }
0x6b: {  	_ =	shalt  }
0x6c: {  	_ =	shalt  }
0x6d: {  	_ =	shalt  }
0x6e: {  	_ =	shalt  }
0x6f: {  	_ =	shalt  }
0x70: {  	_ =	shalt  }
0x71: {  	_ =	shalt  }
0x72: {  	_ =	shalt  }
0x73: {  	_ =	shalt  }
0x74: {  	_ =	shalt  }
0x75: {  	_ =	shalt  }
0x76: {  	_ =	shalt  }
0x77: {  	_ =	shalt  }
0x78: {  	_ =	shalt  }
0x79: {  	_ =	shalt  }
0x7a: {  	_ =	shalt  }
0x7b: {  	_ =	shalt  }
0x7c: {  	_ =	shalt  }
0x7d: {  	_ =	shalt  }
0x7e: {  	_ =	shalt  }
0x7f: {  	_ =	shalt  }
0x80: {  	_ =	shalt  }
0x81: {  	_ =	shalt  }
0x82: {  	_ =	shalt  }
0x83: {  	_ =	shalt  }
0x84: {  	_ =	shalt  }
0x85: {  	_ =	shalt  }
0x86: {  	_ =	shalt  }
0x87: {  	_ =	shalt  }
.Lfunc_end0:
.L_simem_size_0:
called_computation.1_lowered:
.L_overlay_start_0:
0x88: {  	s2 =	sld [smem:$0x3FD9]  }
0x89: {  	s3 =	sld [smem:$0x3FFE];
	_ =	sdelay $0x1  }
0x8a: {  	s1 =	srdreg.scid  }
0x8b: {  	s0 =	sand.u32 $0x1, s1  }
0x8c: {  	s17 =	sshll.u32 s0, $0xA;
	s2 =	sadd.s32 s3, s2  }
0x8d: {  	s2 =	sadd.s32 s2, s17  }
0x8e: {  	[smem:$0x3FBD] =	sst s2  }
0x8f: {  	_ = 	snop  }
0x90: {  	s2 =	sld [smem:$0x3FD0];
	(tm) =	ssettm $0x1  }
0x91: {  	s18 =	sld [smem:$0x3FFB];
	_ =	sdelay $0x3  }
0x92: {  	_ =	strace s18  }
0x93: {  	s3 =	sld [smem:$0x3FFC];
	_ =	sdelay $0x3  }
0x94: {  	_ =	strace s3  }
0x95: {  	s3 =	sld [smem:$0x3FFD];
	_ =	sdelay $0x3  }
0x96: {  	_ =	strace s3  }
0x97: {  	_ =	strace $0x8FFFFFFF  }
0x98: {  	s19 =	sld [smem:$0x3FDB];
	_ =	sdelay $0x1  }
0x99: {  	s4 =	simm.s32 $_scs_section_size  }
0x9a: {  	s5 =	simm.s32 $_size__tile_overlayer_lowered;
	s6 =	simm.s32 $_tile_overlayer_lowered  }
0x9b: {  	s22 =	simm.s32 $0x1BFF;
	s21 =	sshll.u32 s6, $0x1;
	s3 =	sadd.s32 s4, s19  }
0x9c: {  	s7 =	simm.s32 $0x0;
	s20 =	sshll.u32 s5, $0x1;
	s5 =	sadd.s32 s21, s3  }
0x9d: {  	[timem:s7], [sflag:s22] =	dma.local [hbm:s5], s20  }
0x9e: {  	_ =	swait.ge [sflag:s22], s20  }
0x9f: {  	s4 =	ssub.s32 $0x0, s20;
	[sflag:s22] =	ssyncset.done $0x0  }
0xa0: {  	[sflag:s22] =	ssyncadd.s32 s4;
	_ =	sdelay $0x1  }
0xa1: {  	s23 =	simm.s32 $0x1B8B  }
0xa2: {  	_ =	swait.ge [sflag:s23], $0x1  }
0xa3: {  	[sflag:s23] =	ssyncset.done $0x0  }
0xa4: {  	s25 =	simm.s32 $0x1B8E;
	s24 =	sld [smem:$0x3FFE];
	[sflag:s23] =	ssyncadd.s32 $0xFFFFFFFF  }
0xa5: {  	s26 =	simm.s32 $execute0_lowered;
	[smem:$0x3FD2] =	sst s25  }
0xa6: {  	s5 =	sshll.u32 s26, $0x1;
	_ =	strace $0x80000049;
	[dreg:$0x1] =	wrdreg $0xFFFFFFFF  }
0xa7: {  	s28 =	simm.s32 $_size_execute0_lowered;
	s3 =	sadd.s32 s3, s5;
	[dreg:$0x0] =	wrdreg $0x0  }
0xa8: {  	s5 =	sshll.u32 s28, $0x1;
	[dreg:$0x2] =	wrdreg s3  }
0xa9: {  	[dreg:$0x3] =	wrdreg s5  }
0xaa: {  	[dreg:$0x4] =	wrdreg $0xC0  }
0xab: {  	_ =	task [dreg:s7], $0x5FFFF  }
0xac: {  	[dreg:$0x1] =	wrdreg $0xFFFFFFFF  }
0xad: {  	[dreg:$0x0] =	wrdreg $0x60  }
0xae: {  	[dreg:$0x2] =	wrdreg s24  }
0xaf: {  	[dreg:$0x3] =	wrdreg s2  }
0xb0: {  	[dreg:$0x4] =	wrdreg $0xA0000  }
0xb1: {  	[dreg:$0x5] =	wrdreg $0x9  }
0xb2: {  	_ =	task.clear_ibuf [dreg:s7], $0x6FFFF;
	_ =	strace $0x90000049  }
0xb3: {  	s29 =	simm.s32 $0x9;
	_ =	strace $0x8000004B  }
0xb4: {  	_ =	swait.ge [sflag:s29], $0x1  }
0xb5: {  	[sflag:s29] =	ssyncadd.s32 $0xFFFFFFFF  }
0xb6: {  	_ =	strace $0x9000004B  }
0xb7: {  	_ =	sfence  }
0xb8: {  	s30 =	sld [smem:$0x0];
	_ =	sdelay $0x2  }
0xb9: {  	s31 =	sshll.u32 s1, $0xD;
	s1 =	sshrl.u32 s1, $0x2  }
0xba: {  	s3 =	sand.u32 $0x4000, s31;
	s1 =	sadd.s32 s1, s30  }
0xbb: {  	s0 =	sor.u32 s3, s0;
	s1 =	sshll.u32 s1, $0x11  }
0xbc: {  	s0 =	sor.u32 s1, s0  }
0xbd: {  	s0 =	sadd.s32 $0x8F2B, s0  }
0xbe: {  	[sflag:s0] =	ssyncadd.remote.s32 $0x1  }
0xbf: {  	_ =	sfence.sel $0xFFFF  }
0xc0: {  	[dreg:$0x0] =	wrdreg $0xFFFFFFFF;
	(pc) =	sbr.abs _section_cstart, $3  }
0xc1: {  	[dreg:$0x1] =	wrdreg $0xFFFFFFFF  }
0xc2: {  	_ =	task.clear_ibuf [dreg:s7], $0x2FFFF;
	_ =	strace $0x9FFFFFFF  }
0xc3: {  	(tm) =	ssettm $0x7FFFFFFF  }
tec
execute0_lowered:
.L_overlay_start_1:
0x0: {  	(tag) =	ssettag $0x1  }
0x1: {  	s0 =	rddreg [dreg:$0x0]  }
0x2: {  	s2 =	rddreg [dreg:$0x2]  }
0x3: {  	s4 =	simm.s32 $0x0;
	s1 =	srdreg.scid;
	s13 =	stileid.u32  }
0x4: {  	s18 =	simm.s32 $0x7;
	s28 =	simm.s32 $0x6000;
	s30 =	simm.s32 $0x8000  }
0x5: {  	s31 =	simm.s32 $0x1;
	s19 =	simm.s32 $0x0;
	s8 =	smul.u32 $0x14000, s13  }
0x6: {  	[smem:$0x7FF] =	sst s4;
	s1 =	sand.u32 $0x1, s1;
	s10 =	smul.u32 $0x140, s13  }
0x7: {  	s5 =	sadd.s32 $0x2BC00, s0;
	s6 =	sadd.s32 $0x3C00, s0;
	s21 =	smul.u32 $0x50000, s13  }
0x8: {  	s7 =	sadd.s32 $0x17C00, s0;
	s23 =	sshll.u32 s13, $0x6;
	s3 =	smul.u32 $0x140000, s1  }
0x9: {  	_ =	strace $0x8000004A;
	s9 =	ssub.s32 $0x2, s1;
	s12 =	smul.u32 $0xF8, s1  }
0xa: {  	p0 =	seq.s32 s1, $0x0;
	s11 =	sshrl.u32 s9, $0x1;
	s1 =	sshrl.u32 s21, $0x2  }
0xb: {  	s3 =	sadd.s32 s8, s3;
	s8 =	simm.s32 $0xF8;
	s22 =	ssub.s32 s9, s11  }
0xc: {  	s10 =	sadd.s32 s12, s10;
	s1 =	sadd.s32 s1, s2;
	s9 =	sor.u32 $0x1C07, s23  }
0xd: {  	s23 =	simm.s32 $0x2000;
	s3 =	sshrl.u32 s3, $0x3;
	s8 =	simm.s32 @!p0 $0x48  }
0xe: {  	s12 =	sshll.u32 s10, $0x4;
	s16 =	smax.u32 s22, $0x1;
	s17 =	sshrl.u32 s1, $0x3  }
0xf: {  	s22 =	simm.s32 $0x40;
	s1 =	simm.s32 $0x4;
	s10 =	sadd.s32 s6, s12  }
0x10: {  	s0 =	sadd.s32 s3, s0;
	s24 =	sadd.s32 s7, s12;
	[dreg:$0x5] =	wrdreg s10  }
0x11: {  	s20 =	sadd.s32 $0x100, s12;
	s29 =	sshll.u32 s8, $0x9;
	[dreg:$0x6] =	wrdreg s24  }
0x12: {  	s3 =	simm.s32 $0x3;
	s25 =	sadd.s32 s6, s20;
	[dreg:$0x4] =	wrdreg s29  }
0x13: {  	s26 =	sadd.s32 s7, s20;
	s15 =	sadd.s32 $0x53C00, s0;
	[dreg:$0x7] =	wrdreg s25  }
0x14: {  	s0 =	simm.s32 $0x2;
	[dreg:$0x8] =	wrdreg s26;
	s25 =	simm.s32 $0x4000  }
.LBB2_1:
0x15: {  	s10 =	rddreg [dreg:$0x1]  }
0x16: {  	[spmem:s17], [sflag:s9] =	dma.local [hbm:s10], $0x2800  }
0x17: {  	_ =	swait.ge [sflag:s18], $0x2800  }
0x18: {  	[sflag:s18] =	ssyncset.done $0x0  }
0x19: {  	s26 =	rddreg [dreg:$0x5];
	[sflag:s18] =	ssyncadd.s32 $0xFFFFD800  }
0x1a: {  	[tilespmem:s4], [sflag:$0x7] =	stream.linear.gather [hbm4b:s26+s4], $0x800, $0x38;
	[tilespmem:$0x1E000] =	vst v63  }
0x1b: {  	_ =	swait.ge [sflag:s18], $0x800  }
0x1c: {  	[sflag:s18] =	ssyncset.done $0x0  }
0x1d: {  	s11 =	simm.s32 $0x1000;
	s29 =	rddreg [dreg:$0x6];
	[sflag:s18] =	ssyncadd.s32 $0xFFFFF800  }
0x1e: {  	[tilespmem:s11], [sflag:$0x7] =	stream.linear.gather [hbm4b:s29+s4], $0x800, $0x38;
	[tilespmem:$0x1E000] =	vst v63  }
0x1f: {  	_ =	swait.ge [sflag:s18], $0x800  }
0x20: {  	[sflag:s18] =	ssyncset.done $0x0  }
0x21: {  	[sflag:s18] =	ssyncadd.s32 $0xFFFFF800  }
0x22: {  	[bflag:$0x0] =	sbarrier.arrive $0xFFFF  }
0x23: {  	s13 =	simm.s32 $0x800;
	s12 =	rddreg [dreg:$0x7]  }
0x24: {  	[tilespmem:s13], [sflag:$0x5] =	stream.linear.gather [hbm4b:s12+s4], $0x800, $0x38;
	[tilespmem:$0x1E000] =	vst v63  }
0x25: {  	s21 =	simm.s32 $0x1800;
	s14 =	rddreg [dreg:$0x8]  }
0x26: {  	[tilespmem:s21], [sflag:$0x6] =	stream.linear.gather [hbm4b:s14+s4], $0x800, $0x38;
	[tilespmem:$0x1E000] =	vst v63  }
0x27: {  	_ = 	snop  }
0x28: {  	[tilespmem:s23], [sflag:$0x1] =	stream.indirect.gather [hbm4b:s5+s22], $0x80, s4, s22, $0xb8;
	[tilespmem:$0x1E000] =	vst v63  }
0x29: {  	s24 =	simm.s32 $0x80  }
0x2a: {  	[tilespmem:s25], [sflag:$0x2] =	stream.indirect.gather [hbm4b:s5+s22], $0x80, s24, s22, $0xb8;
	[tilespmem:$0x1E000] =	vst v63  }
0x2b: {  	s26 =	simm.s32 $0x100;
	s29 =	simm.s32 $0x180;
	s12 =	smov.u32 s20  }
0x2c: {  	[tilespmem:s28], [sflag:$0x3] =	stream.indirect.gather [hbm4b:s5+s22], $0x80, s26, s22, $0xb8;
	[tilespmem:$0x1E000] =	vst v63  }
0x2d: {  	s21 =	simm.s32 $0x0;
	s24 =	simm.s32 $0x0;
	s26 =	simm.s32 $0x0  }
0x2e: {  	[tilespmem:s30], [sflag:$0x4] =	stream.indirect.gather [hbm4b:s5+s22], $0x80, s29, s22, $0xb8;
	[tilespmem:$0x1E000] =	vst v63  }
.LBB2_2:
0x2f: {  	p0 =	seq.s32 s21, $0x0;
	s29 =	sand.u32 $0xC, s26  }
0x30: {  	p2 =	sne.s32 @!p0 s29, $0x0  }
0x31: {  	p3 =	por p2, p0  }
0x32: {  	s10 =	sadd.s32 @!p3 $0x10, s26  }
0x33: {  	p1 =	sne.s32 s21, $0x0;
	p4 =	sge.u32 @!p3 s10, s8;
	s10 =	simm.s32 $0x1  }
0x34: {  	s14 =	sshra.s32 s26, $0x1F;
	s10 =	simm.s32 @!p1 $0x0  }
0x35: {  	p5 =	por @!p0 p4, p2;
	s11 =	simm.s32 @!p4 $0x0;
	s10 =	sadd.s32 s10, s14  }
0x36: {  	s11 =	simm.s32 @p4 $0x1;
	p1 =	por p5, p0;
	p5 =	sne.s32 s10, $0x1  }
0x37: {  	[smem:$0x7FD] =	sst s11;
	s11 =	sand.u32 @!p1 $0x4, s24;
	s10 =	simm.s32 @!p5 $0x0  }
0x38: {  	s10 =	simm.s32 @p5 $0x1;
	p5 =	seq.s32 @!p1 s11, $0x0  }
0x39: {  	[smem:$0x7FA] =	sst s10;
	s10 =	simm.s32 @!p5 $0x0  }
0x3a: {  	s10 =	simm.s32 @p5 $0x1;
	s13 =	sld [smem:$0x7FA]  }
0x3b: {  	[smem:$0x7FB] =	sst s10  }
0x3c: {  	s14 =	sld [smem:$0x7FB];
	_ =	sdelay $0x1  }
0x3d: {  	p6 =	sne.s32 s29, $0x0;
	p5 =	seq.s32 s13, $0x1  }
0x3e: {  	p6 =	por !p6, !p5;
	p5 =	seq.s32 s14, $0x1  }
0x3f: {  	p5 =	por @!p3 !p5, p4  }
0x40: {  	p5 =	por @!p0 !p5, p2  }
0x41: {  	p5 =	por !p5, p0  }
0x42: {  	s11 =	simm.s32 @!p5 $0x0  }
0x43: {  	s11 =	simm.s32 @p5 $0x1  }
0x44: {  	s10 =	simm.s32 @!p3 $0x6;
	[smem:$0x7FC] =	sst s11  }
0x45: {  	s11 =	sld [smem:$0x7FC];
	_ =	swait.ge @!p3 [sflag:s10], $0x800  }
0x46: {  	s29 =	sld [smem:$0x7FD]  }
0x47: {  	p6 =	por !p6, !p6  }
0x48: {  	p5 =	por @!p1 !p6, !p6;
	p4 =	seq.s32 s11, $0x1  }
0x49: {  	p6 =	por @!p4 p5, p5;
	p4 =	seq.s32 s29, $0x1  }
0x4a: {  	[sflag:s10] =	ssyncset.done @!p3 $0x0;
	p4 =	por @!p3 !p6, p4  }
0x4b: {  	[sflag:s10] =	ssyncadd.s32 @!p3 $0xFFFFF800;
	p2 =	por @!p0 !p4, p2  }
0x4c: {  	s10 =	simm.s32 @!p1 $0x800;
	s11 =	sand.u32 @!p1 $0xFFFFF80, s12;
	p0 =	por !p2, p0  }
0x4d: {  	s13 =	simm.s32 @!p1 $0x0;
	s29 =	sadd.s32 @!p1 s6, s11;
	s10 =	simm.s32 @p0 $0x0  }
0x4e: {  	[tilespmem:s10], [sflag:$0x5] =	stream.linear.gather @!p1 [hbm4b:s29+s13], $0x800, $0x38;
	[tilespmem:$0x1E000] =	vst v63  }
0x4f: {  	s11 =	sadd.s32 @!p1 s7, s11;
	s10 =	sor.u32 @!p1 $0x1000, s10  }
0x50: {  	[tilespmem:s10], [sflag:$0x6] =	stream.linear.gather @!p1 [hbm4b:s11+s13], $0x800, $0x38;
	[tilespmem:$0x1E000] =	vst v63  }
0x51: {  	s29 =	sadd.s32 $0x4, s26;
	s11 =	sshrl.u32 s21, $0x2;
	_ =	swait.ge [sflag:s31], $0x2000  }
0x52: {  	p0 =	sge.u32 s29, s8;
	s10 =	sand.u32 $0xE00, s11;
	[sflag:s31] =	ssyncset.done $0x0  }
0x53: {  	s11 =	sand.u32 @!p0 $0xC, s29;
	s13 =	sor.u32 $0x1000, s10;
	[sflag:s31] =	ssyncadd.s32 $0xFFFFE000  }
0x54: {  	[spmem:s2] =	stream.indirect.scatter.add.f32 [tilespmem:s23], [sflag:$0x7], $0x80, s13, s22, $0xb8;
	[tilespmem:$0x1E000] =	vst v63  }
0x55: {  	p1 =	sne.s32 @!p0 s11, $0x0;
	_ =	swait.ge [sflag:s18], $0x2000  }
0x56: {  	p1 =	por p1, p0;
	[sflag:s18] =	ssyncset.done $0x0  }
0x57: {  	s11 =	simm.s32 @!p1 $0x5;
	[sflag:s18] =	ssyncadd.s32 $0xFFFFE000  }
0x58: {  	_ =	swait.ge @!p1 [sflag:s11], $0x800  }
0x59: {  	s13 =	sadd.s32 @!p0 $0x800, s21;
	[sflag:s11] =	ssyncset.done @!p1 $0x0  }
0x5a: {  	[sflag:s11] =	ssyncadd.s32 @!p1 $0xFFFFF800;
	s11 =	sand.u32 @!p0 $0x3800, s13  }
0x5b: {  	s14 =	simm.s32 @!p0 $0x2000;
	s13 =	simm.s32 @!p0 $0x40;
	s11 =	sshrl.u32 @!p0 s11, $0x2  }
0x5c: {  	[tilespmem:s14], [sflag:$0x1] =	stream.indirect.gather @!p0 [hbm4b:s5+s13], $0x80, s11, s13, $0xb8;
	[tilespmem:$0x1E000] =	vst v63  }
0x5d: {  	_ =	swait.ge [sflag:s0], $0x2000  }
0x5e: {  	s13 =	sadd.s32 $0x5, s26;
	[sflag:s0] =	ssyncset.done $0x0  }
0x5f: {  	s14 =	sadd.s32 $0x1080, s10;
	p0 =	sge.u32 s13, s8;
	[sflag:s0] =	ssyncadd.s32 $0xFFFFE000  }
0x60: {  	[spmem:s2] =	stream.indirect.scatter.add.f32 [tilespmem:s25], [sflag:$0x7], $0x80, s14, s22, $0xb8;
	[tilespmem:$0x1E000] =	vst v63  }
0x61: {  	s11 =	sadd.s32 @!p0 $0xA00, s21;
	_ =	swait.ge [sflag:s18], $0x2000  }
0x62: {  	s13 =	simm.s32 @!p0 $0x40;
	s11 =	sand.u32 @!p0 $0x3A00, s11;
	[sflag:s18] =	ssyncset.done $0x0  }
0x63: {  	s11 =	sshrl.u32 @!p0 s11, $0x2;
	s14 =	simm.s32 @!p0 $0x4000;
	[sflag:s18] =	ssyncadd.s32 $0xFFFFE000  }
0x64: {  	[tilespmem:s14], [sflag:$0x2] =	stream.indirect.gather @!p0 [hbm4b:s5+s13], $0x80, s11, s13, $0xb8;
	[tilespmem:$0x1E000] =	vst v63  }
0x65: {  	_ =	swait.ge [sflag:s3], $0x2000  }
0x66: {  	s13 =	sadd.s32 $0x6, s26;
	[sflag:s3] =	ssyncset.done $0x0  }
0x67: {  	s14 =	sadd.s32 $0x1100, s10;
	p0 =	sge.u32 s13, s8;
	[sflag:s3] =	ssyncadd.s32 $0xFFFFE000  }
0x68: {  	[spmem:s2] =	stream.indirect.scatter.add.f32 [tilespmem:s28], [sflag:$0x7], $0x80, s14, s22, $0xb8;
	[tilespmem:$0x1E000] =	vst v63  }
0x69: {  	s11 =	sadd.s32 @!p0 $0xC00, s21;
	_ =	swait.ge [sflag:s18], $0x2000  }
0x6a: {  	s13 =	simm.s32 @!p0 $0x40;
	s11 =	sand.u32 @!p0 $0x3C00, s11;
	[sflag:s18] =	ssyncset.done $0x0  }
0x6b: {  	s11 =	sshrl.u32 @!p0 s11, $0x2;
	s14 =	simm.s32 @!p0 $0x6000;
	[sflag:s18] =	ssyncadd.s32 $0xFFFFE000  }
0x6c: {  	[tilespmem:s14], [sflag:$0x3] =	stream.indirect.gather @!p0 [hbm4b:s5+s13], $0x80, s11, s13, $0xb8;
	[tilespmem:$0x1E000] =	vst v63  }
0x6d: {  	s14 =	sadd.s32 $0x7, s26;
	_ =	swait.ge [sflag:s1], $0x2000  }
0x6e: {  	p0 =	sge.u32 s14, s8;
	[sflag:s1] =	ssyncset.done $0x0  }
0x6f: {  	s10 =	sadd.s32 $0x1180, s10;
	s11 =	simm.s32 @!p0 $0x40;
	[sflag:s1] =	ssyncadd.s32 $0xFFFFE000  }
0x70: {  	[spmem:s2] =	stream.indirect.scatter.add.f32 [tilespmem:s30], [sflag:$0x7], $0x80, s10, s22, $0xb8;
	[tilespmem:$0x1E000] =	vst v63  }
0x71: {  	s13 =	simm.s32 @!p0 $0x8000;
	s10 =	sadd.s32 @!p0 $0xE00, s21;
	_ =	swait.ge [sflag:s18], $0x2000  }
0x72: {  	s21 =	sadd.s32 $0x800, s21;
	s10 =	sand.u32 @!p0 $0x3E00, s10;
	[sflag:s18] =	ssyncset.done $0x0  }
0x73: {  	s10 =	sshrl.u32 @!p0 s10, $0x2;
	s26 =	rddreg [dreg:$0x4];
	[sflag:s18] =	ssyncadd.s32 $0xFFFFE000  }
0x74: {  	[tilespmem:s13], [sflag:$0x4] =	stream.indirect.gather @!p0 [hbm4b:s5+s11], $0x80, s10, s11, $0xb8;
	[tilespmem:$0x1E000] =	vst v63  }
0x75: {  	p0 =	sne.s32 s26, s21  }
.Ltmp0:
0x76: {  	_ = 	snop;
	(pc) =	sbr.rel @p0 .LBB2_2-.Ltmp0, $2  }
0x77: {  	_ =	sdelay $0x2  }
0x78: {  	s24 =	sadd.s32 $0x1, s24;
	s12 =	sadd.s32 $0x40, s12;
	s26 =	smov.u32 s29  }
0x79: {  	s19 =	sadd.s32 $0x1, s19  }
0x7a: {  	p0 =	sne.s32 s19, s16  }
.Ltmp1:
0x7b: {  	[bflag:$0x0] =	sbarrier.arrive $0xFFFF;
	(pc) =	sbr.rel @p0 .LBB2_1-.Ltmp1, $4  }
0x7c: {  	[hbm:s15], [sflag:s9] =	dma.local [spmem:s17], $0x2800  }
0x7d: {  	_ =	swait.ge [sflag:s18], $0x2800  }
0x7e: {  	[sflag:s18] =	ssyncset.done $0x0  }
0x7f: {  	[sflag:s18] =	ssyncadd.s32 $0xFFFFD800  }
0x80: {  	_ =	sfence.sel $0x180000  }
0x81: {  	[bflag:$0x0] =	sbarrier.arrive $0xFFFF  }
0x82: {  	_ =	strace $0x9000004A  }
0x83: {  	s0 =	stileid.u32;
	[bflag:$0x2] =	sbarrier.arrive $0xFFFF  }
0x84: {  	p0 =	sne.s32 s0, $0x0;
	s0 =	rddreg [dreg:$0x3]  }
0x85: {  	s0 =	sadd.s32 @!p0 $0x100000, s0  }
0x86: {  	[sflag:s0] =	ssyncadd.tile.s32 @!p0 $0x1;
	_ =	shalt  }
.Lfunc_end2:
_tile_overlayer_lowered:
.L_overlay_start_2:
0x87: {  	(tag) =	ssettag $0x2  }
0x88: {  	s0 =	rddreg [dreg:$0x0];
	s2 =	stileid.u32  }
0x89: {  	s1 =	rddreg [dreg:$0x1];
	p0 =	sne.s32 s2, $0x0  }
0x8a: {  	s3 =	rddreg [dreg:$0x2];
	[bflag:$0x3] =	sbarrier.arrive $0xFFFF;
	s2 =	simm.s32 @!p0 $0x1C07  }
0x8b: {  	[timem:s3], [sflag:s2] =	dma.local @!p0 [hbm:s0], s1  }
0x8c: {  	s0 =	simm.s32 @!p0 $0x7  }
0x8d: {  	_ =	swait.ge @!p0 [sflag:s0], s1  }
0x8e: {  	s1 =	ssub.s32 @!p0 $0x0, s1;
	[sflag:s0] =	ssyncset.done @!p0 $0x0  }
0x8f: {  	[sflag:s0] =	ssyncadd.s32 @!p0 s1  }
0x90: {  	[bflag:$0x3] =	sbarrier.arrive $0xFFFF  }
0x91: {  	_ =	shalt  }

// kernel: kernel.14.cloned.1.call-start
scs
__scs_entry_jumppad:
0x0: {  	(pc) =	sbr.rel $0x88, $3  }
0x1: {  	(tag) =	ssettag $0x0;
	lr =	simm.s32 $0x1  }
0x2: {  	[smem:$0x3F96] =	sst lr;
	_ =	strace $0xD0000000  }
0x3: {  	_ = 	snop  }
0x4: {  	_ = 	snop  }
0x5: {  	_ = 	snop  }
0x6: {  	_ = 	snop  }
0x7: {  	_ = 	snop  }
__scs_overlays_trampoline_lowered:
0x8: {  	[smem:$0x3FA5] =	sst s0  }
0x9: {  	[smem:$0x3FA6] =	sst s1  }
0xa: {  	[smem:$0x3FA7] =	sst s2  }
0xb: {  	[smem:$0x3FA8] =	sst s3  }
0xc: {  	[smem:$0x3FA9] =	sst s4  }
0xd: {  	[smem:$0x3FAA] =	sst s5  }
0xe: {  	[smem:$0x3FAB] =	sst s6  }
0xf: {  	[smem:$0x3FAC] =	sst s7  }
0x10: {  	[smem:$0x3FAD] =	sst s8  }
0x11: {  	[smem:$0x3FAE] =	sst s9;
	s0 =	simm.s32 @!p0 $0x0  }
0x12: {  	s1 =	sld [smem:$0x3F94];
	s0 =	simm.s32 @p0 $0x1  }
0x13: {  	[smem:$0x3FAF] =	sst s0;
	s0 =	simm.s32 @!p1 $0x0  }
0x14: {  	s2 =	sld [smem:$0x3F93];
	s0 =	simm.s32 @p1 $0x1  }
0x15: {  	[smem:$0x3FB0] =	sst s0;
	s0 =	simm.s32 @!p2 $0x0  }
0x16: {  	s3 =	sld [smem:$0x3FDB];
	s0 =	simm.s32 @p2 $0x1  }
0x17: {  	s4 =	simm.s32 $0x1BF5;
	[smem:$0x3FB2] =	sst s0  }
0x18: {  	s0 =	sld [smem:$0x3F95];
	_ =	swait.ge [sflag:s4], $0x0  }
0x19: {  	s7 =	sld [smem:$0x3F96]  }
0x1a: {  	s8 =	sadd.s32 $0xFFFFE003, lr  }
0x1b: {  	s9 =	sadd.s32 $0xFFFFFEF7, lr;
	s5 =	simm.s32 $0xFFFFFFFF;
	p2 =	slt.u32 s8, $0xFFFFF086  }
0x1c: {  	p1 =	slt.u32 s9, $0xF7A;
	s5 =	simm.s32 @!p2 $0x0  }
0x1d: {  	s5 =	simm.s32 @p1 $0x1;
	p0 =	seq.s32 s7, s2  }
0x1e: {  	s7 =	smul.u32 @!p0 $0xF7A, s2;
	p2 =	seq.s32 @!p0 s5, $0x0  }
0x1f: {  	s9 =	smul.u32 $0xF7A, s1;
	s8 =	simm.s32 @!p0 $0x1BF5;
	p2 =	por !p2, p0  }
0x20: {  	[sflag:s8] =	ssyncset.s32 @!p0 $0xFFFFF086;
	s6 =	sadd.s32 @!p0 s3, s7;
	s7 =	simm.s32 @!p0 $0x108  }
0x21: {  	s3 =	sadd.s32 s3, s9;
	s6 =	sadd.s32 @!p0 $0x88, s6;
	s7 =	simm.s32 @p2 $0x1082  }
0x22: {  	[simem:s7], [sflag:s8] =	dma.local @!p0 [hbm:s6], $0xF7A  }
0x23: {  	s9 =	sor.u32 $0xD0000000, s2;
	s6 =	simm.s32 $0x108;
	_ =	swait.ge @!p0 [sflag:s8], $0x0  }
0x24: {  	s3 =	sadd.s32 $0x88, s3;
	s6 =	simm.s32 @!p1 $0x1082;
	[sflag:s4] =	ssyncset.s32 $0xFFFFF086  }
0x25: {  	[simem:s6], [sflag:s4] =	dma.local [hbm:s3], $0xF7A  }
0x26: {  	[smem:$0x3F96] =	sst s1;
	(tag) =	ssettag s2;
	_ =	strace s9  }
0x27: {  	s1 =	sld [smem:$0x3FA6]  }
0x28: {  	s2 =	sld [smem:$0x3FA7]  }
0x29: {  	s4 =	sld [smem:$0x3FA9]  }
0x2a: {  	p0 =	seq.s32 s5, $0x0;
	s5 =	sld [smem:$0x3FAA]  }
0x2b: {  	s6 =	sld [smem:$0x3FAB]  }
0x2c: {  	s7 =	sld [smem:$0x3FAC]  }
0x2d: {  	s3 =	simm.s32 $0x108;
	s8 =	sld [smem:$0x3FAD]  }
0x2e: {  	s3 =	simm.s32 @!p0 $0x1082;
	s9 =	sld [smem:$0x3FAE]  }
0x2f: {  	lr =	sadd.s32 s0, s3;
	s0 =	sld [smem:$0x3FA5]  }
0x30: {  	s3 =	sld [smem:$0x3FA8]  }
0x31: {  	[smem:$0x3FB1] =	sst s10  }
0x32: {  	s10 =	sld [smem:$0x3FAF];
	_ =	sdelay $0x3  }
0x33: {  	p0 =	seq.s32 s10, $0x1;
	s10 =	sld [smem:$0x3FB1];
	_ =	sdelay $0x3  }
0x34: {  	[smem:$0x3FB1] =	sst s10  }
0x35: {  	s10 =	sld [smem:$0x3FB0];
	_ =	sdelay $0x3  }
0x36: {  	p1 =	seq.s32 s10, $0x1;
	s10 =	sld [smem:$0x3FB1];
	_ =	sdelay $0x3  }
0x37: {  	[smem:$0x3FB1] =	sst s10  }
0x38: {  	s10 =	sld [smem:$0x3FB2]  }
0x39: {  	_ = 	snop;
	(pc) =	sbr.ind lr, $3  }
0x3a: {  	_ = 	snop  }
0x3b: {  	_ = 	snop  }
0x3c: {  	p2 =	seq.s32 s10, $0x1;
	s10 =	sld [smem:$0x3FB1]  }
0x3d: {  	_ =	shalt  }
0x3e: {  	_ =	shalt  }
0x3f: {  	_ =	shalt  }
0x40: {  	_ =	shalt  }
0x41: {  	_ =	shalt  }
0x42: {  	_ =	shalt  }
0x43: {  	_ =	shalt  }
0x44: {  	_ =	shalt  }
0x45: {  	_ =	shalt  }
0x46: {  	_ =	shalt  }
0x47: {  	_ =	shalt  }
0x48: {  	_ =	shalt  }
0x49: {  	_ =	shalt  }
0x4a: {  	_ =	shalt  }
0x4b: {  	_ =	shalt  }
0x4c: {  	_ =	shalt  }
0x4d: {  	_ =	shalt  }
0x4e: {  	_ =	shalt  }
0x4f: {  	_ =	shalt  }
0x50: {  	_ =	shalt  }
0x51: {  	_ =	shalt  }
0x52: {  	_ =	shalt  }
0x53: {  	_ =	shalt  }
0x54: {  	_ =	shalt  }
0x55: {  	_ =	shalt  }
0x56: {  	_ =	shalt  }
0x57: {  	_ =	shalt  }
0x58: {  	_ =	shalt  }
0x59: {  	_ =	shalt  }
0x5a: {  	_ =	shalt  }
0x5b: {  	_ =	shalt  }
0x5c: {  	_ =	shalt  }
0x5d: {  	_ =	shalt  }
0x5e: {  	_ =	shalt  }
0x5f: {  	_ =	shalt  }
0x60: {  	_ =	shalt  }
0x61: {  	_ =	shalt  }
0x62: {  	_ =	shalt  }
0x63: {  	_ =	shalt  }
0x64: {  	_ =	shalt  }
0x65: {  	_ =	shalt  }
0x66: {  	_ =	shalt  }
0x67: {  	_ =	shalt  }
0x68: {  	_ =	shalt  }
0x69: {  	_ =	shalt  }
0x6a: {  	_ =	shalt  }
0x6b: {  	_ =	shalt  }
0x6c: {  	_ =	shalt  }
0x6d: {  	_ =	shalt  }
0x6e: {  	_ =	shalt  }
0x6f: {  	_ =	shalt  }
0x70: {  	_ =	shalt  }
0x71: {  	_ =	shalt  }
0x72: {  	_ =	shalt  }
0x73: {  	_ =	shalt  }
0x74: {  	_ =	shalt  }
0x75: {  	_ =	shalt  }
0x76: {  	_ =	shalt  }
0x77: {  	_ =	shalt  }
0x78: {  	_ =	shalt  }
0x79: {  	_ =	shalt  }
0x7a: {  	_ =	shalt  }
0x7b: {  	_ =	shalt  }
0x7c: {  	_ =	shalt  }
0x7d: {  	_ =	shalt  }
0x7e: {  	_ =	shalt  }
0x7f: {  	_ =	shalt  }
0x80: {  	_ =	shalt  }
0x81: {  	_ =	shalt  }
0x82: {  	_ =	shalt  }
0x83: {  	_ =	shalt  }
0x84: {  	_ =	shalt  }
0x85: {  	_ =	shalt  }
0x86: {  	_ =	shalt  }
0x87: {  	_ =	shalt  }
.Lfunc_end0:
.L_simem_size_0:
called_computation.2_lowered:
.L_overlay_start_0:
0x88: {  	s2 =	sld [smem:$0x3FD9]  }
0x89: {  	s3 =	sld [smem:$0x3FFE];
	_ =	sdelay $0x1  }
0x8a: {  	s1 =	srdreg.scid  }
0x8b: {  	s0 =	sand.u32 $0x1, s1  }
0x8c: {  	s17 =	sshll.u32 s0, $0xA;
	s2 =	sadd.s32 s3, s2  }
0x8d: {  	s2 =	sadd.s32 s2, s17  }
0x8e: {  	[smem:$0x3FBD] =	sst s2  }
0x8f: {  	_ = 	snop  }
0x90: {  	s2 =	sld [smem:$0x3FD0];
	(tm) =	ssettm $0x1  }
0x91: {  	s18 =	sld [smem:$0x3FFB];
	_ =	sdelay $0x3  }
0x92: {  	_ =	strace s18  }
0x93: {  	s3 =	sld [smem:$0x3FFC];
	_ =	sdelay $0x3  }
0x94: {  	_ =	strace s3  }
0x95: {  	s3 =	sld [smem:$0x3FFD];
	_ =	sdelay $0x3  }
0x96: {  	_ =	strace s3  }
0x97: {  	_ =	strace $0x8FFFFFFF  }
0x98: {  	s19 =	sld [smem:$0x3FDB];
	_ =	sdelay $0x1  }
0x99: {  	s4 =	simm.s32 $_scs_section_size  }
0x9a: {  	s5 =	simm.s32 $_size__tile_overlayer_lowered;
	s6 =	simm.s32 $_tile_overlayer_lowered  }
0x9b: {  	s22 =	simm.s32 $0x1BFF;
	s21 =	sshll.u32 s6, $0x1;
	s3 =	sadd.s32 s4, s19  }
0x9c: {  	s7 =	simm.s32 $0x0;
	s20 =	sshll.u32 s5, $0x1;
	s5 =	sadd.s32 s21, s3  }
0x9d: {  	[timem:s7], [sflag:s22] =	dma.local [hbm:s5], s20  }
0x9e: {  	_ =	swait.ge [sflag:s22], s20  }
0x9f: {  	s4 =	ssub.s32 $0x0, s20;
	[sflag:s22] =	ssyncset.done $0x0  }
0xa0: {  	[sflag:s22] =	ssyncadd.s32 s4;
	_ =	sdelay $0x1  }
0xa1: {  	s23 =	simm.s32 $0x1B8B  }
0xa2: {  	_ =	swait.ge [sflag:s23], $0x1  }
0xa3: {  	[sflag:s23] =	ssyncset.done $0x0  }
0xa4: {  	s25 =	simm.s32 $0x1B8E;
	s24 =	sld [smem:$0x3FFE];
	[sflag:s23] =	ssyncadd.s32 $0xFFFFFFFF  }
0xa5: {  	s26 =	simm.s32 $execute0_lowered;
	[smem:$0x3FD2] =	sst s25  }
0xa6: {  	s5 =	sshll.u32 s26, $0x1;
	_ =	strace $0x8000004C;
	[dreg:$0x1] =	wrdreg $0xFFFFFFFF  }
0xa7: {  	s28 =	simm.s32 $_size_execute0_lowered;
	s3 =	sadd.s32 s3, s5;
	[dreg:$0x0] =	wrdreg $0x0  }
0xa8: {  	s5 =	sshll.u32 s28, $0x1;
	[dreg:$0x2] =	wrdreg s3  }
0xa9: {  	[dreg:$0x3] =	wrdreg s5  }
0xaa: {  	[dreg:$0x4] =	wrdreg $0xC0  }
0xab: {  	_ =	task [dreg:s7], $0x5FFFF  }
0xac: {  	[dreg:$0x1] =	wrdreg $0xFFFFFFFF  }
0xad: {  	[dreg:$0x0] =	wrdreg $0x60  }
0xae: {  	[dreg:$0x2] =	wrdreg s24  }
0xaf: {  	[dreg:$0x3] =	wrdreg s2  }
0xb0: {  	[dreg:$0x4] =	wrdreg $0xA0000  }
0xb1: {  	[dreg:$0x5] =	wrdreg $0x9  }
0xb2: {  	_ =	task.clear_ibuf [dreg:s7], $0x6FFFF;
	_ =	strace $0x9000004C  }
0xb3: {  	s29 =	simm.s32 $0x9;
	_ =	strace $0x8000004E  }
0xb4: {  	_ =	swait.ge [sflag:s29], $0x1  }
0xb5: {  	[sflag:s29] =	ssyncadd.s32 $0xFFFFFFFF  }
0xb6: {  	_ =	strace $0x9000004E  }
0xb7: {  	_ =	sfence  }
0xb8: {  	s30 =	sld [smem:$0x0];
	_ =	sdelay $0x2  }
0xb9: {  	s31 =	sshll.u32 s1, $0xD;
	s1 =	sshrl.u32 s1, $0x2  }
0xba: {  	s3 =	sand.u32 $0x4000, s31;
	s1 =	sadd.s32 s1, s30  }
0xbb: {  	s0 =	sor.u32 s3, s0;
	s1 =	sshll.u32 s1, $0x11  }
0xbc: {  	s0 =	sor.u32 s1, s0  }
0xbd: {  	s0 =	sadd.s32 $0x8F2B, s0  }
0xbe: {  	[sflag:s0] =	ssyncadd.remote.s32 $0x1  }
0xbf: {  	_ =	sfence.sel $0xFFFF  }
0xc0: {  	[dreg:$0x0] =	wrdreg $0xFFFFFFFF;
	(pc) =	sbr.abs _section_cstart, $3  }
0xc1: {  	[dreg:$0x1] =	wrdreg $0xFFFFFFFF  }
0xc2: {  	_ =	task.clear_ibuf [dreg:s7], $0x2FFFF;
	_ =	strace $0x9FFFFFFF  }
0xc3: {  	(tm) =	ssettm $0x7FFFFFFF  }
tec
execute0_lowered:
.L_overlay_start_1:
0x0: {  	(tag) =	ssettag $0x1  }
0x1: {  	s0 =	rddreg [dreg:$0x0]  }
0x2: {  	s2 =	rddreg [dreg:$0x2]  }
0x3: {  	s4 =	simm.s32 $0x0;
	s1 =	srdreg.scid;
	s13 =	stileid.u32  }
0x4: {  	s18 =	simm.s32 $0x7;
	s28 =	simm.s32 $0x6000;
	s30 =	simm.s32 $0x8000  }
0x5: {  	s31 =	simm.s32 $0x1;
	s19 =	simm.s32 $0x0;
	s8 =	smul.u32 $0x14000, s13  }
0x6: {  	[smem:$0x7FF] =	sst s4;
	s1 =	sand.u32 $0x1, s1;
	s10 =	smul.u32 $0x140, s13  }
0x7: {  	s5 =	sadd.s32 $0x2BC00, s0;
	s6 =	sadd.s32 $0x3C00, s0;
	s21 =	smul.u32 $0x50000, s13  }
0x8: {  	s7 =	sadd.s32 $0x17C00, s0;
	s23 =	sshll.u32 s13, $0x6;
	s3 =	smul.u32 $0x140000, s1  }
0x9: {  	_ =	strace $0x8000004D;
	s9 =	ssub.s32 $0x2, s1;
	s12 =	smul.u32 $0xF8, s1  }
0xa: {  	p0 =	seq.s32 s1, $0x0;
	s11 =	sshrl.u32 s9, $0x1;
	s1 =	sshrl.u32 s21, $0x2  }
0xb: {  	s3 =	sadd.s32 s8, s3;
	s8 =	simm.s32 $0xF8;
	s22 =	ssub.s32 s9, s11  }
0xc: {  	s10 =	sadd.s32 s12, s10;
	s1 =	sadd.s32 s1, s2;
	s9 =	sor.u32 $0x1C07, s23  }
0xd: {  	s23 =	simm.s32 $0x2000;
	s3 =	sshrl.u32 s3, $0x3;
	s8 =	simm.s32 @!p0 $0x48  }
0xe: {  	s12 =	sshll.u32 s10, $0x4;
	s16 =	smax.u32 s22, $0x1;
	s17 =	sshrl.u32 s1, $0x3  }
0xf: {  	s22 =	simm.s32 $0x40;
	s1 =	simm.s32 $0x4;
	s10 =	sadd.s32 s6, s12  }
0x10: {  	s0 =	sadd.s32 s3, s0;
	s24 =	sadd.s32 s7, s12;
	[dreg:$0x5] =	wrdreg s10  }
0x11: {  	s20 =	sadd.s32 $0x100, s12;
	s29 =	sshll.u32 s8, $0x9;
	[dreg:$0x6] =	wrdreg s24  }
0x12: {  	s3 =	simm.s32 $0x3;
	s25 =	sadd.s32 s6, s20;
	[dreg:$0x4] =	wrdreg s29  }
0x13: {  	s26 =	sadd.s32 s7, s20;
	s15 =	sadd.s32 $0x53C00, s0;
	[dreg:$0x7] =	wrdreg s25  }
0x14: {  	s0 =	simm.s32 $0x2;
	[dreg:$0x8] =	wrdreg s26;
	s25 =	simm.s32 $0x4000  }
.LBB2_1:
0x15: {  	s10 =	rddreg [dreg:$0x1]  }
0x16: {  	[spmem:s17], [sflag:s9] =	dma.local [hbm:s10], $0x2800  }
0x17: {  	_ =	swait.ge [sflag:s18], $0x2800  }
0x18: {  	[sflag:s18] =	ssyncset.done $0x0  }
0x19: {  	s26 =	rddreg [dreg:$0x5];
	[sflag:s18] =	ssyncadd.s32 $0xFFFFD800  }
0x1a: {  	[tilespmem:s4], [sflag:$0x7] =	stream.linear.gather [hbm4b:s26+s4], $0x800, $0x38;
	[tilespmem:$0x1E000] =	vst v63  }
0x1b: {  	_ =	swait.ge [sflag:s18], $0x800  }
0x1c: {  	[sflag:s18] =	ssyncset.done $0x0  }
0x1d: {  	s11 =	simm.s32 $0x1000;
	s29 =	rddreg [dreg:$0x6];
	[sflag:s18] =	ssyncadd.s32 $0xFFFFF800  }
0x1e: {  	[tilespmem:s11], [sflag:$0x7] =	stream.linear.gather [hbm4b:s29+s4], $0x800, $0x38;
	[tilespmem:$0x1E000] =	vst v63  }
0x1f: {  	_ =	swait.ge [sflag:s18], $0x800  }
0x20: {  	[sflag:s18] =	ssyncset.done $0x0  }
0x21: {  	[sflag:s18] =	ssyncadd.s32 $0xFFFFF800  }
0x22: {  	[bflag:$0x0] =	sbarrier.arrive $0xFFFF  }
0x23: {  	s13 =	simm.s32 $0x800;
	s12 =	rddreg [dreg:$0x7]  }
0x24: {  	[tilespmem:s13], [sflag:$0x5] =	stream.linear.gather [hbm4b:s12+s4], $0x800, $0x38;
	[tilespmem:$0x1E000] =	vst v63  }
0x25: {  	s21 =	simm.s32 $0x1800;
	s14 =	rddreg [dreg:$0x8]  }
0x26: {  	[tilespmem:s21], [sflag:$0x6] =	stream.linear.gather [hbm4b:s14+s4], $0x800, $0x38;
	[tilespmem:$0x1E000] =	vst v63  }
0x27: {  	_ = 	snop  }
0x28: {  	[tilespmem:s23], [sflag:$0x1] =	stream.indirect.gather [hbm4b:s5+s22], $0x80, s4, s22, $0xb8;
	[tilespmem:$0x1E000] =	vst v63  }
0x29: {  	s24 =	simm.s32 $0x80  }
0x2a: {  	[tilespmem:s25], [sflag:$0x2] =	stream.indirect.gather [hbm4b:s5+s22], $0x80, s24, s22, $0xb8;
	[tilespmem:$0x1E000] =	vst v63  }
0x2b: {  	s26 =	simm.s32 $0x100;
	s29 =	simm.s32 $0x180;
	s12 =	smov.u32 s20  }
0x2c: {  	[tilespmem:s28], [sflag:$0x3] =	stream.indirect.gather [hbm4b:s5+s22], $0x80, s26, s22, $0xb8;
	[tilespmem:$0x1E000] =	vst v63  }
0x2d: {  	s21 =	simm.s32 $0x0;
	s24 =	simm.s32 $0x0;
	s26 =	simm.s32 $0x0  }
0x2e: {  	[tilespmem:s30], [sflag:$0x4] =	stream.indirect.gather [hbm4b:s5+s22], $0x80, s29, s22, $0xb8;
	[tilespmem:$0x1E000] =	vst v63  }
.LBB2_2:
0x2f: {  	p0 =	seq.s32 s21, $0x0;
	s29 =	sand.u32 $0xC, s26  }
0x30: {  	p2 =	sne.s32 @!p0 s29, $0x0  }
0x31: {  	p3 =	por p2, p0  }
0x32: {  	s10 =	sadd.s32 @!p3 $0x10, s26  }
0x33: {  	p1 =	sne.s32 s21, $0x0;
	p4 =	sge.u32 @!p3 s10, s8;
	s10 =	simm.s32 $0x1  }
0x34: {  	s14 =	sshra.s32 s26, $0x1F;
	s10 =	simm.s32 @!p1 $0x0  }
0x35: {  	p5 =	por @!p0 p4, p2;
	s11 =	simm.s32 @!p4 $0x0;
	s10 =	sadd.s32 s10, s14  }
0x36: {  	s11 =	simm.s32 @p4 $0x1;
	p1 =	por p5, p0;
	p5 =	sne.s32 s10, $0x1  }
0x37: {  	[smem:$0x7FD] =	sst s11;
	s11 =	sand.u32 @!p1 $0x4, s24;
	s10 =	simm.s32 @!p5 $0x0  }
0x38: {  	s10 =	simm.s32 @p5 $0x1;
	p5 =	seq.s32 @!p1 s11, $0x0  }
0x39: {  	[smem:$0x7FA] =	sst s10;
	s10 =	simm.s32 @!p5 $0x0  }
0x3a: {  	s10 =	simm.s32 @p5 $0x1;
	s13 =	sld [smem:$0x7FA]  }
0x3b: {  	[smem:$0x7FB] =	sst s10  }
0x3c: {  	s14 =	sld [smem:$0x7FB];
	_ =	sdelay $0x1  }
0x3d: {  	p6 =	sne.s32 s29, $0x0;
	p5 =	seq.s32 s13, $0x1  }
0x3e: {  	p6 =	por !p6, !p5;
	p5 =	seq.s32 s14, $0x1  }
0x3f: {  	p5 =	por @!p3 !p5, p4  }
0x40: {  	p5 =	por @!p0 !p5, p2  }
0x41: {  	p5 =	por !p5, p0  }
0x42: {  	s11 =	simm.s32 @!p5 $0x0  }
0x43: {  	s11 =	simm.s32 @p5 $0x1  }
0x44: {  	s10 =	simm.s32 @!p3 $0x6;
	[smem:$0x7FC] =	sst s11  }
0x45: {  	s11 =	sld [smem:$0x7FC];
	_ =	swait.ge @!p3 [sflag:s10], $0x800  }
0x46: {  	s29 =	sld [smem:$0x7FD]  }
0x47: {  	p6 =	por !p6, !p6  }
0x48: {  	p5 =	por @!p1 !p6, !p6;
	p4 =	seq.s32 s11, $0x1  }
0x49: {  	p6 =	por @!p4 p5, p5;
	p4 =	seq.s32 s29, $0x1  }
0x4a: {  	[sflag:s10] =	ssyncset.done @!p3 $0x0;
	p4 =	por @!p3 !p6, p4  }
0x4b: {  	[sflag:s10] =	ssyncadd.s32 @!p3 $0xFFFFF800;
	p2 =	por @!p0 !p4, p2  }
0x4c: {  	s10 =	simm.s32 @!p1 $0x800;
	s11 =	sand.u32 @!p1 $0xFFFFF80, s12;
	p0 =	por !p2, p0  }
0x4d: {  	s13 =	simm.s32 @!p1 $0x0;
	s29 =	sadd.s32 @!p1 s6, s11;
	s10 =	simm.s32 @p0 $0x0  }
0x4e: {  	[tilespmem:s10], [sflag:$0x5] =	stream.linear.gather @!p1 [hbm4b:s29+s13], $0x800, $0x38;
	[tilespmem:$0x1E000] =	vst v63  }
0x4f: {  	s11 =	sadd.s32 @!p1 s7, s11;
	s10 =	sor.u32 @!p1 $0x1000, s10  }
0x50: {  	[tilespmem:s10], [sflag:$0x6] =	stream.linear.gather @!p1 [hbm4b:s11+s13], $0x800, $0x38;
	[tilespmem:$0x1E000] =	vst v63  }
0x51: {  	s29 =	sadd.s32 $0x4, s26;
	s11 =	sshrl.u32 s21, $0x2;
	_ =	swait.ge [sflag:s31], $0x2000  }
0x52: {  	p0 =	sge.u32 s29, s8;
	s10 =	sand.u32 $0xE00, s11;
	[sflag:s31] =	ssyncset.done $0x0  }
0x53: {  	s11 =	sand.u32 @!p0 $0xC, s29;
	s13 =	sor.u32 $0x1000, s10;
	[sflag:s31] =	ssyncadd.s32 $0xFFFFE000  }
0x54: {  	[spmem:s2] =	stream.indirect.scatter.add.f32 [tilespmem:s23], [sflag:$0x7], $0x80, s13, s22, $0xb8;
	[tilespmem:$0x1E000] =	vst v63  }
0x55: {  	p1 =	sne.s32 @!p0 s11, $0x0;
	_ =	swait.ge [sflag:s18], $0x2000  }
0x56: {  	p1 =	por p1, p0;
	[sflag:s18] =	ssyncset.done $0x0  }
0x57: {  	s11 =	simm.s32 @!p1 $0x5;
	[sflag:s18] =	ssyncadd.s32 $0xFFFFE000  }
0x58: {  	_ =	swait.ge @!p1 [sflag:s11], $0x800  }
0x59: {  	s13 =	sadd.s32 @!p0 $0x800, s21;
	[sflag:s11] =	ssyncset.done @!p1 $0x0  }
0x5a: {  	[sflag:s11] =	ssyncadd.s32 @!p1 $0xFFFFF800;
	s11 =	sand.u32 @!p0 $0x3800, s13  }
0x5b: {  	s14 =	simm.s32 @!p0 $0x2000;
	s13 =	simm.s32 @!p0 $0x40;
	s11 =	sshrl.u32 @!p0 s11, $0x2  }
0x5c: {  	[tilespmem:s14], [sflag:$0x1] =	stream.indirect.gather @!p0 [hbm4b:s5+s13], $0x80, s11, s13, $0xb8;
	[tilespmem:$0x1E000] =	vst v63  }
0x5d: {  	_ =	swait.ge [sflag:s0], $0x2000  }
0x5e: {  	s13 =	sadd.s32 $0x5, s26;
	[sflag:s0] =	ssyncset.done $0x0  }
0x5f: {  	s14 =	sadd.s32 $0x1080, s10;
	p0 =	sge.u32 s13, s8;
	[sflag:s0] =	ssyncadd.s32 $0xFFFFE000  }
0x60: {  	[spmem:s2] =	stream.indirect.scatter.add.f32 [tilespmem:s25], [sflag:$0x7], $0x80, s14, s22, $0xb8;
	[tilespmem:$0x1E000] =	vst v63  }
0x61: {  	s11 =	sadd.s32 @!p0 $0xA00, s21;
	_ =	swait.ge [sflag:s18], $0x2000  }
0x62: {  	s13 =	simm.s32 @!p0 $0x40;
	s11 =	sand.u32 @!p0 $0x3A00, s11;
	[sflag:s18] =	ssyncset.done $0x0  }
0x63: {  	s11 =	sshrl.u32 @!p0 s11, $0x2;
	s14 =	simm.s32 @!p0 $0x4000;
	[sflag:s18] =	ssyncadd.s32 $0xFFFFE000  }
0x64: {  	[tilespmem:s14], [sflag:$0x2] =	stream.indirect.gather @!p0 [hbm4b:s5+s13], $0x80, s11, s13, $0xb8;
	[tilespmem:$0x1E000] =	vst v63  }
0x65: {  	_ =	swait.ge [sflag:s3], $0x2000  }
0x66: {  	s13 =	sadd.s32 $0x6, s26;
	[sflag:s3] =	ssyncset.done $0x0  }
0x67: {  	s14 =	sadd.s32 $0x1100, s10;
	p0 =	sge.u32 s13, s8;
	[sflag:s3] =	ssyncadd.s32 $0xFFFFE000  }
0x68: {  	[spmem:s2] =	stream.indirect.scatter.add.f32 [tilespmem:s28], [sflag:$0x7], $0x80, s14, s22, $0xb8;
	[tilespmem:$0x1E000] =	vst v63  }
0x69: {  	s11 =	sadd.s32 @!p0 $0xC00, s21;
	_ =	swait.ge [sflag:s18], $0x2000  }
0x6a: {  	s13 =	simm.s32 @!p0 $0x40;
	s11 =	sand.u32 @!p0 $0x3C00, s11;
	[sflag:s18] =	ssyncset.done $0x0  }
0x6b: {  	s11 =	sshrl.u32 @!p0 s11, $0x2;
	s14 =	simm.s32 @!p0 $0x6000;
	[sflag:s18] =	ssyncadd.s32 $0xFFFFE000  }
0x6c: {  	[tilespmem:s14], [sflag:$0x3] =	stream.indirect.gather @!p0 [hbm4b:s5+s13], $0x80, s11, s13, $0xb8;
	[tilespmem:$0x1E000] =	vst v63  }
0x6d: {  	s14 =	sadd.s32 $0x7, s26;
	_ =	swait.ge [sflag:s1], $0x2000  }
0x6e: {  	p0 =	sge.u32 s14, s8;
	[sflag:s1] =	ssyncset.done $0x0  }
0x6f: {  	s10 =	sadd.s32 $0x1180, s10;
	s11 =	simm.s32 @!p0 $0x40;
	[sflag:s1] =	ssyncadd.s32 $0xFFFFE000  }
0x70: {  	[spmem:s2] =	stream.indirect.scatter.add.f32 [tilespmem:s30], [sflag:$0x7], $0x80, s10, s22, $0xb8;
	[tilespmem:$0x1E000] =	vst v63  }
0x71: {  	s13 =	simm.s32 @!p0 $0x8000;
	s10 =	sadd.s32 @!p0 $0xE00, s21;
	_ =	swait.ge [sflag:s18], $0x2000  }
0x72: {  	s21 =	sadd.s32 $0x800, s21;
	s10 =	sand.u32 @!p0 $0x3E00, s10;
	[sflag:s18] =	ssyncset.done $0x0  }
0x73: {  	s10 =	sshrl.u32 @!p0 s10, $0x2;
	s26 =	rddreg [dreg:$0x4];
	[sflag:s18] =	ssyncadd.s32 $0xFFFFE000  }
0x74: {  	[tilespmem:s13], [sflag:$0x4] =	stream.indirect.gather @!p0 [hbm4b:s5+s11], $0x80, s10, s11, $0xb8;
	[tilespmem:$0x1E000] =	vst v63  }
0x75: {  	p0 =	sne.s32 s26, s21  }
.Ltmp0:
0x76: {  	_ = 	snop;
	(pc) =	sbr.rel @p0 .LBB2_2-.Ltmp0, $2  }
0x77: {  	_ =	sdelay $0x2  }
0x78: {  	s24 =	sadd.s32 $0x1, s24;
	s12 =	sadd.s32 $0x40, s12;
	s26 =	smov.u32 s29  }
0x79: {  	s19 =	sadd.s32 $0x1, s19  }
0x7a: {  	p0 =	sne.s32 s19, s16  }
.Ltmp1:
0x7b: {  	[bflag:$0x0] =	sbarrier.arrive $0xFFFF;
	(pc) =	sbr.rel @p0 .LBB2_1-.Ltmp1, $4  }
0x7c: {  	[hbm:s15], [sflag:s9] =	dma.local [spmem:s17], $0x2800  }
0x7d: {  	_ =	swait.ge [sflag:s18], $0x2800  }
0x7e: {  	[sflag:s18] =	ssyncset.done $0x0  }
0x7f: {  	[sflag:s18] =	ssyncadd.s32 $0xFFFFD800  }
0x80: {  	_ =	sfence.sel $0x180000  }
0x81: {  	[bflag:$0x0] =	sbarrier.arrive $0xFFFF  }
0x82: {  	_ =	strace $0x9000004D  }
0x83: {  	s0 =	stileid.u32;
	[bflag:$0x2] =	sbarrier.arrive $0xFFFF  }
0x84: {  	p0 =	sne.s32 s0, $0x0;
	s0 =	rddreg [dreg:$0x3]  }
0x85: {  	s0 =	sadd.s32 @!p0 $0x100000, s0  }
0x86: {  	[sflag:s0] =	ssyncadd.tile.s32 @!p0 $0x1;
	_ =	shalt  }
.Lfunc_end2:
_tile_overlayer_lowered:
.L_overlay_start_2:
0x87: {  	(tag) =	ssettag $0x2  }
0x88: {  	s0 =	rddreg [dreg:$0x0];
	s2 =	stileid.u32  }
0x89: {  	s1 =	rddreg [dreg:$0x1];
	p0 =	sne.s32 s2, $0x0  }
0x8a: {  	s3 =	rddreg [dreg:$0x2];
	[bflag:$0x3] =	sbarrier.arrive $0xFFFF;
	s2 =	simm.s32 @!p0 $0x1C07  }
0x8b: {  	[timem:s3], [sflag:s2] =	dma.local @!p0 [hbm:s0], s1  }
0x8c: {  	s0 =	simm.s32 @!p0 $0x7  }
0x8d: {  	_ =	swait.ge @!p0 [sflag:s0], s1  }
0x8e: {  	s1 =	ssub.s32 @!p0 $0x0, s1;
	[sflag:s0] =	ssyncset.done @!p0 $0x0  }
0x8f: {  	[sflag:s0] =	ssyncadd.s32 @!p0 s1  }
0x90: {  	[bflag:$0x3] =	sbarrier.arrive $0xFFFF  }
0x91: {  	_ =	shalt  }

// kernel: kernel.8.cloned.1.call-start
scs
__scs_entry_jumppad:
0x0: {  	(pc) =	sbr.rel $0x88, $3  }
0x1: {  	(tag) =	ssettag $0x0;
	lr =	simm.s32 $0x1  }
0x2: {  	[smem:$0x3F96] =	sst lr;
	_ =	strace $0xD0000000  }
0x3: {  	_ = 	snop  }
0x4: {  	_ = 	snop  }
0x5: {  	_ = 	snop  }
0x6: {  	_ = 	snop  }
0x7: {  	_ = 	snop  }
__scs_overlays_trampoline_lowered:
0x8: {  	[smem:$0x3FA5] =	sst s0  }
0x9: {  	[smem:$0x3FA6] =	sst s1  }
0xa: {  	[smem:$0x3FA7] =	sst s2  }
0xb: {  	[smem:$0x3FA8] =	sst s3  }
0xc: {  	[smem:$0x3FA9] =	sst s4  }
0xd: {  	[smem:$0x3FAA] =	sst s5  }
0xe: {  	[smem:$0x3FAB] =	sst s6  }
0xf: {  	[smem:$0x3FAC] =	sst s7  }
0x10: {  	[smem:$0x3FAD] =	sst s8  }
0x11: {  	[smem:$0x3FAE] =	sst s9;
	s0 =	simm.s32 @!p0 $0x0  }
0x12: {  	s1 =	sld [smem:$0x3F94];
	s0 =	simm.s32 @p0 $0x1  }
0x13: {  	[smem:$0x3FAF] =	sst s0;
	s0 =	simm.s32 @!p1 $0x0  }
0x14: {  	s2 =	sld [smem:$0x3F93];
	s0 =	simm.s32 @p1 $0x1  }
0x15: {  	[smem:$0x3FB0] =	sst s0;
	s0 =	simm.s32 @!p2 $0x0  }
0x16: {  	s3 =	sld [smem:$0x3FDB];
	s0 =	simm.s32 @p2 $0x1  }
0x17: {  	s4 =	simm.s32 $0x1BF5;
	[smem:$0x3FB2] =	sst s0  }
0x18: {  	s0 =	sld [smem:$0x3F95];
	_ =	swait.ge [sflag:s4], $0x0  }
0x19: {  	s7 =	sld [smem:$0x3F96]  }
0x1a: {  	s8 =	sadd.s32 $0xFFFFE003, lr  }
0x1b: {  	s9 =	sadd.s32 $0xFFFFFEF7, lr;
	s5 =	simm.s32 $0xFFFFFFFF;
	p2 =	slt.u32 s8, $0xFFFFF086  }
0x1c: {  	p1 =	slt.u32 s9, $0xF7A;
	s5 =	simm.s32 @!p2 $0x0  }
0x1d: {  	s5 =	simm.s32 @p1 $0x1;
	p0 =	seq.s32 s7, s2  }
0x1e: {  	s7 =	smul.u32 @!p0 $0xF7A, s2;
	p2 =	seq.s32 @!p0 s5, $0x0  }
0x1f: {  	s9 =	smul.u32 $0xF7A, s1;
	s8 =	simm.s32 @!p0 $0x1BF5;
	p2 =	por !p2, p0  }
0x20: {  	[sflag:s8] =	ssyncset.s32 @!p0 $0xFFFFF086;
	s6 =	sadd.s32 @!p0 s3, s7;
	s7 =	simm.s32 @!p0 $0x108  }
0x21: {  	s3 =	sadd.s32 s3, s9;
	s6 =	sadd.s32 @!p0 $0x88, s6;
	s7 =	simm.s32 @p2 $0x1082  }
0x22: {  	[simem:s7], [sflag:s8] =	dma.local @!p0 [hbm:s6], $0xF7A  }
0x23: {  	s9 =	sor.u32 $0xD0000000, s2;
	s6 =	simm.s32 $0x108;
	_ =	swait.ge @!p0 [sflag:s8], $0x0  }
0x24: {  	s3 =	sadd.s32 $0x88, s3;
	s6 =	simm.s32 @!p1 $0x1082;
	[sflag:s4] =	ssyncset.s32 $0xFFFFF086  }
0x25: {  	[simem:s6], [sflag:s4] =	dma.local [hbm:s3], $0xF7A  }
0x26: {  	[smem:$0x3F96] =	sst s1;
	(tag) =	ssettag s2;
	_ =	strace s9  }
0x27: {  	s1 =	sld [smem:$0x3FA6]  }
0x28: {  	s2 =	sld [smem:$0x3FA7]  }
0x29: {  	s4 =	sld [smem:$0x3FA9]  }
0x2a: {  	p0 =	seq.s32 s5, $0x0;
	s5 =	sld [smem:$0x3FAA]  }
0x2b: {  	s6 =	sld [smem:$0x3FAB]  }
0x2c: {  	s7 =	sld [smem:$0x3FAC]  }
0x2d: {  	s3 =	simm.s32 $0x108;
	s8 =	sld [smem:$0x3FAD]  }
0x2e: {  	s3 =	simm.s32 @!p0 $0x1082;
	s9 =	sld [smem:$0x3FAE]  }
0x2f: {  	lr =	sadd.s32 s0, s3;
	s0 =	sld [smem:$0x3FA5]  }
0x30: {  	s3 =	sld [smem:$0x3FA8]  }
0x31: {  	[smem:$0x3FB1] =	sst s10  }
0x32: {  	s10 =	sld [smem:$0x3FAF];
	_ =	sdelay $0x3  }
0x33: {  	p0 =	seq.s32 s10, $0x1;
	s10 =	sld [smem:$0x3FB1];
	_ =	sdelay $0x3  }
0x34: {  	[smem:$0x3FB1] =	sst s10  }
0x35: {  	s10 =	sld [smem:$0x3FB0];
	_ =	sdelay $0x3  }
0x36: {  	p1 =	seq.s32 s10, $0x1;
	s10 =	sld [smem:$0x3FB1];
	_ =	sdelay $0x3  }
0x37: {  	[smem:$0x3FB1] =	sst s10  }
0x38: {  	s10 =	sld [smem:$0x3FB2]  }
0x39: {  	_ = 	snop;
	(pc) =	sbr.ind lr, $3  }
0x3a: {  	_ = 	snop  }
0x3b: {  	_ = 	snop  }
0x3c: {  	p2 =	seq.s32 s10, $0x1;
	s10 =	sld [smem:$0x3FB1]  }
0x3d: {  	_ =	shalt  }
0x3e: {  	_ =	shalt  }
0x3f: {  	_ =	shalt  }
0x40: {  	_ =	shalt  }
0x41: {  	_ =	shalt  }
0x42: {  	_ =	shalt  }
0x43: {  	_ =	shalt  }
0x44: {  	_ =	shalt  }
0x45: {  	_ =	shalt  }
0x46: {  	_ =	shalt  }
0x47: {  	_ =	shalt  }
0x48: {  	_ =	shalt  }
0x49: {  	_ =	shalt  }
0x4a: {  	_ =	shalt  }
0x4b: {  	_ =	shalt  }
0x4c: {  	_ =	shalt  }
0x4d: {  	_ =	shalt  }
0x4e: {  	_ =	shalt  }
0x4f: {  	_ =	shalt  }
0x50: {  	_ =	shalt  }
0x51: {  	_ =	shalt  }
0x52: {  	_ =	shalt  }
0x53: {  	_ =	shalt  }
0x54: {  	_ =	shalt  }
0x55: {  	_ =	shalt  }
0x56: {  	_ =	shalt  }
0x57: {  	_ =	shalt  }
0x58: {  	_ =	shalt  }
0x59: {  	_ =	shalt  }
0x5a: {  	_ =	shalt  }
0x5b: {  	_ =	shalt  }
0x5c: {  	_ =	shalt  }
0x5d: {  	_ =	shalt  }
0x5e: {  	_ =	shalt  }
0x5f: {  	_ =	shalt  }
0x60: {  	_ =	shalt  }
0x61: {  	_ =	shalt  }
0x62: {  	_ =	shalt  }
0x63: {  	_ =	shalt  }
0x64: {  	_ =	shalt  }
0x65: {  	_ =	shalt  }
0x66: {  	_ =	shalt  }
0x67: {  	_ =	shalt  }
0x68: {  	_ =	shalt  }
0x69: {  	_ =	shalt  }
0x6a: {  	_ =	shalt  }
0x6b: {  	_ =	shalt  }
0x6c: {  	_ =	shalt  }
0x6d: {  	_ =	shalt  }
0x6e: {  	_ =	shalt  }
0x6f: {  	_ =	shalt  }
0x70: {  	_ =	shalt  }
0x71: {  	_ =	shalt  }
0x72: {  	_ =	shalt  }
0x73: {  	_ =	shalt  }
0x74: {  	_ =	shalt  }
0x75: {  	_ =	shalt  }
0x76: {  	_ =	shalt  }
0x77: {  	_ =	shalt  }
0x78: {  	_ =	shalt  }
0x79: {  	_ =	shalt  }
0x7a: {  	_ =	shalt  }
0x7b: {  	_ =	shalt  }
0x7c: {  	_ =	shalt  }
0x7d: {  	_ =	shalt  }
0x7e: {  	_ =	shalt  }
0x7f: {  	_ =	shalt  }
0x80: {  	_ =	shalt  }
0x81: {  	_ =	shalt  }
0x82: {  	_ =	shalt  }
0x83: {  	_ =	shalt  }
0x84: {  	_ =	shalt  }
0x85: {  	_ =	shalt  }
0x86: {  	_ =	shalt  }
0x87: {  	_ =	shalt  }
.Lfunc_end0:
.L_simem_size_0:
called_computation_lowered:
.L_overlay_start_0:
0x88: {  	s2 =	sld [smem:$0x3FD9]  }
0x89: {  	s3 =	sld [smem:$0x3FFE];
	_ =	sdelay $0x1  }
0x8a: {  	s1 =	srdreg.scid  }
0x8b: {  	s0 =	sand.u32 $0x1, s1  }
0x8c: {  	s17 =	sshll.u32 s0, $0xA;
	s2 =	sadd.s32 s3, s2  }
0x8d: {  	s2 =	sadd.s32 s2, s17  }
0x8e: {  	[smem:$0x3FBD] =	sst s2  }
0x8f: {  	_ = 	snop  }
0x90: {  	s2 =	sld [smem:$0x3FD0];
	(tm) =	ssettm $0x1  }
0x91: {  	s18 =	sld [smem:$0x3FFB];
	_ =	sdelay $0x3  }
0x92: {  	_ =	strace s18  }
0x93: {  	s3 =	sld [smem:$0x3FFC];
	_ =	sdelay $0x3  }
0x94: {  	_ =	strace s3  }
0x95: {  	s3 =	sld [smem:$0x3FFD];
	_ =	sdelay $0x3  }
0x96: {  	_ =	strace s3  }
0x97: {  	_ =	strace $0x8FFFFFFF  }
0x98: {  	s19 =	sld [smem:$0x3FDB];
	_ =	sdelay $0x1  }
0x99: {  	s4 =	simm.s32 $_scs_section_size  }
0x9a: {  	s5 =	simm.s32 $_size__tile_overlayer_lowered;
	s6 =	simm.s32 $_tile_overlayer_lowered  }
0x9b: {  	s22 =	simm.s32 $0x1BFF;
	s21 =	sshll.u32 s6, $0x1;
	s3 =	sadd.s32 s4, s19  }
0x9c: {  	s7 =	simm.s32 $0x0;
	s20 =	sshll.u32 s5, $0x1;
	s5 =	sadd.s32 s21, s3  }
0x9d: {  	[timem:s7], [sflag:s22] =	dma.local [hbm:s5], s20  }
0x9e: {  	_ =	swait.ge [sflag:s22], s20  }
0x9f: {  	s4 =	ssub.s32 $0x0, s20;
	[sflag:s22] =	ssyncset.done $0x0  }
0xa0: {  	[sflag:s22] =	ssyncadd.s32 s4;
	_ =	sdelay $0x1  }
0xa1: {  	s23 =	simm.s32 $0x1B8B  }
0xa2: {  	_ =	swait.ge [sflag:s23], $0x1  }
0xa3: {  	[sflag:s23] =	ssyncset.done $0x0  }
0xa4: {  	s25 =	simm.s32 $0x1B8E;
	s24 =	sld [smem:$0x3FFE];
	[sflag:s23] =	ssyncadd.s32 $0xFFFFFFFF  }
0xa5: {  	s26 =	simm.s32 $execute0_lowered;
	[smem:$0x3FD2] =	sst s25  }
0xa6: {  	s5 =	sshll.u32 s26, $0x1;
	_ =	strace $0x80000046;
	[dreg:$0x1] =	wrdreg $0xFFFFFFFF  }
0xa7: {  	s28 =	simm.s32 $_size_execute0_lowered;
	s3 =	sadd.s32 s3, s5;
	[dreg:$0x0] =	wrdreg $0x0  }
0xa8: {  	s5 =	sshll.u32 s28, $0x1;
	[dreg:$0x2] =	wrdreg s3  }
0xa9: {  	[dreg:$0x3] =	wrdreg s5  }
0xaa: {  	[dreg:$0x4] =	wrdreg $0xC0  }
0xab: {  	_ =	task [dreg:s7], $0x5FFFF  }
0xac: {  	[dreg:$0x1] =	wrdreg $0xFFFFFFFF  }
0xad: {  	[dreg:$0x0] =	wrdreg $0x60  }
0xae: {  	[dreg:$0x2] =	wrdreg s24  }
0xaf: {  	[dreg:$0x3] =	wrdreg s2  }
0xb0: {  	[dreg:$0x4] =	wrdreg $0xA0000  }
0xb1: {  	[dreg:$0x5] =	wrdreg $0x1E0800  }
0xb2: {  	[dreg:$0x6] =	wrdreg $0x9  }
0xb3: {  	_ =	task.clear_ibuf [dreg:s7], $0x7FFFF;
	_ =	strace $0x90000046  }
0xb4: {  	s29 =	simm.s32 $0x9;
	_ =	strace $0x80000048  }
0xb5: {  	_ =	swait.ge [sflag:s29], $0x1  }
0xb6: {  	[sflag:s29] =	ssyncadd.s32 $0xFFFFFFFF  }
0xb7: {  	_ =	strace $0x90000048  }
0xb8: {  	_ =	sfence  }
0xb9: {  	s30 =	sld [smem:$0x0];
	_ =	sdelay $0x2  }
0xba: {  	s31 =	sshll.u32 s1, $0xD;
	s1 =	sshrl.u32 s1, $0x2  }
0xbb: {  	s3 =	sand.u32 $0x4000, s31;
	s1 =	sadd.s32 s1, s30  }
0xbc: {  	s0 =	sor.u32 s3, s0;
	s1 =	sshll.u32 s1, $0x11  }
0xbd: {  	s0 =	sor.u32 s1, s0  }
0xbe: {  	s0 =	sadd.s32 $0x8F2B, s0  }
0xbf: {  	[sflag:s0] =	ssyncadd.remote.s32 $0x1  }
0xc0: {  	_ =	sfence.sel $0xFFFF  }
0xc1: {  	[dreg:$0x0] =	wrdreg $0xFFFFFFFF;
	(pc) =	sbr.abs _section_cstart, $3  }
0xc2: {  	[dreg:$0x1] =	wrdreg $0xFFFFFFFF  }
0xc3: {  	_ =	task.clear_ibuf [dreg:s7], $0x2FFFF;
	_ =	strace $0x9FFFFFFF  }
0xc4: {  	(tm) =	ssettm $0x7FFFFFFF  }
0xc5: {  	_ =	shalt  }
tec
execute0_lowered:
.L_overlay_start_1:
0x0: {  	(tag) =	ssettag $0x1  }
0x1: {  	s0 =	rddreg [dreg:$0x0]  }
0x2: {  	s2 =	rddreg [dreg:$0x2]  }
0x3: {  	s3 =	rddreg [dreg:$0x3];
	s5 =	simm.s32 $0x0  }
0x4: {  	s1 =	srdreg.scid;
	s15 =	stileid.u32;
	s29 =	simm.s32 $0x40  }
0x5: {  	s30 =	simm.s32 $0x2000;
	s28 =	simm.s32 $0x1;
	s31 =	simm.s32 $0x2  }
0x6: {  	[smem:$0x7FF] =	sst s5;
	s1 =	sand.u32 $0x1, s1;
	s9 =	smul.u32 $0x14000, s15  }
0x7: {  	s6 =	sadd.s32 $0x2BC00, s0;
	s7 =	sadd.s32 $0x3C00, s0;
	s8 =	sadd.s32 $0x17C00, s0  }
0x8: {  	s10 =	sadd.s32 $0x53E00, s0;
	s11 =	smul.u32 $0x500, s15;
	s12 =	sadd.s32 $0x53C00, s0  }
0x9: {  	s17 =	smul.u32 $0x50000, s15;
	_ =	strace $0x80000047;
	[dreg:$0x6] =	wrdreg s10  }
0xa: {  	s18 =	sshll.u32 s15, $0x6;
	s4 =	smul.u32 $0x140000, s1;
	[dreg:$0x7] =	wrdreg s12  }
0xb: {  	s13 =	sshll.u32 s1, $0x7;
	s14 =	ssub.s32 $0x2, s1;
	s12 =	smul.u32 $0x140, s15  }
0xc: {  	p0 =	seq.s32 s1, $0x0;
	s1 =	smul.u32 $0xF8, s1;
	s10 =	sshrl.u32 s17, $0x2  }
0xd: {  	s4 =	sadd.s32 s9, s4;
	s9 =	sor.u32 s13, s11;
	s11 =	sshrl.u32 s14, $0x1  }
0xe: {  	s13 =	smul.u32 $0xA00, s15;
	s1 =	sadd.s32 s1, s12;
	s12 =	sor.u32 $0x1C07, s18  }
0xf: {  	s4 =	sshrl.u32 s4, $0x3;
	s9 =	sshrl.u32 s9, $0x3;
	s16 =	ssub.s32 s14, s11  }
0x10: {  	s11 =	simm.s32 $0xF8;
	s14 =	sadd.s32 s10, s2;
	s1 =	sshll.u32 s1, $0x4  }
0x11: {  	s4 =	sadd.s32 s4, s0;
	s0 =	sadd.s32 s9, s0;
	s20 =	sadd.s32 s7, s1  }
0x12: {  	s21 =	sadd.s32 $0x100, s1;
	s1 =	sadd.s32 s8, s1;
	[dreg:$0x8] =	wrdreg s20  }
0x13: {  	s11 =	simm.s32 @!p0 $0x48;
	s19 =	sshrl.u32 s13, $0x2;
	[dreg:$0xa] =	wrdreg s1  }
0x14: {  	s26 =	smax.u32 s16, $0x1;
	s9 =	simm.s32 $0x0;
	[dreg:$0x9] =	wrdreg s21  }
0x15: {  	s13 =	sadd.s32 s19, s3;
	s22 =	sadd.s32 s7, s21;
	[dreg:$0xf] =	wrdreg s26  }
0x16: {  	s23 =	sadd.s32 s8, s21;
	s24 =	sadd.s32 $0x54000, s4;
	[dreg:$0xb] =	wrdreg s22  }
0x17: {  	s0 =	sadd.s32 $0xA4000, s0;
	s25 =	sshll.u32 s11, $0x9;
	[dreg:$0xc] =	wrdreg s23  }
0x18: {  	s21 =	sshrl.u32 s14, $0x3;
	s1 =	simm.s32 $0x6000;
	[dreg:$0xd] =	wrdreg s24  }
0x19: {  	s26 =	simm.s32 $0x8000;
	s4 =	simm.s32 $0x3;
	[dreg:$0xe] =	wrdreg s0  }
0x1a: {  	[dreg:$0x5] =	wrdreg s25;
	s22 =	simm.s32 $0x7;
	s23 =	sshrl.u32 s13, $0x3  }
0x1b: {  	s24 =	simm.s32 $0x1E000;
	s0 =	simm.s32 $0x4000;
	s25 =	simm.s32 $0x4  }
.LBB2_1:
0x1c: {  	s10 =	rddreg [dreg:$0x1]  }
0x1d: {  	[spmem:s21], [sflag:s12] =	dma.local [hbm:s10], $0x2800  }
0x1e: {  	_ =	swait.ge [sflag:s22], $0x2800  }
0x1f: {  	[sflag:s22] =	ssyncset.done $0x0  }
0x20: {  	s17 =	rddreg [dreg:$0x7];
	[sflag:s22] =	ssyncadd.s32 $0xFFFFD800  }
0x21: {  	[spmem:s23], [sflag:s12] =	dma.local [hbm:s17], $0x50  }
0x22: {  	_ =	swait.ge [sflag:s22], $0x50  }
0x23: {  	[sflag:s22] =	ssyncset.done $0x0  }
0x24: {  	s18 =	rddreg [dreg:$0x6];
	[sflag:s22] =	ssyncadd.s32 $0xFFFFFFB0  }
0x25: {  	[tilespmem:s24], [sflag:$0x7] =	stream.linear.gather [hbm4b:s18+s5], $0x80, $0x38;
	[tilespmem:$0x1E300] =	vst v63  }
0x26: {  	_ =	swait.ge [sflag:s22], $0x80  }
0x27: {  	[sflag:s22] =	ssyncset.done $0x0  }
0x28: {  	s19 =	rddreg [dreg:$0x8];
	[sflag:s22] =	ssyncadd.s32 $0xFFFFFF80  }
0x29: {  	[tilespmem:s5], [sflag:$0x7] =	stream.linear.gather [hbm4b:s19+s5], $0x800, $0x38;
	[tilespmem:$0x1E300] =	vst v63  }
0x2a: {  	_ =	swait.ge [sflag:s22], $0x800  }
0x2b: {  	[sflag:s22] =	ssyncset.done $0x0  }
0x2c: {  	s13 =	simm.s32 $0x1000;
	s20 =	rddreg [dreg:$0xa];
	[sflag:s22] =	ssyncadd.s32 $0xFFFFF800  }
0x2d: {  	[tilespmem:s13], [sflag:$0x7] =	stream.linear.gather [hbm4b:s20+s5], $0x800, $0x38;
	[tilespmem:$0x1E300] =	vst v63  }
0x2e: {  	_ =	swait.ge [sflag:s22], $0x800  }
0x2f: {  	[sflag:s22] =	ssyncset.done $0x0  }
0x30: {  	[sflag:s22] =	ssyncadd.s32 $0xFFFFF800  }
0x31: {  	[bflag:$0x0] =	sbarrier.arrive $0xFFFF  }
0x32: {  	s15 =	simm.s32 $0x800;
	s14 =	rddreg [dreg:$0xb]  }
0x33: {  	[tilespmem:s15], [sflag:$0x5] =	stream.linear.gather [hbm4b:s14+s5], $0x800, $0x38;
	[tilespmem:$0x1E300] =	vst v63  }
0x34: {  	s17 =	simm.s32 $0x1800;
	s16 =	rddreg [dreg:$0xc]  }
0x35: {  	[tilespmem:s17], [sflag:$0x6] =	stream.linear.gather [hbm4b:s16+s5], $0x800, $0x38;
	[tilespmem:$0x1E300] =	vst v63  }
0x36: {  	_ = 	snop  }
0x37: {  	[tilespmem:s30], [sflag:$0x1] =	stream.indirect.gather [hbm4b:s6+s29], $0x80, s5, s29, $0xb8;
	[tilespmem:$0x1E300] =	vst v63  }
0x38: {  	s18 =	simm.s32 $0x80  }
0x39: {  	[tilespmem:s0], [sflag:$0x2] =	stream.indirect.gather [hbm4b:s6+s29], $0x80, s18, s29, $0xb8;
	[tilespmem:$0x1E300] =	vst v63  }
0x3a: {  	s19 =	simm.s32 $0x100;
	s20 =	simm.s32 $0x180;
	s13 =	simm.s32 $0x0  }
0x3b: {  	[tilespmem:s1], [sflag:$0x3] =	stream.indirect.gather [hbm4b:s6+s29], $0x80, s19, s29, $0xb8;
	[tilespmem:$0x1E300] =	vst v63  }
0x3c: {  	s14 =	rddreg [dreg:$0x9];
	s15 =	simm.s32 $0x0;
	s16 =	simm.s32 $0x0  }
0x3d: {  	[tilespmem:s26], [sflag:$0x4] =	stream.indirect.gather [hbm4b:s6+s29], $0x80, s20, s29, $0xb8;
	[tilespmem:$0x1E300] =	vst v63  }
.LBB2_2:
0x3e: {  	p0 =	seq.s32 s13, $0x0;
	s17 =	sand.u32 $0xC, s16  }
0x3f: {  	p2 =	sne.s32 @!p0 s17, $0x0  }
0x40: {  	p3 =	por p2, p0  }
0x41: {  	s18 =	sadd.s32 @!p3 $0x10, s16  }
0x42: {  	p1 =	sne.s32 s13, $0x0;
	p4 =	sge.u32 @!p3 s18, s11;
	s18 =	simm.s32 $0x1  }
0x43: {  	s19 =	sshra.s32 s16, $0x1F;
	s18 =	simm.s32 @!p1 $0x0  }
0x44: {  	p5 =	por @!p0 p4, p2;
	s10 =	simm.s32 @!p4 $0x0;
	s18 =	sadd.s32 s18, s19  }
0x45: {  	s10 =	simm.s32 @p4 $0x1;
	p1 =	por p5, p0;
	p5 =	sne.s32 s18, $0x1  }
0x46: {  	[smem:$0x7FD] =	sst s10;
	s19 =	sand.u32 @!p1 $0x4, s15;
	s10 =	simm.s32 @!p5 $0x0  }
0x47: {  	s10 =	simm.s32 @p5 $0x1;
	p5 =	seq.s32 @!p1 s19, $0x0  }
0x48: {  	[smem:$0x7FA] =	sst s10;
	s10 =	simm.s32 @!p5 $0x0  }
0x49: {  	s10 =	simm.s32 @p5 $0x1;
	s18 =	sld [smem:$0x7FA]  }
0x4a: {  	[smem:$0x7FB] =	sst s10  }
0x4b: {  	s19 =	sld [smem:$0x7FB];
	_ =	sdelay $0x1  }
0x4c: {  	p6 =	sne.s32 s17, $0x0;
	p5 =	seq.s32 s18, $0x1  }
0x4d: {  	p6 =	por !p6, !p5;
	p5 =	seq.s32 s19, $0x1  }
0x4e: {  	p5 =	por @!p3 !p5, p4  }
0x4f: {  	p5 =	por @!p0 !p5, p2  }
0x50: {  	p5 =	por !p5, p0  }
0x51: {  	s10 =	simm.s32 @!p5 $0x0  }
0x52: {  	s10 =	simm.s32 @p5 $0x1  }
0x53: {  	s17 =	simm.s32 @!p3 $0x6;
	[smem:$0x7FC] =	sst s10  }
0x54: {  	s10 =	sld [smem:$0x7FC];
	_ =	swait.ge @!p3 [sflag:s17], $0x800  }
0x55: {  	s20 =	sld [smem:$0x7FD]  }
0x56: {  	p6 =	por !p6, !p6  }
0x57: {  	p5 =	por @!p1 !p6, !p6;
	p4 =	seq.s32 s10, $0x1  }
0x58: {  	p6 =	por @!p4 p5, p5;
	p4 =	seq.s32 s20, $0x1  }
0x59: {  	p4 =	por @!p3 !p6, p4  }
0x5a: {  	s18 =	sand.u32 @!p1 $0xFFFFF80, s14;
	[sflag:s17] =	ssyncset.done @!p3 $0x0;
	p2 =	por @!p0 !p4, p2  }
0x5b: {  	[sflag:s17] =	ssyncadd.s32 @!p3 $0xFFFFF800;
	s17 =	simm.s32 @!p1 $0x800;
	p0 =	por !p2, p0  }
0x5c: {  	s19 =	sadd.s32 @!p1 s7, s18;
	s20 =	simm.s32 @!p1 $0x0;
	s17 =	simm.s32 @p0 $0x0  }
0x5d: {  	[tilespmem:s17], [sflag:$0x5] =	stream.linear.gather @!p1 [hbm4b:s19+s20], $0x800, $0x38;
	[tilespmem:$0x1E300] =	vst v63  }
0x5e: {  	s18 =	sadd.s32 @!p1 s8, s18;
	s17 =	sor.u32 @!p1 $0x1000, s17  }
0x5f: {  	[tilespmem:s17], [sflag:$0x6] =	stream.linear.gather @!p1 [hbm4b:s18+s20], $0x800, $0x38;
	[tilespmem:$0x1E300] =	vst v63  }
0x60: {  	s18 =	sshrl.u32 s13, $0x2;
	_ =	swait.ge [sflag:s28], $0x2000  }
0x61: {  	s18 =	sand.u32 $0xE00, s18;
	[sflag:s28] =	ssyncset.done $0x0  }
0x62: {  	s17 =	sor.u32 $0x1000, s18;
	[sflag:s28] =	ssyncadd.s32 $0xFFFFE000  }
0x63: {  	[spmem:s2] =	stream.indirect.scatter.add.f32 [tilespmem:s30], [sflag:$0x7], $0x80, s17, s29, $0xb8;
	[tilespmem:$0x1E300] =	vst v63  }
0x64: {  	_ =	swait.ge [sflag:s22], $0x2000  }
0x65: {  	[sflag:s22] =	ssyncset.done $0x0  }
0x66: {  	[sflag:s22] =	ssyncadd.s32 $0xFFFFE000  }
0x67: {  	[spmem:s3] =	stream.indirect.scatter.add.f32 [tilespmem:s24], [sflag:$0x7], $0x1, s17, s29, $0xb8;
	[tilespmem:$0x1E300] =	vst v63  }
0x68: {  	s17 =	sadd.s32 $0x4, s16  }
0x69: {  	p0 =	sge.u32 s17, s11  }
0x6a: {  	s19 =	sand.u32 @!p0 $0xC, s17  }
0x6b: {  	_ =	swait.ge [sflag:s22], $0x40;
	p1 =	sne.s32 @!p0 s19, $0x0  }
0x6c: {  	[sflag:s22] =	ssyncset.done $0x0;
	p1 =	por p1, p0  }
0x6d: {  	[sflag:s22] =	ssyncadd.s32 $0xFFFFFFC0;
	s19 =	simm.s32 @!p1 $0x5  }
0x6e: {  	_ =	swait.ge @!p1 [sflag:s19], $0x800  }
0x6f: {  	s20 =	sadd.s32 @!p0 $0x800, s13;
	[sflag:s19] =	ssyncset.done @!p1 $0x0  }
0x70: {  	[sflag:s19] =	ssyncadd.s32 @!p1 $0xFFFFF800;
	s19 =	sand.u32 @!p0 $0x3800, s20  }
0x71: {  	s10 =	simm.s32 @!p0 $0x2000;
	s20 =	simm.s32 @!p0 $0x40;
	s19 =	sshrl.u32 @!p0 s19, $0x2  }
0x72: {  	[tilespmem:s10], [sflag:$0x1] =	stream.indirect.gather @!p0 [hbm4b:s6+s20], $0x80, s19, s20, $0xb8;
	[tilespmem:$0x1E300] =	vst v63  }
0x73: {  	_ =	swait.ge [sflag:s31], $0x2000  }
0x74: {  	[sflag:s31] =	ssyncset.done $0x0  }
0x75: {  	s19 =	sadd.s32 $0x1080, s18;
	[sflag:s31] =	ssyncadd.s32 $0xFFFFE000  }
0x76: {  	[spmem:s2] =	stream.indirect.scatter.add.f32 [tilespmem:s0], [sflag:$0x7], $0x80, s19, s29, $0xb8;
	[tilespmem:$0x1E300] =	vst v63  }
0x77: {  	_ =	swait.ge [sflag:s22], $0x2000  }
0x78: {  	s20 =	sadd.s32 $0x5, s16;
	[sflag:s22] =	ssyncset.done $0x0  }
0x79: {  	p0 =	sge.u32 s20, s11;
	[sflag:s22] =	ssyncadd.s32 $0xFFFFE000  }
0x7a: {  	[spmem:s3] =	stream.indirect.scatter.add.f32 [tilespmem:s24], [sflag:$0x7], $0x1, s19, s29, $0xb8;
	[tilespmem:$0x1E300] =	vst v63  }
0x7b: {  	s10 =	sadd.s32 @!p0 $0xA00, s13;
	_ =	swait.ge [sflag:s22], $0x40  }
0x7c: {  	s20 =	simm.s32 @!p0 $0x4000;
	s10 =	sand.u32 @!p0 $0x3A00, s10;
	[sflag:s22] =	ssyncset.done $0x0  }
0x7d: {  	s10 =	sshrl.u32 @!p0 s10, $0x2;
	s19 =	simm.s32 @!p0 $0x40;
	[sflag:s22] =	ssyncadd.s32 $0xFFFFFFC0  }
0x7e: {  	[tilespmem:s20], [sflag:$0x2] =	stream.indirect.gather @!p0 [hbm4b:s6+s19], $0x80, s10, s19, $0xb8;
	[tilespmem:$0x1E300] =	vst v63  }
0x7f: {  	_ =	swait.ge [sflag:s4], $0x2000  }
0x80: {  	[sflag:s4] =	ssyncset.done $0x0  }
0x81: {  	s19 =	sadd.s32 $0x1100, s18;
	[sflag:s4] =	ssyncadd.s32 $0xFFFFE000  }
0x82: {  	[spmem:s2] =	stream.indirect.scatter.add.f32 [tilespmem:s1], [sflag:$0x7], $0x80, s19, s29, $0xb8;
	[tilespmem:$0x1E300] =	vst v63  }
0x83: {  	_ =	swait.ge [sflag:s22], $0x2000  }
0x84: {  	s20 =	sadd.s32 $0x6, s16;
	[sflag:s22] =	ssyncset.done $0x0  }
0x85: {  	p0 =	sge.u32 s20, s11;
	[sflag:s22] =	ssyncadd.s32 $0xFFFFE000  }
0x86: {  	[spmem:s3] =	stream.indirect.scatter.add.f32 [tilespmem:s24], [sflag:$0x7], $0x1, s19, s29, $0xb8;
	[tilespmem:$0x1E300] =	vst v63  }
0x87: {  	s10 =	sadd.s32 @!p0 $0xC00, s13;
	_ =	swait.ge [sflag:s22], $0x40  }
0x88: {  	s20 =	simm.s32 @!p0 $0x6000;
	s10 =	sand.u32 @!p0 $0x3C00, s10;
	[sflag:s22] =	ssyncset.done $0x0  }
0x89: {  	s10 =	sshrl.u32 @!p0 s10, $0x2;
	s19 =	simm.s32 @!p0 $0x40;
	[sflag:s22] =	ssyncadd.s32 $0xFFFFFFC0  }
0x8a: {  	[tilespmem:s20], [sflag:$0x3] =	stream.indirect.gather @!p0 [hbm4b:s6+s19], $0x80, s10, s19, $0xb8;
	[tilespmem:$0x1E300] =	vst v63  }
0x8b: {  	_ =	swait.ge [sflag:s25], $0x2000  }
0x8c: {  	[sflag:s25] =	ssyncset.done $0x0  }
0x8d: {  	s18 =	sadd.s32 $0x1180, s18;
	[sflag:s25] =	ssyncadd.s32 $0xFFFFE000  }
0x8e: {  	[spmem:s2] =	stream.indirect.scatter.add.f32 [tilespmem:s26], [sflag:$0x7], $0x80, s18, s29, $0xb8;
	[tilespmem:$0x1E300] =	vst v63  }
0x8f: {  	s19 =	sadd.s32 $0x7, s16;
	_ =	swait.ge [sflag:s22], $0x2000  }
0x90: {  	p0 =	sge.u32 s19, s11;
	[sflag:s22] =	ssyncset.done $0x0  }
0x91: {  	s10 =	sadd.s32 @!p0 $0xE00, s13;
	[sflag:s22] =	ssyncadd.s32 $0xFFFFE000  }
0x92: {  	[spmem:s3] =	stream.indirect.scatter.add.f32 [tilespmem:s24], [sflag:$0x7], $0x1, s18, s29, $0xb8;
	[tilespmem:$0x1E300] =	vst v63  }
0x93: {  	s16 =	simm.s32 @!p0 $0x40;
	s10 =	sand.u32 @!p0 $0x3E00, s10;
	_ =	swait.ge [sflag:s22], $0x40  }
0x94: {  	s13 =	sadd.s32 $0x800, s13;
	s10 =	sshrl.u32 @!p0 s10, $0x2;
	[sflag:s22] =	ssyncset.done $0x0  }
0x95: {  	s18 =	simm.s32 @!p0 $0x8000;
	s20 =	rddreg [dreg:$0x5];
	[sflag:s22] =	ssyncadd.s32 $0xFFFFFFC0  }
0x96: {  	[tilespmem:s18], [sflag:$0x4] =	stream.indirect.gather @!p0 [hbm4b:s6+s16], $0x80, s10, s16, $0xb8;
	[tilespmem:$0x1E300] =	vst v63  }
0x97: {  	p0 =	sne.s32 s20, s13  }
.Ltmp0:
0x98: {  	_ = 	snop;
	(pc) =	sbr.rel @p0 .LBB2_2-.Ltmp0, $2  }
0x99: {  	_ =	sdelay $0x2  }
0x9a: {  	s15 =	sadd.s32 $0x1, s15;
	s14 =	sadd.s32 $0x40, s14;
	s16 =	smov.u32 s17  }
0x9b: {  	[bflag:$0x0] =	sbarrier.arrive $0xFFFF  }
0x9c: {  	s10 =	rddreg [dreg:$0xd]  }
0x9d: {  	[hbm:s10], [sflag:s12] =	dma.local [spmem:s21], $0x2800  }
0x9e: {  	_ =	swait.ge [sflag:s22], $0x2800  }
0x9f: {  	s13 =	simm.s32 $0x20;
	[sflag:s22] =	ssyncset.done $0x0  }
0xa0: {  	s14 =	simm.s32 $0x10;
	s19 =	rddreg [dreg:$0xe];
	[sflag:s22] =	ssyncadd.s32 $0xFFFFD800  }
0xa1: {  	[hbm:s19@s13], [sflag:s12] =	dma.strided [spmem:s23@s14], $0x50, s28, $0x10   }
0xa2: {  	_ =	swait.ge [sflag:s22], $0x50  }
0xa3: {  	s9 =	sadd.s32 $0x1, s9;
	s20 =	rddreg [dreg:$0xf]  }
0xa4: {  	p0 =	sne.s32 s9, s20  }
.Ltmp1:
0xa5: {  	_ = 	snop;
	(pc) =	sbr.rel @p0 .LBB2_1-.Ltmp1, $3  }
0xa6: {  	_ =	sdelay $0x1  }
0xa7: {  	[sflag:s22] =	ssyncset.done $0x0  }
0xa8: {  	[sflag:s22] =	ssyncadd.s32 $0xFFFFFFB0  }
0xa9: {  	_ =	sfence.sel $0x180000  }
0xaa: {  	[bflag:$0x0] =	sbarrier.arrive $0xFFFF  }
0xab: {  	_ =	strace $0x90000047  }
0xac: {  	s0 =	stileid.u32;
	[bflag:$0x2] =	sbarrier.arrive $0xFFFF  }
0xad: {  	p0 =	sne.s32 s0, $0x0;
	s0 =	rddreg [dreg:$0x4]  }
0xae: {  	s0 =	sadd.s32 @!p0 $0x100000, s0  }
0xaf: {  	[sflag:s0] =	ssyncadd.tile.s32 @!p0 $0x1;
	_ =	shalt  }
.Lfunc_end2:
_tile_overlayer_lowered:
.L_overlay_start_2:
0xb0: {  	(tag) =	ssettag $0x2  }
0xb1: {  	s0 =	rddreg [dreg:$0x0];
	s2 =	stileid.u32  }
0xb2: {  	s1 =	rddreg [dreg:$0x1];
	p0 =	sne.s32 s2, $0x0  }
0xb3: {  	s3 =	rddreg [dreg:$0x2];
	[bflag:$0x3] =	sbarrier.arrive $0xFFFF;
	s2 =	simm.s32 @!p0 $0x1C07  }
0xb4: {  	[timem:s3], [sflag:s2] =	dma.local @!p0 [hbm:s0], s1  }
0xb5: {  	s0 =	simm.s32 @!p0 $0x7  }
0xb6: {  	_ =	swait.ge @!p0 [sflag:s0], s1  }
0xb7: {  	s1 =	ssub.s32 @!p0 $0x0, s1;
	[sflag:s0] =	ssyncset.done @!p0 $0x0  }
0xb8: {  	[sflag:s0] =	ssyncadd.s32 @!p0 s1  }
0xb9: {  	[bflag:$0x3] =	sbarrier.arrive $0xFFFF  }
0xba: {  	_ =	shalt  }

</sc_bundles>
